<compile_context>
chip_gen: v7x
topology: tpu7x:2x2x1
jax: 0.10.2.dev20260603
libtpu: 0.0.44.dev20260713+nightly
codegen_flags: <defaults>
</compile_context>

<pallas_src>
import functools

import jax
import jax.numpy as jnp
from jax import lax
from jax.experimental import pallas as pl
from jax.experimental.pallas import tpu as pltpu
from jax.experimental.pallas import tpu_sc as plsc

CH = 64
EPS = 1e-5
_NC = 2
_NS = 16
_W = _NC * _NS

_RB = 2
_GI = 40


def _rsqrt(v):
    i = lax.bitcast_convert_type(v, jnp.int32)
    i = jnp.int32(0x5F3759DF) - lax.shift_right_arithmetic(i, 1)
    y = lax.bitcast_convert_type(i, jnp.float32)
    for _ in range(2):
        y = y * (1.5 - 0.5 * v * y * y)
    return y


def _ln_loop(buf, g4, b4, nrows, m_sc, r_sc, tmp=None):

    @plsc.parallel_loop(0, nrows, unroll=8)
    def _(r):
        a = [buf[r, pl.ds(16 * i, 16)] for i in range(4)]
        s = (a[0] + a[1]) + (a[2] + a[3])
        q = (a[0] * a[0] + a[1] * a[1]) + (a[2] * a[2] + a[3] * a[3])
        mean = jnp.sum(s) * (1.0 / CH)
        var = jnp.sum(q) * (1.0 / CH) - mean * mean
        m_sc[r] = mean
        r_sc[r] = _rsqrt(var + EPS)

    @plsc.parallel_loop(0, nrows, unroll=4)
    def _(r):
        m = m_sc[r]
        rs = r_sc[r]
        for i in range(4):
            val = (buf[r, pl.ds(16 * i, 16)] - m) * (rs * g4[i]) + b4[i]
            if tmp is not None:
                val = val + tmp[r, pl.ds(16 * i, 16)]
            buf[r, pl.ds(16 * i, 16)] = val


def _wid():
    return lax.axis_index("s") * _NC + lax.axis_index("c")


def _tmp_norm_body(tbl_hbm, g_hbm, b_hbm, out_hbm, buf, g_v, b_v, m_sc, r_sc):
    rows = tbl_hbm.shape[0] // _W
    base = _wid() * rows
    pltpu.sync_copy(g_hbm, g_v)
    pltpu.sync_copy(b_hbm, b_v)
    pltpu.sync_copy(tbl_hbm.at[pl.ds(base, rows)], buf)
    g4 = [g_v[pl.ds(16 * i, 16)] for i in range(4)]
    b4 = [b_v[pl.ds(16 * i, 16)] for i in range(4)]
    _ln_loop(buf, g4, b4, rows, m_sc, r_sc)
    pltpu.sync_copy(buf, out_hbm.at[pl.ds(base, rows)])


def _main_body(nchunk, seq, tok_hbm, x_hbm, t_hbm, ntmp_hbm, g_hbm, b_hbm,
               out_hbm, xb0, xb1, tb0, tb1, tok0, tok1, tmp0, tmp1, g_v, b_v,
               m_sc, r_sc, si0, si1, sg0, sg1, so0, so1):
    wid = _wid()
    pltpu.sync_copy(g_hbm, g_v)
    pltpu.sync_copy(b_hbm, b_v)
    g4 = [g_v[pl.ds(16 * i, 16)] for i in range(4)]
    b4 = [b_v[pl.ds(16 * i, 16)] for i in range(4)]

    xb = [xb0, xb1]
    tb = [tb0, tb1]
    tok = [tok0, tok1]
    tmp = [tmp0, tmp1]
    si = [si0, si1]
    sg = [sg0, sg1]
    so = [so0, so1]
    ng = seq // _GI

    bbase = wid * (nchunk * _RB)

    def issue_gathers(b):
        for j in range(_RB):
            for k in range(ng):
                idx_x = xb[b].at[j, pl.ds(k * _GI, _GI)]
                idx_t = tb[b].at[j, pl.ds(k * _GI, _GI)]
                dst = pl.ds(k * _GI, _GI)
                pltpu.async_copy(tok_hbm.at[idx_x], tok[b].at[j, dst], sg[b])
                pltpu.async_copy(ntmp_hbm.at[idx_t], tmp[b].at[j, dst], sg[b])

    def wait_gathers(b):
        pltpu.make_async_copy(out_hbm.at[pl.ds(0, _RB)], tok[b], sg[b]).wait()
        pltpu.make_async_copy(out_hbm.at[pl.ds(0, _RB)], tmp[b], sg[b]).wait()

    def issue_idx(h, b):
        row = bbase + h * _RB
        pltpu.async_copy(x_hbm.at[pl.ds(row, _RB)], xb[b], si[b])
        pltpu.async_copy(t_hbm.at[pl.ds(row, _RB)], tb[b], si[b])

    def wait_idx(b):
        pltpu.make_async_copy(x_hbm.at[pl.ds(0, _RB)], xb[b], si[b]).wait()
        pltpu.make_async_copy(t_hbm.at[pl.ds(0, _RB)], tb[b], si[b]).wait()

    def wait_out(b):
        pltpu.make_async_copy(out_hbm.at[pl.ds(0, _RB)], tok[b], so[b]).wait()

    pltpu.sync_copy(x_hbm.at[pl.ds(bbase, _RB)], xb[0])
    pltpu.sync_copy(t_hbm.at[pl.ds(bbase, _RB)], tb[0])
    issue_gathers(0)
    issue_idx(1, 1)

    def half(g, b):
        nb = 1 - b
        wait_gathers(b)
        issue_idx(jnp.minimum(g + 2, nchunk - 1), b)
        wait_idx(nb)

        @pl.when(g >= 1)
        def _():
            wait_out(nb)
        issue_gathers(nb)
        for j in range(_RB):
            _ln_loop(tok[b].at[j], g4, b4, seq, m_sc, r_sc, tmp=tmp[b].at[j])
        pltpu.async_copy(tok[b], out_hbm.at[pl.ds(bbase + g * _RB, _RB)],
                         so[b])

    def pair(p, carry):
        half(2 * p, 0)
        half(2 * p + 1, 1)
        return carry

    lax.fori_loop(0, nchunk // 2, pair, 0)

    wait_idx(1)
    wait_gathers(0)
    wait_out(1)


def kernel(x, t, pad, token_table, tok_gamma, tok_beta, temporal_table,
           tmp_gamma, tmp_beta):
    del pad
    bsz, seq = x.shape
    assert seq % _GI == 0 and bsz % (_W * _RB * 2) == 0
    nchunk = bsz // (_W * _RB)
    xi = x.astype(jnp.int32)
    ti = t.astype(jnp.int32)
    mesh = plsc.VectorSubcoreMesh(core_axis_name="c", subcore_axis_name="s")
    params = pltpu.CompilerParams(
        needs_layout_passes=False, use_tc_tiling_on_sc=False)

    tmp_norm = pl.kernel(
        _tmp_norm_body,
        out_type=jax.ShapeDtypeStruct(temporal_table.shape, jnp.float32),
        mesh=mesh,
        compiler_params=params,
        scratch_types=[
            pltpu.VMEM((temporal_table.shape[0] // _W, CH), jnp.float32),
            pltpu.VMEM((CH,), jnp.float32),
            pltpu.VMEM((CH,), jnp.float32),
            pltpu.SMEM((temporal_table.shape[0] // _W,), jnp.float32),
            pltpu.SMEM((temporal_table.shape[0] // _W,), jnp.float32),
        ],
    )
    ntmp = tmp_norm(temporal_table, tmp_gamma, tmp_beta)

    main = pl.kernel(
        functools.partial(_main_body, nchunk, seq),
        out_type=jax.ShapeDtypeStruct((bsz, seq, CH), jnp.float32),
        mesh=mesh,
        compiler_params=params,
        scratch_types=(
            [pltpu.VMEM((_RB, seq), jnp.int32)] * 4
            + [pltpu.VMEM((_RB, seq, CH), jnp.float32)] * 4
            + [pltpu.VMEM((CH,), jnp.float32)] * 2
            + [pltpu.SMEM((seq,), jnp.float32)] * 2
            + [pltpu.SemaphoreType.DMA] * 6
        ),
    )
    return main(token_table, xi, ti, ntmp, tok_gamma, tok_beta)

# --- scband reference (transcript-rebuilt; emitter-appended) ---
"""Pipeline reference for scband-token-embedding-86071144612040 (READ-ONLY COPY).

The authoritative reference and input builder live on the scoring server;
editing this copy changes nothing except your own understanding.
"""

import jax, jax.numpy as jnp
import numpy as np

VOCAB = 1000000
MAX_T = 2048
CH = 64
B = 4096
L = 200
EPS = 1e-5


def _layer_norm(h, gamma, beta):
    mean = jnp.mean(h, axis=-1, keepdims=True)
    var = jnp.var(h, axis=-1, keepdims=True)
    return (h - mean) / jnp.sqrt(var + EPS) * gamma + beta


def setup_inputs(seed: int = 0) -> dict:
    key = jax.random.key(seed)
    k1, k2, k3, k4 = jax.random.split(key, 4)
    x = jax.random.randint(k1, (B, L), 0, VOCAB, dtype=jnp.int64) if jax.config.jax_enable_x64 else jax.random.randint(k1, (B, L), 0, VOCAB, dtype=jnp.int32)
    t = jax.random.randint(k2, (B, L), 0, MAX_T, dtype=jnp.int32)
    pad = jnp.zeros((B, L), dtype=jnp.int32)
    token_table = jax.random.normal(k3, (VOCAB, CH), dtype=jnp.float32)
    temporal_table = jax.random.normal(k4, (MAX_T, CH), dtype=jnp.float32)
    tok_gamma = jnp.ones((CH,), dtype=jnp.float32)
    tok_beta = jnp.zeros((CH,), dtype=jnp.float32)
    tmp_gamma = jnp.ones((CH,), dtype=jnp.float32)
    tmp_beta = jnp.zeros((CH,), dtype=jnp.float32)
    return {
        "x": x,
        "t": t,
        "pad": pad,
        "token_table": token_table,
        "tok_gamma": tok_gamma,
        "tok_beta": tok_beta,
        "temporal_table": temporal_table,
        "tmp_gamma": tmp_gamma,
        "tmp_beta": tmp_beta,
    }


def reference(x, t, pad, token_table, tok_gamma, tok_beta, temporal_table, tmp_gamma, tmp_beta):
    # token embedding lookup + LayerNorm
    xe = jnp.take(token_table, x, axis=0)
    xe = _layer_norm(xe, tok_gamma, tok_beta)
    # temporal embedding lookup + LayerNorm
    te = jnp.take(temporal_table, t, axis=0)
    te = _layer_norm(te, tmp_gamma, tmp_beta)
    # dropout is identity in eval mode
    out = xe + te
    return out

if __name__ == "__main__":
    import jax
    _d = setup_inputs()
    print(jax.jit(kernel)(*tuple(_d.values())))

</pallas_src>

<mosaic_0001>
#map = affine_map<(d0, d1) -> (0, 0)>
#map1 = affine_map<(d0, d1) -> (0)>
module attributes {stable_mosaic.version = 14 : i64} {
  func.func @_tmp_norm_body(%arg0: i32, %arg1: i32, %arg2: memref<2048x64xf32, #tpu.memory_space<hbm>>, %arg3: memref<64xf32, #tpu.memory_space<hbm>>, %arg4: memref<64xf32, #tpu.memory_space<hbm>>, %arg5: memref<2048x64xf32, #tpu.memory_space<hbm>>, %arg6: memref<64x64xf32, #tpu.memory_space<vmem>>, %arg7: memref<64xf32, #tpu.memory_space<vmem>>, %arg8: memref<64xf32, #tpu.memory_space<vmem>>, %arg9: memref<64xf32, #tpu.memory_space<smem>>, %arg10: memref<64xf32, #tpu.memory_space<smem>>) attributes {dimension_semantics = [#tpu.dimension_semantics<core_parallel>, #tpu.dimension_semantics<subcore_parallel>], iteration_bounds = array<i64: 2, 16>, scalar_prefetch = 0 : i64, scratch_operands = 5 : i64, tpu.core_type = #tpu.core_type<sc_vector_subcore>, window_params = [{transform_indices = #map}, {transform_indices = #map1}, {transform_indices = #map1}, {transform_indices = #map}]} {
    %mul3A = arith.constant 2 : i32
    %mul3A_0 = arith.muli %arg1, %mul3A : i32
    %add3A = arith.addi %mul3A_0, %arg0 : i32
    %mul3A_1 = arith.constant 64 : i32
    %mul3A_2 = arith.muli %add3A, %mul3A_1 : i32
    "tpu.region"() ({
      %run_scoped3A = tpu.sem_alloc : memref<!tpu.dma_semaphore, #tpu.memory_space<semaphore_mem>>
      tpu.enqueue_dma source(%arg3 : memref<64xf32, #tpu.memory_space<hbm>>) target(%arg7 : memref<64xf32, #tpu.memory_space<vmem>>) target_semaphore(%run_scoped3A : memref<!tpu.dma_semaphore, #tpu.memory_space<semaphore_mem>>)
      tpu.wait_dma2 semaphore(%run_scoped3A : memref<!tpu.dma_semaphore, #tpu.memory_space<semaphore_mem>>) src(%arg3 : memref<64xf32, #tpu.memory_space<hbm>>) dst(%arg7 : memref<64xf32, #tpu.memory_space<vmem>>)
      tpu.yield
    }) : () -> ()
    "tpu.region"() ({
      %run_scoped3A = tpu.sem_alloc : memref<!tpu.dma_semaphore, #tpu.memory_space<semaphore_mem>>
      tpu.enqueue_dma source(%arg4 : memref<64xf32, #tpu.memory_space<hbm>>) target(%arg8 : memref<64xf32, #tpu.memory_space<vmem>>) target_semaphore(%run_scoped3A : memref<!tpu.dma_semaphore, #tpu.memory_space<semaphore_mem>>)
      tpu.wait_dma2 semaphore(%run_scoped3A : memref<!tpu.dma_semaphore, #tpu.memory_space<semaphore_mem>>) src(%arg4 : memref<64xf32, #tpu.memory_space<hbm>>) dst(%arg8 : memref<64xf32, #tpu.memory_space<vmem>>)
      tpu.yield
    }) : () -> ()
    "tpu.region"() ({
      %run_scoped3A = tpu.sem_alloc : memref<!tpu.dma_semaphore, #tpu.memory_space<semaphore_mem>>
      %dma_start3A = arith.constant 0 : i32
      %dma_start3A_23 = tpu.memref_slice %arg2[%mul3A_2, %dma_start3A] : memref<2048x64xf32, #tpu.memory_space<hbm>> -> memref<64x64xf32, #tpu.memory_space<hbm>>
      %dma_start3A_24 = arith.constant 0 : i32
      %dma_start3A_25 = tpu.memref_slice %arg2[%mul3A_2, %dma_start3A_24] : memref<2048x64xf32, #tpu.memory_space<hbm>> -> memref<64x64xf32, #tpu.memory_space<hbm>>
      tpu.enqueue_dma source(%dma_start3A_25 : memref<64x64xf32, #tpu.memory_space<hbm>>) target(%arg6 : memref<64x64xf32, #tpu.memory_space<vmem>>) target_semaphore(%run_scoped3A : memref<!tpu.dma_semaphore, #tpu.memory_space<semaphore_mem>>)
      %dma_wait3A = arith.constant 0 : i32
      %dma_wait3A_26 = tpu.memref_slice %arg2[%mul3A_2, %dma_wait3A] : memref<2048x64xf32, #tpu.memory_space<hbm>> -> memref<64x64xf32, #tpu.memory_space<hbm>>
      %dma_wait3A_27 = arith.constant 0 : i32
      %dma_wait3A_28 = tpu.memref_slice %arg2[%mul3A_2, %dma_wait3A_27] : memref<2048x64xf32, #tpu.memory_space<hbm>> -> memref<64x64xf32, #tpu.memory_space<hbm>>
      tpu.wait_dma2 semaphore(%run_scoped3A : memref<!tpu.dma_semaphore, #tpu.memory_space<semaphore_mem>>) src(%dma_wait3A_28 : memref<64x64xf32, #tpu.memory_space<hbm>>) dst(%arg6 : memref<64x64xf32, #tpu.memory_space<vmem>>)
      tpu.yield
    }) : () -> ()
    %get3A = arith.constant 0 : index
    %get3A_3 = tpu.vector_load %arg7[%get3A] {strides = array<i32>} : memref<64xf32, #tpu.memory_space<vmem>>, vector<16xf32>,
    %get3A_4 = arith.constant 16 : index
    %get3A_5 = tpu.vector_load %arg7[%get3A_4] {strides = array<i32>} : memref<64xf32, #tpu.memory_space<vmem>>, vector<16xf32>,
    %get3A_6 = arith.constant 32 : index
    %get3A_7 = tpu.vector_load %arg7[%get3A_6] {strides = array<i32>} : memref<64xf32, #tpu.memory_space<vmem>>, vector<16xf32>,
    %get3A_8 = arith.constant 48 : index
    %get3A_9 = tpu.vector_load %arg7[%get3A_8] {strides = array<i32>} : memref<64xf32, #tpu.memory_space<vmem>>, vector<16xf32>,
    %get3A_10 = arith.constant 0 : index
    %get3A_11 = tpu.vector_load %arg8[%get3A_10] {strides = array<i32>} : memref<64xf32, #tpu.memory_space<vmem>>, vector<16xf32>,
    %get3A_12 = arith.constant 16 : index
    %get3A_13 = tpu.vector_load %arg8[%get3A_12] {strides = array<i32>} : memref<64xf32, #tpu.memory_space<vmem>>, vector<16xf32>,
    %get3A_14 = arith.constant 32 : index
    %get3A_15 = tpu.vector_load %arg8[%get3A_14] {strides = array<i32>} : memref<64xf32, #tpu.memory_space<vmem>>, vector<16xf32>,
    %get3A_16 = arith.constant 48 : index
    %get3A_17 = tpu.vector_load %arg8[%get3A_16] {strides = array<i32>} : memref<64xf32, #tpu.memory_space<vmem>>, vector<16xf32>,
    %parallel_loop3A = arith.constant 0 : i32
    %parallel_loop3A_18 = arith.constant 64 : i32
    %parallel_loop3A_19 = arith.constant 1 : i32
    scf.for %parallel_loop3A_23 = %parallel_loop3A to %parallel_loop3A_18 step %parallel_loop3A_19  : i32 {
      %parallel_loop3A_24 = arith.index_cast %parallel_loop3A_23 : i32 to index
      %parallel_loop3A_25 = arith.constant 0 : index
      %parallel_loop3A_26 = tpu.vector_load %arg6[%parallel_loop3A_24, %parallel_loop3A_25] {strides = array<i32>} : memref<64x64xf32, #tpu.memory_space<vmem>>, vector<16xf32>,
      %parallel_loop3A_27 = arith.index_cast %parallel_loop3A_23 : i32 to index
      %parallel_loop3A_28 = arith.constant 16 : index
      %parallel_loop3A_29 = tpu.vector_load %arg6[%parallel_loop3A_27, %parallel_loop3A_28] {strides = array<i32>} : memref<64x64xf32, #tpu.memory_space<vmem>>, vector<16xf32>,
      %parallel_loop3A_30 = arith.index_cast %parallel_loop3A_23 : i32 to index
      %parallel_loop3A_31 = arith.constant 32 : index
      %parallel_loop3A_32 = tpu.vector_load %arg6[%parallel_loop3A_30, %parallel_loop3A_31] {strides = array<i32>} : memref<64x64xf32, #tpu.memory_space<vmem>>, vector<16xf32>,
      %parallel_loop3A_33 = arith.index_cast %parallel_loop3A_23 : i32 to index
      %parallel_loop3A_34 = arith.constant 48 : index
      %parallel_loop3A_35 = tpu.vector_load %arg6[%parallel_loop3A_33, %parallel_loop3A_34] {strides = array<i32>} : memref<64x64xf32, #tpu.memory_space<vmem>>, vector<16xf32>,
      %parallel_loop3A_36 = arith.addf %parallel_loop3A_26, %parallel_loop3A_29 : vector<16xf32>
      %parallel_loop3A_37 = arith.addf %parallel_loop3A_32, %parallel_loop3A_35 : vector<16xf32>
      %parallel_loop3A_38 = arith.addf %parallel_loop3A_36, %parallel_loop3A_37 : vector<16xf32>
      %parallel_loop3A_39 = arith.mulf %parallel_loop3A_26, %parallel_loop3A_26 : vector<16xf32>
      %parallel_loop3A_40 = arith.mulf %parallel_loop3A_29, %parallel_loop3A_29 : vector<16xf32>
      %parallel_loop3A_41 = arith.addf %parallel_loop3A_39, %parallel_loop3A_40 : vector<16xf32>
      %parallel_loop3A_42 = arith.mulf %parallel_loop3A_32, %parallel_loop3A_32 : vector<16xf32>
      %parallel_loop3A_43 = arith.mulf %parallel_loop3A_35, %parallel_loop3A_35 : vector<16xf32>
      %parallel_loop3A_44 = arith.addf %parallel_loop3A_42, %parallel_loop3A_43 : vector<16xf32>
      %parallel_loop3A_45 = arith.addf %parallel_loop3A_41, %parallel_loop3A_44 : vector<16xf32>
      %parallel_loop3A_46 = arith.constant true
      %parallel_loop3A_47 = vector.broadcast %parallel_loop3A_46 : i1 to vector<16xi1>
      %parallel_loop3A_48 = tpu.scan <sum>, %parallel_loop3A_38 masked %parallel_loop3A_47 : vector<16xf32>, vector<16xi1> -> vector<16xf32>
      %parallel_loop3A_49 = vector.extract %parallel_loop3A_48[15] : f32 from vector<16xf32>
      %parallel_loop3A_50 = arith.constant 1.562500e-02 : f32
      %parallel_loop3A_51 = arith.mulf %parallel_loop3A_49, %parallel_loop3A_50 : f32
      %parallel_loop3A_52 = arith.constant true
      %parallel_loop3A_53 = vector.broadcast %parallel_loop3A_52 : i1 to vector<16xi1>
      %parallel_loop3A_54 = tpu.scan <sum>, %parallel_loop3A_45 masked %parallel_loop3A_53 : vector<16xf32>, vector<16xi1> -> vector<16xf32>
      %parallel_loop3A_55 = vector.extract %parallel_loop3A_54[15] : f32 from vector<16xf32>
      %parallel_loop3A_56 = arith.constant 1.562500e-02 : f32
      %parallel_loop3A_57 = arith.mulf %parallel_loop3A_55, %parallel_loop3A_56 : f32
      %parallel_loop3A_58 = arith.mulf %parallel_loop3A_51, %parallel_loop3A_51 : f32
      %parallel_loop3A_59 = arith.subf %parallel_loop3A_57, %parallel_loop3A_58 : f32
      %parallel_loop3A_60 = arith.index_cast %parallel_loop3A_23 : i32 to index
      %parallel_loop3A_61 = memref.load %arg9[%parallel_loop3A_60] : memref<64xf32, #tpu.memory_space<smem>>
      memref.store %parallel_loop3A_51, %arg9[%parallel_loop3A_60] : memref<64xf32, #tpu.memory_space<smem>>
      %parallel_loop3A_62 = arith.constant 9.99999974E-6 : f32
      %parallel_loop3A_63 = arith.addf %parallel_loop3A_59, %parallel_loop3A_62 : f32
      %parallel_loop3A_64 = arith.bitcast %parallel_loop3A_63 : f32 to i32
      %parallel_loop3A_65 = arith.constant 1 : i32
      %parallel_loop3A_66 = arith.shrsi %parallel_loop3A_64, %parallel_loop3A_65 : i32
      %parallel_loop3A_67 = arith.constant 1597463007 : i32
      %parallel_loop3A_68 = arith.subi %parallel_loop3A_67, %parallel_loop3A_66 : i32
      %parallel_loop3A_69 = arith.bitcast %parallel_loop3A_68 : i32 to f32
      %parallel_loop3A_70 = arith.constant 5.000000e-01 : f32
      %parallel_loop3A_71 = arith.mulf %parallel_loop3A_70, %parallel_loop3A_63 : f32
      %parallel_loop3A_72 = arith.mulf %parallel_loop3A_71, %parallel_loop3A_69 : f32
      %parallel_loop3A_73 = arith.mulf %parallel_loop3A_72, %parallel_loop3A_69 : f32
      %parallel_loop3A_74 = arith.constant 1.500000e+00 : f32
      %parallel_loop3A_75 = arith.subf %parallel_loop3A_74, %parallel_loop3A_73 : f32
      %parallel_loop3A_76 = arith.mulf %parallel_loop3A_69, %parallel_loop3A_75 : f32
      %parallel_loop3A_77 = arith.constant 5.000000e-01 : f32
      %parallel_loop3A_78 = arith.mulf %parallel_loop3A_77, %parallel_loop3A_63 : f32
      %parallel_loop3A_79 = arith.mulf %parallel_loop3A_78, %parallel_loop3A_76 : f32
      %parallel_loop3A_80 = arith.mulf %parallel_loop3A_79, %parallel_loop3A_76 : f32
      %parallel_loop3A_81 = arith.constant 1.500000e+00 : f32
      %parallel_loop3A_82 = arith.subf %parallel_loop3A_81, %parallel_loop3A_80 : f32
      %parallel_loop3A_83 = arith.mulf %parallel_loop3A_76, %parallel_loop3A_82 : f32
      %parallel_loop3A_84 = arith.index_cast %parallel_loop3A_23 : i32 to index
      %parallel_loop3A_85 = memref.load %arg10[%parallel_loop3A_84] : memref<64xf32, #tpu.memory_space<smem>>
      memref.store %parallel_loop3A_83, %arg10[%parallel_loop3A_84] : memref<64xf32, #tpu.memory_space<smem>>
    } {sc.loop_unroll_factor = 8 : i64, sc.parallel_access}
    %parallel_loop3A_20 = arith.constant 0 : i32
    %parallel_loop3A_21 = arith.constant 64 : i32
    %parallel_loop3A_22 = arith.constant 1 : i32
    scf.for %parallel_loop3A_23 = %parallel_loop3A_20 to %parallel_loop3A_21 step %parallel_loop3A_22  : i32 {
      %parallel_loop3A_24 = arith.index_cast %parallel_loop3A_23 : i32 to index
      %parallel_loop3A_25 = memref.load %arg9[%parallel_loop3A_24] : memref<64xf32, #tpu.memory_space<smem>>
      %parallel_loop3A_26 = arith.index_cast %parallel_loop3A_23 : i32 to index
      %parallel_loop3A_27 = memref.load %arg10[%parallel_loop3A_26] : memref<64xf32, #tpu.memory_space<smem>>
      %parallel_loop3A_28 = arith.index_cast %parallel_loop3A_23 : i32 to index
      %parallel_loop3A_29 = arith.constant 0 : index
      %parallel_loop3A_30 = tpu.vector_load %arg6[%parallel_loop3A_28, %parallel_loop3A_29] {strides = array<i32>} : memref<64x64xf32, #tpu.memory_space<vmem>>, vector<16xf32>,
      %parallel_loop3A_31 = vector.broadcast %parallel_loop3A_25 : f32 to vector<16xf32>
      %parallel_loop3A_32 = arith.subf %parallel_loop3A_30, %parallel_loop3A_31 : vector<16xf32>
      %parallel_loop3A_33 = vector.broadcast %parallel_loop3A_27 : f32 to vector<16xf32>
      %parallel_loop3A_34 = arith.mulf %parallel_loop3A_33, %get3A_3 : vector<16xf32>
      %parallel_loop3A_35 = arith.mulf %parallel_loop3A_32, %parallel_loop3A_34 : vector<16xf32>
      %parallel_loop3A_36 = arith.addf %parallel_loop3A_35, %get3A_11 : vector<16xf32>
      %parallel_loop3A_37 = arith.index_cast %parallel_loop3A_23 : i32 to index
      %parallel_loop3A_38 = arith.constant 0 : index
      %parallel_loop3A_39 = tpu.vector_load %arg6[%parallel_loop3A_37, %parallel_loop3A_38] {strides = array<i32>} : memref<64x64xf32, #tpu.memory_space<vmem>>, vector<16xf32>,
      tpu.vector_store %arg6[%parallel_loop3A_37, %parallel_loop3A_38], %parallel_loop3A_36 {strides = array<i32>} : memref<64x64xf32, #tpu.memory_space<vmem>>, vector<16xf32>,
      %parallel_loop3A_40 = arith.index_cast %parallel_loop3A_23 : i32 to index
      %parallel_loop3A_41 = arith.constant 16 : index
      %parallel_loop3A_42 = tpu.vector_load %arg6[%parallel_loop3A_40, %parallel_loop3A_41] {strides = array<i32>} : memref<64x64xf32, #tpu.memory_space<vmem>>, vector<16xf32>,
      %parallel_loop3A_43 = vector.broadcast %parallel_loop3A_25 : f32 to vector<16xf32>
      %parallel_loop3A_44 = arith.subf %parallel_loop3A_42, %parallel_loop3A_43 : vector<16xf32>
      %parallel_loop3A_45 = vector.broadcast %parallel_loop3A_27 : f32 to vector<16xf32>
      %parallel_loop3A_46 = arith.mulf %parallel_loop3A_45, %get3A_5 : vector<16xf32>
      %parallel_loop3A_47 = arith.mulf %parallel_loop3A_44, %parallel_loop3A_46 : vector<16xf32>
      %parallel_loop3A_48 = arith.addf %parallel_loop3A_47, %get3A_13 : vector<16xf32>
      %parallel_loop3A_49 = arith.index_cast %parallel_loop3A_23 : i32 to index
      %parallel_loop3A_50 = arith.constant 16 : index
      %parallel_loop3A_51 = tpu.vector_load %arg6[%parallel_loop3A_49, %parallel_loop3A_50] {strides = array<i32>} : memref<64x64xf32, #tpu.memory_space<vmem>>, vector<16xf32>,
      tpu.vector_store %arg6[%parallel_loop3A_49, %parallel_loop3A_50], %parallel_loop3A_48 {strides = array<i32>} : memref<64x64xf32, #tpu.memory_space<vmem>>, vector<16xf32>,
      %parallel_loop3A_52 = arith.index_cast %parallel_loop3A_23 : i32 to index
      %parallel_loop3A_53 = arith.constant 32 : index
      %parallel_loop3A_54 = tpu.vector_load %arg6[%parallel_loop3A_52, %parallel_loop3A_53] {strides = array<i32>} : memref<64x64xf32, #tpu.memory_space<vmem>>, vector<16xf32>,
      %parallel_loop3A_55 = vector.broadcast %parallel_loop3A_25 : f32 to vector<16xf32>
      %parallel_loop3A_56 = arith.subf %parallel_loop3A_54, %parallel_loop3A_55 : vector<16xf32>
      %parallel_loop3A_57 = vector.broadcast %parallel_loop3A_27 : f32 to vector<16xf32>
      %parallel_loop3A_58 = arith.mulf %parallel_loop3A_57, %get3A_7 : vector<16xf32>
      %parallel_loop3A_59 = arith.mulf %parallel_loop3A_56, %parallel_loop3A_58 : vector<16xf32>
      %parallel_loop3A_60 = arith.addf %parallel_loop3A_59, %get3A_15 : vector<16xf32>
      %parallel_loop3A_61 = arith.index_cast %parallel_loop3A_23 : i32 to index
      %parallel_loop3A_62 = arith.constant 32 : index
      %parallel_loop3A_63 = tpu.vector_load %arg6[%parallel_loop3A_61, %parallel_loop3A_62] {strides = array<i32>} : memref<64x64xf32, #tpu.memory_space<vmem>>, vector<16xf32>,
      tpu.vector_store %arg6[%parallel_loop3A_61, %parallel_loop3A_62], %parallel_loop3A_60 {strides = array<i32>} : memref<64x64xf32, #tpu.memory_space<vmem>>, vector<16xf32>,
      %parallel_loop3A_64 = arith.index_cast %parallel_loop3A_23 : i32 to index
      %parallel_loop3A_65 = arith.constant 48 : index
      %parallel_loop3A_66 = tpu.vector_load %arg6[%parallel_loop3A_64, %parallel_loop3A_65] {strides = array<i32>} : memref<64x64xf32, #tpu.memory_space<vmem>>, vector<16xf32>,
      %parallel_loop3A_67 = vector.broadcast %parallel_loop3A_25 : f32 to vector<16xf32>
      %parallel_loop3A_68 = arith.subf %parallel_loop3A_66, %parallel_loop3A_67 : vector<16xf32>
      %parallel_loop3A_69 = vector.broadcast %parallel_loop3A_27 : f32 to vector<16xf32>
      %parallel_loop3A_70 = arith.mulf %parallel_loop3A_69, %get3A_9 : vector<16xf32>
      %parallel_loop3A_71 = arith.mulf %parallel_loop3A_68, %parallel_loop3A_70 : vector<16xf32>
      %parallel_loop3A_72 = arith.addf %parallel_loop3A_71, %get3A_17 : vector<16xf32>
      %parallel_loop3A_73 = arith.index_cast %parallel_loop3A_23 : i32 to index
      %parallel_loop3A_74 = arith.constant 48 : index
      %parallel_loop3A_75 = tpu.vector_load %arg6[%parallel_loop3A_73, %parallel_loop3A_74] {strides = array<i32>} : memref<64x64xf32, #tpu.memory_space<vmem>>, vector<16xf32>,
      tpu.vector_store %arg6[%parallel_loop3A_73, %parallel_loop3A_74], %parallel_loop3A_72 {strides = array<i32>} : memref<64x64xf32, #tpu.memory_space<vmem>>, vector<16xf32>,
    } {sc.loop_unroll_factor = 4 : i64, sc.parallel_access}
    "tpu.region"() ({
      %run_scoped3A = tpu.sem_alloc : memref<!tpu.dma_semaphore, #tpu.memory_space<semaphore_mem>>
      %dma_start3A = arith.constant 0 : i32
      %dma_start3A_23 = tpu.memref_slice %arg5[%mul3A_2, %dma_start3A] : memref<2048x64xf32, #tpu.memory_space<hbm>> -> memref<64x64xf32, #tpu.memory_space<hbm>>
      %dma_start3A_24 = arith.constant 0 : i32
      %dma_start3A_25 = tpu.memref_slice %arg5[%mul3A_2, %dma_start3A_24] : memref<2048x64xf32, #tpu.memory_space<hbm>> -> memref<64x64xf32, #tpu.memory_space<hbm>>
      tpu.enqueue_dma source(%arg6 : memref<64x64xf32, #tpu.memory_space<vmem>>) target(%dma_start3A_25 : memref<64x64xf32, #tpu.memory_space<hbm>>) target_semaphore(%run_scoped3A : memref<!tpu.dma_semaphore, #tpu.memory_space<semaphore_mem>>)
      %dma_wait3A = arith.constant 0 : i32
      %dma_wait3A_26 = tpu.memref_slice %arg5[%mul3A_2, %dma_wait3A] : memref<2048x64xf32, #tpu.memory_space<hbm>> -> memref<64x64xf32, #tpu.memory_space<hbm>>
      %dma_wait3A_27 = arith.constant 0 : i32
      %dma_wait3A_28 = tpu.memref_slice %arg5[%mul3A_2, %dma_wait3A_27] : memref<2048x64xf32, #tpu.memory_space<hbm>> -> memref<64x64xf32, #tpu.memory_space<hbm>>
      tpu.wait_dma2 semaphore(%run_scoped3A : memref<!tpu.dma_semaphore, #tpu.memory_space<semaphore_mem>>) src(%arg6 : memref<64x64xf32, #tpu.memory_space<vmem>>) dst(%dma_wait3A_28 : memref<64x64xf32, #tpu.memory_space<hbm>>)
      tpu.yield
    }) : () -> ()
    return
  }
}

#map = affine_map<(d0, d1) -> (0, 0)>
#map1 = affine_map<(d0, d1) -> (0)>
#map2 = affine_map<(d0, d1) -> (0, 0, 0)>
module attributes {stable_mosaic.version = 14 : i64} {
  func.func @_main_body(%arg0: i32, %arg1: i32, %arg2: memref<1000000x64xf32, #tpu.memory_space<hbm>>, %arg3: memref<4096x200xi32, #tpu.memory_space<hbm>>, %arg4: memref<4096x200xi32, #tpu.memory_space<hbm>>, %arg5: memref<2048x64xf32, #tpu.memory_space<hbm>>, %arg6: memref<64xf32, #tpu.memory_space<hbm>>, %arg7: memref<64xf32, #tpu.memory_space<hbm>>, %arg8: memref<4096x200x64xf32, #tpu.memory_space<hbm>>, %arg9: memref<2x200xi32, #tpu.memory_space<vmem>>, %arg10: memref<2x200xi32, #tpu.memory_space<vmem>>, %arg11: memref<2x200xi32, #tpu.memory_space<vmem>>, %arg12: memref<2x200xi32, #tpu.memory_space<vmem>>, %arg13: memref<2x200x64xf32, #tpu.memory_space<vmem>>, %arg14: memref<2x200x64xf32, #tpu.memory_space<vmem>>, %arg15: memref<2x200x64xf32, #tpu.memory_space<vmem>>, %arg16: memref<2x200x64xf32, #tpu.memory_space<vmem>>, %arg17: memref<64xf32, #tpu.memory_space<vmem>>, %arg18: memref<64xf32, #tpu.memory_space<vmem>>, %arg19: memref<200xf32, #tpu.memory_space<smem>>, %arg20: memref<200xf32, #tpu.memory_space<smem>>, %arg21: memref<!tpu.dma_semaphore, #tpu.memory_space<semaphore_mem>>, %arg22: memref<!tpu.dma_semaphore, #tpu.memory_space<semaphore_mem>>, %arg23: memref<!tpu.dma_semaphore, #tpu.memory_space<semaphore_mem>>, %arg24: memref<!tpu.dma_semaphore, #tpu.memory_space<semaphore_mem>>, %arg25: memref<!tpu.dma_semaphore, #tpu.memory_space<semaphore_mem>>, %arg26: memref<!tpu.dma_semaphore, #tpu.memory_space<semaphore_mem>>) attributes {dimension_semantics = [#tpu.dimension_semantics<core_parallel>, #tpu.dimension_semantics<subcore_parallel>], iteration_bounds = array<i64: 2, 16>, scalar_prefetch = 0 : i64, scratch_operands = 18 : i64, tpu.core_type = #tpu.core_type<sc_vector_subcore>, window_params = [{transform_indices = #map}, {transform_indices = #map}, {transform_indices = #map}, {transform_indices = #map}, {transform_indices = #map1}, {transform_indices = #map1}, {transform_indices = #map2}]} {
    %mul3A = arith.constant 2 : i32
    %mul3A_0 = arith.muli %arg1, %mul3A : i32
    %add3A = arith.addi %mul3A_0, %arg0 : i32
    "tpu.region"() ({
      %run_scoped3A = tpu.sem_alloc : memref<!tpu.dma_semaphore, #tpu.memory_space<semaphore_mem>>
      tpu.enqueue_dma source(%arg6 : memref<64xf32, #tpu.memory_space<hbm>>) target(%arg17 : memref<64xf32, #tpu.memory_space<vmem>>) target_semaphore(%run_scoped3A : memref<!tpu.dma_semaphore, #tpu.memory_space<semaphore_mem>>)
      tpu.wait_dma2 semaphore(%run_scoped3A : memref<!tpu.dma_semaphore, #tpu.memory_space<semaphore_mem>>) src(%arg6 : memref<64xf32, #tpu.memory_space<hbm>>) dst(%arg17 : memref<64xf32, #tpu.memory_space<vmem>>)
      tpu.yield
    }) : () -> ()
    "tpu.region"() ({
      %run_scoped3A = tpu.sem_alloc : memref<!tpu.dma_semaphore, #tpu.memory_space<semaphore_mem>>
      tpu.enqueue_dma source(%arg7 : memref<64xf32, #tpu.memory_space<hbm>>) target(%arg18 : memref<64xf32, #tpu.memory_space<vmem>>) target_semaphore(%run_scoped3A : memref<!tpu.dma_semaphore, #tpu.memory_space<semaphore_mem>>)
      tpu.wait_dma2 semaphore(%run_scoped3A : memref<!tpu.dma_semaphore, #tpu.memory_space<semaphore_mem>>) src(%arg7 : memref<64xf32, #tpu.memory_space<hbm>>) dst(%arg18 : memref<64xf32, #tpu.memory_space<vmem>>)
      tpu.yield
    }) : () -> ()
    %get3A = arith.constant 0 : index
    %get3A_1 = tpu.vector_load %arg17[%get3A] {strides = array<i32>} : memref<64xf32, #tpu.memory_space<vmem>>, vector<16xf32>,
    %get3A_2 = arith.constant 16 : index
    %get3A_3 = tpu.vector_load %arg17[%get3A_2] {strides = array<i32>} : memref<64xf32, #tpu.memory_space<vmem>>, vector<16xf32>,
    %get3A_4 = arith.constant 32 : index
    %get3A_5 = tpu.vector_load %arg17[%get3A_4] {strides = array<i32>} : memref<64xf32, #tpu.memory_space<vmem>>, vector<16xf32>,
    %get3A_6 = arith.constant 48 : index
    %get3A_7 = tpu.vector_load %arg17[%get3A_6] {strides = array<i32>} : memref<64xf32, #tpu.memory_space<vmem>>, vector<16xf32>,
    %get3A_8 = arith.constant 0 : index
    %get3A_9 = tpu.vector_load %arg18[%get3A_8] {strides = array<i32>} : memref<64xf32, #tpu.memory_space<vmem>>, vector<16xf32>,
    %get3A_10 = arith.constant 16 : index
    %get3A_11 = tpu.vector_load %arg18[%get3A_10] {strides = array<i32>} : memref<64xf32, #tpu.memory_space<vmem>>, vector<16xf32>,
    %get3A_12 = arith.constant 32 : index
    %get3A_13 = tpu.vector_load %arg18[%get3A_12] {strides = array<i32>} : memref<64xf32, #tpu.memory_space<vmem>>, vector<16xf32>,
    %get3A_14 = arith.constant 48 : index
    %get3A_15 = tpu.vector_load %arg18[%get3A_14] {strides = array<i32>} : memref<64xf32, #tpu.memory_space<vmem>>, vector<16xf32>,
    %mul3A_16 = arith.constant 128 : i32
    %mul3A_17 = arith.muli %add3A, %mul3A_16 : i32
    "tpu.region"() ({
      %run_scoped3A = tpu.sem_alloc : memref<!tpu.dma_semaphore, #tpu.memory_space<semaphore_mem>>
      %dma_start3A_307 = arith.constant 0 : i32
      %dma_start3A_308 = tpu.memref_slice %arg3[%mul3A_17, %dma_start3A_307] : memref<4096x200xi32, #tpu.memory_space<hbm>> -> memref<2x200xi32, #tpu.memory_space<hbm>>
      %dma_start3A_309 = arith.constant 0 : i32
      %dma_start3A_310 = tpu.memref_slice %arg3[%mul3A_17, %dma_start3A_309] : memref<4096x200xi32, #tpu.memory_space<hbm>> -> memref<2x200xi32, #tpu.memory_space<hbm>>
      tpu.enqueue_dma source(%dma_start3A_310 : memref<2x200xi32, #tpu.memory_space<hbm>>) target(%arg9 : memref<2x200xi32, #tpu.memory_space<vmem>>) target_semaphore(%run_scoped3A : memref<!tpu.dma_semaphore, #tpu.memory_space<semaphore_mem>>)
      %dma_wait3A_311 = arith.constant 0 : i32
      %dma_wait3A_312 = tpu.memref_slice %arg3[%mul3A_17, %dma_wait3A_311] : memref<4096x200xi32, #tpu.memory_space<hbm>> -> memref<2x200xi32, #tpu.memory_space<hbm>>
      %dma_wait3A_313 = arith.constant 0 : i32
      %dma_wait3A_314 = tpu.memref_slice %arg3[%mul3A_17, %dma_wait3A_313] : memref<4096x200xi32, #tpu.memory_space<hbm>> -> memref<2x200xi32, #tpu.memory_space<hbm>>
      tpu.wait_dma2 semaphore(%run_scoped3A : memref<!tpu.dma_semaphore, #tpu.memory_space<semaphore_mem>>) src(%dma_wait3A_314 : memref<2x200xi32, #tpu.memory_space<hbm>>) dst(%arg9 : memref<2x200xi32, #tpu.memory_space<vmem>>)
      tpu.yield
    }) : () -> ()
    "tpu.region"() ({
      %run_scoped3A = tpu.sem_alloc : memref<!tpu.dma_semaphore, #tpu.memory_space<semaphore_mem>>
      %dma_start3A_307 = arith.constant 0 : i32
      %dma_start3A_308 = tpu.memref_slice %arg4[%mul3A_17, %dma_start3A_307] : memref<4096x200xi32, #tpu.memory_space<hbm>> -> memref<2x200xi32, #tpu.memory_space<hbm>>
      %dma_start3A_309 = arith.constant 0 : i32
      %dma_start3A_310 = tpu.memref_slice %arg4[%mul3A_17, %dma_start3A_309] : memref<4096x200xi32, #tpu.memory_space<hbm>> -> memref<2x200xi32, #tpu.memory_space<hbm>>
      tpu.enqueue_dma source(%dma_start3A_310 : memref<2x200xi32, #tpu.memory_space<hbm>>) target(%arg11 : memref<2x200xi32, #tpu.memory_space<vmem>>) target_semaphore(%run_scoped3A : memref<!tpu.dma_semaphore, #tpu.memory_space<semaphore_mem>>)
      %dma_wait3A_311 = arith.constant 0 : i32
      %dma_wait3A_312 = tpu.memref_slice %arg4[%mul3A_17, %dma_wait3A_311] : memref<4096x200xi32, #tpu.memory_space<hbm>> -> memref<2x200xi32, #tpu.memory_space<hbm>>
      %dma_wait3A_313 = arith.constant 0 : i32
      %dma_wait3A_314 = tpu.memref_slice %arg4[%mul3A_17, %dma_wait3A_313] : memref<4096x200xi32, #tpu.memory_space<hbm>> -> memref<2x200xi32, #tpu.memory_space<hbm>>
      tpu.wait_dma2 semaphore(%run_scoped3A : memref<!tpu.dma_semaphore, #tpu.memory_space<semaphore_mem>>) src(%dma_wait3A_314 : memref<2x200xi32, #tpu.memory_space<hbm>>) dst(%arg11 : memref<2x200xi32, #tpu.memory_space<vmem>>)
      tpu.yield
    }) : () -> ()
    %dma_start3A = arith.constant 0 : i32
    %dma_start3A_18 = arith.constant 0 : i32
    %dma_start3A_19 = arith.constant 0 : i32
    %dma_start3A_20 = arith.constant 0 : i32
    %dma_start3A_21 = tpu.memref_slice %arg13[%dma_start3A_18, %dma_start3A_19, %dma_start3A_20] : memref<2x200x64xf32, #tpu.memory_space<vmem>> -> memref<1x40x64xf32, #tpu.memory_space<vmem>>
    %dma_start3A_22 = tpu.memref_squeeze %dma_start3A_21 : memref<1x40x64xf32, #tpu.memory_space<vmem>> -> memref<40x64xf32, #tpu.memory_space<vmem>>
    %dma_start3A_23 = arith.constant 0 : i32
    %dma_start3A_24 = tpu.memref_slice %arg9[%dma_start3A, %dma_start3A_23] : memref<2x200xi32, #tpu.memory_space<vmem>> -> memref<1x40xi32, #tpu.memory_space<vmem>>
    %dma_start3A_25 = tpu.memref_squeeze %dma_start3A_24 : memref<1x40xi32, #tpu.memory_space<vmem>> -> memref<40xi32, #tpu.memory_space<vmem>>
    %dma_start3A_26 = arith.constant 0 : i32
    %dma_start3A_27 = arith.constant 0 : i32
    %dma_start3A_28 = tpu.memref_slice %arg2[%dma_start3A_26, %dma_start3A_27] : memref<1000000x64xf32, #tpu.memory_space<hbm>> -> memref<1000000x64xf32, #tpu.memory_space<hbm>>
    tpu.enqueue_indirect_dma source(%dma_start3A_28 : memref<1000000x64xf32, #tpu.memory_space<hbm>>) target(%dma_start3A_22 : memref<40x64xf32, #tpu.memory_space<vmem>>) offsets(%dma_start3A_25 : memref<40xi32, #tpu.memory_space<vmem>>) semaphore(%arg23 : memref<!tpu.dma_semaphore, #tpu.memory_space<semaphore_mem>>)
    %dma_start3A_29 = arith.constant 0 : i32
    %dma_start3A_30 = arith.constant 0 : i32
    %dma_start3A_31 = arith.constant 0 : i32
    %dma_start3A_32 = arith.constant 0 : i32
    %dma_start3A_33 = tpu.memref_slice %arg15[%dma_start3A_30, %dma_start3A_31, %dma_start3A_32] : memref<2x200x64xf32, #tpu.memory_space<vmem>> -> memref<1x40x64xf32, #tpu.memory_space<vmem>>
    %dma_start3A_34 = tpu.memref_squeeze %dma_start3A_33 : memref<1x40x64xf32, #tpu.memory_space<vmem>> -> memref<40x64xf32, #tpu.memory_space<vmem>>
    %dma_start3A_35 = arith.constant 0 : i32
    %dma_start3A_36 = tpu.memref_slice %arg11[%dma_start3A_29, %dma_start3A_35] : memref<2x200xi32, #tpu.memory_space<vmem>> -> memref<1x40xi32, #tpu.memory_space<vmem>>
    %dma_start3A_37 = tpu.memref_squeeze %dma_start3A_36 : memref<1x40xi32, #tpu.memory_space<vmem>> -> memref<40xi32, #tpu.memory_space<vmem>>
    %dma_start3A_38 = arith.constant 0 : i32
    %dma_start3A_39 = arith.constant 0 : i32
    %dma_start3A_40 = tpu.memref_slice %arg5[%dma_start3A_38, %dma_start3A_39] : memref<2048x64xf32, #tpu.memory_space<hbm>> -> memref<2048x64xf32, #tpu.memory_space<hbm>>
    tpu.enqueue_indirect_dma source(%dma_start3A_40 : memref<2048x64xf32, #tpu.memory_space<hbm>>) target(%dma_start3A_34 : memref<40x64xf32, #tpu.memory_space<vmem>>) offsets(%dma_start3A_37 : memref<40xi32, #tpu.memory_space<vmem>>) semaphore(%arg23 : memref<!tpu.dma_semaphore, #tpu.memory_space<semaphore_mem>>)
    %dma_start3A_41 = arith.constant 0 : i32
    %dma_start3A_42 = arith.constant 0 : i32
    %dma_start3A_43 = arith.constant 40 : i32
    %dma_start3A_44 = arith.constant 0 : i32
    %dma_start3A_45 = tpu.memref_slice %arg13[%dma_start3A_42, %dma_start3A_43, %dma_start3A_44] : memref<2x200x64xf32, #tpu.memory_space<vmem>> -> memref<1x40x64xf32, #tpu.memory_space<vmem>>
    %dma_start3A_46 = tpu.memref_squeeze %dma_start3A_45 : memref<1x40x64xf32, #tpu.memory_space<vmem>> -> memref<40x64xf32, #tpu.memory_space<vmem>>
    %dma_start3A_47 = arith.constant 40 : i32
    %dma_start3A_48 = tpu.memref_slice %arg9[%dma_start3A_41, %dma_start3A_47] : memref<2x200xi32, #tpu.memory_space<vmem>> -> memref<1x40xi32, #tpu.memory_space<vmem>>
    %dma_start3A_49 = tpu.memref_squeeze %dma_start3A_48 : memref<1x40xi32, #tpu.memory_space<vmem>> -> memref<40xi32, #tpu.memory_space<vmem>>
    %dma_start3A_50 = arith.constant 0 : i32
    %dma_start3A_51 = arith.constant 0 : i32
    %dma_start3A_52 = tpu.memref_slice %arg2[%dma_start3A_50, %dma_start3A_51] : memref<1000000x64xf32, #tpu.memory_space<hbm>> -> memref<1000000x64xf32, #tpu.memory_space<hbm>>
    tpu.enqueue_indirect_dma source(%dma_start3A_52 : memref<1000000x64xf32, #tpu.memory_space<hbm>>) target(%dma_start3A_46 : memref<40x64xf32, #tpu.memory_space<vmem>>) offsets(%dma_start3A_49 : memref<40xi32, #tpu.memory_space<vmem>>) semaphore(%arg23 : memref<!tpu.dma_semaphore, #tpu.memory_space<semaphore_mem>>)
    %dma_start3A_53 = arith.constant 0 : i32
    %dma_start3A_54 = arith.constant 0 : i32
    %dma_start3A_55 = arith.constant 40 : i32
    %dma_start3A_56 = arith.constant 0 : i32
    %dma_start3A_57 = tpu.memref_slice %arg15[%dma_start3A_54, %dma_start3A_55, %dma_start3A_56] : memref<2x200x64xf32, #tpu.memory_space<vmem>> -> memref<1x40x64xf32, #tpu.memory_space<vmem>>
    %dma_start3A_58 = tpu.memref_squeeze %dma_start3A_57 : memref<1x40x64xf32, #tpu.memory_space<vmem>> -> memref<40x64xf32, #tpu.memory_space<vmem>>
    %dma_start3A_59 = arith.constant 40 : i32
    %dma_start3A_60 = tpu.memref_slice %arg11[%dma_start3A_53, %dma_start3A_59] : memref<2x200xi32, #tpu.memory_space<vmem>> -> memref<1x40xi32, #tpu.memory_space<vmem>>
    %dma_start3A_61 = tpu.memref_squeeze %dma_start3A_60 : memref<1x40xi32, #tpu.memory_space<vmem>> -> memref<40xi32, #tpu.memory_space<vmem>>
    %dma_start3A_62 = arith.constant 0 : i32
    %dma_start3A_63 = arith.constant 0 : i32
    %dma_start3A_64 = tpu.memref_slice %arg5[%dma_start3A_62, %dma_start3A_63] : memref<2048x64xf32, #tpu.memory_space<hbm>> -> memref<2048x64xf32, #tpu.memory_space<hbm>>
    tpu.enqueue_indirect_dma source(%dma_start3A_64 : memref<2048x64xf32, #tpu.memory_space<hbm>>) target(%dma_start3A_58 : memref<40x64xf32, #tpu.memory_space<vmem>>) offsets(%dma_start3A_61 : memref<40xi32, #tpu.memory_space<vmem>>) semaphore(%arg23 : memref<!tpu.dma_semaphore, #tpu.memory_space<semaphore_mem>>)
    %dma_start3A_65 = arith.constant 0 : i32
    %dma_start3A_66 = arith.constant 0 : i32
    %dma_start3A_67 = arith.constant 80 : i32
    %dma_start3A_68 = arith.constant 0 : i32
    %dma_start3A_69 = tpu.memref_slice %arg13[%dma_start3A_66, %dma_start3A_67, %dma_start3A_68] : memref<2x200x64xf32, #tpu.memory_space<vmem>> -> memref<1x40x64xf32, #tpu.memory_space<vmem>>
    %dma_start3A_70 = tpu.memref_squeeze %dma_start3A_69 : memref<1x40x64xf32, #tpu.memory_space<vmem>> -> memref<40x64xf32, #tpu.memory_space<vmem>>
    %dma_start3A_71 = arith.constant 80 : i32
    %dma_start3A_72 = tpu.memref_slice %arg9[%dma_start3A_65, %dma_start3A_71] : memref<2x200xi32, #tpu.memory_space<vmem>> -> memref<1x40xi32, #tpu.memory_space<vmem>>
    %dma_start3A_73 = tpu.memref_squeeze %dma_start3A_72 : memref<1x40xi32, #tpu.memory_space<vmem>> -> memref<40xi32, #tpu.memory_space<vmem>>
    %dma_start3A_74 = arith.constant 0 : i32
    %dma_start3A_75 = arith.constant 0 : i32
    %dma_start3A_76 = tpu.memref_slice %arg2[%dma_start3A_74, %dma_start3A_75] : memref<1000000x64xf32, #tpu.memory_space<hbm>> -> memref<1000000x64xf32, #tpu.memory_space<hbm>>
    tpu.enqueue_indirect_dma source(%dma_start3A_76 : memref<1000000x64xf32, #tpu.memory_space<hbm>>) target(%dma_start3A_70 : memref<40x64xf32, #tpu.memory_space<vmem>>) offsets(%dma_start3A_73 : memref<40xi32, #tpu.memory_space<vmem>>) semaphore(%arg23 : memref<!tpu.dma_semaphore, #tpu.memory_space<semaphore_mem>>)
    %dma_start3A_77 = arith.constant 0 : i32
    %dma_start3A_78 = arith.constant 0 : i32
    %dma_start3A_79 = arith.constant 80 : i32
    %dma_start3A_80 = arith.constant 0 : i32
    %dma_start3A_81 = tpu.memref_slice %arg15[%dma_start3A_78, %dma_start3A_79, %dma_start3A_80] : memref<2x200x64xf32, #tpu.memory_space<vmem>> -> memref<1x40x64xf32, #tpu.memory_space<vmem>>
    %dma_start3A_82 = tpu.memref_squeeze %dma_start3A_81 : memref<1x40x64xf32, #tpu.memory_space<vmem>> -> memref<40x64xf32, #tpu.memory_space<vmem>>
    %dma_start3A_83 = arith.constant 80 : i32
    %dma_start3A_84 = tpu.memref_slice %arg11[%dma_start3A_77, %dma_start3A_83] : memref<2x200xi32, #tpu.memory_space<vmem>> -> memref<1x40xi32, #tpu.memory_space<vmem>>
    %dma_start3A_85 = tpu.memref_squeeze %dma_start3A_84 : memref<1x40xi32, #tpu.memory_space<vmem>> -> memref<40xi32, #tpu.memory_space<vmem>>
    %dma_start3A_86 = arith.constant 0 : i32
    %dma_start3A_87 = arith.constant 0 : i32
    %dma_start3A_88 = tpu.memref_slice %arg5[%dma_start3A_86, %dma_start3A_87] : memref<2048x64xf32, #tpu.memory_space<hbm>> -> memref<2048x64xf32, #tpu.memory_space<hbm>>
    tpu.enqueue_indirect_dma source(%dma_start3A_88 : memref<2048x64xf32, #tpu.memory_space<hbm>>) target(%dma_start3A_82 : memref<40x64xf32, #tpu.memory_space<vmem>>) offsets(%dma_start3A_85 : memref<40xi32, #tpu.memory_space<vmem>>) semaphore(%arg23 : memref<!tpu.dma_semaphore, #tpu.memory_space<semaphore_mem>>)
    %dma_start3A_89 = arith.constant 0 : i32
    %dma_start3A_90 = arith.constant 0 : i32
    %dma_start3A_91 = arith.constant 120 : i32
    %dma_start3A_92 = arith.constant 0 : i32
    %dma_start3A_93 = tpu.memref_slice %arg13[%dma_start3A_90, %dma_start3A_91, %dma_start3A_92] : memref<2x200x64xf32, #tpu.memory_space<vmem>> -> memref<1x40x64xf32, #tpu.memory_space<vmem>>
    %dma_start3A_94 = tpu.memref_squeeze %dma_start3A_93 : memref<1x40x64xf32, #tpu.memory_space<vmem>> -> memref<40x64xf32, #tpu.memory_space<vmem>>
    %dma_start3A_95 = arith.constant 120 : i32
    %dma_start3A_96 = tpu.memref_slice %arg9[%dma_start3A_89, %dma_start3A_95] : memref<2x200xi32, #tpu.memory_space<vmem>> -> memref<1x40xi32, #tpu.memory_space<vmem>>
    %dma_start3A_97 = tpu.memref_squeeze %dma_start3A_96 : memref<1x40xi32, #tpu.memory_space<vmem>> -> memref<40xi32, #tpu.memory_space<vmem>>
    %dma_start3A_98 = arith.constant 0 : i32
    %dma_start3A_99 = arith.constant 0 : i32
    %dma_start3A_100 = tpu.memref_slice %arg2[%dma_start3A_98, %dma_start3A_99] : memref<1000000x64xf32, #tpu.memory_space<hbm>> -> memref<1000000x64xf32, #tpu.memory_space<hbm>>
    tpu.enqueue_indirect_dma source(%dma_start3A_100 : memref<1000000x64xf32, #tpu.memory_space<hbm>>) target(%dma_start3A_94 : memref<40x64xf32, #tpu.memory_space<vmem>>) offsets(%dma_start3A_97 : memref<40xi32, #tpu.memory_space<vmem>>) semaphore(%arg23 : memref<!tpu.dma_semaphore, #tpu.memory_space<semaphore_mem>>)
    %dma_start3A_101 = arith.constant 0 : i32
    %dma_start3A_102 = arith.constant 0 : i32
    %dma_start3A_103 = arith.constant 120 : i32
    %dma_start3A_104 = arith.constant 0 : i32
    %dma_start3A_105 = tpu.memref_slice %arg15[%dma_start3A_102, %dma_start3A_103, %dma_start3A_104] : memref<2x200x64xf32, #tpu.memory_space<vmem>> -> memref<1x40x64xf32, #tpu.memory_space<vmem>>
    %dma_start3A_106 = tpu.memref_squeeze %dma_start3A_105 : memref<1x40x64xf32, #tpu.memory_space<vmem>> -> memref<40x64xf32, #tpu.memory_space<vmem>>
    %dma_start3A_107 = arith.constant 120 : i32
    %dma_start3A_108 = tpu.memref_slice %arg11[%dma_start3A_101, %dma_start3A_107] : memref<2x200xi32, #tpu.memory_space<vmem>> -> memref<1x40xi32, #tpu.memory_space<vmem>>
    %dma_start3A_109 = tpu.memref_squeeze %dma_start3A_108 : memref<1x40xi32, #tpu.memory_space<vmem>> -> memref<40xi32, #tpu.memory_space<vmem>>
    %dma_start3A_110 = arith.constant 0 : i32
    %dma_start3A_111 = arith.constant 0 : i32
    %dma_start3A_112 = tpu.memref_slice %arg5[%dma_start3A_110, %dma_start3A_111] : memref<2048x64xf32, #tpu.memory_space<hbm>> -> memref<2048x64xf32, #tpu.memory_space<hbm>>
    tpu.enqueue_indirect_dma source(%dma_start3A_112 : memref<2048x64xf32, #tpu.memory_space<hbm>>) target(%dma_start3A_106 : memref<40x64xf32, #tpu.memory_space<vmem>>) offsets(%dma_start3A_109 : memref<40xi32, #tpu.memory_space<vmem>>) semaphore(%arg23 : memref<!tpu.dma_semaphore, #tpu.memory_space<semaphore_mem>>)
    %dma_start3A_113 = arith.constant 0 : i32
    %dma_start3A_114 = arith.constant 0 : i32
    %dma_start3A_115 = arith.constant 160 : i32
    %dma_start3A_116 = arith.constant 0 : i32
    %dma_start3A_117 = tpu.memref_slice %arg13[%dma_start3A_114, %dma_start3A_115, %dma_start3A_116] : memref<2x200x64xf32, #tpu.memory_space<vmem>> -> memref<1x40x64xf32, #tpu.memory_space<vmem>>
    %dma_start3A_118 = tpu.memref_squeeze %dma_start3A_117 : memref<1x40x64xf32, #tpu.memory_space<vmem>> -> memref<40x64xf32, #tpu.memory_space<vmem>>
    %dma_start3A_119 = arith.constant 160 : i32
    %dma_start3A_120 = tpu.memref_slice %arg9[%dma_start3A_113, %dma_start3A_119] : memref<2x200xi32, #tpu.memory_space<vmem>> -> memref<1x40xi32, #tpu.memory_space<vmem>>
    %dma_start3A_121 = tpu.memref_squeeze %dma_start3A_120 : memref<1x40xi32, #tpu.memory_space<vmem>> -> memref<40xi32, #tpu.memory_space<vmem>>
    %dma_start3A_122 = arith.constant 0 : i32
    %dma_start3A_123 = arith.constant 0 : i32
    %dma_start3A_124 = tpu.memref_slice %arg2[%dma_start3A_122, %dma_start3A_123] : memref<1000000x64xf32, #tpu.memory_space<hbm>> -> memref<1000000x64xf32, #tpu.memory_space<hbm>>
    tpu.enqueue_indirect_dma source(%dma_start3A_124 : memref<1000000x64xf32, #tpu.memory_space<hbm>>) target(%dma_start3A_118 : memref<40x64xf32, #tpu.memory_space<vmem>>) offsets(%dma_start3A_121 : memref<40xi32, #tpu.memory_space<vmem>>) semaphore(%arg23 : memref<!tpu.dma_semaphore, #tpu.memory_space<semaphore_mem>>)
    %dma_start3A_125 = arith.constant 0 : i32
    %dma_start3A_126 = arith.constant 0 : i32
    %dma_start3A_127 = arith.constant 160 : i32
    %dma_start3A_128 = arith.constant 0 : i32
    %dma_start3A_129 = tpu.memref_slice %arg15[%dma_start3A_126, %dma_start3A_127, %dma_start3A_128] : memref<2x200x64xf32, #tpu.memory_space<vmem>> -> memref<1x40x64xf32, #tpu.memory_space<vmem>>
    %dma_start3A_130 = tpu.memref_squeeze %dma_start3A_129 : memref<1x40x64xf32, #tpu.memory_space<vmem>> -> memref<40x64xf32, #tpu.memory_space<vmem>>
    %dma_start3A_131 = arith.constant 160 : i32
    %dma_start3A_132 = tpu.memref_slice %arg11[%dma_start3A_125, %dma_start3A_131] : memref<2x200xi32, #tpu.memory_space<vmem>> -> memref<1x40xi32, #tpu.memory_space<vmem>>
    %dma_start3A_133 = tpu.memref_squeeze %dma_start3A_132 : memref<1x40xi32, #tpu.memory_space<vmem>> -> memref<40xi32, #tpu.memory_space<vmem>>
    %dma_start3A_134 = arith.constant 0 : i32
    %dma_start3A_135 = arith.constant 0 : i32
    %dma_start3A_136 = tpu.memref_slice %arg5[%dma_start3A_134, %dma_start3A_135] : memref<2048x64xf32, #tpu.memory_space<hbm>> -> memref<2048x64xf32, #tpu.memory_space<hbm>>
    tpu.enqueue_indirect_dma source(%dma_start3A_136 : memref<2048x64xf32, #tpu.memory_space<hbm>>) target(%dma_start3A_130 : memref<40x64xf32, #tpu.memory_space<vmem>>) offsets(%dma_start3A_133 : memref<40xi32, #tpu.memory_space<vmem>>) semaphore(%arg23 : memref<!tpu.dma_semaphore, #tpu.memory_space<semaphore_mem>>)
    %dma_start3A_137 = arith.constant 1 : i32
    %dma_start3A_138 = arith.constant 1 : i32
    %dma_start3A_139 = arith.constant 0 : i32
    %dma_start3A_140 = arith.constant 0 : i32
    %dma_start3A_141 = tpu.memref_slice %arg13[%dma_start3A_138, %dma_start3A_139, %dma_start3A_140] : memref<2x200x64xf32, #tpu.memory_space<vmem>> -> memref<1x40x64xf32, #tpu.memory_space<vmem>>
    %dma_start3A_142 = tpu.memref_squeeze %dma_start3A_141 : memref<1x40x64xf32, #tpu.memory_space<vmem>> -> memref<40x64xf32, #tpu.memory_space<vmem>>
    %dma_start3A_143 = arith.constant 0 : i32
    %dma_start3A_144 = tpu.memref_slice %arg9[%dma_start3A_137, %dma_start3A_143] : memref<2x200xi32, #tpu.memory_space<vmem>> -> memref<1x40xi32, #tpu.memory_space<vmem>>
    %dma_start3A_145 = tpu.memref_squeeze %dma_start3A_144 : memref<1x40xi32, #tpu.memory_space<vmem>> -> memref<40xi32, #tpu.memory_space<vmem>>
    %dma_start3A_146 = arith.constant 0 : i32
    %dma_start3A_147 = arith.constant 0 : i32
    %dma_start3A_148 = tpu.memref_slice %arg2[%dma_start3A_146, %dma_start3A_147] : memref<1000000x64xf32, #tpu.memory_space<hbm>> -> memref<1000000x64xf32, #tpu.memory_space<hbm>>
    tpu.enqueue_indirect_dma source(%dma_start3A_148 : memref<1000000x64xf32, #tpu.memory_space<hbm>>) target(%dma_start3A_142 : memref<40x64xf32, #tpu.memory_space<vmem>>) offsets(%dma_start3A_145 : memref<40xi32, #tpu.memory_space<vmem>>) semaphore(%arg23 : memref<!tpu.dma_semaphore, #tpu.memory_space<semaphore_mem>>)
    %dma_start3A_149 = arith.constant 1 : i32
    %dma_start3A_150 = arith.constant 1 : i32
    %dma_start3A_151 = arith.constant 0 : i32
    %dma_start3A_152 = arith.constant 0 : i32
    %dma_start3A_153 = tpu.memref_slice %arg15[%dma_start3A_150, %dma_start3A_151, %dma_start3A_152] : memref<2x200x64xf32, #tpu.memory_space<vmem>> -> memref<1x40x64xf32, #tpu.memory_space<vmem>>
    %dma_start3A_154 = tpu.memref_squeeze %dma_start3A_153 : memref<1x40x64xf32, #tpu.memory_space<vmem>> -> memref<40x64xf32, #tpu.memory_space<vmem>>
    %dma_start3A_155 = arith.constant 0 : i32
    %dma_start3A_156 = tpu.memref_slice %arg11[%dma_start3A_149, %dma_start3A_155] : memref<2x200xi32, #tpu.memory_space<vmem>> -> memref<1x40xi32, #tpu.memory_space<vmem>>
    %dma_start3A_157 = tpu.memref_squeeze %dma_start3A_156 : memref<1x40xi32, #tpu.memory_space<vmem>> -> memref<40xi32, #tpu.memory_space<vmem>>
    %dma_start3A_158 = arith.constant 0 : i32
    %dma_start3A_159 = arith.constant 0 : i32
    %dma_start3A_160 = tpu.memref_slice %arg5[%dma_start3A_158, %dma_start3A_159] : memref<2048x64xf32, #tpu.memory_space<hbm>> -> memref<2048x64xf32, #tpu.memory_space<hbm>>
    tpu.enqueue_indirect_dma source(%dma_start3A_160 : memref<2048x64xf32, #tpu.memory_space<hbm>>) target(%dma_start3A_154 : memref<40x64xf32, #tpu.memory_space<vmem>>) offsets(%dma_start3A_157 : memref<40xi32, #tpu.memory_space<vmem>>) semaphore(%arg23 : memref<!tpu.dma_semaphore, #tpu.memory_space<semaphore_mem>>)
    %dma_start3A_161 = arith.constant 1 : i32
    %dma_start3A_162 = arith.constant 1 : i32
    %dma_start3A_163 = arith.constant 40 : i32
    %dma_start3A_164 = arith.constant 0 : i32
    %dma_start3A_165 = tpu.memref_slice %arg13[%dma_start3A_162, %dma_start3A_163, %dma_start3A_164] : memref<2x200x64xf32, #tpu.memory_space<vmem>> -> memref<1x40x64xf32, #tpu.memory_space<vmem>>
    %dma_start3A_166 = tpu.memref_squeeze %dma_start3A_165 : memref<1x40x64xf32, #tpu.memory_space<vmem>> -> memref<40x64xf32, #tpu.memory_space<vmem>>
    %dma_start3A_167 = arith.constant 40 : i32
    %dma_start3A_168 = tpu.memref_slice %arg9[%dma_start3A_161, %dma_start3A_167] : memref<2x200xi32, #tpu.memory_space<vmem>> -> memref<1x40xi32, #tpu.memory_space<vmem>>
    %dma_start3A_169 = tpu.memref_squeeze %dma_start3A_168 : memref<1x40xi32, #tpu.memory_space<vmem>> -> memref<40xi32, #tpu.memory_space<vmem>>
    %dma_start3A_170 = arith.constant 0 : i32
    %dma_start3A_171 = arith.constant 0 : i32
    %dma_start3A_172 = tpu.memref_slice %arg2[%dma_start3A_170, %dma_start3A_171] : memref<1000000x64xf32, #tpu.memory_space<hbm>> -> memref<1000000x64xf32, #tpu.memory_space<hbm>>
    tpu.enqueue_indirect_dma source(%dma_start3A_172 : memref<1000000x64xf32, #tpu.memory_space<hbm>>) target(%dma_start3A_166 : memref<40x64xf32, #tpu.memory_space<vmem>>) offsets(%dma_start3A_169 : memref<40xi32, #tpu.memory_space<vmem>>) semaphore(%arg23 : memref<!tpu.dma_semaphore, #tpu.memory_space<semaphore_mem>>)
    %dma_start3A_173 = arith.constant 1 : i32
    %dma_start3A_174 = arith.constant 1 : i32
    %dma_start3A_175 = arith.constant 40 : i32
    %dma_start3A_176 = arith.constant 0 : i32
    %dma_start3A_177 = tpu.memref_slice %arg15[%dma_start3A_174, %dma_start3A_175, %dma_start3A_176] : memref<2x200x64xf32, #tpu.memory_space<vmem>> -> memref<1x40x64xf32, #tpu.memory_space<vmem>>
    %dma_start3A_178 = tpu.memref_squeeze %dma_start3A_177 : memref<1x40x64xf32, #tpu.memory_space<vmem>> -> memref<40x64xf32, #tpu.memory_space<vmem>>
    %dma_start3A_179 = arith.constant 40 : i32
    %dma_start3A_180 = tpu.memref_slice %arg11[%dma_start3A_173, %dma_start3A_179] : memref<2x200xi32, #tpu.memory_space<vmem>> -> memref<1x40xi32, #tpu.memory_space<vmem>>
    %dma_start3A_181 = tpu.memref_squeeze %dma_start3A_180 : memref<1x40xi32, #tpu.memory_space<vmem>> -> memref<40xi32, #tpu.memory_space<vmem>>
    %dma_start3A_182 = arith.constant 0 : i32
    %dma_start3A_183 = arith.constant 0 : i32
    %dma_start3A_184 = tpu.memref_slice %arg5[%dma_start3A_182, %dma_start3A_183] : memref<2048x64xf32, #tpu.memory_space<hbm>> -> memref<2048x64xf32, #tpu.memory_space<hbm>>
    tpu.enqueue_indirect_dma source(%dma_start3A_184 : memref<2048x64xf32, #tpu.memory_space<hbm>>) target(%dma_start3A_178 : memref<40x64xf32, #tpu.memory_space<vmem>>) offsets(%dma_start3A_181 : memref<40xi32, #tpu.memory_space<vmem>>) semaphore(%arg23 : memref<!tpu.dma_semaphore, #tpu.memory_space<semaphore_mem>>)
    %dma_start3A_185 = arith.constant 1 : i32
    %dma_start3A_186 = arith.constant 1 : i32
    %dma_start3A_187 = arith.constant 80 : i32
    %dma_start3A_188 = arith.constant 0 : i32
    %dma_start3A_189 = tpu.memref_slice %arg13[%dma_start3A_186, %dma_start3A_187, %dma_start3A_188] : memref<2x200x64xf32, #tpu.memory_space<vmem>> -> memref<1x40x64xf32, #tpu.memory_space<vmem>>
    %dma_start3A_190 = tpu.memref_squeeze %dma_start3A_189 : memref<1x40x64xf32, #tpu.memory_space<vmem>> -> memref<40x64xf32, #tpu.memory_space<vmem>>
    %dma_start3A_191 = arith.constant 80 : i32
    %dma_start3A_192 = tpu.memref_slice %arg9[%dma_start3A_185, %dma_start3A_191] : memref<2x200xi32, #tpu.memory_space<vmem>> -> memref<1x40xi32, #tpu.memory_space<vmem>>
    %dma_start3A_193 = tpu.memref_squeeze %dma_start3A_192 : memref<1x40xi32, #tpu.memory_space<vmem>> -> memref<40xi32, #tpu.memory_space<vmem>>
    %dma_start3A_194 = arith.constant 0 : i32
    %dma_start3A_195 = arith.constant 0 : i32
    %dma_start3A_196 = tpu.memref_slice %arg2[%dma_start3A_194, %dma_start3A_195] : memref<1000000x64xf32, #tpu.memory_space<hbm>> -> memref<1000000x64xf32, #tpu.memory_space<hbm>>
    tpu.enqueue_indirect_dma source(%dma_start3A_196 : memref<1000000x64xf32, #tpu.memory_space<hbm>>) target(%dma_start3A_190 : memref<40x64xf32, #tpu.memory_space<vmem>>) offsets(%dma_start3A_193 : memref<40xi32, #tpu.memory_space<vmem>>) semaphore(%arg23 : memref<!tpu.dma_semaphore, #tpu.memory_space<semaphore_mem>>)
    %dma_start3A_197 = arith.constant 1 : i32
    %dma_start3A_198 = arith.constant 1 : i32
    %dma_start3A_199 = arith.constant 80 : i32
    %dma_start3A_200 = arith.constant 0 : i32
    %dma_start3A_201 = tpu.memref_slice %arg15[%dma_start3A_198, %dma_start3A_199, %dma_start3A_200] : memref<2x200x64xf32, #tpu.memory_space<vmem>> -> memref<1x40x64xf32, #tpu.memory_space<vmem>>
    %dma_start3A_202 = tpu.memref_squeeze %dma_start3A_201 : memref<1x40x64xf32, #tpu.memory_space<vmem>> -> memref<40x64xf32, #tpu.memory_space<vmem>>
    %dma_start3A_203 = arith.constant 80 : i32
    %dma_start3A_204 = tpu.memref_slice %arg11[%dma_start3A_197, %dma_start3A_203] : memref<2x200xi32, #tpu.memory_space<vmem>> -> memref<1x40xi32, #tpu.memory_space<vmem>>
    %dma_start3A_205 = tpu.memref_squeeze %dma_start3A_204 : memref<1x40xi32, #tpu.memory_space<vmem>> -> memref<40xi32, #tpu.memory_space<vmem>>
    %dma_start3A_206 = arith.constant 0 : i32
    %dma_start3A_207 = arith.constant 0 : i32
    %dma_start3A_208 = tpu.memref_slice %arg5[%dma_start3A_206, %dma_start3A_207] : memref<2048x64xf32, #tpu.memory_space<hbm>> -> memref<2048x64xf32, #tpu.memory_space<hbm>>
    tpu.enqueue_indirect_dma source(%dma_start3A_208 : memref<2048x64xf32, #tpu.memory_space<hbm>>) target(%dma_start3A_202 : memref<40x64xf32, #tpu.memory_space<vmem>>) offsets(%dma_start3A_205 : memref<40xi32, #tpu.memory_space<vmem>>) semaphore(%arg23 : memref<!tpu.dma_semaphore, #tpu.memory_space<semaphore_mem>>)
    %dma_start3A_209 = arith.constant 1 : i32
    %dma_start3A_210 = arith.constant 1 : i32
    %dma_start3A_211 = arith.constant 120 : i32
    %dma_start3A_212 = arith.constant 0 : i32
    %dma_start3A_213 = tpu.memref_slice %arg13[%dma_start3A_210, %dma_start3A_211, %dma_start3A_212] : memref<2x200x64xf32, #tpu.memory_space<vmem>> -> memref<1x40x64xf32, #tpu.memory_space<vmem>>
    %dma_start3A_214 = tpu.memref_squeeze %dma_start3A_213 : memref<1x40x64xf32, #tpu.memory_space<vmem>> -> memref<40x64xf32, #tpu.memory_space<vmem>>
    %dma_start3A_215 = arith.constant 120 : i32
    %dma_start3A_216 = tpu.memref_slice %arg9[%dma_start3A_209, %dma_start3A_215] : memref<2x200xi32, #tpu.memory_space<vmem>> -> memref<1x40xi32, #tpu.memory_space<vmem>>
    %dma_start3A_217 = tpu.memref_squeeze %dma_start3A_216 : memref<1x40xi32, #tpu.memory_space<vmem>> -> memref<40xi32, #tpu.memory_space<vmem>>
    %dma_start3A_218 = arith.constant 0 : i32
    %dma_start3A_219 = arith.constant 0 : i32
    %dma_start3A_220 = tpu.memref_slice %arg2[%dma_start3A_218, %dma_start3A_219] : memref<1000000x64xf32, #tpu.memory_space<hbm>> -> memref<1000000x64xf32, #tpu.memory_space<hbm>>
    tpu.enqueue_indirect_dma source(%dma_start3A_220 : memref<1000000x64xf32, #tpu.memory_space<hbm>>) target(%dma_start3A_214 : memref<40x64xf32, #tpu.memory_space<vmem>>) offsets(%dma_start3A_217 : memref<40xi32, #tpu.memory_space<vmem>>) semaphore(%arg23 : memref<!tpu.dma_semaphore, #tpu.memory_space<semaphore_mem>>)
    %dma_start3A_221 = arith.constant 1 : i32
    %dma_start3A_222 = arith.constant 1 : i32
    %dma_start3A_223 = arith.constant 120 : i32
    %dma_start3A_224 = arith.constant 0 : i32
    %dma_start3A_225 = tpu.memref_slice %arg15[%dma_start3A_222, %dma_start3A_223, %dma_start3A_224] : memref<2x200x64xf32, #tpu.memory_space<vmem>> -> memref<1x40x64xf32, #tpu.memory_space<vmem>>
    %dma_start3A_226 = tpu.memref_squeeze %dma_start3A_225 : memref<1x40x64xf32, #tpu.memory_space<vmem>> -> memref<40x64xf32, #tpu.memory_space<vmem>>
    %dma_start3A_227 = arith.constant 120 : i32
    %dma_start3A_228 = tpu.memref_slice %arg11[%dma_start3A_221, %dma_start3A_227] : memref<2x200xi32, #tpu.memory_space<vmem>> -> memref<1x40xi32, #tpu.memory_space<vmem>>
    %dma_start3A_229 = tpu.memref_squeeze %dma_start3A_228 : memref<1x40xi32, #tpu.memory_space<vmem>> -> memref<40xi32, #tpu.memory_space<vmem>>
    %dma_start3A_230 = arith.constant 0 : i32
    %dma_start3A_231 = arith.constant 0 : i32
    %dma_start3A_232 = tpu.memref_slice %arg5[%dma_start3A_230, %dma_start3A_231] : memref<2048x64xf32, #tpu.memory_space<hbm>> -> memref<2048x64xf32, #tpu.memory_space<hbm>>
    tpu.enqueue_indirect_dma source(%dma_start3A_232 : memref<2048x64xf32, #tpu.memory_space<hbm>>) target(%dma_start3A_226 : memref<40x64xf32, #tpu.memory_space<vmem>>) offsets(%dma_start3A_229 : memref<40xi32, #tpu.memory_space<vmem>>) semaphore(%arg23 : memref<!tpu.dma_semaphore, #tpu.memory_space<semaphore_mem>>)
    %dma_start3A_233 = arith.constant 1 : i32
    %dma_start3A_234 = arith.constant 1 : i32
    %dma_start3A_235 = arith.constant 160 : i32
    %dma_start3A_236 = arith.constant 0 : i32
    %dma_start3A_237 = tpu.memref_slice %arg13[%dma_start3A_234, %dma_start3A_235, %dma_start3A_236] : memref<2x200x64xf32, #tpu.memory_space<vmem>> -> memref<1x40x64xf32, #tpu.memory_space<vmem>>
    %dma_start3A_238 = tpu.memref_squeeze %dma_start3A_237 : memref<1x40x64xf32, #tpu.memory_space<vmem>> -> memref<40x64xf32, #tpu.memory_space<vmem>>
    %dma_start3A_239 = arith.constant 160 : i32
    %dma_start3A_240 = tpu.memref_slice %arg9[%dma_start3A_233, %dma_start3A_239] : memref<2x200xi32, #tpu.memory_space<vmem>> -> memref<1x40xi32, #tpu.memory_space<vmem>>
    %dma_start3A_241 = tpu.memref_squeeze %dma_start3A_240 : memref<1x40xi32, #tpu.memory_space<vmem>> -> memref<40xi32, #tpu.memory_space<vmem>>
    %dma_start3A_242 = arith.constant 0 : i32
    %dma_start3A_243 = arith.constant 0 : i32
    %dma_start3A_244 = tpu.memref_slice %arg2[%dma_start3A_242, %dma_start3A_243] : memref<1000000x64xf32, #tpu.memory_space<hbm>> -> memref<1000000x64xf32, #tpu.memory_space<hbm>>
    tpu.enqueue_indirect_dma source(%dma_start3A_244 : memref<1000000x64xf32, #tpu.memory_space<hbm>>) target(%dma_start3A_238 : memref<40x64xf32, #tpu.memory_space<vmem>>) offsets(%dma_start3A_241 : memref<40xi32, #tpu.memory_space<vmem>>) semaphore(%arg23 : memref<!tpu.dma_semaphore, #tpu.memory_space<semaphore_mem>>)
    %dma_start3A_245 = arith.constant 1 : i32
    %dma_start3A_246 = arith.constant 1 : i32
    %dma_start3A_247 = arith.constant 160 : i32
    %dma_start3A_248 = arith.constant 0 : i32
    %dma_start3A_249 = tpu.memref_slice %arg15[%dma_start3A_246, %dma_start3A_247, %dma_start3A_248] : memref<2x200x64xf32, #tpu.memory_space<vmem>> -> memref<1x40x64xf32, #tpu.memory_space<vmem>>
    %dma_start3A_250 = tpu.memref_squeeze %dma_start3A_249 : memref<1x40x64xf32, #tpu.memory_space<vmem>> -> memref<40x64xf32, #tpu.memory_space<vmem>>
    %dma_start3A_251 = arith.constant 160 : i32
    %dma_start3A_252 = tpu.memref_slice %arg11[%dma_start3A_245, %dma_start3A_251] : memref<2x200xi32, #tpu.memory_space<vmem>> -> memref<1x40xi32, #tpu.memory_space<vmem>>
    %dma_start3A_253 = tpu.memref_squeeze %dma_start3A_252 : memref<1x40xi32, #tpu.memory_space<vmem>> -> memref<40xi32, #tpu.memory_space<vmem>>
    %dma_start3A_254 = arith.constant 0 : i32
    %dma_start3A_255 = arith.constant 0 : i32
    %dma_start3A_256 = tpu.memref_slice %arg5[%dma_start3A_254, %dma_start3A_255] : memref<2048x64xf32, #tpu.memory_space<hbm>> -> memref<2048x64xf32, #tpu.memory_space<hbm>>
    tpu.enqueue_indirect_dma source(%dma_start3A_256 : memref<2048x64xf32, #tpu.memory_space<hbm>>) target(%dma_start3A_250 : memref<40x64xf32, #tpu.memory_space<vmem>>) offsets(%dma_start3A_253 : memref<40xi32, #tpu.memory_space<vmem>>) semaphore(%arg23 : memref<!tpu.dma_semaphore, #tpu.memory_space<semaphore_mem>>)
    %add3A_257 = arith.constant 2 : i32
    %add3A_258 = arith.addi %mul3A_17, %add3A_257 : i32
    %dma_start3A_259 = arith.constant 0 : i32
    %dma_start3A_260 = tpu.memref_slice %arg3[%add3A_258, %dma_start3A_259] : memref<4096x200xi32, #tpu.memory_space<hbm>> -> memref<2x200xi32, #tpu.memory_space<hbm>>
    %dma_start3A_261 = arith.constant 0 : i32
    %dma_start3A_262 = tpu.memref_slice %arg3[%add3A_258, %dma_start3A_261] : memref<4096x200xi32, #tpu.memory_space<hbm>> -> memref<2x200xi32, #tpu.memory_space<hbm>>
    tpu.enqueue_dma source(%dma_start3A_262 : memref<2x200xi32, #tpu.memory_space<hbm>>) target(%arg10 : memref<2x200xi32, #tpu.memory_space<vmem>>) target_semaphore(%arg22 : memref<!tpu.dma_semaphore, #tpu.memory_space<semaphore_mem>>)
    %dma_start3A_263 = arith.constant 0 : i32
    %dma_start3A_264 = tpu.memref_slice %arg4[%add3A_258, %dma_start3A_263] : memref<4096x200xi32, #tpu.memory_space<hbm>> -> memref<2x200xi32, #tpu.memory_space<hbm>>
    %dma_start3A_265 = arith.constant 0 : i32
    %dma_start3A_266 = tpu.memref_slice %arg4[%add3A_258, %dma_start3A_265] : memref<4096x200xi32, #tpu.memory_space<hbm>> -> memref<2x200xi32, #tpu.memory_space<hbm>>
    tpu.enqueue_dma source(%dma_start3A_266 : memref<2x200xi32, #tpu.memory_space<hbm>>) target(%arg12 : memref<2x200xi32, #tpu.memory_space<vmem>>) target_semaphore(%arg22 : memref<!tpu.dma_semaphore, #tpu.memory_space<semaphore_mem>>)
    %scan3A = arith.constant 0 : i32
    %scan3A_267 = arith.constant 0 : i32
    %scan3A_268 = arith.constant 32 : i32
    %scan3A_269 = arith.addi %scan3A_267, %scan3A_268 : i32
    %scan3A_270 = arith.constant 1 : i32
    scf.for %scan3A_307 = %scan3A_267 to %scan3A_269 step %scan3A_270  : i32 {
      %mul3A_308 = arith.constant 2 : i32
      %mul3A_309 = arith.muli %mul3A_308, %scan3A_307 : i32
      %dma_wait3A_310 = arith.constant 0 : i32
      %dma_wait3A_311 = arith.constant 0 : i32
      %dma_wait3A_312 = arith.constant 0 : i32
      %dma_wait3A_313 = tpu.memref_slice %arg8[%dma_wait3A_310, %dma_wait3A_311, %dma_wait3A_312] : memref<4096x200x64xf32, #tpu.memory_space<hbm>> -> memref<2x200x64xf32, #tpu.memory_space<hbm>>
      %dma_wait3A_314 = arith.constant 0 : i32
      %dma_wait3A_315 = arith.constant 0 : i32
      %dma_wait3A_316 = arith.constant 0 : i32
      %dma_wait3A_317 = tpu.memref_slice %arg8[%dma_wait3A_314, %dma_wait3A_315, %dma_wait3A_316] : memref<4096x200x64xf32, #tpu.memory_space<hbm>> -> memref<2x200x64xf32, #tpu.memory_space<hbm>>
      tpu.wait_dma2 semaphore(%arg23 : memref<!tpu.dma_semaphore, #tpu.memory_space<semaphore_mem>>) src(%dma_wait3A_317 : memref<2x200x64xf32, #tpu.memory_space<hbm>>) dst(%arg13 : memref<2x200x64xf32, #tpu.memory_space<vmem>>)
      %dma_wait3A_318 = arith.constant 0 : i32
      %dma_wait3A_319 = arith.constant 0 : i32
      %dma_wait3A_320 = arith.constant 0 : i32
      %dma_wait3A_321 = tpu.memref_slice %arg8[%dma_wait3A_318, %dma_wait3A_319, %dma_wait3A_320] : memref<4096x200x64xf32, #tpu.memory_space<hbm>> -> memref<2x200x64xf32, #tpu.memory_space<hbm>>
      %dma_wait3A_322 = arith.constant 0 : i32
      %dma_wait3A_323 = arith.constant 0 : i32
      %dma_wait3A_324 = arith.constant 0 : i32
      %dma_wait3A_325 = tpu.memref_slice %arg8[%dma_wait3A_322, %dma_wait3A_323, %dma_wait3A_324] : memref<4096x200x64xf32, #tpu.memory_space<hbm>> -> memref<2x200x64xf32, #tpu.memory_space<hbm>>
      tpu.wait_dma2 semaphore(%arg23 : memref<!tpu.dma_semaphore, #tpu.memory_space<semaphore_mem>>) src(%dma_wait3A_325 : memref<2x200x64xf32, #tpu.memory_space<hbm>>) dst(%arg15 : memref<2x200x64xf32, #tpu.memory_space<vmem>>)
      %add3A_326 = arith.constant 2 : i32
      %add3A_327 = arith.addi %mul3A_309, %add3A_326 : i32
      %min3A = arith.constant 63 : i32
      %min3A_328 = arith.minsi %add3A_327, %min3A : i32
      %mul3A_329 = arith.constant 2 : i32
      %mul3A_330 = arith.muli %min3A_328, %mul3A_329 : i32
      %add3A_331 = arith.addi %mul3A_17, %mul3A_330 : i32
      %dma_start3A_332 = arith.constant 0 : i32
      %dma_start3A_333 = tpu.memref_slice %arg3[%add3A_331, %dma_start3A_332] : memref<4096x200xi32, #tpu.memory_space<hbm>> -> memref<2x200xi32, #tpu.memory_space<hbm>>
      %dma_start3A_334 = arith.constant 0 : i32
      %dma_start3A_335 = tpu.memref_slice %arg3[%add3A_331, %dma_start3A_334] : memref<4096x200xi32, #tpu.memory_space<hbm>> -> memref<2x200xi32, #tpu.memory_space<hbm>>
      tpu.enqueue_dma source(%dma_start3A_335 : memref<2x200xi32, #tpu.memory_space<hbm>>) target(%arg9 : memref<2x200xi32, #tpu.memory_space<vmem>>) target_semaphore(%arg21 : memref<!tpu.dma_semaphore, #tpu.memory_space<semaphore_mem>>)
      %dma_start3A_336 = arith.constant 0 : i32
      %dma_start3A_337 = tpu.memref_slice %arg4[%add3A_331, %dma_start3A_336] : memref<4096x200xi32, #tpu.memory_space<hbm>> -> memref<2x200xi32, #tpu.memory_space<hbm>>
      %dma_start3A_338 = arith.constant 0 : i32
      %dma_start3A_339 = tpu.memref_slice %arg4[%add3A_331, %dma_start3A_338] : memref<4096x200xi32, #tpu.memory_space<hbm>> -> memref<2x200xi32, #tpu.memory_space<hbm>>
      tpu.enqueue_dma source(%dma_start3A_339 : memref<2x200xi32, #tpu.memory_space<hbm>>) target(%arg11 : memref<2x200xi32, #tpu.memory_space<vmem>>) target_semaphore(%arg21 : memref<!tpu.dma_semaphore, #tpu.memory_space<semaphore_mem>>)
      %dma_wait3A_340 = arith.constant 0 : i32
      %dma_wait3A_341 = arith.constant 0 : i32
      %dma_wait3A_342 = tpu.memref_slice %arg3[%dma_wait3A_340, %dma_wait3A_341] : memref<4096x200xi32, #tpu.memory_space<hbm>> -> memref<2x200xi32, #tpu.memory_space<hbm>>
      %dma_wait3A_343 = arith.constant 0 : i32
      %dma_wait3A_344 = arith.constant 0 : i32
      %dma_wait3A_345 = tpu.memref_slice %arg3[%dma_wait3A_343, %dma_wait3A_344] : memref<4096x200xi32, #tpu.memory_space<hbm>> -> memref<2x200xi32, #tpu.memory_space<hbm>>
      tpu.wait_dma2 semaphore(%arg22 : memref<!tpu.dma_semaphore, #tpu.memory_space<semaphore_mem>>) src(%dma_wait3A_345 : memref<2x200xi32, #tpu.memory_space<hbm>>) dst(%arg10 : memref<2x200xi32, #tpu.memory_space<vmem>>)
      %dma_wait3A_346 = arith.constant 0 : i32
      %dma_wait3A_347 = arith.constant 0 : i32
      %dma_wait3A_348 = tpu.memref_slice %arg4[%dma_wait3A_346, %dma_wait3A_347] : memref<4096x200xi32, #tpu.memory_space<hbm>> -> memref<2x200xi32, #tpu.memory_space<hbm>>
      %dma_wait3A_349 = arith.constant 0 : i32
      %dma_wait3A_350 = arith.constant 0 : i32
      %dma_wait3A_351 = tpu.memref_slice %arg4[%dma_wait3A_349, %dma_wait3A_350] : memref<4096x200xi32, #tpu.memory_space<hbm>> -> memref<2x200xi32, #tpu.memory_space<hbm>>
      tpu.wait_dma2 semaphore(%arg22 : memref<!tpu.dma_semaphore, #tpu.memory_space<semaphore_mem>>) src(%dma_wait3A_351 : memref<2x200xi32, #tpu.memory_space<hbm>>) dst(%arg12 : memref<2x200xi32, #tpu.memory_space<vmem>>)
      %ge3A = arith.constant 1 : i32
      %ge3A_352 = arith.cmpi sge, %mul3A_309, %ge3A : i32
      %convert_element_type3A = arith.extui %ge3A_352 : i1 to i32
      %cond3A = arith.constant 0 : i32
      %cond3A_353 = arith.cmpi ne, %convert_element_type3A, %cond3A : i32
      scf.if %cond3A_353 {
        %dma_wait3A_939 = arith.constant 0 : i32
        %dma_wait3A_940 = arith.constant 0 : i32
        %dma_wait3A_941 = arith.constant 0 : i32
        %dma_wait3A_942 = tpu.memref_slice %arg8[%dma_wait3A_939, %dma_wait3A_940, %dma_wait3A_941] : memref<4096x200x64xf32, #tpu.memory_space<hbm>> -> memref<2x200x64xf32, #tpu.memory_space<hbm>>
        %dma_wait3A_943 = arith.constant 0 : i32
        %dma_wait3A_944 = arith.constant 0 : i32
        %dma_wait3A_945 = arith.constant 0 : i32
        %dma_wait3A_946 = tpu.memref_slice %arg8[%dma_wait3A_943, %dma_wait3A_944, %dma_wait3A_945] : memref<4096x200x64xf32, #tpu.memory_space<hbm>> -> memref<2x200x64xf32, #tpu.memory_space<hbm>>
        tpu.wait_dma2 semaphore(%arg26 : memref<!tpu.dma_semaphore, #tpu.memory_space<semaphore_mem>>) src(%dma_wait3A_946 : memref<2x200x64xf32, #tpu.memory_space<hbm>>) dst(%arg14 : memref<2x200x64xf32, #tpu.memory_space<vmem>>)
      } else {
      }
      %dma_start3A_354 = arith.constant 0 : i32
      %dma_start3A_355 = arith.constant 0 : i32
      %dma_start3A_356 = arith.constant 0 : i32
      %dma_start3A_357 = arith.constant 0 : i32
      %dma_start3A_358 = tpu.memref_slice %arg14[%dma_start3A_355, %dma_start3A_356, %dma_start3A_357] : memref<2x200x64xf32, #tpu.memory_space<vmem>> -> memref<1x40x64xf32, #tpu.memory_space<vmem>>
      %dma_start3A_359 = tpu.memref_squeeze %dma_start3A_358 : memref<1x40x64xf32, #tpu.memory_space<vmem>> -> memref<40x64xf32, #tpu.memory_space<vmem>>
      %dma_start3A_360 = arith.constant 0 : i32
      %dma_start3A_361 = tpu.memref_slice %arg10[%dma_start3A_354, %dma_start3A_360] : memref<2x200xi32, #tpu.memory_space<vmem>> -> memref<1x40xi32, #tpu.memory_space<vmem>>
      %dma_start3A_362 = tpu.memref_squeeze %dma_start3A_361 : memref<1x40xi32, #tpu.memory_space<vmem>> -> memref<40xi32, #tpu.memory_space<vmem>>
      %dma_start3A_363 = arith.constant 0 : i32
      %dma_start3A_364 = arith.constant 0 : i32
      %dma_start3A_365 = tpu.memref_slice %arg2[%dma_start3A_363, %dma_start3A_364] : memref<1000000x64xf32, #tpu.memory_space<hbm>> -> memref<1000000x64xf32, #tpu.memory_space<hbm>>
      tpu.enqueue_indirect_dma source(%dma_start3A_365 : memref<1000000x64xf32, #tpu.memory_space<hbm>>) target(%dma_start3A_359 : memref<40x64xf32, #tpu.memory_space<vmem>>) offsets(%dma_start3A_362 : memref<40xi32, #tpu.memory_space<vmem>>) semaphore(%arg24 : memref<!tpu.dma_semaphore, #tpu.memory_space<semaphore_mem>>)
      %dma_start3A_366 = arith.constant 0 : i32
      %dma_start3A_367 = arith.constant 0 : i32
      %dma_start3A_368 = arith.constant 0 : i32
      %dma_start3A_369 = arith.constant 0 : i32
      %dma_start3A_370 = tpu.memref_slice %arg16[%dma_start3A_367, %dma_start3A_368, %dma_start3A_369] : memref<2x200x64xf32, #tpu.memory_space<vmem>> -> memref<1x40x64xf32, #tpu.memory_space<vmem>>
      %dma_start3A_371 = tpu.memref_squeeze %dma_start3A_370 : memref<1x40x64xf32, #tpu.memory_space<vmem>> -> memref<40x64xf32, #tpu.memory_space<vmem>>
      %dma_start3A_372 = arith.constant 0 : i32
      %dma_start3A_373 = tpu.memref_slice %arg12[%dma_start3A_366, %dma_start3A_372] : memref<2x200xi32, #tpu.memory_space<vmem>> -> memref<1x40xi32, #tpu.memory_space<vmem>>
      %dma_start3A_374 = tpu.memref_squeeze %dma_start3A_373 : memref<1x40xi32, #tpu.memory_space<vmem>> -> memref<40xi32, #tpu.memory_space<vmem>>
      %dma_start3A_375 = arith.constant 0 : i32
      %dma_start3A_376 = arith.constant 0 : i32
      %dma_start3A_377 = tpu.memref_slice %arg5[%dma_start3A_375, %dma_start3A_376] : memref<2048x64xf32, #tpu.memory_space<hbm>> -> memref<2048x64xf32, #tpu.memory_space<hbm>>
      tpu.enqueue_indirect_dma source(%dma_start3A_377 : memref<2048x64xf32, #tpu.memory_space<hbm>>) target(%dma_start3A_371 : memref<40x64xf32, #tpu.memory_space<vmem>>) offsets(%dma_start3A_374 : memref<40xi32, #tpu.memory_space<vmem>>) semaphore(%arg24 : memref<!tpu.dma_semaphore, #tpu.memory_space<semaphore_mem>>)
      %dma_start3A_378 = arith.constant 0 : i32
      %dma_start3A_379 = arith.constant 0 : i32
      %dma_start3A_380 = arith.constant 40 : i32
      %dma_start3A_381 = arith.constant 0 : i32
      %dma_start3A_382 = tpu.memref_slice %arg14[%dma_start3A_379, %dma_start3A_380, %dma_start3A_381] : memref<2x200x64xf32, #tpu.memory_space<vmem>> -> memref<1x40x64xf32, #tpu.memory_space<vmem>>
      %dma_start3A_383 = tpu.memref_squeeze %dma_start3A_382 : memref<1x40x64xf32, #tpu.memory_space<vmem>> -> memref<40x64xf32, #tpu.memory_space<vmem>>
      %dma_start3A_384 = arith.constant 40 : i32
      %dma_start3A_385 = tpu.memref_slice %arg10[%dma_start3A_378, %dma_start3A_384] : memref<2x200xi32, #tpu.memory_space<vmem>> -> memref<1x40xi32, #tpu.memory_space<vmem>>
      %dma_start3A_386 = tpu.memref_squeeze %dma_start3A_385 : memref<1x40xi32, #tpu.memory_space<vmem>> -> memref<40xi32, #tpu.memory_space<vmem>>
      %dma_start3A_387 = arith.constant 0 : i32
      %dma_start3A_388 = arith.constant 0 : i32
      %dma_start3A_389 = tpu.memref_slice %arg2[%dma_start3A_387, %dma_start3A_388] : memref<1000000x64xf32, #tpu.memory_space<hbm>> -> memref<1000000x64xf32, #tpu.memory_space<hbm>>
      tpu.enqueue_indirect_dma source(%dma_start3A_389 : memref<1000000x64xf32, #tpu.memory_space<hbm>>) target(%dma_start3A_383 : memref<40x64xf32, #tpu.memory_space<vmem>>) offsets(%dma_start3A_386 : memref<40xi32, #tpu.memory_space<vmem>>) semaphore(%arg24 : memref<!tpu.dma_semaphore, #tpu.memory_space<semaphore_mem>>)
      %dma_start3A_390 = arith.constant 0 : i32
      %dma_start3A_391 = arith.constant 0 : i32
      %dma_start3A_392 = arith.constant 40 : i32
      %dma_start3A_393 = arith.constant 0 : i32
      %dma_start3A_394 = tpu.memref_slice %arg16[%dma_start3A_391, %dma_start3A_392, %dma_start3A_393] : memref<2x200x64xf32, #tpu.memory_space<vmem>> -> memref<1x40x64xf32, #tpu.memory_space<vmem>>
      %dma_start3A_395 = tpu.memref_squeeze %dma_start3A_394 : memref<1x40x64xf32, #tpu.memory_space<vmem>> -> memref<40x64xf32, #tpu.memory_space<vmem>>
      %dma_start3A_396 = arith.constant 40 : i32
      %dma_start3A_397 = tpu.memref_slice %arg12[%dma_start3A_390, %dma_start3A_396] : memref<2x200xi32, #tpu.memory_space<vmem>> -> memref<1x40xi32, #tpu.memory_space<vmem>>
      %dma_start3A_398 = tpu.memref_squeeze %dma_start3A_397 : memref<1x40xi32, #tpu.memory_space<vmem>> -> memref<40xi32, #tpu.memory_space<vmem>>
      %dma_start3A_399 = arith.constant 0 : i32
      %dma_start3A_400 = arith.constant 0 : i32
      %dma_start3A_401 = tpu.memref_slice %arg5[%dma_start3A_399, %dma_start3A_400] : memref<2048x64xf32, #tpu.memory_space<hbm>> -> memref<2048x64xf32, #tpu.memory_space<hbm>>
      tpu.enqueue_indirect_dma source(%dma_start3A_401 : memref<2048x64xf32, #tpu.memory_space<hbm>>) target(%dma_start3A_395 : memref<40x64xf32, #tpu.memory_space<vmem>>) offsets(%dma_start3A_398 : memref<40xi32, #tpu.memory_space<vmem>>) semaphore(%arg24 : memref<!tpu.dma_semaphore, #tpu.memory_space<semaphore_mem>>)
      %dma_start3A_402 = arith.constant 0 : i32
      %dma_start3A_403 = arith.constant 0 : i32
      %dma_start3A_404 = arith.constant 80 : i32
      %dma_start3A_405 = arith.constant 0 : i32
      %dma_start3A_406 = tpu.memref_slice %arg14[%dma_start3A_403, %dma_start3A_404, %dma_start3A_405] : memref<2x200x64xf32, #tpu.memory_space<vmem>> -> memref<1x40x64xf32, #tpu.memory_space<vmem>>
      %dma_start3A_407 = tpu.memref_squeeze %dma_start3A_406 : memref<1x40x64xf32, #tpu.memory_space<vmem>> -> memref<40x64xf32, #tpu.memory_space<vmem>>
      %dma_start3A_408 = arith.constant 80 : i32
      %dma_start3A_409 = tpu.memref_slice %arg10[%dma_start3A_402, %dma_start3A_408] : memref<2x200xi32, #tpu.memory_space<vmem>> -> memref<1x40xi32, #tpu.memory_space<vmem>>
      %dma_start3A_410 = tpu.memref_squeeze %dma_start3A_409 : memref<1x40xi32, #tpu.memory_space<vmem>> -> memref<40xi32, #tpu.memory_space<vmem>>
      %dma_start3A_411 = arith.constant 0 : i32
      %dma_start3A_412 = arith.constant 0 : i32
      %dma_start3A_413 = tpu.memref_slice %arg2[%dma_start3A_411, %dma_start3A_412] : memref<1000000x64xf32, #tpu.memory_space<hbm>> -> memref<1000000x64xf32, #tpu.memory_space<hbm>>
      tpu.enqueue_indirect_dma source(%dma_start3A_413 : memref<1000000x64xf32, #tpu.memory_space<hbm>>) target(%dma_start3A_407 : memref<40x64xf32, #tpu.memory_space<vmem>>) offsets(%dma_start3A_410 : memref<40xi32, #tpu.memory_space<vmem>>) semaphore(%arg24 : memref<!tpu.dma_semaphore, #tpu.memory_space<semaphore_mem>>)
      %dma_start3A_414 = arith.constant 0 : i32
      %dma_start3A_415 = arith.constant 0 : i32
      %dma_start3A_416 = arith.constant 80 : i32
      %dma_start3A_417 = arith.constant 0 : i32
      %dma_start3A_418 = tpu.memref_slice %arg16[%dma_start3A_415, %dma_start3A_416, %dma_start3A_417] : memref<2x200x64xf32, #tpu.memory_space<vmem>> -> memref<1x40x64xf32, #tpu.memory_space<vmem>>
      %dma_start3A_419 = tpu.memref_squeeze %dma_start3A_418 : memref<1x40x64xf32, #tpu.memory_space<vmem>> -> memref<40x64xf32, #tpu.memory_space<vmem>>
      %dma_start3A_420 = arith.constant 80 : i32
      %dma_start3A_421 = tpu.memref_slice %arg12[%dma_start3A_414, %dma_start3A_420] : memref<2x200xi32, #tpu.memory_space<vmem>> -> memref<1x40xi32, #tpu.memory_space<vmem>>
      %dma_start3A_422 = tpu.memref_squeeze %dma_start3A_421 : memref<1x40xi32, #tpu.memory_space<vmem>> -> memref<40xi32, #tpu.memory_space<vmem>>
      %dma_start3A_423 = arith.constant 0 : i32
      %dma_start3A_424 = arith.constant 0 : i32
      %dma_start3A_425 = tpu.memref_slice %arg5[%dma_start3A_423, %dma_start3A_424] : memref<2048x64xf32, #tpu.memory_space<hbm>> -> memref<2048x64xf32, #tpu.memory_space<hbm>>
      tpu.enqueue_indirect_dma source(%dma_start3A_425 : memref<2048x64xf32, #tpu.memory_space<hbm>>) target(%dma_start3A_419 : memref<40x64xf32, #tpu.memory_space<vmem>>) offsets(%dma_start3A_422 : memref<40xi32, #tpu.memory_space<vmem>>) semaphore(%arg24 : memref<!tpu.dma_semaphore, #tpu.memory_space<semaphore_mem>>)
      %dma_start3A_426 = arith.constant 0 : i32
      %dma_start3A_427 = arith.constant 0 : i32
      %dma_start3A_428 = arith.constant 120 : i32
      %dma_start3A_429 = arith.constant 0 : i32
      %dma_start3A_430 = tpu.memref_slice %arg14[%dma_start3A_427, %dma_start3A_428, %dma_start3A_429] : memref<2x200x64xf32, #tpu.memory_space<vmem>> -> memref<1x40x64xf32, #tpu.memory_space<vmem>>
      %dma_start3A_431 = tpu.memref_squeeze %dma_start3A_430 : memref<1x40x64xf32, #tpu.memory_space<vmem>> -> memref<40x64xf32, #tpu.memory_space<vmem>>
      %dma_start3A_432 = arith.constant 120 : i32
      %dma_start3A_433 = tpu.memref_slice %arg10[%dma_start3A_426, %dma_start3A_432] : memref<2x200xi32, #tpu.memory_space<vmem>> -> memref<1x40xi32, #tpu.memory_space<vmem>>
      %dma_start3A_434 = tpu.memref_squeeze %dma_start3A_433 : memref<1x40xi32, #tpu.memory_space<vmem>> -> memref<40xi32, #tpu.memory_space<vmem>>
      %dma_start3A_435 = arith.constant 0 : i32
      %dma_start3A_436 = arith.constant 0 : i32
      %dma_start3A_437 = tpu.memref_slice %arg2[%dma_start3A_435, %dma_start3A_436] : memref<1000000x64xf32, #tpu.memory_space<hbm>> -> memref<1000000x64xf32, #tpu.memory_space<hbm>>
      tpu.enqueue_indirect_dma source(%dma_start3A_437 : memref<1000000x64xf32, #tpu.memory_space<hbm>>) target(%dma_start3A_431 : memref<40x64xf32, #tpu.memory_space<vmem>>) offsets(%dma_start3A_434 : memref<40xi32, #tpu.memory_space<vmem>>) semaphore(%arg24 : memref<!tpu.dma_semaphore, #tpu.memory_space<semaphore_mem>>)
      %dma_start3A_438 = arith.constant 0 : i32
      %dma_start3A_439 = arith.constant 0 : i32
      %dma_start3A_440 = arith.constant 120 : i32
      %dma_start3A_441 = arith.constant 0 : i32
      %dma_start3A_442 = tpu.memref_slice %arg16[%dma_start3A_439, %dma_start3A_440, %dma_start3A_441] : memref<2x200x64xf32, #tpu.memory_space<vmem>> -> memref<1x40x64xf32, #tpu.memory_space<vmem>>
      %dma_start3A_443 = tpu.memref_squeeze %dma_start3A_442 : memref<1x40x64xf32, #tpu.memory_space<vmem>> -> memref<40x64xf32, #tpu.memory_space<vmem>>
      %dma_start3A_444 = arith.constant 120 : i32
      %dma_start3A_445 = tpu.memref_slice %arg12[%dma_start3A_438, %dma_start3A_444] : memref<2x200xi32, #tpu.memory_space<vmem>> -> memref<1x40xi32, #tpu.memory_space<vmem>>
      %dma_start3A_446 = tpu.memref_squeeze %dma_start3A_445 : memref<1x40xi32, #tpu.memory_space<vmem>> -> memref<40xi32, #tpu.memory_space<vmem>>
      %dma_start3A_447 = arith.constant 0 : i32
      %dma_start3A_448 = arith.constant 0 : i32
      %dma_start3A_449 = tpu.memref_slice %arg5[%dma_start3A_447, %dma_start3A_448] : memref<2048x64xf32, #tpu.memory_space<hbm>> -> memref<2048x64xf32, #tpu.memory_space<hbm>>
      tpu.enqueue_indirect_dma source(%dma_start3A_449 : memref<2048x64xf32, #tpu.memory_space<hbm>>) target(%dma_start3A_443 : memref<40x64xf32, #tpu.memory_space<vmem>>) offsets(%dma_start3A_446 : memref<40xi32, #tpu.memory_space<vmem>>) semaphore(%arg24 : memref<!tpu.dma_semaphore, #tpu.memory_space<semaphore_mem>>)
      %dma_start3A_450 = arith.constant 0 : i32
      %dma_start3A_451 = arith.constant 0 : i32
      %dma_start3A_452 = arith.constant 160 : i32
      %dma_start3A_453 = arith.constant 0 : i32
      %dma_start3A_454 = tpu.memref_slice %arg14[%dma_start3A_451, %dma_start3A_452, %dma_start3A_453] : memref<2x200x64xf32, #tpu.memory_space<vmem>> -> memref<1x40x64xf32, #tpu.memory_space<vmem>>
      %dma_start3A_455 = tpu.memref_squeeze %dma_start3A_454 : memref<1x40x64xf32, #tpu.memory_space<vmem>> -> memref<40x64xf32, #tpu.memory_space<vmem>>
      %dma_start3A_456 = arith.constant 160 : i32
      %dma_start3A_457 = tpu.memref_slice %arg10[%dma_start3A_450, %dma_start3A_456] : memref<2x200xi32, #tpu.memory_space<vmem>> -> memref<1x40xi32, #tpu.memory_space<vmem>>
      %dma_start3A_458 = tpu.memref_squeeze %dma_start3A_457 : memref<1x40xi32, #tpu.memory_space<vmem>> -> memref<40xi32, #tpu.memory_space<vmem>>
      %dma_start3A_459 = arith.constant 0 : i32
      %dma_start3A_460 = arith.constant 0 : i32
      %dma_start3A_461 = tpu.memref_slice %arg2[%dma_start3A_459, %dma_start3A_460] : memref<1000000x64xf32, #tpu.memory_space<hbm>> -> memref<1000000x64xf32, #tpu.memory_space<hbm>>
      tpu.enqueue_indirect_dma source(%dma_start3A_461 : memref<1000000x64xf32, #tpu.memory_space<hbm>>) target(%dma_start3A_455 : memref<40x64xf32, #tpu.memory_space<vmem>>) offsets(%dma_start3A_458 : memref<40xi32, #tpu.memory_space<vmem>>) semaphore(%arg24 : memref<!tpu.dma_semaphore, #tpu.memory_space<semaphore_mem>>)
      %dma_start3A_462 = arith.constant 0 : i32
      %dma_start3A_463 = arith.constant 0 : i32
      %dma_start3A_464 = arith.constant 160 : i32
      %dma_start3A_465 = arith.constant 0 : i32
      %dma_start3A_466 = tpu.memref_slice %arg16[%dma_start3A_463, %dma_start3A_464, %dma_start3A_465] : memref<2x200x64xf32, #tpu.memory_space<vmem>> -> memref<1x40x64xf32, #tpu.memory_space<vmem>>
      %dma_start3A_467 = tpu.memref_squeeze %dma_start3A_466 : memref<1x40x64xf32, #tpu.memory_space<vmem>> -> memref<40x64xf32, #tpu.memory_space<vmem>>
      %dma_start3A_468 = arith.constant 160 : i32
      %dma_start3A_469 = tpu.memref_slice %arg12[%dma_start3A_462, %dma_start3A_468] : memref<2x200xi32, #tpu.memory_space<vmem>> -> memref<1x40xi32, #tpu.memory_space<vmem>>
      %dma_start3A_470 = tpu.memref_squeeze %dma_start3A_469 : memref<1x40xi32, #tpu.memory_space<vmem>> -> memref<40xi32, #tpu.memory_space<vmem>>
      %dma_start3A_471 = arith.constant 0 : i32
      %dma_start3A_472 = arith.constant 0 : i32
      %dma_start3A_473 = tpu.memref_slice %arg5[%dma_start3A_471, %dma_start3A_472] : memref<2048x64xf32, #tpu.memory_space<hbm>> -> memref<2048x64xf32, #tpu.memory_space<hbm>>
      tpu.enqueue_indirect_dma source(%dma_start3A_473 : memref<2048x64xf32, #tpu.memory_space<hbm>>) target(%dma_start3A_467 : memref<40x64xf32, #tpu.memory_space<vmem>>) offsets(%dma_start3A_470 : memref<40xi32, #tpu.memory_space<vmem>>) semaphore(%arg24 : memref<!tpu.dma_semaphore, #tpu.memory_space<semaphore_mem>>)
      %dma_start3A_474 = arith.constant 1 : i32
      %dma_start3A_475 = arith.constant 1 : i32
      %dma_start3A_476 = arith.constant 0 : i32
      %dma_start3A_477 = arith.constant 0 : i32
      %dma_start3A_478 = tpu.memref_slice %arg14[%dma_start3A_475, %dma_start3A_476, %dma_start3A_477] : memref<2x200x64xf32, #tpu.memory_space<vmem>> -> memref<1x40x64xf32, #tpu.memory_space<vmem>>
      %dma_start3A_479 = tpu.memref_squeeze %dma_start3A_478 : memref<1x40x64xf32, #tpu.memory_space<vmem>> -> memref<40x64xf32, #tpu.memory_space<vmem>>
      %dma_start3A_480 = arith.constant 0 : i32
      %dma_start3A_481 = tpu.memref_slice %arg10[%dma_start3A_474, %dma_start3A_480] : memref<2x200xi32, #tpu.memory_space<vmem>> -> memref<1x40xi32, #tpu.memory_space<vmem>>
      %dma_start3A_482 = tpu.memref_squeeze %dma_start3A_481 : memref<1x40xi32, #tpu.memory_space<vmem>> -> memref<40xi32, #tpu.memory_space<vmem>>
      %dma_start3A_483 = arith.constant 0 : i32
      %dma_start3A_484 = arith.constant 0 : i32
      %dma_start3A_485 = tpu.memref_slice %arg2[%dma_start3A_483, %dma_start3A_484] : memref<1000000x64xf32, #tpu.memory_space<hbm>> -> memref<1000000x64xf32, #tpu.memory_space<hbm>>
      tpu.enqueue_indirect_dma source(%dma_start3A_485 : memref<1000000x64xf32, #tpu.memory_space<hbm>>) target(%dma_start3A_479 : memref<40x64xf32, #tpu.memory_space<vmem>>) offsets(%dma_start3A_482 : memref<40xi32, #tpu.memory_space<vmem>>) semaphore(%arg24 : memref<!tpu.dma_semaphore, #tpu.memory_space<semaphore_mem>>)
      %dma_start3A_486 = arith.constant 1 : i32
      %dma_start3A_487 = arith.constant 1 : i32
      %dma_start3A_488 = arith.constant 0 : i32
      %dma_start3A_489 = arith.constant 0 : i32
      %dma_start3A_490 = tpu.memref_slice %arg16[%dma_start3A_487, %dma_start3A_488, %dma_start3A_489] : memref<2x200x64xf32, #tpu.memory_space<vmem>> -> memref<1x40x64xf32, #tpu.memory_space<vmem>>
      %dma_start3A_491 = tpu.memref_squeeze %dma_start3A_490 : memref<1x40x64xf32, #tpu.memory_space<vmem>> -> memref<40x64xf32, #tpu.memory_space<vmem>>
      %dma_start3A_492 = arith.constant 0 : i32
      %dma_start3A_493 = tpu.memref_slice %arg12[%dma_start3A_486, %dma_start3A_492] : memref<2x200xi32, #tpu.memory_space<vmem>> -> memref<1x40xi32, #tpu.memory_space<vmem>>
      %dma_start3A_494 = tpu.memref_squeeze %dma_start3A_493 : memref<1x40xi32, #tpu.memory_space<vmem>> -> memref<40xi32, #tpu.memory_space<vmem>>
      %dma_start3A_495 = arith.constant 0 : i32
      %dma_start3A_496 = arith.constant 0 : i32
      %dma_start3A_497 = tpu.memref_slice %arg5[%dma_start3A_495, %dma_start3A_496] : memref<2048x64xf32, #tpu.memory_space<hbm>> -> memref<2048x64xf32, #tpu.memory_space<hbm>>
      tpu.enqueue_indirect_dma source(%dma_start3A_497 : memref<2048x64xf32, #tpu.memory_space<hbm>>) target(%dma_start3A_491 : memref<40x64xf32, #tpu.memory_space<vmem>>) offsets(%dma_start3A_494 : memref<40xi32, #tpu.memory_space<vmem>>) semaphore(%arg24 : memref<!tpu.dma_semaphore, #tpu.memory_space<semaphore_mem>>)
      %dma_start3A_498 = arith.constant 1 : i32
      %dma_start3A_499 = arith.constant 1 : i32
      %dma_start3A_500 = arith.constant 40 : i32
      %dma_start3A_501 = arith.constant 0 : i32
      %dma_start3A_502 = tpu.memref_slice %arg14[%dma_start3A_499, %dma_start3A_500, %dma_start3A_501] : memref<2x200x64xf32, #tpu.memory_space<vmem>> -> memref<1x40x64xf32, #tpu.memory_space<vmem>>
      %dma_start3A_503 = tpu.memref_squeeze %dma_start3A_502 : memref<1x40x64xf32, #tpu.memory_space<vmem>> -> memref<40x64xf32, #tpu.memory_space<vmem>>
      %dma_start3A_504 = arith.constant 40 : i32
      %dma_start3A_505 = tpu.memref_slice %arg10[%dma_start3A_498, %dma_start3A_504] : memref<2x200xi32, #tpu.memory_space<vmem>> -> memref<1x40xi32, #tpu.memory_space<vmem>>
      %dma_start3A_506 = tpu.memref_squeeze %dma_start3A_505 : memref<1x40xi32, #tpu.memory_space<vmem>> -> memref<40xi32, #tpu.memory_space<vmem>>
      %dma_start3A_507 = arith.constant 0 : i32
      %dma_start3A_508 = arith.constant 0 : i32
      %dma_start3A_509 = tpu.memref_slice %arg2[%dma_start3A_507, %dma_start3A_508] : memref<1000000x64xf32, #tpu.memory_space<hbm>> -> memref<1000000x64xf32, #tpu.memory_space<hbm>>
      tpu.enqueue_indirect_dma source(%dma_start3A_509 : memref<1000000x64xf32, #tpu.memory_space<hbm>>) target(%dma_start3A_503 : memref<40x64xf32, #tpu.memory_space<vmem>>) offsets(%dma_start3A_506 : memref<40xi32, #tpu.memory_space<vmem>>) semaphore(%arg24 : memref<!tpu.dma_semaphore, #tpu.memory_space<semaphore_mem>>)
      %dma_start3A_510 = arith.constant 1 : i32
      %dma_start3A_511 = arith.constant 1 : i32
      %dma_start3A_512 = arith.constant 40 : i32
      %dma_start3A_513 = arith.constant 0 : i32
      %dma_start3A_514 = tpu.memref_slice %arg16[%dma_start3A_511, %dma_start3A_512, %dma_start3A_513] : memref<2x200x64xf32, #tpu.memory_space<vmem>> -> memref<1x40x64xf32, #tpu.memory_space<vmem>>
      %dma_start3A_515 = tpu.memref_squeeze %dma_start3A_514 : memref<1x40x64xf32, #tpu.memory_space<vmem>> -> memref<40x64xf32, #tpu.memory_space<vmem>>
      %dma_start3A_516 = arith.constant 40 : i32
      %dma_start3A_517 = tpu.memref_slice %arg12[%dma_start3A_510, %dma_start3A_516] : memref<2x200xi32, #tpu.memory_space<vmem>> -> memref<1x40xi32, #tpu.memory_space<vmem>>
      %dma_start3A_518 = tpu.memref_squeeze %dma_start3A_517 : memref<1x40xi32, #tpu.memory_space<vmem>> -> memref<40xi32, #tpu.memory_space<vmem>>
      %dma_start3A_519 = arith.constant 0 : i32
      %dma_start3A_520 = arith.constant 0 : i32
      %dma_start3A_521 = tpu.memref_slice %arg5[%dma_start3A_519, %dma_start3A_520] : memref<2048x64xf32, #tpu.memory_space<hbm>> -> memref<2048x64xf32, #tpu.memory_space<hbm>>
      tpu.enqueue_indirect_dma source(%dma_start3A_521 : memref<2048x64xf32, #tpu.memory_space<hbm>>) target(%dma_start3A_515 : memref<40x64xf32, #tpu.memory_space<vmem>>) offsets(%dma_start3A_518 : memref<40xi32, #tpu.memory_space<vmem>>) semaphore(%arg24 : memref<!tpu.dma_semaphore, #tpu.memory_space<semaphore_mem>>)
      %dma_start3A_522 = arith.constant 1 : i32
      %dma_start3A_523 = arith.constant 1 : i32
      %dma_start3A_524 = arith.constant 80 : i32
      %dma_start3A_525 = arith.constant 0 : i32
      %dma_start3A_526 = tpu.memref_slice %arg14[%dma_start3A_523, %dma_start3A_524, %dma_start3A_525] : memref<2x200x64xf32, #tpu.memory_space<vmem>> -> memref<1x40x64xf32, #tpu.memory_space<vmem>>
      %dma_start3A_527 = tpu.memref_squeeze %dma_start3A_526 : memref<1x40x64xf32, #tpu.memory_space<vmem>> -> memref<40x64xf32, #tpu.memory_space<vmem>>
      %dma_start3A_528 = arith.constant 80 : i32
      %dma_start3A_529 = tpu.memref_slice %arg10[%dma_start3A_522, %dma_start3A_528] : memref<2x200xi32, #tpu.memory_space<vmem>> -> memref<1x40xi32, #tpu.memory_space<vmem>>
      %dma_start3A_530 = tpu.memref_squeeze %dma_start3A_529 : memref<1x40xi32, #tpu.memory_space<vmem>> -> memref<40xi32, #tpu.memory_space<vmem>>
      %dma_start3A_531 = arith.constant 0 : i32
      %dma_start3A_532 = arith.constant 0 : i32
      %dma_start3A_533 = tpu.memref_slice %arg2[%dma_start3A_531, %dma_start3A_532] : memref<1000000x64xf32, #tpu.memory_space<hbm>> -> memref<1000000x64xf32, #tpu.memory_space<hbm>>
      tpu.enqueue_indirect_dma source(%dma_start3A_533 : memref<1000000x64xf32, #tpu.memory_space<hbm>>) target(%dma_start3A_527 : memref<40x64xf32, #tpu.memory_space<vmem>>) offsets(%dma_start3A_530 : memref<40xi32, #tpu.memory_space<vmem>>) semaphore(%arg24 : memref<!tpu.dma_semaphore, #tpu.memory_space<semaphore_mem>>)
      %dma_start3A_534 = arith.constant 1 : i32
      %dma_start3A_535 = arith.constant 1 : i32
      %dma_start3A_536 = arith.constant 80 : i32
      %dma_start3A_537 = arith.constant 0 : i32
      %dma_start3A_538 = tpu.memref_slice %arg16[%dma_start3A_535, %dma_start3A_536, %dma_start3A_537] : memref<2x200x64xf32, #tpu.memory_space<vmem>> -> memref<1x40x64xf32, #tpu.memory_space<vmem>>
      %dma_start3A_539 = tpu.memref_squeeze %dma_start3A_538 : memref<1x40x64xf32, #tpu.memory_space<vmem>> -> memref<40x64xf32, #tpu.memory_space<vmem>>
      %dma_start3A_540 = arith.constant 80 : i32
      %dma_start3A_541 = tpu.memref_slice %arg12[%dma_start3A_534, %dma_start3A_540] : memref<2x200xi32, #tpu.memory_space<vmem>> -> memref<1x40xi32, #tpu.memory_space<vmem>>
      %dma_start3A_542 = tpu.memref_squeeze %dma_start3A_541 : memref<1x40xi32, #tpu.memory_space<vmem>> -> memref<40xi32, #tpu.memory_space<vmem>>
      %dma_start3A_543 = arith.constant 0 : i32
      %dma_start3A_544 = arith.constant 0 : i32
      %dma_start3A_545 = tpu.memref_slice %arg5[%dma_start3A_543, %dma_start3A_544] : memref<2048x64xf32, #tpu.memory_space<hbm>> -> memref<2048x64xf32, #tpu.memory_space<hbm>>
      tpu.enqueue_indirect_dma source(%dma_start3A_545 : memref<2048x64xf32, #tpu.memory_space<hbm>>) target(%dma_start3A_539 : memref<40x64xf32, #tpu.memory_space<vmem>>) offsets(%dma_start3A_542 : memref<40xi32, #tpu.memory_space<vmem>>) semaphore(%arg24 : memref<!tpu.dma_semaphore, #tpu.memory_space<semaphore_mem>>)
      %dma_start3A_546 = arith.constant 1 : i32
      %dma_start3A_547 = arith.constant 1 : i32
      %dma_start3A_548 = arith.constant 120 : i32
      %dma_start3A_549 = arith.constant 0 : i32
      %dma_start3A_550 = tpu.memref_slice %arg14[%dma_start3A_547, %dma_start3A_548, %dma_start3A_549] : memref<2x200x64xf32, #tpu.memory_space<vmem>> -> memref<1x40x64xf32, #tpu.memory_space<vmem>>
      %dma_start3A_551 = tpu.memref_squeeze %dma_start3A_550 : memref<1x40x64xf32, #tpu.memory_space<vmem>> -> memref<40x64xf32, #tpu.memory_space<vmem>>
      %dma_start3A_552 = arith.constant 120 : i32
      %dma_start3A_553 = tpu.memref_slice %arg10[%dma_start3A_546, %dma_start3A_552] : memref<2x200xi32, #tpu.memory_space<vmem>> -> memref<1x40xi32, #tpu.memory_space<vmem>>
      %dma_start3A_554 = tpu.memref_squeeze %dma_start3A_553 : memref<1x40xi32, #tpu.memory_space<vmem>> -> memref<40xi32, #tpu.memory_space<vmem>>
      %dma_start3A_555 = arith.constant 0 : i32
      %dma_start3A_556 = arith.constant 0 : i32
      %dma_start3A_557 = tpu.memref_slice %arg2[%dma_start3A_555, %dma_start3A_556] : memref<1000000x64xf32, #tpu.memory_space<hbm>> -> memref<1000000x64xf32, #tpu.memory_space<hbm>>
      tpu.enqueue_indirect_dma source(%dma_start3A_557 : memref<1000000x64xf32, #tpu.memory_space<hbm>>) target(%dma_start3A_551 : memref<40x64xf32, #tpu.memory_space<vmem>>) offsets(%dma_start3A_554 : memref<40xi32, #tpu.memory_space<vmem>>) semaphore(%arg24 : memref<!tpu.dma_semaphore, #tpu.memory_space<semaphore_mem>>)
      %dma_start3A_558 = arith.constant 1 : i32
      %dma_start3A_559 = arith.constant 1 : i32
      %dma_start3A_560 = arith.constant 120 : i32
      %dma_start3A_561 = arith.constant 0 : i32
      %dma_start3A_562 = tpu.memref_slice %arg16[%dma_start3A_559, %dma_start3A_560, %dma_start3A_561] : memref<2x200x64xf32, #tpu.memory_space<vmem>> -> memref<1x40x64xf32, #tpu.memory_space<vmem>>
      %dma_start3A_563 = tpu.memref_squeeze %dma_start3A_562 : memref<1x40x64xf32, #tpu.memory_space<vmem>> -> memref<40x64xf32, #tpu.memory_space<vmem>>
      %dma_start3A_564 = arith.constant 120 : i32
      %dma_start3A_565 = tpu.memref_slice %arg12[%dma_start3A_558, %dma_start3A_564] : memref<2x200xi32, #tpu.memory_space<vmem>> -> memref<1x40xi32, #tpu.memory_space<vmem>>
      %dma_start3A_566 = tpu.memref_squeeze %dma_start3A_565 : memref<1x40xi32, #tpu.memory_space<vmem>> -> memref<40xi32, #tpu.memory_space<vmem>>
      %dma_start3A_567 = arith.constant 0 : i32
      %dma_start3A_568 = arith.constant 0 : i32
      %dma_start3A_569 = tpu.memref_slice %arg5[%dma_start3A_567, %dma_start3A_568] : memref<2048x64xf32, #tpu.memory_space<hbm>> -> memref<2048x64xf32, #tpu.memory_space<hbm>>
      tpu.enqueue_indirect_dma source(%dma_start3A_569 : memref<2048x64xf32, #tpu.memory_space<hbm>>) target(%dma_start3A_563 : memref<40x64xf32, #tpu.memory_space<vmem>>) offsets(%dma_start3A_566 : memref<40xi32, #tpu.memory_space<vmem>>) semaphore(%arg24 : memref<!tpu.dma_semaphore, #tpu.memory_space<semaphore_mem>>)
      %dma_start3A_570 = arith.constant 1 : i32
      %dma_start3A_571 = arith.constant 1 : i32
      %dma_start3A_572 = arith.constant 160 : i32
      %dma_start3A_573 = arith.constant 0 : i32
      %dma_start3A_574 = tpu.memref_slice %arg14[%dma_start3A_571, %dma_start3A_572, %dma_start3A_573] : memref<2x200x64xf32, #tpu.memory_space<vmem>> -> memref<1x40x64xf32, #tpu.memory_space<vmem>>
      %dma_start3A_575 = tpu.memref_squeeze %dma_start3A_574 : memref<1x40x64xf32, #tpu.memory_space<vmem>> -> memref<40x64xf32, #tpu.memory_space<vmem>>
      %dma_start3A_576 = arith.constant 160 : i32
      %dma_start3A_577 = tpu.memref_slice %arg10[%dma_start3A_570, %dma_start3A_576] : memref<2x200xi32, #tpu.memory_space<vmem>> -> memref<1x40xi32, #tpu.memory_space<vmem>>
      %dma_start3A_578 = tpu.memref_squeeze %dma_start3A_577 : memref<1x40xi32, #tpu.memory_space<vmem>> -> memref<40xi32, #tpu.memory_space<vmem>>
      %dma_start3A_579 = arith.constant 0 : i32
      %dma_start3A_580 = arith.constant 0 : i32
      %dma_start3A_581 = tpu.memref_slice %arg2[%dma_start3A_579, %dma_start3A_580] : memref<1000000x64xf32, #tpu.memory_space<hbm>> -> memref<1000000x64xf32, #tpu.memory_space<hbm>>
      tpu.enqueue_indirect_dma source(%dma_start3A_581 : memref<1000000x64xf32, #tpu.memory_space<hbm>>) target(%dma_start3A_575 : memref<40x64xf32, #tpu.memory_space<vmem>>) offsets(%dma_start3A_578 : memref<40xi32, #tpu.memory_space<vmem>>) semaphore(%arg24 : memref<!tpu.dma_semaphore, #tpu.memory_space<semaphore_mem>>)
      %dma_start3A_582 = arith.constant 1 : i32
      %dma_start3A_583 = arith.constant 1 : i32
      %dma_start3A_584 = arith.constant 160 : i32
      %dma_start3A_585 = arith.constant 0 : i32
      %dma_start3A_586 = tpu.memref_slice %arg16[%dma_start3A_583, %dma_start3A_584, %dma_start3A_585] : memref<2x200x64xf32, #tpu.memory_space<vmem>> -> memref<1x40x64xf32, #tpu.memory_space<vmem>>
      %dma_start3A_587 = tpu.memref_squeeze %dma_start3A_586 : memref<1x40x64xf32, #tpu.memory_space<vmem>> -> memref<40x64xf32, #tpu.memory_space<vmem>>
      %dma_start3A_588 = arith.constant 160 : i32
      %dma_start3A_589 = tpu.memref_slice %arg12[%dma_start3A_582, %dma_start3A_588] : memref<2x200xi32, #tpu.memory_space<vmem>> -> memref<1x40xi32, #tpu.memory_space<vmem>>
      %dma_start3A_590 = tpu.memref_squeeze %dma_start3A_589 : memref<1x40xi32, #tpu.memory_space<vmem>> -> memref<40xi32, #tpu.memory_space<vmem>>
      %dma_start3A_591 = arith.constant 0 : i32
      %dma_start3A_592 = arith.constant 0 : i32
      %dma_start3A_593 = tpu.memref_slice %arg5[%dma_start3A_591, %dma_start3A_592] : memref<2048x64xf32, #tpu.memory_space<hbm>> -> memref<2048x64xf32, #tpu.memory_space<hbm>>
      tpu.enqueue_indirect_dma source(%dma_start3A_593 : memref<2048x64xf32, #tpu.memory_space<hbm>>) target(%dma_start3A_587 : memref<40x64xf32, #tpu.memory_space<vmem>>) offsets(%dma_start3A_590 : memref<40xi32, #tpu.memory_space<vmem>>) semaphore(%arg24 : memref<!tpu.dma_semaphore, #tpu.memory_space<semaphore_mem>>)
      %parallel_loop3A = arith.constant 0 : i32
      %parallel_loop3A_594 = arith.constant 200 : i32
      %parallel_loop3A_595 = arith.constant 1 : i32
      %parallel_loop3A_596 = arith.constant 0 : i32
      scf.for %parallel_loop3A_939 = %parallel_loop3A to %parallel_loop3A_594 step %parallel_loop3A_595  : i32 {
        %parallel_loop3A_940 = arith.constant 0 : i32
        %parallel_loop3A_941 = arith.constant 0 : i32
        %parallel_loop3A_942 = tpu.memref_slice %arg13[%parallel_loop3A_596, %parallel_loop3A_940, %parallel_loop3A_941] : memref<2x200x64xf32, #tpu.memory_space<vmem>> -> memref<1x200x64xf32, #tpu.memory_space<vmem>>
        %parallel_loop3A_943 = tpu.memref_squeeze %parallel_loop3A_942 : memref<1x200x64xf32, #tpu.memory_space<vmem>> -> memref<200x64xf32, #tpu.memory_space<vmem>>
        %parallel_loop3A_944 = arith.index_cast %parallel_loop3A_939 : i32 to index
        %parallel_loop3A_945 = arith.constant 0 : index
        %parallel_loop3A_946 = tpu.vector_load %parallel_loop3A_943[%parallel_loop3A_944, %parallel_loop3A_945] {strides = array<i32>} : memref<200x64xf32, #tpu.memory_space<vmem>>, vector<16xf32>,
        %parallel_loop3A_947 = arith.constant 0 : i32
        %parallel_loop3A_948 = arith.constant 0 : i32
        %parallel_loop3A_949 = tpu.memref_slice %arg13[%parallel_loop3A_596, %parallel_loop3A_947, %parallel_loop3A_948] : memref<2x200x64xf32, #tpu.memory_space<vmem>> -> memref<1x200x64xf32, #tpu.memory_space<vmem>>
        %parallel_loop3A_950 = tpu.memref_squeeze %parallel_loop3A_949 : memref<1x200x64xf32, #tpu.memory_space<vmem>> -> memref<200x64xf32, #tpu.memory_space<vmem>>
        %parallel_loop3A_951 = arith.index_cast %parallel_loop3A_939 : i32 to index
        %parallel_loop3A_952 = arith.constant 16 : index
        %parallel_loop3A_953 = tpu.vector_load %parallel_loop3A_950[%parallel_loop3A_951, %parallel_loop3A_952] {strides = array<i32>} : memref<200x64xf32, #tpu.memory_space<vmem>>, vector<16xf32>,
        %parallel_loop3A_954 = arith.constant 0 : i32
        %parallel_loop3A_955 = arith.constant 0 : i32
        %parallel_loop3A_956 = tpu.memref_slice %arg13[%parallel_loop3A_596, %parallel_loop3A_954, %parallel_loop3A_955] : memref<2x200x64xf32, #tpu.memory_space<vmem>> -> memref<1x200x64xf32, #tpu.memory_space<vmem>>
        %parallel_loop3A_957 = tpu.memref_squeeze %parallel_loop3A_956 : memref<1x200x64xf32, #tpu.memory_space<vmem>> -> memref<200x64xf32, #tpu.memory_space<vmem>>
        %parallel_loop3A_958 = arith.index_cast %parallel_loop3A_939 : i32 to index
        %parallel_loop3A_959 = arith.constant 32 : index
        %parallel_loop3A_960 = tpu.vector_load %parallel_loop3A_957[%parallel_loop3A_958, %parallel_loop3A_959] {strides = array<i32>} : memref<200x64xf32, #tpu.memory_space<vmem>>, vector<16xf32>,
        %parallel_loop3A_961 = arith.constant 0 : i32
        %parallel_loop3A_962 = arith.constant 0 : i32
        %parallel_loop3A_963 = tpu.memref_slice %arg13[%parallel_loop3A_596, %parallel_loop3A_961, %parallel_loop3A_962] : memref<2x200x64xf32, #tpu.memory_space<vmem>> -> memref<1x200x64xf32, #tpu.memory_space<vmem>>
        %parallel_loop3A_964 = tpu.memref_squeeze %parallel_loop3A_963 : memref<1x200x64xf32, #tpu.memory_space<vmem>> -> memref<200x64xf32, #tpu.memory_space<vmem>>
        %parallel_loop3A_965 = arith.index_cast %parallel_loop3A_939 : i32 to index
        %parallel_loop3A_966 = arith.constant 48 : index
        %parallel_loop3A_967 = tpu.vector_load %parallel_loop3A_964[%parallel_loop3A_965, %parallel_loop3A_966] {strides = array<i32>} : memref<200x64xf32, #tpu.memory_space<vmem>>, vector<16xf32>,
        %parallel_loop3A_968 = arith.addf %parallel_loop3A_946, %parallel_loop3A_953 : vector<16xf32>
        %parallel_loop3A_969 = arith.addf %parallel_loop3A_960, %parallel_loop3A_967 : vector<16xf32>
        %parallel_loop3A_970 = arith.addf %parallel_loop3A_968, %parallel_loop3A_969 : vector<16xf32>
        %parallel_loop3A_971 = arith.mulf %parallel_loop3A_946, %parallel_loop3A_946 : vector<16xf32>
        %parallel_loop3A_972 = arith.mulf %parallel_loop3A_953, %parallel_loop3A_953 : vector<16xf32>
        %parallel_loop3A_973 = arith.addf %parallel_loop3A_971, %parallel_loop3A_972 : vector<16xf32>
        %parallel_loop3A_974 = arith.mulf %parallel_loop3A_960, %parallel_loop3A_960 : vector<16xf32>
        %parallel_loop3A_975 = arith.mulf %parallel_loop3A_967, %parallel_loop3A_967 : vector<16xf32>
        %parallel_loop3A_976 = arith.addf %parallel_loop3A_974, %parallel_loop3A_975 : vector<16xf32>
        %parallel_loop3A_977 = arith.addf %parallel_loop3A_973, %parallel_loop3A_976 : vector<16xf32>
        %parallel_loop3A_978 = arith.constant true
        %parallel_loop3A_979 = vector.broadcast %parallel_loop3A_978 : i1 to vector<16xi1>
        %parallel_loop3A_980 = tpu.scan <sum>, %parallel_loop3A_970 masked %parallel_loop3A_979 : vector<16xf32>, vector<16xi1> -> vector<16xf32>
        %parallel_loop3A_981 = vector.extract %parallel_loop3A_980[15] : f32 from vector<16xf32>
        %parallel_loop3A_982 = arith.constant 1.562500e-02 : f32
        %parallel_loop3A_983 = arith.mulf %parallel_loop3A_981, %parallel_loop3A_982 : f32
        %parallel_loop3A_984 = arith.constant true
        %parallel_loop3A_985 = vector.broadcast %parallel_loop3A_984 : i1 to vector<16xi1>
        %parallel_loop3A_986 = tpu.scan <sum>, %parallel_loop3A_977 masked %parallel_loop3A_985 : vector<16xf32>, vector<16xi1> -> vector<16xf32>
        %parallel_loop3A_987 = vector.extract %parallel_loop3A_986[15] : f32 from vector<16xf32>
        %parallel_loop3A_988 = arith.constant 1.562500e-02 : f32
        %parallel_loop3A_989 = arith.mulf %parallel_loop3A_987, %parallel_loop3A_988 : f32
        %parallel_loop3A_990 = arith.mulf %parallel_loop3A_983, %parallel_loop3A_983 : f32
        %parallel_loop3A_991 = arith.subf %parallel_loop3A_989, %parallel_loop3A_990 : f32
        %parallel_loop3A_992 = arith.index_cast %parallel_loop3A_939 : i32 to index
        %parallel_loop3A_993 = memref.load %arg19[%parallel_loop3A_992] : memref<200xf32, #tpu.memory_space<smem>>
        memref.store %parallel_loop3A_983, %arg19[%parallel_loop3A_992] : memref<200xf32, #tpu.memory_space<smem>>
        %parallel_loop3A_994 = arith.constant 9.99999974E-6 : f32
        %parallel_loop3A_995 = arith.addf %parallel_loop3A_991, %parallel_loop3A_994 : f32
        %parallel_loop3A_996 = arith.bitcast %parallel_loop3A_995 : f32 to i32
        %parallel_loop3A_997 = arith.constant 1 : i32
        %parallel_loop3A_998 = arith.shrsi %parallel_loop3A_996, %parallel_loop3A_997 : i32
        %parallel_loop3A_999 = arith.constant 1597463007 : i32
        %parallel_loop3A_1000 = arith.subi %parallel_loop3A_999, %parallel_loop3A_998 : i32
        %parallel_loop3A_1001 = arith.bitcast %parallel_loop3A_1000 : i32 to f32
        %parallel_loop3A_1002 = arith.constant 5.000000e-01 : f32
        %parallel_loop3A_1003 = arith.mulf %parallel_loop3A_1002, %parallel_loop3A_995 : f32
        %parallel_loop3A_1004 = arith.mulf %parallel_loop3A_1003, %parallel_loop3A_1001 : f32
        %parallel_loop3A_1005 = arith.mulf %parallel_loop3A_1004, %parallel_loop3A_1001 : f32
        %parallel_loop3A_1006 = arith.constant 1.500000e+00 : f32
        %parallel_loop3A_1007 = arith.subf %parallel_loop3A_1006, %parallel_loop3A_1005 : f32
        %parallel_loop3A_1008 = arith.mulf %parallel_loop3A_1001, %parallel_loop3A_1007 : f32
        %parallel_loop3A_1009 = arith.constant 5.000000e-01 : f32
        %parallel_loop3A_1010 = arith.mulf %parallel_loop3A_1009, %parallel_loop3A_995 : f32
        %parallel_loop3A_1011 = arith.mulf %parallel_loop3A_1010, %parallel_loop3A_1008 : f32
        %parallel_loop3A_1012 = arith.mulf %parallel_loop3A_1011, %parallel_loop3A_1008 : f32
        %parallel_loop3A_1013 = arith.constant 1.500000e+00 : f32
        %parallel_loop3A_1014 = arith.subf %parallel_loop3A_1013, %parallel_loop3A_1012 : f32
        %parallel_loop3A_1015 = arith.mulf %parallel_loop3A_1008, %parallel_loop3A_1014 : f32
        %parallel_loop3A_1016 = arith.index_cast %parallel_loop3A_939 : i32 to index
        %parallel_loop3A_1017 = memref.load %arg20[%parallel_loop3A_1016] : memref<200xf32, #tpu.memory_space<smem>>
        memref.store %parallel_loop3A_1015, %arg20[%parallel_loop3A_1016] : memref<200xf32, #tpu.memory_space<smem>>
      } {sc.loop_unroll_factor = 8 : i64, sc.parallel_access}
      %parallel_loop3A_597 = arith.constant 0 : i32
      %parallel_loop3A_598 = arith.constant 200 : i32
      %parallel_loop3A_599 = arith.constant 1 : i32
      %parallel_loop3A_600 = arith.constant 0 : i32
      %parallel_loop3A_601 = arith.constant 0 : i32
      scf.for %parallel_loop3A_939 = %parallel_loop3A_597 to %parallel_loop3A_598 step %parallel_loop3A_599  : i32 {
        %parallel_loop3A_940 = arith.index_cast %parallel_loop3A_939 : i32 to index
        %parallel_loop3A_941 = memref.load %arg19[%parallel_loop3A_940] : memref<200xf32, #tpu.memory_space<smem>>
        %parallel_loop3A_942 = arith.index_cast %parallel_loop3A_939 : i32 to index
        %parallel_loop3A_943 = memref.load %arg20[%parallel_loop3A_942] : memref<200xf32, #tpu.memory_space<smem>>
        %parallel_loop3A_944 = arith.constant 0 : i32
        %parallel_loop3A_945 = arith.constant 0 : i32
        %parallel_loop3A_946 = tpu.memref_slice %arg13[%parallel_loop3A_600, %parallel_loop3A_944, %parallel_loop3A_945] : memref<2x200x64xf32, #tpu.memory_space<vmem>> -> memref<1x200x64xf32, #tpu.memory_space<vmem>>
        %parallel_loop3A_947 = tpu.memref_squeeze %parallel_loop3A_946 : memref<1x200x64xf32, #tpu.memory_space<vmem>> -> memref<200x64xf32, #tpu.memory_space<vmem>>
        %parallel_loop3A_948 = arith.index_cast %parallel_loop3A_939 : i32 to index
        %parallel_loop3A_949 = arith.constant 0 : index
        %parallel_loop3A_950 = tpu.vector_load %parallel_loop3A_947[%parallel_loop3A_948, %parallel_loop3A_949] {strides = array<i32>} : memref<200x64xf32, #tpu.memory_space<vmem>>, vector<16xf32>,
        %parallel_loop3A_951 = vector.broadcast %parallel_loop3A_941 : f32 to vector<16xf32>
        %parallel_loop3A_952 = arith.subf %parallel_loop3A_950, %parallel_loop3A_951 : vector<16xf32>
        %parallel_loop3A_953 = vector.broadcast %parallel_loop3A_943 : f32 to vector<16xf32>
        %parallel_loop3A_954 = arith.mulf %parallel_loop3A_953, %get3A_1 : vector<16xf32>
        %parallel_loop3A_955 = arith.mulf %parallel_loop3A_952, %parallel_loop3A_954 : vector<16xf32>
        %parallel_loop3A_956 = arith.addf %parallel_loop3A_955, %get3A_9 : vector<16xf32>
        %parallel_loop3A_957 = arith.constant 0 : i32
        %parallel_loop3A_958 = arith.constant 0 : i32
        %parallel_loop3A_959 = tpu.memref_slice %arg15[%parallel_loop3A_601, %parallel_loop3A_957, %parallel_loop3A_958] : memref<2x200x64xf32, #tpu.memory_space<vmem>> -> memref<1x200x64xf32, #tpu.memory_space<vmem>>
        %parallel_loop3A_960 = tpu.memref_squeeze %parallel_loop3A_959 : memref<1x200x64xf32, #tpu.memory_space<vmem>> -> memref<200x64xf32, #tpu.memory_space<vmem>>
        %parallel_loop3A_961 = arith.index_cast %parallel_loop3A_939 : i32 to index
        %parallel_loop3A_962 = arith.constant 0 : index
        %parallel_loop3A_963 = tpu.vector_load %parallel_loop3A_960[%parallel_loop3A_961, %parallel_loop3A_962] {strides = array<i32>} : memref<200x64xf32, #tpu.memory_space<vmem>>, vector<16xf32>,
        %parallel_loop3A_964 = arith.addf %parallel_loop3A_956, %parallel_loop3A_963 : vector<16xf32>
        %parallel_loop3A_965 = arith.constant 0 : i32
        %parallel_loop3A_966 = arith.constant 0 : i32
        %parallel_loop3A_967 = tpu.memref_slice %arg13[%parallel_loop3A_600, %parallel_loop3A_965, %parallel_loop3A_966] : memref<2x200x64xf32, #tpu.memory_space<vmem>> -> memref<1x200x64xf32, #tpu.memory_space<vmem>>
        %parallel_loop3A_968 = tpu.memref_squeeze %parallel_loop3A_967 : memref<1x200x64xf32, #tpu.memory_space<vmem>> -> memref<200x64xf32, #tpu.memory_space<vmem>>
        %parallel_loop3A_969 = arith.index_cast %parallel_loop3A_939 : i32 to index
        %parallel_loop3A_970 = arith.constant 0 : index
        %parallel_loop3A_971 = tpu.vector_load %parallel_loop3A_968[%parallel_loop3A_969, %parallel_loop3A_970] {strides = array<i32>} : memref<200x64xf32, #tpu.memory_space<vmem>>, vector<16xf32>,
        tpu.vector_store %parallel_loop3A_968[%parallel_loop3A_969, %parallel_loop3A_970], %parallel_loop3A_964 {strides = array<i32>} : memref<200x64xf32, #tpu.memory_space<vmem>>, vector<16xf32>,
        %parallel_loop3A_972 = arith.constant 0 : i32
        %parallel_loop3A_973 = arith.constant 0 : i32
        %parallel_loop3A_974 = tpu.memref_slice %arg13[%parallel_loop3A_600, %parallel_loop3A_972, %parallel_loop3A_973] : memref<2x200x64xf32, #tpu.memory_space<vmem>> -> memref<1x200x64xf32, #tpu.memory_space<vmem>>
        %parallel_loop3A_975 = tpu.memref_squeeze %parallel_loop3A_974 : memref<1x200x64xf32, #tpu.memory_space<vmem>> -> memref<200x64xf32, #tpu.memory_space<vmem>>
        %parallel_loop3A_976 = arith.index_cast %parallel_loop3A_939 : i32 to index
        %parallel_loop3A_977 = arith.constant 16 : index
        %parallel_loop3A_978 = tpu.vector_load %parallel_loop3A_975[%parallel_loop3A_976, %parallel_loop3A_977] {strides = array<i32>} : memref<200x64xf32, #tpu.memory_space<vmem>>, vector<16xf32>,
        %parallel_loop3A_979 = vector.broadcast %parallel_loop3A_941 : f32 to vector<16xf32>
        %parallel_loop3A_980 = arith.subf %parallel_loop3A_978, %parallel_loop3A_979 : vector<16xf32>
        %parallel_loop3A_981 = vector.broadcast %parallel_loop3A_943 : f32 to vector<16xf32>
        %parallel_loop3A_982 = arith.mulf %parallel_loop3A_981, %get3A_3 : vector<16xf32>
        %parallel_loop3A_983 = arith.mulf %parallel_loop3A_980, %parallel_loop3A_982 : vector<16xf32>
        %parallel_loop3A_984 = arith.addf %parallel_loop3A_983, %get3A_11 : vector<16xf32>
        %parallel_loop3A_985 = arith.constant 0 : i32
        %parallel_loop3A_986 = arith.constant 0 : i32
        %parallel_loop3A_987 = tpu.memref_slice %arg15[%parallel_loop3A_601, %parallel_loop3A_985, %parallel_loop3A_986] : memref<2x200x64xf32, #tpu.memory_space<vmem>> -> memref<1x200x64xf32, #tpu.memory_space<vmem>>
        %parallel_loop3A_988 = tpu.memref_squeeze %parallel_loop3A_987 : memref<1x200x64xf32, #tpu.memory_space<vmem>> -> memref<200x64xf32, #tpu.memory_space<vmem>>
        %parallel_loop3A_989 = arith.index_cast %parallel_loop3A_939 : i32 to index
        %parallel_loop3A_990 = arith.constant 16 : index
        %parallel_loop3A_991 = tpu.vector_load %parallel_loop3A_988[%parallel_loop3A_989, %parallel_loop3A_990] {strides = array<i32>} : memref<200x64xf32, #tpu.memory_space<vmem>>, vector<16xf32>,
        %parallel_loop3A_992 = arith.addf %parallel_loop3A_984, %parallel_loop3A_991 : vector<16xf32>
        %parallel_loop3A_993 = arith.constant 0 : i32
        %parallel_loop3A_994 = arith.constant 0 : i32
        %parallel_loop3A_995 = tpu.memref_slice %arg13[%parallel_loop3A_600, %parallel_loop3A_993, %parallel_loop3A_994] : memref<2x200x64xf32, #tpu.memory_space<vmem>> -> memref<1x200x64xf32, #tpu.memory_space<vmem>>
        %parallel_loop3A_996 = tpu.memref_squeeze %parallel_loop3A_995 : memref<1x200x64xf32, #tpu.memory_space<vmem>> -> memref<200x64xf32, #tpu.memory_space<vmem>>
        %parallel_loop3A_997 = arith.index_cast %parallel_loop3A_939 : i32 to index
        %parallel_loop3A_998 = arith.constant 16 : index
        %parallel_loop3A_999 = tpu.vector_load %parallel_loop3A_996[%parallel_loop3A_997, %parallel_loop3A_998] {strides = array<i32>} : memref<200x64xf32, #tpu.memory_space<vmem>>, vector<16xf32>,
        tpu.vector_store %parallel_loop3A_996[%parallel_loop3A_997, %parallel_loop3A_998], %parallel_loop3A_992 {strides = array<i32>} : memref<200x64xf32, #tpu.memory_space<vmem>>, vector<16xf32>,
        %parallel_loop3A_1000 = arith.constant 0 : i32
        %parallel_loop3A_1001 = arith.constant 0 : i32
        %parallel_loop3A_1002 = tpu.memref_slice %arg13[%parallel_loop3A_600, %parallel_loop3A_1000, %parallel_loop3A_1001] : memref<2x200x64xf32, #tpu.memory_space<vmem>> -> memref<1x200x64xf32, #tpu.memory_space<vmem>>
        %parallel_loop3A_1003 = tpu.memref_squeeze %parallel_loop3A_1002 : memref<1x200x64xf32, #tpu.memory_space<vmem>> -> memref<200x64xf32, #tpu.memory_space<vmem>>
        %parallel_loop3A_1004 = arith.index_cast %parallel_loop3A_939 : i32 to index
        %parallel_loop3A_1005 = arith.constant 32 : index
        %parallel_loop3A_1006 = tpu.vector_load %parallel_loop3A_1003[%parallel_loop3A_1004, %parallel_loop3A_1005] {strides = array<i32>} : memref<200x64xf32, #tpu.memory_space<vmem>>, vector<16xf32>,
        %parallel_loop3A_1007 = vector.broadcast %parallel_loop3A_941 : f32 to vector<16xf32>
        %parallel_loop3A_1008 = arith.subf %parallel_loop3A_1006, %parallel_loop3A_1007 : vector<16xf32>
        %parallel_loop3A_1009 = vector.broadcast %parallel_loop3A_943 : f32 to vector<16xf32>
        %parallel_loop3A_1010 = arith.mulf %parallel_loop3A_1009, %get3A_5 : vector<16xf32>
        %parallel_loop3A_1011 = arith.mulf %parallel_loop3A_1008, %parallel_loop3A_1010 : vector<16xf32>
        %parallel_loop3A_1012 = arith.addf %parallel_loop3A_1011, %get3A_13 : vector<16xf32>
        %parallel_loop3A_1013 = arith.constant 0 : i32
        %parallel_loop3A_1014 = arith.constant 0 : i32
        %parallel_loop3A_1015 = tpu.memref_slice %arg15[%parallel_loop3A_601, %parallel_loop3A_1013, %parallel_loop3A_1014] : memref<2x200x64xf32, #tpu.memory_space<vmem>> -> memref<1x200x64xf32, #tpu.memory_space<vmem>>
        %parallel_loop3A_1016 = tpu.memref_squeeze %parallel_loop3A_1015 : memref<1x200x64xf32, #tpu.memory_space<vmem>> -> memref<200x64xf32, #tpu.memory_space<vmem>>
        %parallel_loop3A_1017 = arith.index_cast %parallel_loop3A_939 : i32 to index
        %parallel_loop3A_1018 = arith.constant 32 : index
        %parallel_loop3A_1019 = tpu.vector_load %parallel_loop3A_1016[%parallel_loop3A_1017, %parallel_loop3A_1018] {strides = array<i32>} : memref<200x64xf32, #tpu.memory_space<vmem>>, vector<16xf32>,
        %parallel_loop3A_1020 = arith.addf %parallel_loop3A_1012, %parallel_loop3A_1019 : vector<16xf32>
        %parallel_loop3A_1021 = arith.constant 0 : i32
        %parallel_loop3A_1022 = arith.constant 0 : i32
        %parallel_loop3A_1023 = tpu.memref_slice %arg13[%parallel_loop3A_600, %parallel_loop3A_1021, %parallel_loop3A_1022] : memref<2x200x64xf32, #tpu.memory_space<vmem>> -> memref<1x200x64xf32, #tpu.memory_space<vmem>>
        %parallel_loop3A_1024 = tpu.memref_squeeze %parallel_loop3A_1023 : memref<1x200x64xf32, #tpu.memory_space<vmem>> -> memref<200x64xf32, #tpu.memory_space<vmem>>
        %parallel_loop3A_1025 = arith.index_cast %parallel_loop3A_939 : i32 to index
        %parallel_loop3A_1026 = arith.constant 32 : index
        %parallel_loop3A_1027 = tpu.vector_load %parallel_loop3A_1024[%parallel_loop3A_1025, %parallel_loop3A_1026] {strides = array<i32>} : memref<200x64xf32, #tpu.memory_space<vmem>>, vector<16xf32>,
        tpu.vector_store %parallel_loop3A_1024[%parallel_loop3A_1025, %parallel_loop3A_1026], %parallel_loop3A_1020 {strides = array<i32>} : memref<200x64xf32, #tpu.memory_space<vmem>>, vector<16xf32>,
        %parallel_loop3A_1028 = arith.constant 0 : i32
        %parallel_loop3A_1029 = arith.constant 0 : i32
        %parallel_loop3A_1030 = tpu.memref_slice %arg13[%parallel_loop3A_600, %parallel_loop3A_1028, %parallel_loop3A_1029] : memref<2x200x64xf32, #tpu.memory_space<vmem>> -> memref<1x200x64xf32, #tpu.memory_space<vmem>>
        %parallel_loop3A_1031 = tpu.memref_squeeze %parallel_loop3A_1030 : memref<1x200x64xf32, #tpu.memory_space<vmem>> -> memref<200x64xf32, #tpu.memory_space<vmem>>
        %parallel_loop3A_1032 = arith.index_cast %parallel_loop3A_939 : i32 to index
        %parallel_loop3A_1033 = arith.constant 48 : index
        %parallel_loop3A_1034 = tpu.vector_load %parallel_loop3A_1031[%parallel_loop3A_1032, %parallel_loop3A_1033] {strides = array<i32>} : memref<200x64xf32, #tpu.memory_space<vmem>>, vector<16xf32>,
        %parallel_loop3A_1035 = vector.broadcast %parallel_loop3A_941 : f32 to vector<16xf32>
        %parallel_loop3A_1036 = arith.subf %parallel_loop3A_1034, %parallel_loop3A_1035 : vector<16xf32>
        %parallel_loop3A_1037 = vector.broadcast %parallel_loop3A_943 : f32 to vector<16xf32>
        %parallel_loop3A_1038 = arith.mulf %parallel_loop3A_1037, %get3A_7 : vector<16xf32>
        %parallel_loop3A_1039 = arith.mulf %parallel_loop3A_1036, %parallel_loop3A_1038 : vector<16xf32>
        %parallel_loop3A_1040 = arith.addf %parallel_loop3A_1039, %get3A_15 : vector<16xf32>
        %parallel_loop3A_1041 = arith.constant 0 : i32
        %parallel_loop3A_1042 = arith.constant 0 : i32
        %parallel_loop3A_1043 = tpu.memref_slice %arg15[%parallel_loop3A_601, %parallel_loop3A_1041, %parallel_loop3A_1042] : memref<2x200x64xf32, #tpu.memory_space<vmem>> -> memref<1x200x64xf32, #tpu.memory_space<vmem>>
        %parallel_loop3A_1044 = tpu.memref_squeeze %parallel_loop3A_1043 : memref<1x200x64xf32, #tpu.memory_space<vmem>> -> memref<200x64xf32, #tpu.memory_space<vmem>>
        %parallel_loop3A_1045 = arith.index_cast %parallel_loop3A_939 : i32 to index
        %parallel_loop3A_1046 = arith.constant 48 : index
        %parallel_loop3A_1047 = tpu.vector_load %parallel_loop3A_1044[%parallel_loop3A_1045, %parallel_loop3A_1046] {strides = array<i32>} : memref<200x64xf32, #tpu.memory_space<vmem>>, vector<16xf32>,
        %parallel_loop3A_1048 = arith.addf %parallel_loop3A_1040, %parallel_loop3A_1047 : vector<16xf32>
        %parallel_loop3A_1049 = arith.constant 0 : i32
        %parallel_loop3A_1050 = arith.constant 0 : i32
        %parallel_loop3A_1051 = tpu.memref_slice %arg13[%parallel_loop3A_600, %parallel_loop3A_1049, %parallel_loop3A_1050] : memref<2x200x64xf32, #tpu.memory_space<vmem>> -> memref<1x200x64xf32, #tpu.memory_space<vmem>>
        %parallel_loop3A_1052 = tpu.memref_squeeze %parallel_loop3A_1051 : memref<1x200x64xf32, #tpu.memory_space<vmem>> -> memref<200x64xf32, #tpu.memory_space<vmem>>
        %parallel_loop3A_1053 = arith.index_cast %parallel_loop3A_939 : i32 to index
        %parallel_loop3A_1054 = arith.constant 48 : index
        %parallel_loop3A_1055 = tpu.vector_load %parallel_loop3A_1052[%parallel_loop3A_1053, %parallel_loop3A_1054] {strides = array<i32>} : memref<200x64xf32, #tpu.memory_space<vmem>>, vector<16xf32>,
        tpu.vector_store %parallel_loop3A_1052[%parallel_loop3A_1053, %parallel_loop3A_1054], %parallel_loop3A_1048 {strides = array<i32>} : memref<200x64xf32, #tpu.memory_space<vmem>>, vector<16xf32>,
      } {sc.loop_unroll_factor = 4 : i64, sc.parallel_access}
      %parallel_loop3A_602 = arith.constant 0 : i32
      %parallel_loop3A_603 = arith.constant 200 : i32
      %parallel_loop3A_604 = arith.constant 1 : i32
      %parallel_loop3A_605 = arith.constant 1 : i32
      scf.for %parallel_loop3A_939 = %parallel_loop3A_602 to %parallel_loop3A_603 step %parallel_loop3A_604  : i32 {
        %parallel_loop3A_940 = arith.constant 0 : i32
        %parallel_loop3A_941 = arith.constant 0 : i32
        %parallel_loop3A_942 = tpu.memref_slice %arg13[%parallel_loop3A_605, %parallel_loop3A_940, %parallel_loop3A_941] : memref<2x200x64xf32, #tpu.memory_space<vmem>> -> memref<1x200x64xf32, #tpu.memory_space<vmem>>
        %parallel_loop3A_943 = tpu.memref_squeeze %parallel_loop3A_942 : memref<1x200x64xf32, #tpu.memory_space<vmem>> -> memref<200x64xf32, #tpu.memory_space<vmem>>
        %parallel_loop3A_944 = arith.index_cast %parallel_loop3A_939 : i32 to index
        %parallel_loop3A_945 = arith.constant 0 : index
        %parallel_loop3A_946 = tpu.vector_load %parallel_loop3A_943[%parallel_loop3A_944, %parallel_loop3A_945] {strides = array<i32>} : memref<200x64xf32, #tpu.memory_space<vmem>>, vector<16xf32>,
        %parallel_loop3A_947 = arith.constant 0 : i32
        %parallel_loop3A_948 = arith.constant 0 : i32
        %parallel_loop3A_949 = tpu.memref_slice %arg13[%parallel_loop3A_605, %parallel_loop3A_947, %parallel_loop3A_948] : memref<2x200x64xf32, #tpu.memory_space<vmem>> -> memref<1x200x64xf32, #tpu.memory_space<vmem>>
        %parallel_loop3A_950 = tpu.memref_squeeze %parallel_loop3A_949 : memref<1x200x64xf32, #tpu.memory_space<vmem>> -> memref<200x64xf32, #tpu.memory_space<vmem>>
        %parallel_loop3A_951 = arith.index_cast %parallel_loop3A_939 : i32 to index
        %parallel_loop3A_952 = arith.constant 16 : index
        %parallel_loop3A_953 = tpu.vector_load %parallel_loop3A_950[%parallel_loop3A_951, %parallel_loop3A_952] {strides = array<i32>} : memref<200x64xf32, #tpu.memory_space<vmem>>, vector<16xf32>,
        %parallel_loop3A_954 = arith.constant 0 : i32
        %parallel_loop3A_955 = arith.constant 0 : i32
        %parallel_loop3A_956 = tpu.memref_slice %arg13[%parallel_loop3A_605, %parallel_loop3A_954, %parallel_loop3A_955] : memref<2x200x64xf32, #tpu.memory_space<vmem>> -> memref<1x200x64xf32, #tpu.memory_space<vmem>>
        %parallel_loop3A_957 = tpu.memref_squeeze %parallel_loop3A_956 : memref<1x200x64xf32, #tpu.memory_space<vmem>> -> memref<200x64xf32, #tpu.memory_space<vmem>>
        %parallel_loop3A_958 = arith.index_cast %parallel_loop3A_939 : i32 to index
        %parallel_loop3A_959 = arith.constant 32 : index
        %parallel_loop3A_960 = tpu.vector_load %parallel_loop3A_957[%parallel_loop3A_958, %parallel_loop3A_959] {strides = array<i32>} : memref<200x64xf32, #tpu.memory_space<vmem>>, vector<16xf32>,
        %parallel_loop3A_961 = arith.constant 0 : i32
        %parallel_loop3A_962 = arith.constant 0 : i32
        %parallel_loop3A_963 = tpu.memref_slice %arg13[%parallel_loop3A_605, %parallel_loop3A_961, %parallel_loop3A_962] : memref<2x200x64xf32, #tpu.memory_space<vmem>> -> memref<1x200x64xf32, #tpu.memory_space<vmem>>
        %parallel_loop3A_964 = tpu.memref_squeeze %parallel_loop3A_963 : memref<1x200x64xf32, #tpu.memory_space<vmem>> -> memref<200x64xf32, #tpu.memory_space<vmem>>
        %parallel_loop3A_965 = arith.index_cast %parallel_loop3A_939 : i32 to index
        %parallel_loop3A_966 = arith.constant 48 : index
        %parallel_loop3A_967 = tpu.vector_load %parallel_loop3A_964[%parallel_loop3A_965, %parallel_loop3A_966] {strides = array<i32>} : memref<200x64xf32, #tpu.memory_space<vmem>>, vector<16xf32>,
        %parallel_loop3A_968 = arith.addf %parallel_loop3A_946, %parallel_loop3A_953 : vector<16xf32>
        %parallel_loop3A_969 = arith.addf %parallel_loop3A_960, %parallel_loop3A_967 : vector<16xf32>
        %parallel_loop3A_970 = arith.addf %parallel_loop3A_968, %parallel_loop3A_969 : vector<16xf32>
        %parallel_loop3A_971 = arith.mulf %parallel_loop3A_946, %parallel_loop3A_946 : vector<16xf32>
        %parallel_loop3A_972 = arith.mulf %parallel_loop3A_953, %parallel_loop3A_953 : vector<16xf32>
        %parallel_loop3A_973 = arith.addf %parallel_loop3A_971, %parallel_loop3A_972 : vector<16xf32>
        %parallel_loop3A_974 = arith.mulf %parallel_loop3A_960, %parallel_loop3A_960 : vector<16xf32>
        %parallel_loop3A_975 = arith.mulf %parallel_loop3A_967, %parallel_loop3A_967 : vector<16xf32>
        %parallel_loop3A_976 = arith.addf %parallel_loop3A_974, %parallel_loop3A_975 : vector<16xf32>
        %parallel_loop3A_977 = arith.addf %parallel_loop3A_973, %parallel_loop3A_976 : vector<16xf32>
        %parallel_loop3A_978 = arith.constant true
        %parallel_loop3A_979 = vector.broadcast %parallel_loop3A_978 : i1 to vector<16xi1>
        %parallel_loop3A_980 = tpu.scan <sum>, %parallel_loop3A_970 masked %parallel_loop3A_979 : vector<16xf32>, vector<16xi1> -> vector<16xf32>
        %parallel_loop3A_981 = vector.extract %parallel_loop3A_980[15] : f32 from vector<16xf32>
        %parallel_loop3A_982 = arith.constant 1.562500e-02 : f32
        %parallel_loop3A_983 = arith.mulf %parallel_loop3A_981, %parallel_loop3A_982 : f32
        %parallel_loop3A_984 = arith.constant true
        %parallel_loop3A_985 = vector.broadcast %parallel_loop3A_984 : i1 to vector<16xi1>
        %parallel_loop3A_986 = tpu.scan <sum>, %parallel_loop3A_977 masked %parallel_loop3A_985 : vector<16xf32>, vector<16xi1> -> vector<16xf32>
        %parallel_loop3A_987 = vector.extract %parallel_loop3A_986[15] : f32 from vector<16xf32>
        %parallel_loop3A_988 = arith.constant 1.562500e-02 : f32
        %parallel_loop3A_989 = arith.mulf %parallel_loop3A_987, %parallel_loop3A_988 : f32
        %parallel_loop3A_990 = arith.mulf %parallel_loop3A_983, %parallel_loop3A_983 : f32
        %parallel_loop3A_991 = arith.subf %parallel_loop3A_989, %parallel_loop3A_990 : f32
        %parallel_loop3A_992 = arith.index_cast %parallel_loop3A_939 : i32 to index
        %parallel_loop3A_993 = memref.load %arg19[%parallel_loop3A_992] : memref<200xf32, #tpu.memory_space<smem>>
        memref.store %parallel_loop3A_983, %arg19[%parallel_loop3A_992] : memref<200xf32, #tpu.memory_space<smem>>
        %parallel_loop3A_994 = arith.constant 9.99999974E-6 : f32
        %parallel_loop3A_995 = arith.addf %parallel_loop3A_991, %parallel_loop3A_994 : f32
        %parallel_loop3A_996 = arith.bitcast %parallel_loop3A_995 : f32 to i32
        %parallel_loop3A_997 = arith.constant 1 : i32
        %parallel_loop3A_998 = arith.shrsi %parallel_loop3A_996, %parallel_loop3A_997 : i32
        %parallel_loop3A_999 = arith.constant 1597463007 : i32
        %parallel_loop3A_1000 = arith.subi %parallel_loop3A_999, %parallel_loop3A_998 : i32
        %parallel_loop3A_1001 = arith.bitcast %parallel_loop3A_1000 : i32 to f32
        %parallel_loop3A_1002 = arith.constant 5.000000e-01 : f32
        %parallel_loop3A_1003 = arith.mulf %parallel_loop3A_1002, %parallel_loop3A_995 : f32
        %parallel_loop3A_1004 = arith.mulf %parallel_loop3A_1003, %parallel_loop3A_1001 : f32
        %parallel_loop3A_1005 = arith.mulf %parallel_loop3A_1004, %parallel_loop3A_1001 : f32
        %parallel_loop3A_1006 = arith.constant 1.500000e+00 : f32
        %parallel_loop3A_1007 = arith.subf %parallel_loop3A_1006, %parallel_loop3A_1005 : f32
        %parallel_loop3A_1008 = arith.mulf %parallel_loop3A_1001, %parallel_loop3A_1007 : f32
        %parallel_loop3A_1009 = arith.constant 5.000000e-01 : f32
        %parallel_loop3A_1010 = arith.mulf %parallel_loop3A_1009, %parallel_loop3A_995 : f32
        %parallel_loop3A_1011 = arith.mulf %parallel_loop3A_1010, %parallel_loop3A_1008 : f32
        %parallel_loop3A_1012 = arith.mulf %parallel_loop3A_1011, %parallel_loop3A_1008 : f32
        %parallel_loop3A_1013 = arith.constant 1.500000e+00 : f32
        %parallel_loop3A_1014 = arith.subf %parallel_loop3A_1013, %parallel_loop3A_1012 : f32
        %parallel_loop3A_1015 = arith.mulf %parallel_loop3A_1008, %parallel_loop3A_1014 : f32
        %parallel_loop3A_1016 = arith.index_cast %parallel_loop3A_939 : i32 to index
        %parallel_loop3A_1017 = memref.load %arg20[%parallel_loop3A_1016] : memref<200xf32, #tpu.memory_space<smem>>
        memref.store %parallel_loop3A_1015, %arg20[%parallel_loop3A_1016] : memref<200xf32, #tpu.memory_space<smem>>
      } {sc.loop_unroll_factor = 8 : i64, sc.parallel_access}
      %parallel_loop3A_606 = arith.constant 0 : i32
      %parallel_loop3A_607 = arith.constant 200 : i32
      %parallel_loop3A_608 = arith.constant 1 : i32
      %parallel_loop3A_609 = arith.constant 1 : i32
      %parallel_loop3A_610 = arith.constant 1 : i32
      scf.for %parallel_loop3A_939 = %parallel_loop3A_606 to %parallel_loop3A_607 step %parallel_loop3A_608  : i32 {
        %parallel_loop3A_940 = arith.index_cast %parallel_loop3A_939 : i32 to index
        %parallel_loop3A_941 = memref.load %arg19[%parallel_loop3A_940] : memref<200xf32, #tpu.memory_space<smem>>
        %parallel_loop3A_942 = arith.index_cast %parallel_loop3A_939 : i32 to index
        %parallel_loop3A_943 = memref.load %arg20[%parallel_loop3A_942] : memref<200xf32, #tpu.memory_space<smem>>
        %parallel_loop3A_944 = arith.constant 0 : i32
        %parallel_loop3A_945 = arith.constant 0 : i32
        %parallel_loop3A_946 = tpu.memref_slice %arg13[%parallel_loop3A_609, %parallel_loop3A_944, %parallel_loop3A_945] : memref<2x200x64xf32, #tpu.memory_space<vmem>> -> memref<1x200x64xf32, #tpu.memory_space<vmem>>
        %parallel_loop3A_947 = tpu.memref_squeeze %parallel_loop3A_946 : memref<1x200x64xf32, #tpu.memory_space<vmem>> -> memref<200x64xf32, #tpu.memory_space<vmem>>
        %parallel_loop3A_948 = arith.index_cast %parallel_loop3A_939 : i32 to index
        %parallel_loop3A_949 = arith.constant 0 : index
        %parallel_loop3A_950 = tpu.vector_load %parallel_loop3A_947[%parallel_loop3A_948, %parallel_loop3A_949] {strides = array<i32>} : memref<200x64xf32, #tpu.memory_space<vmem>>, vector<16xf32>,
        %parallel_loop3A_951 = vector.broadcast %parallel_loop3A_941 : f32 to vector<16xf32>
        %parallel_loop3A_952 = arith.subf %parallel_loop3A_950, %parallel_loop3A_951 : vector<16xf32>
        %parallel_loop3A_953 = vector.broadcast %parallel_loop3A_943 : f32 to vector<16xf32>
        %parallel_loop3A_954 = arith.mulf %parallel_loop3A_953, %get3A_1 : vector<16xf32>
        %parallel_loop3A_955 = arith.mulf %parallel_loop3A_952, %parallel_loop3A_954 : vector<16xf32>
        %parallel_loop3A_956 = arith.addf %parallel_loop3A_955, %get3A_9 : vector<16xf32>
        %parallel_loop3A_957 = arith.constant 0 : i32
        %parallel_loop3A_958 = arith.constant 0 : i32
        %parallel_loop3A_959 = tpu.memref_slice %arg15[%parallel_loop3A_610, %parallel_loop3A_957, %parallel_loop3A_958] : memref<2x200x64xf32, #tpu.memory_space<vmem>> -> memref<1x200x64xf32, #tpu.memory_space<vmem>>
        %parallel_loop3A_960 = tpu.memref_squeeze %parallel_loop3A_959 : memref<1x200x64xf32, #tpu.memory_space<vmem>> -> memref<200x64xf32, #tpu.memory_space<vmem>>
        %parallel_loop3A_961 = arith.index_cast %parallel_loop3A_939 : i32 to index
        %parallel_loop3A_962 = arith.constant 0 : index
        %parallel_loop3A_963 = tpu.vector_load %parallel_loop3A_960[%parallel_loop3A_961, %parallel_loop3A_962] {strides = array<i32>} : memref<200x64xf32, #tpu.memory_space<vmem>>, vector<16xf32>,
        %parallel_loop3A_964 = arith.addf %parallel_loop3A_956, %parallel_loop3A_963 : vector<16xf32>
        %parallel_loop3A_965 = arith.constant 0 : i32
        %parallel_loop3A_966 = arith.constant 0 : i32
        %parallel_loop3A_967 = tpu.memref_slice %arg13[%parallel_loop3A_609, %parallel_loop3A_965, %parallel_loop3A_966] : memref<2x200x64xf32, #tpu.memory_space<vmem>> -> memref<1x200x64xf32, #tpu.memory_space<vmem>>
        %parallel_loop3A_968 = tpu.memref_squeeze %parallel_loop3A_967 : memref<1x200x64xf32, #tpu.memory_space<vmem>> -> memref<200x64xf32, #tpu.memory_space<vmem>>
        %parallel_loop3A_969 = arith.index_cast %parallel_loop3A_939 : i32 to index
        %parallel_loop3A_970 = arith.constant 0 : index
        %parallel_loop3A_971 = tpu.vector_load %parallel_loop3A_968[%parallel_loop3A_969, %parallel_loop3A_970] {strides = array<i32>} : memref<200x64xf32, #tpu.memory_space<vmem>>, vector<16xf32>,
        tpu.vector_store %parallel_loop3A_968[%parallel_loop3A_969, %parallel_loop3A_970], %parallel_loop3A_964 {strides = array<i32>} : memref<200x64xf32, #tpu.memory_space<vmem>>, vector<16xf32>,
        %parallel_loop3A_972 = arith.constant 0 : i32
        %parallel_loop3A_973 = arith.constant 0 : i32
        %parallel_loop3A_974 = tpu.memref_slice %arg13[%parallel_loop3A_609, %parallel_loop3A_972, %parallel_loop3A_973] : memref<2x200x64xf32, #tpu.memory_space<vmem>> -> memref<1x200x64xf32, #tpu.memory_space<vmem>>
        %parallel_loop3A_975 = tpu.memref_squeeze %parallel_loop3A_974 : memref<1x200x64xf32, #tpu.memory_space<vmem>> -> memref<200x64xf32, #tpu.memory_space<vmem>>
        %parallel_loop3A_976 = arith.index_cast %parallel_loop3A_939 : i32 to index
        %parallel_loop3A_977 = arith.constant 16 : index
        %parallel_loop3A_978 = tpu.vector_load %parallel_loop3A_975[%parallel_loop3A_976, %parallel_loop3A_977] {strides = array<i32>} : memref<200x64xf32, #tpu.memory_space<vmem>>, vector<16xf32>,
        %parallel_loop3A_979 = vector.broadcast %parallel_loop3A_941 : f32 to vector<16xf32>
        %parallel_loop3A_980 = arith.subf %parallel_loop3A_978, %parallel_loop3A_979 : vector<16xf32>
        %parallel_loop3A_981 = vector.broadcast %parallel_loop3A_943 : f32 to vector<16xf32>
        %parallel_loop3A_982 = arith.mulf %parallel_loop3A_981, %get3A_3 : vector<16xf32>
        %parallel_loop3A_983 = arith.mulf %parallel_loop3A_980, %parallel_loop3A_982 : vector<16xf32>
        %parallel_loop3A_984 = arith.addf %parallel_loop3A_983, %get3A_11 : vector<16xf32>
        %parallel_loop3A_985 = arith.constant 0 : i32
        %parallel_loop3A_986 = arith.constant 0 : i32
        %parallel_loop3A_987 = tpu.memref_slice %arg15[%parallel_loop3A_610, %parallel_loop3A_985, %parallel_loop3A_986] : memref<2x200x64xf32, #tpu.memory_space<vmem>> -> memref<1x200x64xf32, #tpu.memory_space<vmem>>
        %parallel_loop3A_988 = tpu.memref_squeeze %parallel_loop3A_987 : memref<1x200x64xf32, #tpu.memory_space<vmem>> -> memref<200x64xf32, #tpu.memory_space<vmem>>
        %parallel_loop3A_989 = arith.index_cast %parallel_loop3A_939 : i32 to index
        %parallel_loop3A_990 = arith.constant 16 : index
        %parallel_loop3A_991 = tpu.vector_load %parallel_loop3A_988[%parallel_loop3A_989, %parallel_loop3A_990] {strides = array<i32>} : memref<200x64xf32, #tpu.memory_space<vmem>>, vector<16xf32>,
        %parallel_loop3A_992 = arith.addf %parallel_loop3A_984, %parallel_loop3A_991 : vector<16xf32>
        %parallel_loop3A_993 = arith.constant 0 : i32
        %parallel_loop3A_994 = arith.constant 0 : i32
        %parallel_loop3A_995 = tpu.memref_slice %arg13[%parallel_loop3A_609, %parallel_loop3A_993, %parallel_loop3A_994] : memref<2x200x64xf32, #tpu.memory_space<vmem>> -> memref<1x200x64xf32, #tpu.memory_space<vmem>>
        %parallel_loop3A_996 = tpu.memref_squeeze %parallel_loop3A_995 : memref<1x200x64xf32, #tpu.memory_space<vmem>> -> memref<200x64xf32, #tpu.memory_space<vmem>>
        %parallel_loop3A_997 = arith.index_cast %parallel_loop3A_939 : i32 to index
        %parallel_loop3A_998 = arith.constant 16 : index
        %parallel_loop3A_999 = tpu.vector_load %parallel_loop3A_996[%parallel_loop3A_997, %parallel_loop3A_998] {strides = array<i32>} : memref<200x64xf32, #tpu.memory_space<vmem>>, vector<16xf32>,
        tpu.vector_store %parallel_loop3A_996[%parallel_loop3A_997, %parallel_loop3A_998], %parallel_loop3A_992 {strides = array<i32>} : memref<200x64xf32, #tpu.memory_space<vmem>>, vector<16xf32>,
        %parallel_loop3A_1000 = arith.constant 0 : i32
        %parallel_loop3A_1001 = arith.constant 0 : i32
        %parallel_loop3A_1002 = tpu.memref_slice %arg13[%parallel_loop3A_609, %parallel_loop3A_1000, %parallel_loop3A_1001] : memref<2x200x64xf32, #tpu.memory_space<vmem>> -> memref<1x200x64xf32, #tpu.memory_space<vmem>>
        %parallel_loop3A_1003 = tpu.memref_squeeze %parallel_loop3A_1002 : memref<1x200x64xf32, #tpu.memory_space<vmem>> -> memref<200x64xf32, #tpu.memory_space<vmem>>
        %parallel_loop3A_1004 = arith.index_cast %parallel_loop3A_939 : i32 to index
        %parallel_loop3A_1005 = arith.constant 32 : index
        %parallel_loop3A_1006 = tpu.vector_load %parallel_loop3A_1003[%parallel_loop3A_1004, %parallel_loop3A_1005] {strides = array<i32>} : memref<200x64xf32, #tpu.memory_space<vmem>>, vector<16xf32>,
        %parallel_loop3A_1007 = vector.broadcast %parallel_loop3A_941 : f32 to vector<16xf32>
        %parallel_loop3A_1008 = arith.subf %parallel_loop3A_1006, %parallel_loop3A_1007 : vector<16xf32>
        %parallel_loop3A_1009 = vector.broadcast %parallel_loop3A_943 : f32 to vector<16xf32>
        %parallel_loop3A_1010 = arith.mulf %parallel_loop3A_1009, %get3A_5 : vector<16xf32>
        %parallel_loop3A_1011 = arith.mulf %parallel_loop3A_1008, %parallel_loop3A_1010 : vector<16xf32>
        %parallel_loop3A_1012 = arith.addf %parallel_loop3A_1011, %get3A_13 : vector<16xf32>
        %parallel_loop3A_1013 = arith.constant 0 : i32
        %parallel_loop3A_1014 = arith.constant 0 : i32
        %parallel_loop3A_1015 = tpu.memref_slice %arg15[%parallel_loop3A_610, %parallel_loop3A_1013, %parallel_loop3A_1014] : memref<2x200x64xf32, #tpu.memory_space<vmem>> -> memref<1x200x64xf32, #tpu.memory_space<vmem>>
        %parallel_loop3A_1016 = tpu.memref_squeeze %parallel_loop3A_1015 : memref<1x200x64xf32, #tpu.memory_space<vmem>> -> memref<200x64xf32, #tpu.memory_space<vmem>>
        %parallel_loop3A_1017 = arith.index_cast %parallel_loop3A_939 : i32 to index
        %parallel_loop3A_1018 = arith.constant 32 : index
        %parallel_loop3A_1019 = tpu.vector_load %parallel_loop3A_1016[%parallel_loop3A_1017, %parallel_loop3A_1018] {strides = array<i32>} : memref<200x64xf32, #tpu.memory_space<vmem>>, vector<16xf32>,
        %parallel_loop3A_1020 = arith.addf %parallel_loop3A_1012, %parallel_loop3A_1019 : vector<16xf32>
        %parallel_loop3A_1021 = arith.constant 0 : i32
        %parallel_loop3A_1022 = arith.constant 0 : i32
        %parallel_loop3A_1023 = tpu.memref_slice %arg13[%parallel_loop3A_609, %parallel_loop3A_1021, %parallel_loop3A_1022] : memref<2x200x64xf32, #tpu.memory_space<vmem>> -> memref<1x200x64xf32, #tpu.memory_space<vmem>>
        %parallel_loop3A_1024 = tpu.memref_squeeze %parallel_loop3A_1023 : memref<1x200x64xf32, #tpu.memory_space<vmem>> -> memref<200x64xf32, #tpu.memory_space<vmem>>
        %parallel_loop3A_1025 = arith.index_cast %parallel_loop3A_939 : i32 to index
        %parallel_loop3A_1026 = arith.constant 32 : index
        %parallel_loop3A_1027 = tpu.vector_load %parallel_loop3A_1024[%parallel_loop3A_1025, %parallel_loop3A_1026] {strides = array<i32>} : memref<200x64xf32, #tpu.memory_space<vmem>>, vector<16xf32>,
        tpu.vector_store %parallel_loop3A_1024[%parallel_loop3A_1025, %parallel_loop3A_1026], %parallel_loop3A_1020 {strides = array<i32>} : memref<200x64xf32, #tpu.memory_space<vmem>>, vector<16xf32>,
        %parallel_loop3A_1028 = arith.constant 0 : i32
        %parallel_loop3A_1029 = arith.constant 0 : i32
        %parallel_loop3A_1030 = tpu.memref_slice %arg13[%parallel_loop3A_609, %parallel_loop3A_1028, %parallel_loop3A_1029] : memref<2x200x64xf32, #tpu.memory_space<vmem>> -> memref<1x200x64xf32, #tpu.memory_space<vmem>>
        %parallel_loop3A_1031 = tpu.memref_squeeze %parallel_loop3A_1030 : memref<1x200x64xf32, #tpu.memory_space<vmem>> -> memref<200x64xf32, #tpu.memory_space<vmem>>
        %parallel_loop3A_1032 = arith.index_cast %parallel_loop3A_939 : i32 to index
        %parallel_loop3A_1033 = arith.constant 48 : index
        %parallel_loop3A_1034 = tpu.vector_load %parallel_loop3A_1031[%parallel_loop3A_1032, %parallel_loop3A_1033] {strides = array<i32>} : memref<200x64xf32, #tpu.memory_space<vmem>>, vector<16xf32>,
        %parallel_loop3A_1035 = vector.broadcast %parallel_loop3A_941 : f32 to vector<16xf32>
        %parallel_loop3A_1036 = arith.subf %parallel_loop3A_1034, %parallel_loop3A_1035 : vector<16xf32>
        %parallel_loop3A_1037 = vector.broadcast %parallel_loop3A_943 : f32 to vector<16xf32>
        %parallel_loop3A_1038 = arith.mulf %parallel_loop3A_1037, %get3A_7 : vector<16xf32>
        %parallel_loop3A_1039 = arith.mulf %parallel_loop3A_1036, %parallel_loop3A_1038 : vector<16xf32>
        %parallel_loop3A_1040 = arith.addf %parallel_loop3A_1039, %get3A_15 : vector<16xf32>
        %parallel_loop3A_1041 = arith.constant 0 : i32
        %parallel_loop3A_1042 = arith.constant 0 : i32
        %parallel_loop3A_1043 = tpu.memref_slice %arg15[%parallel_loop3A_610, %parallel_loop3A_1041, %parallel_loop3A_1042] : memref<2x200x64xf32, #tpu.memory_space<vmem>> -> memref<1x200x64xf32, #tpu.memory_space<vmem>>
        %parallel_loop3A_1044 = tpu.memref_squeeze %parallel_loop3A_1043 : memref<1x200x64xf32, #tpu.memory_space<vmem>> -> memref<200x64xf32, #tpu.memory_space<vmem>>
        %parallel_loop3A_1045 = arith.index_cast %parallel_loop3A_939 : i32 to index
        %parallel_loop3A_1046 = arith.constant 48 : index
        %parallel_loop3A_1047 = tpu.vector_load %parallel_loop3A_1044[%parallel_loop3A_1045, %parallel_loop3A_1046] {strides = array<i32>} : memref<200x64xf32, #tpu.memory_space<vmem>>, vector<16xf32>,
        %parallel_loop3A_1048 = arith.addf %parallel_loop3A_1040, %parallel_loop3A_1047 : vector<16xf32>
        %parallel_loop3A_1049 = arith.constant 0 : i32
        %parallel_loop3A_1050 = arith.constant 0 : i32
        %parallel_loop3A_1051 = tpu.memref_slice %arg13[%parallel_loop3A_609, %parallel_loop3A_1049, %parallel_loop3A_1050] : memref<2x200x64xf32, #tpu.memory_space<vmem>> -> memref<1x200x64xf32, #tpu.memory_space<vmem>>
        %parallel_loop3A_1052 = tpu.memref_squeeze %parallel_loop3A_1051 : memref<1x200x64xf32, #tpu.memory_space<vmem>> -> memref<200x64xf32, #tpu.memory_space<vmem>>
        %parallel_loop3A_1053 = arith.index_cast %parallel_loop3A_939 : i32 to index
        %parallel_loop3A_1054 = arith.constant 48 : index
        %parallel_loop3A_1055 = tpu.vector_load %parallel_loop3A_1052[%parallel_loop3A_1053, %parallel_loop3A_1054] {strides = array<i32>} : memref<200x64xf32, #tpu.memory_space<vmem>>, vector<16xf32>,
        tpu.vector_store %parallel_loop3A_1052[%parallel_loop3A_1053, %parallel_loop3A_1054], %parallel_loop3A_1048 {strides = array<i32>} : memref<200x64xf32, #tpu.memory_space<vmem>>, vector<16xf32>,
      } {sc.loop_unroll_factor = 4 : i64, sc.parallel_access}
      %mul3A_611 = arith.constant 2 : i32
      %mul3A_612 = arith.muli %mul3A_309, %mul3A_611 : i32
      %add3A_613 = arith.addi %mul3A_17, %mul3A_612 : i32
      %dma_start3A_614 = arith.constant 0 : i32
      %dma_start3A_615 = arith.constant 0 : i32
      %dma_start3A_616 = tpu.memref_slice %arg8[%add3A_613, %dma_start3A_614, %dma_start3A_615] : memref<4096x200x64xf32, #tpu.memory_space<hbm>> -> memref<2x200x64xf32, #tpu.memory_space<hbm>>
      %dma_start3A_617 = arith.constant 0 : i32
      %dma_start3A_618 = arith.constant 0 : i32
      %dma_start3A_619 = tpu.memref_slice %arg8[%add3A_613, %dma_start3A_617, %dma_start3A_618] : memref<4096x200x64xf32, #tpu.memory_space<hbm>> -> memref<2x200x64xf32, #tpu.memory_space<hbm>>
      tpu.enqueue_dma source(%arg13 : memref<2x200x64xf32, #tpu.memory_space<vmem>>) target(%dma_start3A_619 : memref<2x200x64xf32, #tpu.memory_space<hbm>>) target_semaphore(%arg25 : memref<!tpu.dma_semaphore, #tpu.memory_space<semaphore_mem>>)
      %mul3A_620 = arith.constant 2 : i32
      %mul3A_621 = arith.muli %mul3A_620, %scan3A_307 : i32
      %add3A_622 = arith.constant 1 : i32
      %add3A_623 = arith.addi %mul3A_621, %add3A_622 : i32
      %dma_wait3A_624 = arith.constant 0 : i32
      %dma_wait3A_625 = arith.constant 0 : i32
      %dma_wait3A_626 = arith.constant 0 : i32
      %dma_wait3A_627 = tpu.memref_slice %arg8[%dma_wait3A_624, %dma_wait3A_625, %dma_wait3A_626] : memref<4096x200x64xf32, #tpu.memory_space<hbm>> -> memref<2x200x64xf32, #tpu.memory_space<hbm>>
      %dma_wait3A_628 = arith.constant 0 : i32
      %dma_wait3A_629 = arith.constant 0 : i32
      %dma_wait3A_630 = arith.constant 0 : i32
      %dma_wait3A_631 = tpu.memref_slice %arg8[%dma_wait3A_628, %dma_wait3A_629, %dma_wait3A_630] : memref<4096x200x64xf32, #tpu.memory_space<hbm>> -> memref<2x200x64xf32, #tpu.memory_space<hbm>>
      tpu.wait_dma2 semaphore(%arg24 : memref<!tpu.dma_semaphore, #tpu.memory_space<semaphore_mem>>) src(%dma_wait3A_631 : memref<2x200x64xf32, #tpu.memory_space<hbm>>) dst(%arg14 : memref<2x200x64xf32, #tpu.memory_space<vmem>>)
      %dma_wait3A_632 = arith.constant 0 : i32
      %dma_wait3A_633 = arith.constant 0 : i32
      %dma_wait3A_634 = arith.constant 0 : i32
      %dma_wait3A_635 = tpu.memref_slice %arg8[%dma_wait3A_632, %dma_wait3A_633, %dma_wait3A_634] : memref<4096x200x64xf32, #tpu.memory_space<hbm>> -> memref<2x200x64xf32, #tpu.memory_space<hbm>>
      %dma_wait3A_636 = arith.constant 0 : i32
      %dma_wait3A_637 = arith.constant 0 : i32
      %dma_wait3A_638 = arith.constant 0 : i32
      %dma_wait3A_639 = tpu.memref_slice %arg8[%dma_wait3A_636, %dma_wait3A_637, %dma_wait3A_638] : memref<4096x200x64xf32, #tpu.memory_space<hbm>> -> memref<2x200x64xf32, #tpu.memory_space<hbm>>
      tpu.wait_dma2 semaphore(%arg24 : memref<!tpu.dma_semaphore, #tpu.memory_space<semaphore_mem>>) src(%dma_wait3A_639 : memref<2x200x64xf32, #tpu.memory_space<hbm>>) dst(%arg16 : memref<2x200x64xf32, #tpu.memory_space<vmem>>)
      %add3A_640 = arith.constant 2 : i32
      %add3A_641 = arith.addi %add3A_623, %add3A_640 : i32
      %min3A_642 = arith.constant 63 : i32
      %min3A_643 = arith.minsi %add3A_641, %min3A_642 : i32
      %mul3A_644 = arith.constant 2 : i32
      %mul3A_645 = arith.muli %min3A_643, %mul3A_644 : i32
      %add3A_646 = arith.addi %mul3A_17, %mul3A_645 : i32
      %dma_start3A_647 = arith.constant 0 : i32
      %dma_start3A_648 = tpu.memref_slice %arg3[%add3A_646, %dma_start3A_647] : memref<4096x200xi32, #tpu.memory_space<hbm>> -> memref<2x200xi32, #tpu.memory_space<hbm>>
      %dma_start3A_649 = arith.constant 0 : i32
      %dma_start3A_650 = tpu.memref_slice %arg3[%add3A_646, %dma_start3A_649] : memref<4096x200xi32, #tpu.memory_space<hbm>> -> memref<2x200xi32, #tpu.memory_space<hbm>>
      tpu.enqueue_dma source(%dma_start3A_650 : memref<2x200xi32, #tpu.memory_space<hbm>>) target(%arg10 : memref<2x200xi32, #tpu.memory_space<vmem>>) target_semaphore(%arg22 : memref<!tpu.dma_semaphore, #tpu.memory_space<semaphore_mem>>)
      %dma_start3A_651 = arith.constant 0 : i32
      %dma_start3A_652 = tpu.memref_slice %arg4[%add3A_646, %dma_start3A_651] : memref<4096x200xi32, #tpu.memory_space<hbm>> -> memref<2x200xi32, #tpu.memory_space<hbm>>
      %dma_start3A_653 = arith.constant 0 : i32
      %dma_start3A_654 = tpu.memref_slice %arg4[%add3A_646, %dma_start3A_653] : memref<4096x200xi32, #tpu.memory_space<hbm>> -> memref<2x200xi32, #tpu.memory_space<hbm>>
      tpu.enqueue_dma source(%dma_start3A_654 : memref<2x200xi32, #tpu.memory_space<hbm>>) target(%arg12 : memref<2x200xi32, #tpu.memory_space<vmem>>) target_semaphore(%arg22 : memref<!tpu.dma_semaphore, #tpu.memory_space<semaphore_mem>>)
      %dma_wait3A_655 = arith.constant 0 : i32
      %dma_wait3A_656 = arith.constant 0 : i32
      %dma_wait3A_657 = tpu.memref_slice %arg3[%dma_wait3A_655, %dma_wait3A_656] : memref<4096x200xi32, #tpu.memory_space<hbm>> -> memref<2x200xi32, #tpu.memory_space<hbm>>
      %dma_wait3A_658 = arith.constant 0 : i32
      %dma_wait3A_659 = arith.constant 0 : i32
      %dma_wait3A_660 = tpu.memref_slice %arg3[%dma_wait3A_658, %dma_wait3A_659] : memref<4096x200xi32, #tpu.memory_space<hbm>> -> memref<2x200xi32, #tpu.memory_space<hbm>>
      tpu.wait_dma2 semaphore(%arg21 : memref<!tpu.dma_semaphore, #tpu.memory_space<semaphore_mem>>) src(%dma_wait3A_660 : memref<2x200xi32, #tpu.memory_space<hbm>>) dst(%arg9 : memref<2x200xi32, #tpu.memory_space<vmem>>)
      %dma_wait3A_661 = arith.constant 0 : i32
      %dma_wait3A_662 = arith.constant 0 : i32
      %dma_wait3A_663 = tpu.memref_slice %arg4[%dma_wait3A_661, %dma_wait3A_662] : memref<4096x200xi32, #tpu.memory_space<hbm>> -> memref<2x200xi32, #tpu.memory_space<hbm>>
      %dma_wait3A_664 = arith.constant 0 : i32
      %dma_wait3A_665 = arith.constant 0 : i32
      %dma_wait3A_666 = tpu.memref_slice %arg4[%dma_wait3A_664, %dma_wait3A_665] : memref<4096x200xi32, #tpu.memory_space<hbm>> -> memref<2x200xi32, #tpu.memory_space<hbm>>
      tpu.wait_dma2 semaphore(%arg21 : memref<!tpu.dma_semaphore, #tpu.memory_space<semaphore_mem>>) src(%dma_wait3A_666 : memref<2x200xi32, #tpu.memory_space<hbm>>) dst(%arg11 : memref<2x200xi32, #tpu.memory_space<vmem>>)
      %ge3A_667 = arith.constant 1 : i32
      %ge3A_668 = arith.cmpi sge, %add3A_623, %ge3A_667 : i32
      %convert_element_type3A_669 = arith.extui %ge3A_668 : i1 to i32
      %cond3A_670 = arith.constant 0 : i32
      %cond3A_671 = arith.cmpi ne, %convert_element_type3A_669, %cond3A_670 : i32
      scf.if %cond3A_671 {
        %dma_wait3A_939 = arith.constant 0 : i32
        %dma_wait3A_940 = arith.constant 0 : i32
        %dma_wait3A_941 = arith.constant 0 : i32
        %dma_wait3A_942 = tpu.memref_slice %arg8[%dma_wait3A_939, %dma_wait3A_940, %dma_wait3A_941] : memref<4096x200x64xf32, #tpu.memory_space<hbm>> -> memref<2x200x64xf32, #tpu.memory_space<hbm>>
        %dma_wait3A_943 = arith.constant 0 : i32
        %dma_wait3A_944 = arith.constant 0 : i32
        %dma_wait3A_945 = arith.constant 0 : i32
        %dma_wait3A_946 = tpu.memref_slice %arg8[%dma_wait3A_943, %dma_wait3A_944, %dma_wait3A_945] : memref<4096x200x64xf32, #tpu.memory_space<hbm>> -> memref<2x200x64xf32, #tpu.memory_space<hbm>>
        tpu.wait_dma2 semaphore(%arg25 : memref<!tpu.dma_semaphore, #tpu.memory_space<semaphore_mem>>) src(%dma_wait3A_946 : memref<2x200x64xf32, #tpu.memory_space<hbm>>) dst(%arg13 : memref<2x200x64xf32, #tpu.memory_space<vmem>>)
      } else {
      }
      %dma_start3A_672 = arith.constant 0 : i32
      %dma_start3A_673 = arith.constant 0 : i32
      %dma_start3A_674 = arith.constant 0 : i32
      %dma_start3A_675 = arith.constant 0 : i32
      %dma_start3A_676 = tpu.memref_slice %arg13[%dma_start3A_673, %dma_start3A_674, %dma_start3A_675] : memref<2x200x64xf32, #tpu.memory_space<vmem>> -> memref<1x40x64xf32, #tpu.memory_space<vmem>>
      %dma_start3A_677 = tpu.memref_squeeze %dma_start3A_676 : memref<1x40x64xf32, #tpu.memory_space<vmem>> -> memref<40x64xf32, #tpu.memory_space<vmem>>
      %dma_start3A_678 = arith.constant 0 : i32
      %dma_start3A_679 = tpu.memref_slice %arg9[%dma_start3A_672, %dma_start3A_678] : memref<2x200xi32, #tpu.memory_space<vmem>> -> memref<1x40xi32, #tpu.memory_space<vmem>>
      %dma_start3A_680 = tpu.memref_squeeze %dma_start3A_679 : memref<1x40xi32, #tpu.memory_space<vmem>> -> memref<40xi32, #tpu.memory_space<vmem>>
      %dma_start3A_681 = arith.constant 0 : i32
      %dma_start3A_682 = arith.constant 0 : i32
      %dma_start3A_683 = tpu.memref_slice %arg2[%dma_start3A_681, %dma_start3A_682] : memref<1000000x64xf32, #tpu.memory_space<hbm>> -> memref<1000000x64xf32, #tpu.memory_space<hbm>>
      tpu.enqueue_indirect_dma source(%dma_start3A_683 : memref<1000000x64xf32, #tpu.memory_space<hbm>>) target(%dma_start3A_677 : memref<40x64xf32, #tpu.memory_space<vmem>>) offsets(%dma_start3A_680 : memref<40xi32, #tpu.memory_space<vmem>>) semaphore(%arg23 : memref<!tpu.dma_semaphore, #tpu.memory_space<semaphore_mem>>)
      %dma_start3A_684 = arith.constant 0 : i32
      %dma_start3A_685 = arith.constant 0 : i32
      %dma_start3A_686 = arith.constant 0 : i32
      %dma_start3A_687 = arith.constant 0 : i32
      %dma_start3A_688 = tpu.memref_slice %arg15[%dma_start3A_685, %dma_start3A_686, %dma_start3A_687] : memref<2x200x64xf32, #tpu.memory_space<vmem>> -> memref<1x40x64xf32, #tpu.memory_space<vmem>>
      %dma_start3A_689 = tpu.memref_squeeze %dma_start3A_688 : memref<1x40x64xf32, #tpu.memory_space<vmem>> -> memref<40x64xf32, #tpu.memory_space<vmem>>
      %dma_start3A_690 = arith.constant 0 : i32
      %dma_start3A_691 = tpu.memref_slice %arg11[%dma_start3A_684, %dma_start3A_690] : memref<2x200xi32, #tpu.memory_space<vmem>> -> memref<1x40xi32, #tpu.memory_space<vmem>>
      %dma_start3A_692 = tpu.memref_squeeze %dma_start3A_691 : memref<1x40xi32, #tpu.memory_space<vmem>> -> memref<40xi32, #tpu.memory_space<vmem>>
      %dma_start3A_693 = arith.constant 0 : i32
      %dma_start3A_694 = arith.constant 0 : i32
      %dma_start3A_695 = tpu.memref_slice %arg5[%dma_start3A_693, %dma_start3A_694] : memref<2048x64xf32, #tpu.memory_space<hbm>> -> memref<2048x64xf32, #tpu.memory_space<hbm>>
      tpu.enqueue_indirect_dma source(%dma_start3A_695 : memref<2048x64xf32, #tpu.memory_space<hbm>>) target(%dma_start3A_689 : memref<40x64xf32, #tpu.memory_space<vmem>>) offsets(%dma_start3A_692 : memref<40xi32, #tpu.memory_space<vmem>>) semaphore(%arg23 : memref<!tpu.dma_semaphore, #tpu.memory_space<semaphore_mem>>)
      %dma_start3A_696 = arith.constant 0 : i32
      %dma_start3A_697 = arith.constant 0 : i32
      %dma_start3A_698 = arith.constant 40 : i32
      %dma_start3A_699 = arith.constant 0 : i32
      %dma_start3A_700 = tpu.memref_slice %arg13[%dma_start3A_697, %dma_start3A_698, %dma_start3A_699] : memref<2x200x64xf32, #tpu.memory_space<vmem>> -> memref<1x40x64xf32, #tpu.memory_space<vmem>>
      %dma_start3A_701 = tpu.memref_squeeze %dma_start3A_700 : memref<1x40x64xf32, #tpu.memory_space<vmem>> -> memref<40x64xf32, #tpu.memory_space<vmem>>
      %dma_start3A_702 = arith.constant 40 : i32
      %dma_start3A_703 = tpu.memref_slice %arg9[%dma_start3A_696, %dma_start3A_702] : memref<2x200xi32, #tpu.memory_space<vmem>> -> memref<1x40xi32, #tpu.memory_space<vmem>>
      %dma_start3A_704 = tpu.memref_squeeze %dma_start3A_703 : memref<1x40xi32, #tpu.memory_space<vmem>> -> memref<40xi32, #tpu.memory_space<vmem>>
      %dma_start3A_705 = arith.constant 0 : i32
      %dma_start3A_706 = arith.constant 0 : i32
      %dma_start3A_707 = tpu.memref_slice %arg2[%dma_start3A_705, %dma_start3A_706] : memref<1000000x64xf32, #tpu.memory_space<hbm>> -> memref<1000000x64xf32, #tpu.memory_space<hbm>>
      tpu.enqueue_indirect_dma source(%dma_start3A_707 : memref<1000000x64xf32, #tpu.memory_space<hbm>>) target(%dma_start3A_701 : memref<40x64xf32, #tpu.memory_space<vmem>>) offsets(%dma_start3A_704 : memref<40xi32, #tpu.memory_space<vmem>>) semaphore(%arg23 : memref<!tpu.dma_semaphore, #tpu.memory_space<semaphore_mem>>)
      %dma_start3A_708 = arith.constant 0 : i32
      %dma_start3A_709 = arith.constant 0 : i32
      %dma_start3A_710 = arith.constant 40 : i32
      %dma_start3A_711 = arith.constant 0 : i32
      %dma_start3A_712 = tpu.memref_slice %arg15[%dma_start3A_709, %dma_start3A_710, %dma_start3A_711] : memref<2x200x64xf32, #tpu.memory_space<vmem>> -> memref<1x40x64xf32, #tpu.memory_space<vmem>>
      %dma_start3A_713 = tpu.memref_squeeze %dma_start3A_712 : memref<1x40x64xf32, #tpu.memory_space<vmem>> -> memref<40x64xf32, #tpu.memory_space<vmem>>
      %dma_start3A_714 = arith.constant 40 : i32
      %dma_start3A_715 = tpu.memref_slice %arg11[%dma_start3A_708, %dma_start3A_714] : memref<2x200xi32, #tpu.memory_space<vmem>> -> memref<1x40xi32, #tpu.memory_space<vmem>>
      %dma_start3A_716 = tpu.memref_squeeze %dma_start3A_715 : memref<1x40xi32, #tpu.memory_space<vmem>> -> memref<40xi32, #tpu.memory_space<vmem>>
      %dma_start3A_717 = arith.constant 0 : i32
      %dma_start3A_718 = arith.constant 0 : i32
      %dma_start3A_719 = tpu.memref_slice %arg5[%dma_start3A_717, %dma_start3A_718] : memref<2048x64xf32, #tpu.memory_space<hbm>> -> memref<2048x64xf32, #tpu.memory_space<hbm>>
      tpu.enqueue_indirect_dma source(%dma_start3A_719 : memref<2048x64xf32, #tpu.memory_space<hbm>>) target(%dma_start3A_713 : memref<40x64xf32, #tpu.memory_space<vmem>>) offsets(%dma_start3A_716 : memref<40xi32, #tpu.memory_space<vmem>>) semaphore(%arg23 : memref<!tpu.dma_semaphore, #tpu.memory_space<semaphore_mem>>)
      %dma_start3A_720 = arith.constant 0 : i32
      %dma_start3A_721 = arith.constant 0 : i32
      %dma_start3A_722 = arith.constant 80 : i32
      %dma_start3A_723 = arith.constant 0 : i32
      %dma_start3A_724 = tpu.memref_slice %arg13[%dma_start3A_721, %dma_start3A_722, %dma_start3A_723] : memref<2x200x64xf32, #tpu.memory_space<vmem>> -> memref<1x40x64xf32, #tpu.memory_space<vmem>>
      %dma_start3A_725 = tpu.memref_squeeze %dma_start3A_724 : memref<1x40x64xf32, #tpu.memory_space<vmem>> -> memref<40x64xf32, #tpu.memory_space<vmem>>
      %dma_start3A_726 = arith.constant 80 : i32
      %dma_start3A_727 = tpu.memref_slice %arg9[%dma_start3A_720, %dma_start3A_726] : memref<2x200xi32, #tpu.memory_space<vmem>> -> memref<1x40xi32, #tpu.memory_space<vmem>>
      %dma_start3A_728 = tpu.memref_squeeze %dma_start3A_727 : memref<1x40xi32, #tpu.memory_space<vmem>> -> memref<40xi32, #tpu.memory_space<vmem>>
      %dma_start3A_729 = arith.constant 0 : i32
      %dma_start3A_730 = arith.constant 0 : i32
      %dma_start3A_731 = tpu.memref_slice %arg2[%dma_start3A_729, %dma_start3A_730] : memref<1000000x64xf32, #tpu.memory_space<hbm>> -> memref<1000000x64xf32, #tpu.memory_space<hbm>>
      tpu.enqueue_indirect_dma source(%dma_start3A_731 : memref<1000000x64xf32, #tpu.memory_space<hbm>>) target(%dma_start3A_725 : memref<40x64xf32, #tpu.memory_space<vmem>>) offsets(%dma_start3A_728 : memref<40xi32, #tpu.memory_space<vmem>>) semaphore(%arg23 : memref<!tpu.dma_semaphore, #tpu.memory_space<semaphore_mem>>)
      %dma_start3A_732 = arith.constant 0 : i32
      %dma_start3A_733 = arith.constant 0 : i32
      %dma_start3A_734 = arith.constant 80 : i32
      %dma_start3A_735 = arith.constant 0 : i32
      %dma_start3A_736 = tpu.memref_slice %arg15[%dma_start3A_733, %dma_start3A_734, %dma_start3A_735] : memref<2x200x64xf32, #tpu.memory_space<vmem>> -> memref<1x40x64xf32, #tpu.memory_space<vmem>>
      %dma_start3A_737 = tpu.memref_squeeze %dma_start3A_736 : memref<1x40x64xf32, #tpu.memory_space<vmem>> -> memref<40x64xf32, #tpu.memory_space<vmem>>
      %dma_start3A_738 = arith.constant 80 : i32
      %dma_start3A_739 = tpu.memref_slice %arg11[%dma_start3A_732, %dma_start3A_738] : memref<2x200xi32, #tpu.memory_space<vmem>> -> memref<1x40xi32, #tpu.memory_space<vmem>>
      %dma_start3A_740 = tpu.memref_squeeze %dma_start3A_739 : memref<1x40xi32, #tpu.memory_space<vmem>> -> memref<40xi32, #tpu.memory_space<vmem>>
      %dma_start3A_741 = arith.constant 0 : i32
      %dma_start3A_742 = arith.constant 0 : i32
      %dma_start3A_743 = tpu.memref_slice %arg5[%dma_start3A_741, %dma_start3A_742] : memref<2048x64xf32, #tpu.memory_space<hbm>> -> memref<2048x64xf32, #tpu.memory_space<hbm>>
      tpu.enqueue_indirect_dma source(%dma_start3A_743 : memref<2048x64xf32, #tpu.memory_space<hbm>>) target(%dma_start3A_737 : memref<40x64xf32, #tpu.memory_space<vmem>>) offsets(%dma_start3A_740 : memref<40xi32, #tpu.memory_space<vmem>>) semaphore(%arg23 : memref<!tpu.dma_semaphore, #tpu.memory_space<semaphore_mem>>)
      %dma_start3A_744 = arith.constant 0 : i32
      %dma_start3A_745 = arith.constant 0 : i32
      %dma_start3A_746 = arith.constant 120 : i32
      %dma_start3A_747 = arith.constant 0 : i32
      %dma_start3A_748 = tpu.memref_slice %arg13[%dma_start3A_745, %dma_start3A_746, %dma_start3A_747] : memref<2x200x64xf32, #tpu.memory_space<vmem>> -> memref<1x40x64xf32, #tpu.memory_space<vmem>>
      %dma_start3A_749 = tpu.memref_squeeze %dma_start3A_748 : memref<1x40x64xf32, #tpu.memory_space<vmem>> -> memref<40x64xf32, #tpu.memory_space<vmem>>
      %dma_start3A_750 = arith.constant 120 : i32
      %dma_start3A_751 = tpu.memref_slice %arg9[%dma_start3A_744, %dma_start3A_750] : memref<2x200xi32, #tpu.memory_space<vmem>> -> memref<1x40xi32, #tpu.memory_space<vmem>>
      %dma_start3A_752 = tpu.memref_squeeze %dma_start3A_751 : memref<1x40xi32, #tpu.memory_space<vmem>> -> memref<40xi32, #tpu.memory_space<vmem>>
      %dma_start3A_753 = arith.constant 0 : i32
      %dma_start3A_754 = arith.constant 0 : i32
      %dma_start3A_755 = tpu.memref_slice %arg2[%dma_start3A_753, %dma_start3A_754] : memref<1000000x64xf32, #tpu.memory_space<hbm>> -> memref<1000000x64xf32, #tpu.memory_space<hbm>>
      tpu.enqueue_indirect_dma source(%dma_start3A_755 : memref<1000000x64xf32, #tpu.memory_space<hbm>>) target(%dma_start3A_749 : memref<40x64xf32, #tpu.memory_space<vmem>>) offsets(%dma_start3A_752 : memref<40xi32, #tpu.memory_space<vmem>>) semaphore(%arg23 : memref<!tpu.dma_semaphore, #tpu.memory_space<semaphore_mem>>)
      %dma_start3A_756 = arith.constant 0 : i32
      %dma_start3A_757 = arith.constant 0 : i32
      %dma_start3A_758 = arith.constant 120 : i32
      %dma_start3A_759 = arith.constant 0 : i32
      %dma_start3A_760 = tpu.memref_slice %arg15[%dma_start3A_757, %dma_start3A_758, %dma_start3A_759] : memref<2x200x64xf32, #tpu.memory_space<vmem>> -> memref<1x40x64xf32, #tpu.memory_space<vmem>>
      %dma_start3A_761 = tpu.memref_squeeze %dma_start3A_760 : memref<1x40x64xf32, #tpu.memory_space<vmem>> -> memref<40x64xf32, #tpu.memory_space<vmem>>
      %dma_start3A_762 = arith.constant 120 : i32
      %dma_start3A_763 = tpu.memref_slice %arg11[%dma_start3A_756, %dma_start3A_762] : memref<2x200xi32, #tpu.memory_space<vmem>> -> memref<1x40xi32, #tpu.memory_space<vmem>>
      %dma_start3A_764 = tpu.memref_squeeze %dma_start3A_763 : memref<1x40xi32, #tpu.memory_space<vmem>> -> memref<40xi32, #tpu.memory_space<vmem>>
      %dma_start3A_765 = arith.constant 0 : i32
      %dma_start3A_766 = arith.constant 0 : i32
      %dma_start3A_767 = tpu.memref_slice %arg5[%dma_start3A_765, %dma_start3A_766] : memref<2048x64xf32, #tpu.memory_space<hbm>> -> memref<2048x64xf32, #tpu.memory_space<hbm>>
      tpu.enqueue_indirect_dma source(%dma_start3A_767 : memref<2048x64xf32, #tpu.memory_space<hbm>>) target(%dma_start3A_761 : memref<40x64xf32, #tpu.memory_space<vmem>>) offsets(%dma_start3A_764 : memref<40xi32, #tpu.memory_space<vmem>>) semaphore(%arg23 : memref<!tpu.dma_semaphore, #tpu.memory_space<semaphore_mem>>)
      %dma_start3A_768 = arith.constant 0 : i32
      %dma_start3A_769 = arith.constant 0 : i32
      %dma_start3A_770 = arith.constant 160 : i32
      %dma_start3A_771 = arith.constant 0 : i32
      %dma_start3A_772 = tpu.memref_slice %arg13[%dma_start3A_769, %dma_start3A_770, %dma_start3A_771] : memref<2x200x64xf32, #tpu.memory_space<vmem>> -> memref<1x40x64xf32, #tpu.memory_space<vmem>>
      %dma_start3A_773 = tpu.memref_squeeze %dma_start3A_772 : memref<1x40x64xf32, #tpu.memory_space<vmem>> -> memref<40x64xf32, #tpu.memory_space<vmem>>
      %dma_start3A_774 = arith.constant 160 : i32
      %dma_start3A_775 = tpu.memref_slice %arg9[%dma_start3A_768, %dma_start3A_774] : memref<2x200xi32, #tpu.memory_space<vmem>> -> memref<1x40xi32, #tpu.memory_space<vmem>>
      %dma_start3A_776 = tpu.memref_squeeze %dma_start3A_775 : memref<1x40xi32, #tpu.memory_space<vmem>> -> memref<40xi32, #tpu.memory_space<vmem>>
      %dma_start3A_777 = arith.constant 0 : i32
      %dma_start3A_778 = arith.constant 0 : i32
      %dma_start3A_779 = tpu.memref_slice %arg2[%dma_start3A_777, %dma_start3A_778] : memref<1000000x64xf32, #tpu.memory_space<hbm>> -> memref<1000000x64xf32, #tpu.memory_space<hbm>>
      tpu.enqueue_indirect_dma source(%dma_start3A_779 : memref<1000000x64xf32, #tpu.memory_space<hbm>>) target(%dma_start3A_773 : memref<40x64xf32, #tpu.memory_space<vmem>>) offsets(%dma_start3A_776 : memref<40xi32, #tpu.memory_space<vmem>>) semaphore(%arg23 : memref<!tpu.dma_semaphore, #tpu.memory_space<semaphore_mem>>)
      %dma_start3A_780 = arith.constant 0 : i32
      %dma_start3A_781 = arith.constant 0 : i32
      %dma_start3A_782 = arith.constant 160 : i32
      %dma_start3A_783 = arith.constant 0 : i32
      %dma_start3A_784 = tpu.memref_slice %arg15[%dma_start3A_781, %dma_start3A_782, %dma_start3A_783] : memref<2x200x64xf32, #tpu.memory_space<vmem>> -> memref<1x40x64xf32, #tpu.memory_space<vmem>>
      %dma_start3A_785 = tpu.memref_squeeze %dma_start3A_784 : memref<1x40x64xf32, #tpu.memory_space<vmem>> -> memref<40x64xf32, #tpu.memory_space<vmem>>
      %dma_start3A_786 = arith.constant 160 : i32
      %dma_start3A_787 = tpu.memref_slice %arg11[%dma_start3A_780, %dma_start3A_786] : memref<2x200xi32, #tpu.memory_space<vmem>> -> memref<1x40xi32, #tpu.memory_space<vmem>>
      %dma_start3A_788 = tpu.memref_squeeze %dma_start3A_787 : memref<1x40xi32, #tpu.memory_space<vmem>> -> memref<40xi32, #tpu.memory_space<vmem>>
      %dma_start3A_789 = arith.constant 0 : i32
      %dma_start3A_790 = arith.constant 0 : i32
      %dma_start3A_791 = tpu.memref_slice %arg5[%dma_start3A_789, %dma_start3A_790] : memref<2048x64xf32, #tpu.memory_space<hbm>> -> memref<2048x64xf32, #tpu.memory_space<hbm>>
      tpu.enqueue_indirect_dma source(%dma_start3A_791 : memref<2048x64xf32, #tpu.memory_space<hbm>>) target(%dma_start3A_785 : memref<40x64xf32, #tpu.memory_space<vmem>>) offsets(%dma_start3A_788 : memref<40xi32, #tpu.memory_space<vmem>>) semaphore(%arg23 : memref<!tpu.dma_semaphore, #tpu.memory_space<semaphore_mem>>)
      %dma_start3A_792 = arith.constant 1 : i32
      %dma_start3A_793 = arith.constant 1 : i32
      %dma_start3A_794 = arith.constant 0 : i32
      %dma_start3A_795 = arith.constant 0 : i32
      %dma_start3A_796 = tpu.memref_slice %arg13[%dma_start3A_793, %dma_start3A_794, %dma_start3A_795] : memref<2x200x64xf32, #tpu.memory_space<vmem>> -> memref<1x40x64xf32, #tpu.memory_space<vmem>>
      %dma_start3A_797 = tpu.memref_squeeze %dma_start3A_796 : memref<1x40x64xf32, #tpu.memory_space<vmem>> -> memref<40x64xf32, #tpu.memory_space<vmem>>
      %dma_start3A_798 = arith.constant 0 : i32
      %dma_start3A_799 = tpu.memref_slice %arg9[%dma_start3A_792, %dma_start3A_798] : memref<2x200xi32, #tpu.memory_space<vmem>> -> memref<1x40xi32, #tpu.memory_space<vmem>>
      %dma_start3A_800 = tpu.memref_squeeze %dma_start3A_799 : memref<1x40xi32, #tpu.memory_space<vmem>> -> memref<40xi32, #tpu.memory_space<vmem>>
      %dma_start3A_801 = arith.constant 0 : i32
      %dma_start3A_802 = arith.constant 0 : i32
      %dma_start3A_803 = tpu.memref_slice %arg2[%dma_start3A_801, %dma_start3A_802] : memref<1000000x64xf32, #tpu.memory_space<hbm>> -> memref<1000000x64xf32, #tpu.memory_space<hbm>>
      tpu.enqueue_indirect_dma source(%dma_start3A_803 : memref<1000000x64xf32, #tpu.memory_space<hbm>>) target(%dma_start3A_797 : memref<40x64xf32, #tpu.memory_space<vmem>>) offsets(%dma_start3A_800 : memref<40xi32, #tpu.memory_space<vmem>>) semaphore(%arg23 : memref<!tpu.dma_semaphore, #tpu.memory_space<semaphore_mem>>)
      %dma_start3A_804 = arith.constant 1 : i32
      %dma_start3A_805 = arith.constant 1 : i32
      %dma_start3A_806 = arith.constant 0 : i32
      %dma_start3A_807 = arith.constant 0 : i32
      %dma_start3A_808 = tpu.memref_slice %arg15[%dma_start3A_805, %dma_start3A_806, %dma_start3A_807] : memref<2x200x64xf32, #tpu.memory_space<vmem>> -> memref<1x40x64xf32, #tpu.memory_space<vmem>>
      %dma_start3A_809 = tpu.memref_squeeze %dma_start3A_808 : memref<1x40x64xf32, #tpu.memory_space<vmem>> -> memref<40x64xf32, #tpu.memory_space<vmem>>
      %dma_start3A_810 = arith.constant 0 : i32
      %dma_start3A_811 = tpu.memref_slice %arg11[%dma_start3A_804, %dma_start3A_810] : memref<2x200xi32, #tpu.memory_space<vmem>> -> memref<1x40xi32, #tpu.memory_space<vmem>>
      %dma_start3A_812 = tpu.memref_squeeze %dma_start3A_811 : memref<1x40xi32, #tpu.memory_space<vmem>> -> memref<40xi32, #tpu.memory_space<vmem>>
      %dma_start3A_813 = arith.constant 0 : i32
      %dma_start3A_814 = arith.constant 0 : i32
      %dma_start3A_815 = tpu.memref_slice %arg5[%dma_start3A_813, %dma_start3A_814] : memref<2048x64xf32, #tpu.memory_space<hbm>> -> memref<2048x64xf32, #tpu.memory_space<hbm>>
      tpu.enqueue_indirect_dma source(%dma_start3A_815 : memref<2048x64xf32, #tpu.memory_space<hbm>>) target(%dma_start3A_809 : memref<40x64xf32, #tpu.memory_space<vmem>>) offsets(%dma_start3A_812 : memref<40xi32, #tpu.memory_space<vmem>>) semaphore(%arg23 : memref<!tpu.dma_semaphore, #tpu.memory_space<semaphore_mem>>)
      %dma_start3A_816 = arith.constant 1 : i32
      %dma_start3A_817 = arith.constant 1 : i32
      %dma_start3A_818 = arith.constant 40 : i32
      %dma_start3A_819 = arith.constant 0 : i32
      %dma_start3A_820 = tpu.memref_slice %arg13[%dma_start3A_817, %dma_start3A_818, %dma_start3A_819] : memref<2x200x64xf32, #tpu.memory_space<vmem>> -> memref<1x40x64xf32, #tpu.memory_space<vmem>>
      %dma_start3A_821 = tpu.memref_squeeze %dma_start3A_820 : memref<1x40x64xf32, #tpu.memory_space<vmem>> -> memref<40x64xf32, #tpu.memory_space<vmem>>
      %dma_start3A_822 = arith.constant 40 : i32
      %dma_start3A_823 = tpu.memref_slice %arg9[%dma_start3A_816, %dma_start3A_822] : memref<2x200xi32, #tpu.memory_space<vmem>> -> memref<1x40xi32, #tpu.memory_space<vmem>>
      %dma_start3A_824 = tpu.memref_squeeze %dma_start3A_823 : memref<1x40xi32, #tpu.memory_space<vmem>> -> memref<40xi32, #tpu.memory_space<vmem>>
      %dma_start3A_825 = arith.constant 0 : i32
      %dma_start3A_826 = arith.constant 0 : i32
      %dma_start3A_827 = tpu.memref_slice %arg2[%dma_start3A_825, %dma_start3A_826] : memref<1000000x64xf32, #tpu.memory_space<hbm>> -> memref<1000000x64xf32, #tpu.memory_space<hbm>>
      tpu.enqueue_indirect_dma source(%dma_start3A_827 : memref<1000000x64xf32, #tpu.memory_space<hbm>>) target(%dma_start3A_821 : memref<40x64xf32, #tpu.memory_space<vmem>>) offsets(%dma_start3A_824 : memref<40xi32, #tpu.memory_space<vmem>>) semaphore(%arg23 : memref<!tpu.dma_semaphore, #tpu.memory_space<semaphore_mem>>)
      %dma_start3A_828 = arith.constant 1 : i32
      %dma_start3A_829 = arith.constant 1 : i32
      %dma_start3A_830 = arith.constant 40 : i32
      %dma_start3A_831 = arith.constant 0 : i32
      %dma_start3A_832 = tpu.memref_slice %arg15[%dma_start3A_829, %dma_start3A_830, %dma_start3A_831] : memref<2x200x64xf32, #tpu.memory_space<vmem>> -> memref<1x40x64xf32, #tpu.memory_space<vmem>>
      %dma_start3A_833 = tpu.memref_squeeze %dma_start3A_832 : memref<1x40x64xf32, #tpu.memory_space<vmem>> -> memref<40x64xf32, #tpu.memory_space<vmem>>
      %dma_start3A_834 = arith.constant 40 : i32
      %dma_start3A_835 = tpu.memref_slice %arg11[%dma_start3A_828, %dma_start3A_834] : memref<2x200xi32, #tpu.memory_space<vmem>> -> memref<1x40xi32, #tpu.memory_space<vmem>>
      %dma_start3A_836 = tpu.memref_squeeze %dma_start3A_835 : memref<1x40xi32, #tpu.memory_space<vmem>> -> memref<40xi32, #tpu.memory_space<vmem>>
      %dma_start3A_837 = arith.constant 0 : i32
      %dma_start3A_838 = arith.constant 0 : i32
      %dma_start3A_839 = tpu.memref_slice %arg5[%dma_start3A_837, %dma_start3A_838] : memref<2048x64xf32, #tpu.memory_space<hbm>> -> memref<2048x64xf32, #tpu.memory_space<hbm>>
      tpu.enqueue_indirect_dma source(%dma_start3A_839 : memref<2048x64xf32, #tpu.memory_space<hbm>>) target(%dma_start3A_833 : memref<40x64xf32, #tpu.memory_space<vmem>>) offsets(%dma_start3A_836 : memref<40xi32, #tpu.memory_space<vmem>>) semaphore(%arg23 : memref<!tpu.dma_semaphore, #tpu.memory_space<semaphore_mem>>)
      %dma_start3A_840 = arith.constant 1 : i32
      %dma_start3A_841 = arith.constant 1 : i32
      %dma_start3A_842 = arith.constant 80 : i32
      %dma_start3A_843 = arith.constant 0 : i32
      %dma_start3A_844 = tpu.memref_slice %arg13[%dma_start3A_841, %dma_start3A_842, %dma_start3A_843] : memref<2x200x64xf32, #tpu.memory_space<vmem>> -> memref<1x40x64xf32, #tpu.memory_space<vmem>>
      %dma_start3A_845 = tpu.memref_squeeze %dma_start3A_844 : memref<1x40x64xf32, #tpu.memory_space<vmem>> -> memref<40x64xf32, #tpu.memory_space<vmem>>
      %dma_start3A_846 = arith.constant 80 : i32
      %dma_start3A_847 = tpu.memref_slice %arg9[%dma_start3A_840, %dma_start3A_846] : memref<2x200xi32, #tpu.memory_space<vmem>> -> memref<1x40xi32, #tpu.memory_space<vmem>>
      %dma_start3A_848 = tpu.memref_squeeze %dma_start3A_847 : memref<1x40xi32, #tpu.memory_space<vmem>> -> memref<40xi32, #tpu.memory_space<vmem>>
      %dma_start3A_849 = arith.constant 0 : i32
      %dma_start3A_850 = arith.constant 0 : i32
      %dma_start3A_851 = tpu.memref_slice %arg2[%dma_start3A_849, %dma_start3A_850] : memref<1000000x64xf32, #tpu.memory_space<hbm>> -> memref<1000000x64xf32, #tpu.memory_space<hbm>>
      tpu.enqueue_indirect_dma source(%dma_start3A_851 : memref<1000000x64xf32, #tpu.memory_space<hbm>>) target(%dma_start3A_845 : memref<40x64xf32, #tpu.memory_space<vmem>>) offsets(%dma_start3A_848 : memref<40xi32, #tpu.memory_space<vmem>>) semaphore(%arg23 : memref<!tpu.dma_semaphore, #tpu.memory_space<semaphore_mem>>)
      %dma_start3A_852 = arith.constant 1 : i32
      %dma_start3A_853 = arith.constant 1 : i32
      %dma_start3A_854 = arith.constant 80 : i32
      %dma_start3A_855 = arith.constant 0 : i32
      %dma_start3A_856 = tpu.memref_slice %arg15[%dma_start3A_853, %dma_start3A_854, %dma_start3A_855] : memref<2x200x64xf32, #tpu.memory_space<vmem>> -> memref<1x40x64xf32, #tpu.memory_space<vmem>>
      %dma_start3A_857 = tpu.memref_squeeze %dma_start3A_856 : memref<1x40x64xf32, #tpu.memory_space<vmem>> -> memref<40x64xf32, #tpu.memory_space<vmem>>
      %dma_start3A_858 = arith.constant 80 : i32
      %dma_start3A_859 = tpu.memref_slice %arg11[%dma_start3A_852, %dma_start3A_858] : memref<2x200xi32, #tpu.memory_space<vmem>> -> memref<1x40xi32, #tpu.memory_space<vmem>>
      %dma_start3A_860 = tpu.memref_squeeze %dma_start3A_859 : memref<1x40xi32, #tpu.memory_space<vmem>> -> memref<40xi32, #tpu.memory_space<vmem>>
      %dma_start3A_861 = arith.constant 0 : i32
      %dma_start3A_862 = arith.constant 0 : i32
      %dma_start3A_863 = tpu.memref_slice %arg5[%dma_start3A_861, %dma_start3A_862] : memref<2048x64xf32, #tpu.memory_space<hbm>> -> memref<2048x64xf32, #tpu.memory_space<hbm>>
      tpu.enqueue_indirect_dma source(%dma_start3A_863 : memref<2048x64xf32, #tpu.memory_space<hbm>>) target(%dma_start3A_857 : memref<40x64xf32, #tpu.memory_space<vmem>>) offsets(%dma_start3A_860 : memref<40xi32, #tpu.memory_space<vmem>>) semaphore(%arg23 : memref<!tpu.dma_semaphore, #tpu.memory_space<semaphore_mem>>)
      %dma_start3A_864 = arith.constant 1 : i32
      %dma_start3A_865 = arith.constant 1 : i32
      %dma_start3A_866 = arith.constant 120 : i32
      %dma_start3A_867 = arith.constant 0 : i32
      %dma_start3A_868 = tpu.memref_slice %arg13[%dma_start3A_865, %dma_start3A_866, %dma_start3A_867] : memref<2x200x64xf32, #tpu.memory_space<vmem>> -> memref<1x40x64xf32, #tpu.memory_space<vmem>>
      %dma_start3A_869 = tpu.memref_squeeze %dma_start3A_868 : memref<1x40x64xf32, #tpu.memory_space<vmem>> -> memref<40x64xf32, #tpu.memory_space<vmem>>
      %dma_start3A_870 = arith.constant 120 : i32
      %dma_start3A_871 = tpu.memref_slice %arg9[%dma_start3A_864, %dma_start3A_870] : memref<2x200xi32, #tpu.memory_space<vmem>> -> memref<1x40xi32, #tpu.memory_space<vmem>>
      %dma_start3A_872 = tpu.memref_squeeze %dma_start3A_871 : memref<1x40xi32, #tpu.memory_space<vmem>> -> memref<40xi32, #tpu.memory_space<vmem>>
      %dma_start3A_873 = arith.constant 0 : i32
      %dma_start3A_874 = arith.constant 0 : i32
      %dma_start3A_875 = tpu.memref_slice %arg2[%dma_start3A_873, %dma_start3A_874] : memref<1000000x64xf32, #tpu.memory_space<hbm>> -> memref<1000000x64xf32, #tpu.memory_space<hbm>>
      tpu.enqueue_indirect_dma source(%dma_start3A_875 : memref<1000000x64xf32, #tpu.memory_space<hbm>>) target(%dma_start3A_869 : memref<40x64xf32, #tpu.memory_space<vmem>>) offsets(%dma_start3A_872 : memref<40xi32, #tpu.memory_space<vmem>>) semaphore(%arg23 : memref<!tpu.dma_semaphore, #tpu.memory_space<semaphore_mem>>)
      %dma_start3A_876 = arith.constant 1 : i32
      %dma_start3A_877 = arith.constant 1 : i32
      %dma_start3A_878 = arith.constant 120 : i32
      %dma_start3A_879 = arith.constant 0 : i32
      %dma_start3A_880 = tpu.memref_slice %arg15[%dma_start3A_877, %dma_start3A_878, %dma_start3A_879] : memref<2x200x64xf32, #tpu.memory_space<vmem>> -> memref<1x40x64xf32, #tpu.memory_space<vmem>>
      %dma_start3A_881 = tpu.memref_squeeze %dma_start3A_880 : memref<1x40x64xf32, #tpu.memory_space<vmem>> -> memref<40x64xf32, #tpu.memory_space<vmem>>
      %dma_start3A_882 = arith.constant 120 : i32
      %dma_start3A_883 = tpu.memref_slice %arg11[%dma_start3A_876, %dma_start3A_882] : memref<2x200xi32, #tpu.memory_space<vmem>> -> memref<1x40xi32, #tpu.memory_space<vmem>>
      %dma_start3A_884 = tpu.memref_squeeze %dma_start3A_883 : memref<1x40xi32, #tpu.memory_space<vmem>> -> memref<40xi32, #tpu.memory_space<vmem>>
      %dma_start3A_885 = arith.constant 0 : i32
      %dma_start3A_886 = arith.constant 0 : i32
      %dma_start3A_887 = tpu.memref_slice %arg5[%dma_start3A_885, %dma_start3A_886] : memref<2048x64xf32, #tpu.memory_space<hbm>> -> memref<2048x64xf32, #tpu.memory_space<hbm>>
      tpu.enqueue_indirect_dma source(%dma_start3A_887 : memref<2048x64xf32, #tpu.memory_space<hbm>>) target(%dma_start3A_881 : memref<40x64xf32, #tpu.memory_space<vmem>>) offsets(%dma_start3A_884 : memref<40xi32, #tpu.memory_space<vmem>>) semaphore(%arg23 : memref<!tpu.dma_semaphore, #tpu.memory_space<semaphore_mem>>)
      %dma_start3A_888 = arith.constant 1 : i32
      %dma_start3A_889 = arith.constant 1 : i32
      %dma_start3A_890 = arith.constant 160 : i32
      %dma_start3A_891 = arith.constant 0 : i32
      %dma_start3A_892 = tpu.memref_slice %arg13[%dma_start3A_889, %dma_start3A_890, %dma_start3A_891] : memref<2x200x64xf32, #tpu.memory_space<vmem>> -> memref<1x40x64xf32, #tpu.memory_space<vmem>>
      %dma_start3A_893 = tpu.memref_squeeze %dma_start3A_892 : memref<1x40x64xf32, #tpu.memory_space<vmem>> -> memref<40x64xf32, #tpu.memory_space<vmem>>
      %dma_start3A_894 = arith.constant 160 : i32
      %dma_start3A_895 = tpu.memref_slice %arg9[%dma_start3A_888, %dma_start3A_894] : memref<2x200xi32, #tpu.memory_space<vmem>> -> memref<1x40xi32, #tpu.memory_space<vmem>>
      %dma_start3A_896 = tpu.memref_squeeze %dma_start3A_895 : memref<1x40xi32, #tpu.memory_space<vmem>> -> memref<40xi32, #tpu.memory_space<vmem>>
      %dma_start3A_897 = arith.constant 0 : i32
      %dma_start3A_898 = arith.constant 0 : i32
      %dma_start3A_899 = tpu.memref_slice %arg2[%dma_start3A_897, %dma_start3A_898] : memref<1000000x64xf32, #tpu.memory_space<hbm>> -> memref<1000000x64xf32, #tpu.memory_space<hbm>>
      tpu.enqueue_indirect_dma source(%dma_start3A_899 : memref<1000000x64xf32, #tpu.memory_space<hbm>>) target(%dma_start3A_893 : memref<40x64xf32, #tpu.memory_space<vmem>>) offsets(%dma_start3A_896 : memref<40xi32, #tpu.memory_space<vmem>>) semaphore(%arg23 : memref<!tpu.dma_semaphore, #tpu.memory_space<semaphore_mem>>)
      %dma_start3A_900 = arith.constant 1 : i32
      %dma_start3A_901 = arith.constant 1 : i32
      %dma_start3A_902 = arith.constant 160 : i32
      %dma_start3A_903 = arith.constant 0 : i32
      %dma_start3A_904 = tpu.memref_slice %arg15[%dma_start3A_901, %dma_start3A_902, %dma_start3A_903] : memref<2x200x64xf32, #tpu.memory_space<vmem>> -> memref<1x40x64xf32, #tpu.memory_space<vmem>>
      %dma_start3A_905 = tpu.memref_squeeze %dma_start3A_904 : memref<1x40x64xf32, #tpu.memory_space<vmem>> -> memref<40x64xf32, #tpu.memory_space<vmem>>
      %dma_start3A_906 = arith.constant 160 : i32
      %dma_start3A_907 = tpu.memref_slice %arg11[%dma_start3A_900, %dma_start3A_906] : memref<2x200xi32, #tpu.memory_space<vmem>> -> memref<1x40xi32, #tpu.memory_space<vmem>>
      %dma_start3A_908 = tpu.memref_squeeze %dma_start3A_907 : memref<1x40xi32, #tpu.memory_space<vmem>> -> memref<40xi32, #tpu.memory_space<vmem>>
      %dma_start3A_909 = arith.constant 0 : i32
      %dma_start3A_910 = arith.constant 0 : i32
      %dma_start3A_911 = tpu.memref_slice %arg5[%dma_start3A_909, %dma_start3A_910] : memref<2048x64xf32, #tpu.memory_space<hbm>> -> memref<2048x64xf32, #tpu.memory_space<hbm>>
      tpu.enqueue_indirect_dma source(%dma_start3A_911 : memref<2048x64xf32, #tpu.memory_space<hbm>>) target(%dma_start3A_905 : memref<40x64xf32, #tpu.memory_space<vmem>>) offsets(%dma_start3A_908 : memref<40xi32, #tpu.memory_space<vmem>>) semaphore(%arg23 : memref<!tpu.dma_semaphore, #tpu.memory_space<semaphore_mem>>)
      %parallel_loop3A_912 = arith.constant 0 : i32
      %parallel_loop3A_913 = arith.constant 200 : i32
      %parallel_loop3A_914 = arith.constant 1 : i32
      %parallel_loop3A_915 = arith.constant 0 : i32
      scf.for %parallel_loop3A_939 = %parallel_loop3A_912 to %parallel_loop3A_913 step %parallel_loop3A_914  : i32 {
        %parallel_loop3A_940 = arith.constant 0 : i32
        %parallel_loop3A_941 = arith.constant 0 : i32
        %parallel_loop3A_942 = tpu.memref_slice %arg14[%parallel_loop3A_915, %parallel_loop3A_940, %parallel_loop3A_941] : memref<2x200x64xf32, #tpu.memory_space<vmem>> -> memref<1x200x64xf32, #tpu.memory_space<vmem>>
        %parallel_loop3A_943 = tpu.memref_squeeze %parallel_loop3A_942 : memref<1x200x64xf32, #tpu.memory_space<vmem>> -> memref<200x64xf32, #tpu.memory_space<vmem>>
        %parallel_loop3A_944 = arith.index_cast %parallel_loop3A_939 : i32 to index
        %parallel_loop3A_945 = arith.constant 0 : index
        %parallel_loop3A_946 = tpu.vector_load %parallel_loop3A_943[%parallel_loop3A_944, %parallel_loop3A_945] {strides = array<i32>} : memref<200x64xf32, #tpu.memory_space<vmem>>, vector<16xf32>,
        %parallel_loop3A_947 = arith.constant 0 : i32
        %parallel_loop3A_948 = arith.constant 0 : i32
        %parallel_loop3A_949 = tpu.memref_slice %arg14[%parallel_loop3A_915, %parallel_loop3A_947, %parallel_loop3A_948] : memref<2x200x64xf32, #tpu.memory_space<vmem>> -> memref<1x200x64xf32, #tpu.memory_space<vmem>>
        %parallel_loop3A_950 = tpu.memref_squeeze %parallel_loop3A_949 : memref<1x200x64xf32, #tpu.memory_space<vmem>> -> memref<200x64xf32, #tpu.memory_space<vmem>>
        %parallel_loop3A_951 = arith.index_cast %parallel_loop3A_939 : i32 to index
        %parallel_loop3A_952 = arith.constant 16 : index
        %parallel_loop3A_953 = tpu.vector_load %parallel_loop3A_950[%parallel_loop3A_951, %parallel_loop3A_952] {strides = array<i32>} : memref<200x64xf32, #tpu.memory_space<vmem>>, vector<16xf32>,
        %parallel_loop3A_954 = arith.constant 0 : i32
        %parallel_loop3A_955 = arith.constant 0 : i32
        %parallel_loop3A_956 = tpu.memref_slice %arg14[%parallel_loop3A_915, %parallel_loop3A_954, %parallel_loop3A_955] : memref<2x200x64xf32, #tpu.memory_space<vmem>> -> memref<1x200x64xf32, #tpu.memory_space<vmem>>
        %parallel_loop3A_957 = tpu.memref_squeeze %parallel_loop3A_956 : memref<1x200x64xf32, #tpu.memory_space<vmem>> -> memref<200x64xf32, #tpu.memory_space<vmem>>
        %parallel_loop3A_958 = arith.index_cast %parallel_loop3A_939 : i32 to index
        %parallel_loop3A_959 = arith.constant 32 : index
        %parallel_loop3A_960 = tpu.vector_load %parallel_loop3A_957[%parallel_loop3A_958, %parallel_loop3A_959] {strides = array<i32>} : memref<200x64xf32, #tpu.memory_space<vmem>>, vector<16xf32>,
        %parallel_loop3A_961 = arith.constant 0 : i32
        %parallel_loop3A_962 = arith.constant 0 : i32
        %parallel_loop3A_963 = tpu.memref_slice %arg14[%parallel_loop3A_915, %parallel_loop3A_961, %parallel_loop3A_962] : memref<2x200x64xf32, #tpu.memory_space<vmem>> -> memref<1x200x64xf32, #tpu.memory_space<vmem>>
        %parallel_loop3A_964 = tpu.memref_squeeze %parallel_loop3A_963 : memref<1x200x64xf32, #tpu.memory_space<vmem>> -> memref<200x64xf32, #tpu.memory_space<vmem>>
        %parallel_loop3A_965 = arith.index_cast %parallel_loop3A_939 : i32 to index
        %parallel_loop3A_966 = arith.constant 48 : index
        %parallel_loop3A_967 = tpu.vector_load %parallel_loop3A_964[%parallel_loop3A_965, %parallel_loop3A_966] {strides = array<i32>} : memref<200x64xf32, #tpu.memory_space<vmem>>, vector<16xf32>,
        %parallel_loop3A_968 = arith.addf %parallel_loop3A_946, %parallel_loop3A_953 : vector<16xf32>
        %parallel_loop3A_969 = arith.addf %parallel_loop3A_960, %parallel_loop3A_967 : vector<16xf32>
        %parallel_loop3A_970 = arith.addf %parallel_loop3A_968, %parallel_loop3A_969 : vector<16xf32>
        %parallel_loop3A_971 = arith.mulf %parallel_loop3A_946, %parallel_loop3A_946 : vector<16xf32>
        %parallel_loop3A_972 = arith.mulf %parallel_loop3A_953, %parallel_loop3A_953 : vector<16xf32>
        %parallel_loop3A_973 = arith.addf %parallel_loop3A_971, %parallel_loop3A_972 : vector<16xf32>
        %parallel_loop3A_974 = arith.mulf %parallel_loop3A_960, %parallel_loop3A_960 : vector<16xf32>
        %parallel_loop3A_975 = arith.mulf %parallel_loop3A_967, %parallel_loop3A_967 : vector<16xf32>
        %parallel_loop3A_976 = arith.addf %parallel_loop3A_974, %parallel_loop3A_975 : vector<16xf32>
        %parallel_loop3A_977 = arith.addf %parallel_loop3A_973, %parallel_loop3A_976 : vector<16xf32>
        %parallel_loop3A_978 = arith.constant true
        %parallel_loop3A_979 = vector.broadcast %parallel_loop3A_978 : i1 to vector<16xi1>
        %parallel_loop3A_980 = tpu.scan <sum>, %parallel_loop3A_970 masked %parallel_loop3A_979 : vector<16xf32>, vector<16xi1> -> vector<16xf32>
        %parallel_loop3A_981 = vector.extract %parallel_loop3A_980[15] : f32 from vector<16xf32>
        %parallel_loop3A_982 = arith.constant 1.562500e-02 : f32
        %parallel_loop3A_983 = arith.mulf %parallel_loop3A_981, %parallel_loop3A_982 : f32
        %parallel_loop3A_984 = arith.constant true
        %parallel_loop3A_985 = vector.broadcast %parallel_loop3A_984 : i1 to vector<16xi1>
        %parallel_loop3A_986 = tpu.scan <sum>, %parallel_loop3A_977 masked %parallel_loop3A_985 : vector<16xf32>, vector<16xi1> -> vector<16xf32>
        %parallel_loop3A_987 = vector.extract %parallel_loop3A_986[15] : f32 from vector<16xf32>
        %parallel_loop3A_988 = arith.constant 1.562500e-02 : f32
        %parallel_loop3A_989 = arith.mulf %parallel_loop3A_987, %parallel_loop3A_988 : f32
        %parallel_loop3A_990 = arith.mulf %parallel_loop3A_983, %parallel_loop3A_983 : f32
        %parallel_loop3A_991 = arith.subf %parallel_loop3A_989, %parallel_loop3A_990 : f32
        %parallel_loop3A_992 = arith.index_cast %parallel_loop3A_939 : i32 to index
        %parallel_loop3A_993 = memref.load %arg19[%parallel_loop3A_992] : memref<200xf32, #tpu.memory_space<smem>>
        memref.store %parallel_loop3A_983, %arg19[%parallel_loop3A_992] : memref<200xf32, #tpu.memory_space<smem>>
        %parallel_loop3A_994 = arith.constant 9.99999974E-6 : f32
        %parallel_loop3A_995 = arith.addf %parallel_loop3A_991, %parallel_loop3A_994 : f32
        %parallel_loop3A_996 = arith.bitcast %parallel_loop3A_995 : f32 to i32
        %parallel_loop3A_997 = arith.constant 1 : i32
        %parallel_loop3A_998 = arith.shrsi %parallel_loop3A_996, %parallel_loop3A_997 : i32
        %parallel_loop3A_999 = arith.constant 1597463007 : i32
        %parallel_loop3A_1000 = arith.subi %parallel_loop3A_999, %parallel_loop3A_998 : i32
        %parallel_loop3A_1001 = arith.bitcast %parallel_loop3A_1000 : i32 to f32
        %parallel_loop3A_1002 = arith.constant 5.000000e-01 : f32
        %parallel_loop3A_1003 = arith.mulf %parallel_loop3A_1002, %parallel_loop3A_995 : f32
        %parallel_loop3A_1004 = arith.mulf %parallel_loop3A_1003, %parallel_loop3A_1001 : f32
        %parallel_loop3A_1005 = arith.mulf %parallel_loop3A_1004, %parallel_loop3A_1001 : f32
        %parallel_loop3A_1006 = arith.constant 1.500000e+00 : f32
        %parallel_loop3A_1007 = arith.subf %parallel_loop3A_1006, %parallel_loop3A_1005 : f32
        %parallel_loop3A_1008 = arith.mulf %parallel_loop3A_1001, %parallel_loop3A_1007 : f32
        %parallel_loop3A_1009 = arith.constant 5.000000e-01 : f32
        %parallel_loop3A_1010 = arith.mulf %parallel_loop3A_1009, %parallel_loop3A_995 : f32
        %parallel_loop3A_1011 = arith.mulf %parallel_loop3A_1010, %parallel_loop3A_1008 : f32
        %parallel_loop3A_1012 = arith.mulf %parallel_loop3A_1011, %parallel_loop3A_1008 : f32
        %parallel_loop3A_1013 = arith.constant 1.500000e+00 : f32
        %parallel_loop3A_1014 = arith.subf %parallel_loop3A_1013, %parallel_loop3A_1012 : f32
        %parallel_loop3A_1015 = arith.mulf %parallel_loop3A_1008, %parallel_loop3A_1014 : f32
        %parallel_loop3A_1016 = arith.index_cast %parallel_loop3A_939 : i32 to index
        %parallel_loop3A_1017 = memref.load %arg20[%parallel_loop3A_1016] : memref<200xf32, #tpu.memory_space<smem>>
        memref.store %parallel_loop3A_1015, %arg20[%parallel_loop3A_1016] : memref<200xf32, #tpu.memory_space<smem>>
      } {sc.loop_unroll_factor = 8 : i64, sc.parallel_access}
      %parallel_loop3A_916 = arith.constant 0 : i32
      %parallel_loop3A_917 = arith.constant 200 : i32
      %parallel_loop3A_918 = arith.constant 1 : i32
      %parallel_loop3A_919 = arith.constant 0 : i32
      %parallel_loop3A_920 = arith.constant 0 : i32
      scf.for %parallel_loop3A_939 = %parallel_loop3A_916 to %parallel_loop3A_917 step %parallel_loop3A_918  : i32 {
        %parallel_loop3A_940 = arith.index_cast %parallel_loop3A_939 : i32 to index
        %parallel_loop3A_941 = memref.load %arg19[%parallel_loop3A_940] : memref<200xf32, #tpu.memory_space<smem>>
        %parallel_loop3A_942 = arith.index_cast %parallel_loop3A_939 : i32 to index
        %parallel_loop3A_943 = memref.load %arg20[%parallel_loop3A_942] : memref<200xf32, #tpu.memory_space<smem>>
        %parallel_loop3A_944 = arith.constant 0 : i32
        %parallel_loop3A_945 = arith.constant 0 : i32
        %parallel_loop3A_946 = tpu.memref_slice %arg14[%parallel_loop3A_919, %parallel_loop3A_944, %parallel_loop3A_945] : memref<2x200x64xf32, #tpu.memory_space<vmem>> -> memref<1x200x64xf32, #tpu.memory_space<vmem>>
        %parallel_loop3A_947 = tpu.memref_squeeze %parallel_loop3A_946 : memref<1x200x64xf32, #tpu.memory_space<vmem>> -> memref<200x64xf32, #tpu.memory_space<vmem>>
        %parallel_loop3A_948 = arith.index_cast %parallel_loop3A_939 : i32 to index
        %parallel_loop3A_949 = arith.constant 0 : index
        %parallel_loop3A_950 = tpu.vector_load %parallel_loop3A_947[%parallel_loop3A_948, %parallel_loop3A_949] {strides = array<i32>} : memref<200x64xf32, #tpu.memory_space<vmem>>, vector<16xf32>,
        %parallel_loop3A_951 = vector.broadcast %parallel_loop3A_941 : f32 to vector<16xf32>
        %parallel_loop3A_952 = arith.subf %parallel_loop3A_950, %parallel_loop3A_951 : vector<16xf32>
        %parallel_loop3A_953 = vector.broadcast %parallel_loop3A_943 : f32 to vector<16xf32>
        %parallel_loop3A_954 = arith.mulf %parallel_loop3A_953, %get3A_1 : vector<16xf32>
        %parallel_loop3A_955 = arith.mulf %parallel_loop3A_952, %parallel_loop3A_954 : vector<16xf32>
        %parallel_loop3A_956 = arith.addf %parallel_loop3A_955, %get3A_9 : vector<16xf32>
        %parallel_loop3A_957 = arith.constant 0 : i32
        %parallel_loop3A_958 = arith.constant 0 : i32
        %parallel_loop3A_959 = tpu.memref_slice %arg16[%parallel_loop3A_920, %parallel_loop3A_957, %parallel_loop3A_958] : memref<2x200x64xf32, #tpu.memory_space<vmem>> -> memref<1x200x64xf32, #tpu.memory_space<vmem>>
        %parallel_loop3A_960 = tpu.memref_squeeze %parallel_loop3A_959 : memref<1x200x64xf32, #tpu.memory_space<vmem>> -> memref<200x64xf32, #tpu.memory_space<vmem>>
        %parallel_loop3A_961 = arith.index_cast %parallel_loop3A_939 : i32 to index
        %parallel_loop3A_962 = arith.constant 0 : index
        %parallel_loop3A_963 = tpu.vector_load %parallel_loop3A_960[%parallel_loop3A_961, %parallel_loop3A_962] {strides = array<i32>} : memref<200x64xf32, #tpu.memory_space<vmem>>, vector<16xf32>,
        %parallel_loop3A_964 = arith.addf %parallel_loop3A_956, %parallel_loop3A_963 : vector<16xf32>
        %parallel_loop3A_965 = arith.constant 0 : i32
        %parallel_loop3A_966 = arith.constant 0 : i32
        %parallel_loop3A_967 = tpu.memref_slice %arg14[%parallel_loop3A_919, %parallel_loop3A_965, %parallel_loop3A_966] : memref<2x200x64xf32, #tpu.memory_space<vmem>> -> memref<1x200x64xf32, #tpu.memory_space<vmem>>
        %parallel_loop3A_968 = tpu.memref_squeeze %parallel_loop3A_967 : memref<1x200x64xf32, #tpu.memory_space<vmem>> -> memref<200x64xf32, #tpu.memory_space<vmem>>
        %parallel_loop3A_969 = arith.index_cast %parallel_loop3A_939 : i32 to index
        %parallel_loop3A_970 = arith.constant 0 : index
        %parallel_loop3A_971 = tpu.vector_load %parallel_loop3A_968[%parallel_loop3A_969, %parallel_loop3A_970] {strides = array<i32>} : memref<200x64xf32, #tpu.memory_space<vmem>>, vector<16xf32>,
        tpu.vector_store %parallel_loop3A_968[%parallel_loop3A_969, %parallel_loop3A_970], %parallel_loop3A_964 {strides = array<i32>} : memref<200x64xf32, #tpu.memory_space<vmem>>, vector<16xf32>,
        %parallel_loop3A_972 = arith.constant 0 : i32
        %parallel_loop3A_973 = arith.constant 0 : i32
        %parallel_loop3A_974 = tpu.memref_slice %arg14[%parallel_loop3A_919, %parallel_loop3A_972, %parallel_loop3A_973] : memref<2x200x64xf32, #tpu.memory_space<vmem>> -> memref<1x200x64xf32, #tpu.memory_space<vmem>>
        %parallel_loop3A_975 = tpu.memref_squeeze %parallel_loop3A_974 : memref<1x200x64xf32, #tpu.memory_space<vmem>> -> memref<200x64xf32, #tpu.memory_space<vmem>>
        %parallel_loop3A_976 = arith.index_cast %parallel_loop3A_939 : i32 to index
        %parallel_loop3A_977 = arith.constant 16 : index
        %parallel_loop3A_978 = tpu.vector_load %parallel_loop3A_975[%parallel_loop3A_976, %parallel_loop3A_977] {strides = array<i32>} : memref<200x64xf32, #tpu.memory_space<vmem>>, vector<16xf32>,
        %parallel_loop3A_979 = vector.broadcast %parallel_loop3A_941 : f32 to vector<16xf32>
        %parallel_loop3A_980 = arith.subf %parallel_loop3A_978, %parallel_loop3A_979 : vector<16xf32>
        %parallel_loop3A_981 = vector.broadcast %parallel_loop3A_943 : f32 to vector<16xf32>
        %parallel_loop3A_982 = arith.mulf %parallel_loop3A_981, %get3A_3 : vector<16xf32>
        %parallel_loop3A_983 = arith.mulf %parallel_loop3A_980, %parallel_loop3A_982 : vector<16xf32>
        %parallel_loop3A_984 = arith.addf %parallel_loop3A_983, %get3A_11 : vector<16xf32>
        %parallel_loop3A_985 = arith.constant 0 : i32
        %parallel_loop3A_986 = arith.constant 0 : i32
        %parallel_loop3A_987 = tpu.memref_slice %arg16[%parallel_loop3A_920, %parallel_loop3A_985, %parallel_loop3A_986] : memref<2x200x64xf32, #tpu.memory_space<vmem>> -> memref<1x200x64xf32, #tpu.memory_space<vmem>>
        %parallel_loop3A_988 = tpu.memref_squeeze %parallel_loop3A_987 : memref<1x200x64xf32, #tpu.memory_space<vmem>> -> memref<200x64xf32, #tpu.memory_space<vmem>>
        %parallel_loop3A_989 = arith.index_cast %parallel_loop3A_939 : i32 to index
        %parallel_loop3A_990 = arith.constant 16 : index
        %parallel_loop3A_991 = tpu.vector_load %parallel_loop3A_988[%parallel_loop3A_989, %parallel_loop3A_990] {strides = array<i32>} : memref<200x64xf32, #tpu.memory_space<vmem>>, vector<16xf32>,
        %parallel_loop3A_992 = arith.addf %parallel_loop3A_984, %parallel_loop3A_991 : vector<16xf32>
        %parallel_loop3A_993 = arith.constant 0 : i32
        %parallel_loop3A_994 = arith.constant 0 : i32
        %parallel_loop3A_995 = tpu.memref_slice %arg14[%parallel_loop3A_919, %parallel_loop3A_993, %parallel_loop3A_994] : memref<2x200x64xf32, #tpu.memory_space<vmem>> -> memref<1x200x64xf32, #tpu.memory_space<vmem>>
        %parallel_loop3A_996 = tpu.memref_squeeze %parallel_loop3A_995 : memref<1x200x64xf32, #tpu.memory_space<vmem>> -> memref<200x64xf32, #tpu.memory_space<vmem>>
        %parallel_loop3A_997 = arith.index_cast %parallel_loop3A_939 : i32 to index
        %parallel_loop3A_998 = arith.constant 16 : index
        %parallel_loop3A_999 = tpu.vector_load %parallel_loop3A_996[%parallel_loop3A_997, %parallel_loop3A_998] {strides = array<i32>} : memref<200x64xf32, #tpu.memory_space<vmem>>, vector<16xf32>,
        tpu.vector_store %parallel_loop3A_996[%parallel_loop3A_997, %parallel_loop3A_998], %parallel_loop3A_992 {strides = array<i32>} : memref<200x64xf32, #tpu.memory_space<vmem>>, vector<16xf32>,
        %parallel_loop3A_1000 = arith.constant 0 : i32
        %parallel_loop3A_1001 = arith.constant 0 : i32
        %parallel_loop3A_1002 = tpu.memref_slice %arg14[%parallel_loop3A_919, %parallel_loop3A_1000, %parallel_loop3A_1001] : memref<2x200x64xf32, #tpu.memory_space<vmem>> -> memref<1x200x64xf32, #tpu.memory_space<vmem>>
        %parallel_loop3A_1003 = tpu.memref_squeeze %parallel_loop3A_1002 : memref<1x200x64xf32, #tpu.memory_space<vmem>> -> memref<200x64xf32, #tpu.memory_space<vmem>>
        %parallel_loop3A_1004 = arith.index_cast %parallel_loop3A_939 : i32 to index
        %parallel_loop3A_1005 = arith.constant 32 : index
        %parallel_loop3A_1006 = tpu.vector_load %parallel_loop3A_1003[%parallel_loop3A_1004, %parallel_loop3A_1005] {strides = array<i32>} : memref<200x64xf32, #tpu.memory_space<vmem>>, vector<16xf32>,
        %parallel_loop3A_1007 = vector.broadcast %parallel_loop3A_941 : f32 to vector<16xf32>
        %parallel_loop3A_1008 = arith.subf %parallel_loop3A_1006, %parallel_loop3A_1007 : vector<16xf32>
        %parallel_loop3A_1009 = vector.broadcast %parallel_loop3A_943 : f32 to vector<16xf32>
        %parallel_loop3A_1010 = arith.mulf %parallel_loop3A_1009, %get3A_5 : vector<16xf32>
        %parallel_loop3A_1011 = arith.mulf %parallel_loop3A_1008, %parallel_loop3A_1010 : vector<16xf32>
        %parallel_loop3A_1012 = arith.addf %parallel_loop3A_1011, %get3A_13 : vector<16xf32>
        %parallel_loop3A_1013 = arith.constant 0 : i32
        %parallel_loop3A_1014 = arith.constant 0 : i32
        %parallel_loop3A_1015 = tpu.memref_slice %arg16[%parallel_loop3A_920, %parallel_loop3A_1013, %parallel_loop3A_1014] : memref<2x200x64xf32, #tpu.memory_space<vmem>> -> memref<1x200x64xf32, #tpu.memory_space<vmem>>
        %parallel_loop3A_1016 = tpu.memref_squeeze %parallel_loop3A_1015 : memref<1x200x64xf32, #tpu.memory_space<vmem>> -> memref<200x64xf32, #tpu.memory_space<vmem>>
        %parallel_loop3A_1017 = arith.index_cast %parallel_loop3A_939 : i32 to index
        %parallel_loop3A_1018 = arith.constant 32 : index
        %parallel_loop3A_1019 = tpu.vector_load %parallel_loop3A_1016[%parallel_loop3A_1017, %parallel_loop3A_1018] {strides = array<i32>} : memref<200x64xf32, #tpu.memory_space<vmem>>, vector<16xf32>,
        %parallel_loop3A_1020 = arith.addf %parallel_loop3A_1012, %parallel_loop3A_1019 : vector<16xf32>
        %parallel_loop3A_1021 = arith.constant 0 : i32
        %parallel_loop3A_1022 = arith.constant 0 : i32
        %parallel_loop3A_1023 = tpu.memref_slice %arg14[%parallel_loop3A_919, %parallel_loop3A_1021, %parallel_loop3A_1022] : memref<2x200x64xf32, #tpu.memory_space<vmem>> -> memref<1x200x64xf32, #tpu.memory_space<vmem>>
        %parallel_loop3A_1024 = tpu.memref_squeeze %parallel_loop3A_1023 : memref<1x200x64xf32, #tpu.memory_space<vmem>> -> memref<200x64xf32, #tpu.memory_space<vmem>>
        %parallel_loop3A_1025 = arith.index_cast %parallel_loop3A_939 : i32 to index
        %parallel_loop3A_1026 = arith.constant 32 : index
        %parallel_loop3A_1027 = tpu.vector_load %parallel_loop3A_1024[%parallel_loop3A_1025, %parallel_loop3A_1026] {strides = array<i32>} : memref<200x64xf32, #tpu.memory_space<vmem>>, vector<16xf32>,
        tpu.vector_store %parallel_loop3A_1024[%parallel_loop3A_1025, %parallel_loop3A_1026], %parallel_loop3A_1020 {strides = array<i32>} : memref<200x64xf32, #tpu.memory_space<vmem>>, vector<16xf32>,
        %parallel_loop3A_1028 = arith.constant 0 : i32
        %parallel_loop3A_1029 = arith.constant 0 : i32
        %parallel_loop3A_1030 = tpu.memref_slice %arg14[%parallel_loop3A_919, %parallel_loop3A_1028, %parallel_loop3A_1029] : memref<2x200x64xf32, #tpu.memory_space<vmem>> -> memref<1x200x64xf32, #tpu.memory_space<vmem>>
        %parallel_loop3A_1031 = tpu.memref_squeeze %parallel_loop3A_1030 : memref<1x200x64xf32, #tpu.memory_space<vmem>> -> memref<200x64xf32, #tpu.memory_space<vmem>>
        %parallel_loop3A_1032 = arith.index_cast %parallel_loop3A_939 : i32 to index
        %parallel_loop3A_1033 = arith.constant 48 : index
        %parallel_loop3A_1034 = tpu.vector_load %parallel_loop3A_1031[%parallel_loop3A_1032, %parallel_loop3A_1033] {strides = array<i32>} : memref<200x64xf32, #tpu.memory_space<vmem>>, vector<16xf32>,
        %parallel_loop3A_1035 = vector.broadcast %parallel_loop3A_941 : f32 to vector<16xf32>
        %parallel_loop3A_1036 = arith.subf %parallel_loop3A_1034, %parallel_loop3A_1035 : vector<16xf32>
        %parallel_loop3A_1037 = vector.broadcast %parallel_loop3A_943 : f32 to vector<16xf32>
        %parallel_loop3A_1038 = arith.mulf %parallel_loop3A_1037, %get3A_7 : vector<16xf32>
        %parallel_loop3A_1039 = arith.mulf %parallel_loop3A_1036, %parallel_loop3A_1038 : vector<16xf32>
        %parallel_loop3A_1040 = arith.addf %parallel_loop3A_1039, %get3A_15 : vector<16xf32>
        %parallel_loop3A_1041 = arith.constant 0 : i32
        %parallel_loop3A_1042 = arith.constant 0 : i32
        %parallel_loop3A_1043 = tpu.memref_slice %arg16[%parallel_loop3A_920, %parallel_loop3A_1041, %parallel_loop3A_1042] : memref<2x200x64xf32, #tpu.memory_space<vmem>> -> memref<1x200x64xf32, #tpu.memory_space<vmem>>
        %parallel_loop3A_1044 = tpu.memref_squeeze %parallel_loop3A_1043 : memref<1x200x64xf32, #tpu.memory_space<vmem>> -> memref<200x64xf32, #tpu.memory_space<vmem>>
        %parallel_loop3A_1045 = arith.index_cast %parallel_loop3A_939 : i32 to index
        %parallel_loop3A_1046 = arith.constant 48 : index
        %parallel_loop3A_1047 = tpu.vector_load %parallel_loop3A_1044[%parallel_loop3A_1045, %parallel_loop3A_1046] {strides = array<i32>} : memref<200x64xf32, #tpu.memory_space<vmem>>, vector<16xf32>,
        %parallel_loop3A_1048 = arith.addf %parallel_loop3A_1040, %parallel_loop3A_1047 : vector<16xf32>
        %parallel_loop3A_1049 = arith.constant 0 : i32
        %parallel_loop3A_1050 = arith.constant 0 : i32
        %parallel_loop3A_1051 = tpu.memref_slice %arg14[%parallel_loop3A_919, %parallel_loop3A_1049, %parallel_loop3A_1050] : memref<2x200x64xf32, #tpu.memory_space<vmem>> -> memref<1x200x64xf32, #tpu.memory_space<vmem>>
        %parallel_loop3A_1052 = tpu.memref_squeeze %parallel_loop3A_1051 : memref<1x200x64xf32, #tpu.memory_space<vmem>> -> memref<200x64xf32, #tpu.memory_space<vmem>>
        %parallel_loop3A_1053 = arith.index_cast %parallel_loop3A_939 : i32 to index
        %parallel_loop3A_1054 = arith.constant 48 : index
        %parallel_loop3A_1055 = tpu.vector_load %parallel_loop3A_1052[%parallel_loop3A_1053, %parallel_loop3A_1054] {strides = array<i32>} : memref<200x64xf32, #tpu.memory_space<vmem>>, vector<16xf32>,
        tpu.vector_store %parallel_loop3A_1052[%parallel_loop3A_1053, %parallel_loop3A_1054], %parallel_loop3A_1048 {strides = array<i32>} : memref<200x64xf32, #tpu.memory_space<vmem>>, vector<16xf32>,
      } {sc.loop_unroll_factor = 4 : i64, sc.parallel_access}
      %parallel_loop3A_921 = arith.constant 0 : i32
      %parallel_loop3A_922 = arith.constant 200 : i32
      %parallel_loop3A_923 = arith.constant 1 : i32
      %parallel_loop3A_924 = arith.constant 1 : i32
      scf.for %parallel_loop3A_939 = %parallel_loop3A_921 to %parallel_loop3A_922 step %parallel_loop3A_923  : i32 {
        %parallel_loop3A_940 = arith.constant 0 : i32
        %parallel_loop3A_941 = arith.constant 0 : i32
        %parallel_loop3A_942 = tpu.memref_slice %arg14[%parallel_loop3A_924, %parallel_loop3A_940, %parallel_loop3A_941] : memref<2x200x64xf32, #tpu.memory_space<vmem>> -> memref<1x200x64xf32, #tpu.memory_space<vmem>>
        %parallel_loop3A_943 = tpu.memref_squeeze %parallel_loop3A_942 : memref<1x200x64xf32, #tpu.memory_space<vmem>> -> memref<200x64xf32, #tpu.memory_space<vmem>>
        %parallel_loop3A_944 = arith.index_cast %parallel_loop3A_939 : i32 to index
        %parallel_loop3A_945 = arith.constant 0 : index
        %parallel_loop3A_946 = tpu.vector_load %parallel_loop3A_943[%parallel_loop3A_944, %parallel_loop3A_945] {strides = array<i32>} : memref<200x64xf32, #tpu.memory_space<vmem>>, vector<16xf32>,
        %parallel_loop3A_947 = arith.constant 0 : i32
        %parallel_loop3A_948 = arith.constant 0 : i32
        %parallel_loop3A_949 = tpu.memref_slice %arg14[%parallel_loop3A_924, %parallel_loop3A_947, %parallel_loop3A_948] : memref<2x200x64xf32, #tpu.memory_space<vmem>> -> memref<1x200x64xf32, #tpu.memory_space<vmem>>
        %parallel_loop3A_950 = tpu.memref_squeeze %parallel_loop3A_949 : memref<1x200x64xf32, #tpu.memory_space<vmem>> -> memref<200x64xf32, #tpu.memory_space<vmem>>
        %parallel_loop3A_951 = arith.index_cast %parallel_loop3A_939 : i32 to index
        %parallel_loop3A_952 = arith.constant 16 : index
        %parallel_loop3A_953 = tpu.vector_load %parallel_loop3A_950[%parallel_loop3A_951, %parallel_loop3A_952] {strides = array<i32>} : memref<200x64xf32, #tpu.memory_space<vmem>>, vector<16xf32>,
        %parallel_loop3A_954 = arith.constant 0 : i32
        %parallel_loop3A_955 = arith.constant 0 : i32
        %parallel_loop3A_956 = tpu.memref_slice %arg14[%parallel_loop3A_924, %parallel_loop3A_954, %parallel_loop3A_955] : memref<2x200x64xf32, #tpu.memory_space<vmem>> -> memref<1x200x64xf32, #tpu.memory_space<vmem>>
        %parallel_loop3A_957 = tpu.memref_squeeze %parallel_loop3A_956 : memref<1x200x64xf32, #tpu.memory_space<vmem>> -> memref<200x64xf32, #tpu.memory_space<vmem>>
        %parallel_loop3A_958 = arith.index_cast %parallel_loop3A_939 : i32 to index
        %parallel_loop3A_959 = arith.constant 32 : index
        %parallel_loop3A_960 = tpu.vector_load %parallel_loop3A_957[%parallel_loop3A_958, %parallel_loop3A_959] {strides = array<i32>} : memref<200x64xf32, #tpu.memory_space<vmem>>, vector<16xf32>,
        %parallel_loop3A_961 = arith.constant 0 : i32
        %parallel_loop3A_962 = arith.constant 0 : i32
        %parallel_loop3A_963 = tpu.memref_slice %arg14[%parallel_loop3A_924, %parallel_loop3A_961, %parallel_loop3A_962] : memref<2x200x64xf32, #tpu.memory_space<vmem>> -> memref<1x200x64xf32, #tpu.memory_space<vmem>>
        %parallel_loop3A_964 = tpu.memref_squeeze %parallel_loop3A_963 : memref<1x200x64xf32, #tpu.memory_space<vmem>> -> memref<200x64xf32, #tpu.memory_space<vmem>>
        %parallel_loop3A_965 = arith.index_cast %parallel_loop3A_939 : i32 to index
        %parallel_loop3A_966 = arith.constant 48 : index
        %parallel_loop3A_967 = tpu.vector_load %parallel_loop3A_964[%parallel_loop3A_965, %parallel_loop3A_966] {strides = array<i32>} : memref<200x64xf32, #tpu.memory_space<vmem>>, vector<16xf32>,
        %parallel_loop3A_968 = arith.addf %parallel_loop3A_946, %parallel_loop3A_953 : vector<16xf32>
        %parallel_loop3A_969 = arith.addf %parallel_loop3A_960, %parallel_loop3A_967 : vector<16xf32>
        %parallel_loop3A_970 = arith.addf %parallel_loop3A_968, %parallel_loop3A_969 : vector<16xf32>
        %parallel_loop3A_971 = arith.mulf %parallel_loop3A_946, %parallel_loop3A_946 : vector<16xf32>
        %parallel_loop3A_972 = arith.mulf %parallel_loop3A_953, %parallel_loop3A_953 : vector<16xf32>
        %parallel_loop3A_973 = arith.addf %parallel_loop3A_971, %parallel_loop3A_972 : vector<16xf32>
        %parallel_loop3A_974 = arith.mulf %parallel_loop3A_960, %parallel_loop3A_960 : vector<16xf32>
        %parallel_loop3A_975 = arith.mulf %parallel_loop3A_967, %parallel_loop3A_967 : vector<16xf32>
        %parallel_loop3A_976 = arith.addf %parallel_loop3A_974, %parallel_loop3A_975 : vector<16xf32>
        %parallel_loop3A_977 = arith.addf %parallel_loop3A_973, %parallel_loop3A_976 : vector<16xf32>
        %parallel_loop3A_978 = arith.constant true
        %parallel_loop3A_979 = vector.broadcast %parallel_loop3A_978 : i1 to vector<16xi1>
        %parallel_loop3A_980 = tpu.scan <sum>, %parallel_loop3A_970 masked %parallel_loop3A_979 : vector<16xf32>, vector<16xi1> -> vector<16xf32>
        %parallel_loop3A_981 = vector.extract %parallel_loop3A_980[15] : f32 from vector<16xf32>
        %parallel_loop3A_982 = arith.constant 1.562500e-02 : f32
        %parallel_loop3A_983 = arith.mulf %parallel_loop3A_981, %parallel_loop3A_982 : f32
        %parallel_loop3A_984 = arith.constant true
        %parallel_loop3A_985 = vector.broadcast %parallel_loop3A_984 : i1 to vector<16xi1>
        %parallel_loop3A_986 = tpu.scan <sum>, %parallel_loop3A_977 masked %parallel_loop3A_985 : vector<16xf32>, vector<16xi1> -> vector<16xf32>
        %parallel_loop3A_987 = vector.extract %parallel_loop3A_986[15] : f32 from vector<16xf32>
        %parallel_loop3A_988 = arith.constant 1.562500e-02 : f32
        %parallel_loop3A_989 = arith.mulf %parallel_loop3A_987, %parallel_loop3A_988 : f32
        %parallel_loop3A_990 = arith.mulf %parallel_loop3A_983, %parallel_loop3A_983 : f32
        %parallel_loop3A_991 = arith.subf %parallel_loop3A_989, %parallel_loop3A_990 : f32
        %parallel_loop3A_992 = arith.index_cast %parallel_loop3A_939 : i32 to index
        %parallel_loop3A_993 = memref.load %arg19[%parallel_loop3A_992] : memref<200xf32, #tpu.memory_space<smem>>
        memref.store %parallel_loop3A_983, %arg19[%parallel_loop3A_992] : memref<200xf32, #tpu.memory_space<smem>>
        %parallel_loop3A_994 = arith.constant 9.99999974E-6 : f32
        %parallel_loop3A_995 = arith.addf %parallel_loop3A_991, %parallel_loop3A_994 : f32
        %parallel_loop3A_996 = arith.bitcast %parallel_loop3A_995 : f32 to i32
        %parallel_loop3A_997 = arith.constant 1 : i32
        %parallel_loop3A_998 = arith.shrsi %parallel_loop3A_996, %parallel_loop3A_997 : i32
        %parallel_loop3A_999 = arith.constant 1597463007 : i32
        %parallel_loop3A_1000 = arith.subi %parallel_loop3A_999, %parallel_loop3A_998 : i32
        %parallel_loop3A_1001 = arith.bitcast %parallel_loop3A_1000 : i32 to f32
        %parallel_loop3A_1002 = arith.constant 5.000000e-01 : f32
        %parallel_loop3A_1003 = arith.mulf %parallel_loop3A_1002, %parallel_loop3A_995 : f32
        %parallel_loop3A_1004 = arith.mulf %parallel_loop3A_1003, %parallel_loop3A_1001 : f32
        %parallel_loop3A_1005 = arith.mulf %parallel_loop3A_1004, %parallel_loop3A_1001 : f32
        %parallel_loop3A_1006 = arith.constant 1.500000e+00 : f32
        %parallel_loop3A_1007 = arith.subf %parallel_loop3A_1006, %parallel_loop3A_1005 : f32
        %parallel_loop3A_1008 = arith.mulf %parallel_loop3A_1001, %parallel_loop3A_1007 : f32
        %parallel_loop3A_1009 = arith.constant 5.000000e-01 : f32
        %parallel_loop3A_1010 = arith.mulf %parallel_loop3A_1009, %parallel_loop3A_995 : f32
        %parallel_loop3A_1011 = arith.mulf %parallel_loop3A_1010, %parallel_loop3A_1008 : f32
        %parallel_loop3A_1012 = arith.mulf %parallel_loop3A_1011, %parallel_loop3A_1008 : f32
        %parallel_loop3A_1013 = arith.constant 1.500000e+00 : f32
        %parallel_loop3A_1014 = arith.subf %parallel_loop3A_1013, %parallel_loop3A_1012 : f32
        %parallel_loop3A_1015 = arith.mulf %parallel_loop3A_1008, %parallel_loop3A_1014 : f32
        %parallel_loop3A_1016 = arith.index_cast %parallel_loop3A_939 : i32 to index
        %parallel_loop3A_1017 = memref.load %arg20[%parallel_loop3A_1016] : memref<200xf32, #tpu.memory_space<smem>>
        memref.store %parallel_loop3A_1015, %arg20[%parallel_loop3A_1016] : memref<200xf32, #tpu.memory_space<smem>>
      } {sc.loop_unroll_factor = 8 : i64, sc.parallel_access}
      %parallel_loop3A_925 = arith.constant 0 : i32
      %parallel_loop3A_926 = arith.constant 200 : i32
      %parallel_loop3A_927 = arith.constant 1 : i32
      %parallel_loop3A_928 = arith.constant 1 : i32
      %parallel_loop3A_929 = arith.constant 1 : i32
      scf.for %parallel_loop3A_939 = %parallel_loop3A_925 to %parallel_loop3A_926 step %parallel_loop3A_927  : i32 {
        %parallel_loop3A_940 = arith.index_cast %parallel_loop3A_939 : i32 to index
        %parallel_loop3A_941 = memref.load %arg19[%parallel_loop3A_940] : memref<200xf32, #tpu.memory_space<smem>>
        %parallel_loop3A_942 = arith.index_cast %parallel_loop3A_939 : i32 to index
        %parallel_loop3A_943 = memref.load %arg20[%parallel_loop3A_942] : memref<200xf32, #tpu.memory_space<smem>>
        %parallel_loop3A_944 = arith.constant 0 : i32
        %parallel_loop3A_945 = arith.constant 0 : i32
        %parallel_loop3A_946 = tpu.memref_slice %arg14[%parallel_loop3A_928, %parallel_loop3A_944, %parallel_loop3A_945] : memref<2x200x64xf32, #tpu.memory_space<vmem>> -> memref<1x200x64xf32, #tpu.memory_space<vmem>>
        %parallel_loop3A_947 = tpu.memref_squeeze %parallel_loop3A_946 : memref<1x200x64xf32, #tpu.memory_space<vmem>> -> memref<200x64xf32, #tpu.memory_space<vmem>>
        %parallel_loop3A_948 = arith.index_cast %parallel_loop3A_939 : i32 to index
        %parallel_loop3A_949 = arith.constant 0 : index
        %parallel_loop3A_950 = tpu.vector_load %parallel_loop3A_947[%parallel_loop3A_948, %parallel_loop3A_949] {strides = array<i32>} : memref<200x64xf32, #tpu.memory_space<vmem>>, vector<16xf32>,
        %parallel_loop3A_951 = vector.broadcast %parallel_loop3A_941 : f32 to vector<16xf32>
        %parallel_loop3A_952 = arith.subf %parallel_loop3A_950, %parallel_loop3A_951 : vector<16xf32>
        %parallel_loop3A_953 = vector.broadcast %parallel_loop3A_943 : f32 to vector<16xf32>
        %parallel_loop3A_954 = arith.mulf %parallel_loop3A_953, %get3A_1 : vector<16xf32>
        %parallel_loop3A_955 = arith.mulf %parallel_loop3A_952, %parallel_loop3A_954 : vector<16xf32>
        %parallel_loop3A_956 = arith.addf %parallel_loop3A_955, %get3A_9 : vector<16xf32>
        %parallel_loop3A_957 = arith.constant 0 : i32
        %parallel_loop3A_958 = arith.constant 0 : i32
        %parallel_loop3A_959 = tpu.memref_slice %arg16[%parallel_loop3A_929, %parallel_loop3A_957, %parallel_loop3A_958] : memref<2x200x64xf32, #tpu.memory_space<vmem>> -> memref<1x200x64xf32, #tpu.memory_space<vmem>>
        %parallel_loop3A_960 = tpu.memref_squeeze %parallel_loop3A_959 : memref<1x200x64xf32, #tpu.memory_space<vmem>> -> memref<200x64xf32, #tpu.memory_space<vmem>>
        %parallel_loop3A_961 = arith.index_cast %parallel_loop3A_939 : i32 to index
        %parallel_loop3A_962 = arith.constant 0 : index
        %parallel_loop3A_963 = tpu.vector_load %parallel_loop3A_960[%parallel_loop3A_961, %parallel_loop3A_962] {strides = array<i32>} : memref<200x64xf32, #tpu.memory_space<vmem>>, vector<16xf32>,
        %parallel_loop3A_964 = arith.addf %parallel_loop3A_956, %parallel_loop3A_963 : vector<16xf32>
        %parallel_loop3A_965 = arith.constant 0 : i32
        %parallel_loop3A_966 = arith.constant 0 : i32
        %parallel_loop3A_967 = tpu.memref_slice %arg14[%parallel_loop3A_928, %parallel_loop3A_965, %parallel_loop3A_966] : memref<2x200x64xf32, #tpu.memory_space<vmem>> -> memref<1x200x64xf32, #tpu.memory_space<vmem>>
        %parallel_loop3A_968 = tpu.memref_squeeze %parallel_loop3A_967 : memref<1x200x64xf32, #tpu.memory_space<vmem>> -> memref<200x64xf32, #tpu.memory_space<vmem>>
        %parallel_loop3A_969 = arith.index_cast %parallel_loop3A_939 : i32 to index
        %parallel_loop3A_970 = arith.constant 0 : index
        %parallel_loop3A_971 = tpu.vector_load %parallel_loop3A_968[%parallel_loop3A_969, %parallel_loop3A_970] {strides = array<i32>} : memref<200x64xf32, #tpu.memory_space<vmem>>, vector<16xf32>,
        tpu.vector_store %parallel_loop3A_968[%parallel_loop3A_969, %parallel_loop3A_970], %parallel_loop3A_964 {strides = array<i32>} : memref<200x64xf32, #tpu.memory_space<vmem>>, vector<16xf32>,
        %parallel_loop3A_972 = arith.constant 0 : i32
        %parallel_loop3A_973 = arith.constant 0 : i32
        %parallel_loop3A_974 = tpu.memref_slice %arg14[%parallel_loop3A_928, %parallel_loop3A_972, %parallel_loop3A_973] : memref<2x200x64xf32, #tpu.memory_space<vmem>> -> memref<1x200x64xf32, #tpu.memory_space<vmem>>
        %parallel_loop3A_975 = tpu.memref_squeeze %parallel_loop3A_974 : memref<1x200x64xf32, #tpu.memory_space<vmem>> -> memref<200x64xf32, #tpu.memory_space<vmem>>
        %parallel_loop3A_976 = arith.index_cast %parallel_loop3A_939 : i32 to index
        %parallel_loop3A_977 = arith.constant 16 : index
        %parallel_loop3A_978 = tpu.vector_load %parallel_loop3A_975[%parallel_loop3A_976, %parallel_loop3A_977] {strides = array<i32>} : memref<200x64xf32, #tpu.memory_space<vmem>>, vector<16xf32>,
        %parallel_loop3A_979 = vector.broadcast %parallel_loop3A_941 : f32 to vector<16xf32>
        %parallel_loop3A_980 = arith.subf %parallel_loop3A_978, %parallel_loop3A_979 : vector<16xf32>
        %parallel_loop3A_981 = vector.broadcast %parallel_loop3A_943 : f32 to vector<16xf32>
        %parallel_loop3A_982 = arith.mulf %parallel_loop3A_981, %get3A_3 : vector<16xf32>
        %parallel_loop3A_983 = arith.mulf %parallel_loop3A_980, %parallel_loop3A_982 : vector<16xf32>
        %parallel_loop3A_984 = arith.addf %parallel_loop3A_983, %get3A_11 : vector<16xf32>
        %parallel_loop3A_985 = arith.constant 0 : i32
        %parallel_loop3A_986 = arith.constant 0 : i32
        %parallel_loop3A_987 = tpu.memref_slice %arg16[%parallel_loop3A_929, %parallel_loop3A_985, %parallel_loop3A_986] : memref<2x200x64xf32, #tpu.memory_space<vmem>> -> memref<1x200x64xf32, #tpu.memory_space<vmem>>
        %parallel_loop3A_988 = tpu.memref_squeeze %parallel_loop3A_987 : memref<1x200x64xf32, #tpu.memory_space<vmem>> -> memref<200x64xf32, #tpu.memory_space<vmem>>
        %parallel_loop3A_989 = arith.index_cast %parallel_loop3A_939 : i32 to index
        %parallel_loop3A_990 = arith.constant 16 : index
        %parallel_loop3A_991 = tpu.vector_load %parallel_loop3A_988[%parallel_loop3A_989, %parallel_loop3A_990] {strides = array<i32>} : memref<200x64xf32, #tpu.memory_space<vmem>>, vector<16xf32>,
        %parallel_loop3A_992 = arith.addf %parallel_loop3A_984, %parallel_loop3A_991 : vector<16xf32>
        %parallel_loop3A_993 = arith.constant 0 : i32
        %parallel_loop3A_994 = arith.constant 0 : i32
        %parallel_loop3A_995 = tpu.memref_slice %arg14[%parallel_loop3A_928, %parallel_loop3A_993, %parallel_loop3A_994] : memref<2x200x64xf32, #tpu.memory_space<vmem>> -> memref<1x200x64xf32, #tpu.memory_space<vmem>>
        %parallel_loop3A_996 = tpu.memref_squeeze %parallel_loop3A_995 : memref<1x200x64xf32, #tpu.memory_space<vmem>> -> memref<200x64xf32, #tpu.memory_space<vmem>>
        %parallel_loop3A_997 = arith.index_cast %parallel_loop3A_939 : i32 to index
        %parallel_loop3A_998 = arith.constant 16 : index
        %parallel_loop3A_999 = tpu.vector_load %parallel_loop3A_996[%parallel_loop3A_997, %parallel_loop3A_998] {strides = array<i32>} : memref<200x64xf32, #tpu.memory_space<vmem>>, vector<16xf32>,
        tpu.vector_store %parallel_loop3A_996[%parallel_loop3A_997, %parallel_loop3A_998], %parallel_loop3A_992 {strides = array<i32>} : memref<200x64xf32, #tpu.memory_space<vmem>>, vector<16xf32>,
        %parallel_loop3A_1000 = arith.constant 0 : i32
        %parallel_loop3A_1001 = arith.constant 0 : i32
        %parallel_loop3A_1002 = tpu.memref_slice %arg14[%parallel_loop3A_928, %parallel_loop3A_1000, %parallel_loop3A_1001] : memref<2x200x64xf32, #tpu.memory_space<vmem>> -> memref<1x200x64xf32, #tpu.memory_space<vmem>>
        %parallel_loop3A_1003 = tpu.memref_squeeze %parallel_loop3A_1002 : memref<1x200x64xf32, #tpu.memory_space<vmem>> -> memref<200x64xf32, #tpu.memory_space<vmem>>
        %parallel_loop3A_1004 = arith.index_cast %parallel_loop3A_939 : i32 to index
        %parallel_loop3A_1005 = arith.constant 32 : index
        %parallel_loop3A_1006 = tpu.vector_load %parallel_loop3A_1003[%parallel_loop3A_1004, %parallel_loop3A_1005] {strides = array<i32>} : memref<200x64xf32, #tpu.memory_space<vmem>>, vector<16xf32>,
        %parallel_loop3A_1007 = vector.broadcast %parallel_loop3A_941 : f32 to vector<16xf32>
        %parallel_loop3A_1008 = arith.subf %parallel_loop3A_1006, %parallel_loop3A_1007 : vector<16xf32>
        %parallel_loop3A_1009 = vector.broadcast %parallel_loop3A_943 : f32 to vector<16xf32>
        %parallel_loop3A_1010 = arith.mulf %parallel_loop3A_1009, %get3A_5 : vector<16xf32>
        %parallel_loop3A_1011 = arith.mulf %parallel_loop3A_1008, %parallel_loop3A_1010 : vector<16xf32>
        %parallel_loop3A_1012 = arith.addf %parallel_loop3A_1011, %get3A_13 : vector<16xf32>
        %parallel_loop3A_1013 = arith.constant 0 : i32
        %parallel_loop3A_1014 = arith.constant 0 : i32
        %parallel_loop3A_1015 = tpu.memref_slice %arg16[%parallel_loop3A_929, %parallel_loop3A_1013, %parallel_loop3A_1014] : memref<2x200x64xf32, #tpu.memory_space<vmem>> -> memref<1x200x64xf32, #tpu.memory_space<vmem>>
        %parallel_loop3A_1016 = tpu.memref_squeeze %parallel_loop3A_1015 : memref<1x200x64xf32, #tpu.memory_space<vmem>> -> memref<200x64xf32, #tpu.memory_space<vmem>>
        %parallel_loop3A_1017 = arith.index_cast %parallel_loop3A_939 : i32 to index
        %parallel_loop3A_1018 = arith.constant 32 : index
        %parallel_loop3A_1019 = tpu.vector_load %parallel_loop3A_1016[%parallel_loop3A_1017, %parallel_loop3A_1018] {strides = array<i32>} : memref<200x64xf32, #tpu.memory_space<vmem>>, vector<16xf32>,
        %parallel_loop3A_1020 = arith.addf %parallel_loop3A_1012, %parallel_loop3A_1019 : vector<16xf32>
        %parallel_loop3A_1021 = arith.constant 0 : i32
        %parallel_loop3A_1022 = arith.constant 0 : i32
        %parallel_loop3A_1023 = tpu.memref_slice %arg14[%parallel_loop3A_928, %parallel_loop3A_1021, %parallel_loop3A_1022] : memref<2x200x64xf32, #tpu.memory_space<vmem>> -> memref<1x200x64xf32, #tpu.memory_space<vmem>>
        %parallel_loop3A_1024 = tpu.memref_squeeze %parallel_loop3A_1023 : memref<1x200x64xf32, #tpu.memory_space<vmem>> -> memref<200x64xf32, #tpu.memory_space<vmem>>
        %parallel_loop3A_1025 = arith.index_cast %parallel_loop3A_939 : i32 to index
        %parallel_loop3A_1026 = arith.constant 32 : index
        %parallel_loop3A_1027 = tpu.vector_load %parallel_loop3A_1024[%parallel_loop3A_1025, %parallel_loop3A_1026] {strides = array<i32>} : memref<200x64xf32, #tpu.memory_space<vmem>>, vector<16xf32>,
        tpu.vector_store %parallel_loop3A_1024[%parallel_loop3A_1025, %parallel_loop3A_1026], %parallel_loop3A_1020 {strides = array<i32>} : memref<200x64xf32, #tpu.memory_space<vmem>>, vector<16xf32>,
        %parallel_loop3A_1028 = arith.constant 0 : i32
        %parallel_loop3A_1029 = arith.constant 0 : i32
        %parallel_loop3A_1030 = tpu.memref_slice %arg14[%parallel_loop3A_928, %parallel_loop3A_1028, %parallel_loop3A_1029] : memref<2x200x64xf32, #tpu.memory_space<vmem>> -> memref<1x200x64xf32, #tpu.memory_space<vmem>>
        %parallel_loop3A_1031 = tpu.memref_squeeze %parallel_loop3A_1030 : memref<1x200x64xf32, #tpu.memory_space<vmem>> -> memref<200x64xf32, #tpu.memory_space<vmem>>
        %parallel_loop3A_1032 = arith.index_cast %parallel_loop3A_939 : i32 to index
        %parallel_loop3A_1033 = arith.constant 48 : index
        %parallel_loop3A_1034 = tpu.vector_load %parallel_loop3A_1031[%parallel_loop3A_1032, %parallel_loop3A_1033] {strides = array<i32>} : memref<200x64xf32, #tpu.memory_space<vmem>>, vector<16xf32>,
        %parallel_loop3A_1035 = vector.broadcast %parallel_loop3A_941 : f32 to vector<16xf32>
        %parallel_loop3A_1036 = arith.subf %parallel_loop3A_1034, %parallel_loop3A_1035 : vector<16xf32>
        %parallel_loop3A_1037 = vector.broadcast %parallel_loop3A_943 : f32 to vector<16xf32>
        %parallel_loop3A_1038 = arith.mulf %parallel_loop3A_1037, %get3A_7 : vector<16xf32>
        %parallel_loop3A_1039 = arith.mulf %parallel_loop3A_1036, %parallel_loop3A_1038 : vector<16xf32>
        %parallel_loop3A_1040 = arith.addf %parallel_loop3A_1039, %get3A_15 : vector<16xf32>
        %parallel_loop3A_1041 = arith.constant 0 : i32
        %parallel_loop3A_1042 = arith.constant 0 : i32
        %parallel_loop3A_1043 = tpu.memref_slice %arg16[%parallel_loop3A_929, %parallel_loop3A_1041, %parallel_loop3A_1042] : memref<2x200x64xf32, #tpu.memory_space<vmem>> -> memref<1x200x64xf32, #tpu.memory_space<vmem>>
        %parallel_loop3A_1044 = tpu.memref_squeeze %parallel_loop3A_1043 : memref<1x200x64xf32, #tpu.memory_space<vmem>> -> memref<200x64xf32, #tpu.memory_space<vmem>>
        %parallel_loop3A_1045 = arith.index_cast %parallel_loop3A_939 : i32 to index
        %parallel_loop3A_1046 = arith.constant 48 : index
        %parallel_loop3A_1047 = tpu.vector_load %parallel_loop3A_1044[%parallel_loop3A_1045, %parallel_loop3A_1046] {strides = array<i32>} : memref<200x64xf32, #tpu.memory_space<vmem>>, vector<16xf32>,
        %parallel_loop3A_1048 = arith.addf %parallel_loop3A_1040, %parallel_loop3A_1047 : vector<16xf32>
        %parallel_loop3A_1049 = arith.constant 0 : i32
        %parallel_loop3A_1050 = arith.constant 0 : i32
        %parallel_loop3A_1051 = tpu.memref_slice %arg14[%parallel_loop3A_928, %parallel_loop3A_1049, %parallel_loop3A_1050] : memref<2x200x64xf32, #tpu.memory_space<vmem>> -> memref<1x200x64xf32, #tpu.memory_space<vmem>>
        %parallel_loop3A_1052 = tpu.memref_squeeze %parallel_loop3A_1051 : memref<1x200x64xf32, #tpu.memory_space<vmem>> -> memref<200x64xf32, #tpu.memory_space<vmem>>
        %parallel_loop3A_1053 = arith.index_cast %parallel_loop3A_939 : i32 to index
        %parallel_loop3A_1054 = arith.constant 48 : index
        %parallel_loop3A_1055 = tpu.vector_load %parallel_loop3A_1052[%parallel_loop3A_1053, %parallel_loop3A_1054] {strides = array<i32>} : memref<200x64xf32, #tpu.memory_space<vmem>>, vector<16xf32>,
        tpu.vector_store %parallel_loop3A_1052[%parallel_loop3A_1053, %parallel_loop3A_1054], %parallel_loop3A_1048 {strides = array<i32>} : memref<200x64xf32, #tpu.memory_space<vmem>>, vector<16xf32>,
      } {sc.loop_unroll_factor = 4 : i64, sc.parallel_access}
      %mul3A_930 = arith.constant 2 : i32
      %mul3A_931 = arith.muli %add3A_623, %mul3A_930 : i32
      %add3A_932 = arith.addi %mul3A_17, %mul3A_931 : i32
      %dma_start3A_933 = arith.constant 0 : i32
      %dma_start3A_934 = arith.constant 0 : i32
      %dma_start3A_935 = tpu.memref_slice %arg8[%add3A_932, %dma_start3A_933, %dma_start3A_934] : memref<4096x200x64xf32, #tpu.memory_space<hbm>> -> memref<2x200x64xf32, #tpu.memory_space<hbm>>
      %dma_start3A_936 = arith.constant 0 : i32
      %dma_start3A_937 = arith.constant 0 : i32
      %dma_start3A_938 = tpu.memref_slice %arg8[%add3A_932, %dma_start3A_936, %dma_start3A_937] : memref<4096x200x64xf32, #tpu.memory_space<hbm>> -> memref<2x200x64xf32, #tpu.memory_space<hbm>>
      tpu.enqueue_dma source(%arg14 : memref<2x200x64xf32, #tpu.memory_space<vmem>>) target(%dma_start3A_938 : memref<2x200x64xf32, #tpu.memory_space<hbm>>) target_semaphore(%arg26 : memref<!tpu.dma_semaphore, #tpu.memory_space<semaphore_mem>>)
    }
    %scan3A_271 = arith.constant 32 : i32
    %dma_wait3A = arith.constant 0 : i32
    %dma_wait3A_272 = arith.constant 0 : i32
    %dma_wait3A_273 = tpu.memref_slice %arg3[%dma_wait3A, %dma_wait3A_272] : memref<4096x200xi32, #tpu.memory_space<hbm>> -> memref<2x200xi32, #tpu.memory_space<hbm>>
    %dma_wait3A_274 = arith.constant 0 : i32
    %dma_wait3A_275 = arith.constant 0 : i32
    %dma_wait3A_276 = tpu.memref_slice %arg3[%dma_wait3A_274, %dma_wait3A_275] : memref<4096x200xi32, #tpu.memory_space<hbm>> -> memref<2x200xi32, #tpu.memory_space<hbm>>
    tpu.wait_dma2 semaphore(%arg22 : memref<!tpu.dma_semaphore, #tpu.memory_space<semaphore_mem>>) src(%dma_wait3A_276 : memref<2x200xi32, #tpu.memory_space<hbm>>) dst(%arg10 : memref<2x200xi32, #tpu.memory_space<vmem>>)
    %dma_wait3A_277 = arith.constant 0 : i32
    %dma_wait3A_278 = arith.constant 0 : i32
    %dma_wait3A_279 = tpu.memref_slice %arg4[%dma_wait3A_277, %dma_wait3A_278] : memref<4096x200xi32, #tpu.memory_space<hbm>> -> memref<2x200xi32, #tpu.memory_space<hbm>>
    %dma_wait3A_280 = arith.constant 0 : i32
    %dma_wait3A_281 = arith.constant 0 : i32
    %dma_wait3A_282 = tpu.memref_slice %arg4[%dma_wait3A_280, %dma_wait3A_281] : memref<4096x200xi32, #tpu.memory_space<hbm>> -> memref<2x200xi32, #tpu.memory_space<hbm>>
    tpu.wait_dma2 semaphore(%arg22 : memref<!tpu.dma_semaphore, #tpu.memory_space<semaphore_mem>>) src(%dma_wait3A_282 : memref<2x200xi32, #tpu.memory_space<hbm>>) dst(%arg12 : memref<2x200xi32, #tpu.memory_space<vmem>>)
    %dma_wait3A_283 = arith.constant 0 : i32
    %dma_wait3A_284 = arith.constant 0 : i32
    %dma_wait3A_285 = arith.constant 0 : i32
    %dma_wait3A_286 = tpu.memref_slice %arg8[%dma_wait3A_283, %dma_wait3A_284, %dma_wait3A_285] : memref<4096x200x64xf32, #tpu.memory_space<hbm>> -> memref<2x200x64xf32, #tpu.memory_space<hbm>>
    %dma_wait3A_287 = arith.constant 0 : i32
    %dma_wait3A_288 = arith.constant 0 : i32
    %dma_wait3A_289 = arith.constant 0 : i32
    %dma_wait3A_290 = tpu.memref_slice %arg8[%dma_wait3A_287, %dma_wait3A_288, %dma_wait3A_289] : memref<4096x200x64xf32, #tpu.memory_space<hbm>> -> memref<2x200x64xf32, #tpu.memory_space<hbm>>
    tpu.wait_dma2 semaphore(%arg23 : memref<!tpu.dma_semaphore, #tpu.memory_space<semaphore_mem>>) src(%dma_wait3A_290 : memref<2x200x64xf32, #tpu.memory_space<hbm>>) dst(%arg13 : memref<2x200x64xf32, #tpu.memory_space<vmem>>)
    %dma_wait3A_291 = arith.constant 0 : i32
    %dma_wait3A_292 = arith.constant 0 : i32
    %dma_wait3A_293 = arith.constant 0 : i32
    %dma_wait3A_294 = tpu.memref_slice %arg8[%dma_wait3A_291, %dma_wait3A_292, %dma_wait3A_293] : memref<4096x200x64xf32, #tpu.memory_space<hbm>> -> memref<2x200x64xf32, #tpu.memory_space<hbm>>
    %dma_wait3A_295 = arith.constant 0 : i32
    %dma_wait3A_296 = arith.constant 0 : i32
    %dma_wait3A_297 = arith.constant 0 : i32
    %dma_wait3A_298 = tpu.memref_slice %arg8[%dma_wait3A_295, %dma_wait3A_296, %dma_wait3A_297] : memref<4096x200x64xf32, #tpu.memory_space<hbm>> -> memref<2x200x64xf32, #tpu.memory_space<hbm>>
    tpu.wait_dma2 semaphore(%arg23 : memref<!tpu.dma_semaphore, #tpu.memory_space<semaphore_mem>>) src(%dma_wait3A_298 : memref<2x200x64xf32, #tpu.memory_space<hbm>>) dst(%arg15 : memref<2x200x64xf32, #tpu.memory_space<vmem>>)
    %dma_wait3A_299 = arith.constant 0 : i32
    %dma_wait3A_300 = arith.constant 0 : i32
    %dma_wait3A_301 = arith.constant 0 : i32
    %dma_wait3A_302 = tpu.memref_slice %arg8[%dma_wait3A_299, %dma_wait3A_300, %dma_wait3A_301] : memref<4096x200x64xf32, #tpu.memory_space<hbm>> -> memref<2x200x64xf32, #tpu.memory_space<hbm>>
    %dma_wait3A_303 = arith.constant 0 : i32
    %dma_wait3A_304 = arith.constant 0 : i32
    %dma_wait3A_305 = arith.constant 0 : i32
    %dma_wait3A_306 = tpu.memref_slice %arg8[%dma_wait3A_303, %dma_wait3A_304, %dma_wait3A_305] : memref<4096x200x64xf32, #tpu.memory_space<hbm>> -> memref<2x200x64xf32, #tpu.memory_space<hbm>>
    tpu.wait_dma2 semaphore(%arg26 : memref<!tpu.dma_semaphore, #tpu.memory_space<semaphore_mem>>) src(%dma_wait3A_306 : memref<2x200x64xf32, #tpu.memory_space<hbm>>) dst(%arg14 : memref<2x200x64xf32, #tpu.memory_space<vmem>>)
    return
  }
}

</mosaic_0001>

<sc_bundles>
// kernel: kernel.4.cloned.1.call-start
scs
__scs_entry_jumppad:
0x0: {  	(pc) =	sbr.rel $0x88, $3  }
0x1: {  	(tag) =	ssettag $0x0;
	lr =	simm.s32 $0x1  }
0x2: {  	[smem:$0x3F99] =	sst lr;
	_ =	strace $0xD0000000  }
0x3: {  	_ = 	snop  }
0x4: {  	_ = 	snop  }
0x5: {  	_ = 	snop  }
0x6: {  	_ = 	snop  }
0x7: {  	_ = 	snop  }
__scs_overlays_trampoline_lowered:
0x8: {  	[smem:$0x3FA8] =	sst s0  }
0x9: {  	[smem:$0x3FA9] =	sst s1  }
0xa: {  	[smem:$0x3FAA] =	sst s2  }
0xb: {  	[smem:$0x3FAB] =	sst s3  }
0xc: {  	[smem:$0x3FAC] =	sst s4  }
0xd: {  	[smem:$0x3FAD] =	sst s5  }
0xe: {  	[smem:$0x3FAE] =	sst s6  }
0xf: {  	[smem:$0x3FAF] =	sst s7  }
0x10: {  	[smem:$0x3FB0] =	sst s8  }
0x11: {  	[smem:$0x3FB1] =	sst s9;
	s0 =	simm.s32 @!p0 $0x0  }
0x12: {  	s1 =	sld [smem:$0x3F97];
	s0 =	simm.s32 @p0 $0x1  }
0x13: {  	[smem:$0x3FB2] =	sst s0;
	s0 =	simm.s32 @!p1 $0x0  }
0x14: {  	s2 =	sld [smem:$0x3F96];
	s0 =	simm.s32 @p1 $0x1  }
0x15: {  	[smem:$0x3FB3] =	sst s0;
	s0 =	simm.s32 @!p2 $0x0  }
0x16: {  	s3 =	sld [smem:$0x3FDB];
	s0 =	simm.s32 @p2 $0x1  }
0x17: {  	s4 =	simm.s32 $0x1BF5;
	[smem:$0x3FB5] =	sst s0  }
0x18: {  	s0 =	sld [smem:$0x3F98];
	_ =	swait.ge [sflag:s4], $0x0  }
0x19: {  	s7 =	sld [smem:$0x3F99]  }
0x1a: {  	s8 =	sadd.s32 $0xFFFFE003, lr  }
0x1b: {  	s9 =	sadd.s32 $0xFFFFFEF7, lr;
	s5 =	simm.s32 $0xFFFFFFFF;
	p2 =	slt.u32 s8, $0xFFFFF086  }
0x1c: {  	p1 =	slt.u32 s9, $0xF7A;
	s5 =	simm.s32 @!p2 $0x0  }
0x1d: {  	s5 =	simm.s32 @p1 $0x1;
	p0 =	seq.s32 s7, s2  }
0x1e: {  	s7 =	smul.u32 @!p0 $0xF7A, s2;
	p2 =	seq.s32 @!p0 s5, $0x0  }
0x1f: {  	s9 =	smul.u32 $0xF7A, s1;
	s8 =	simm.s32 @!p0 $0x1BF5;
	p2 =	por !p2, p0  }
0x20: {  	[sflag:s8] =	ssyncset.s32 @!p0 $0xFFFFF086;
	s6 =	sadd.s32 @!p0 s3, s7;
	s7 =	simm.s32 @!p0 $0x108  }
0x21: {  	s3 =	sadd.s32 s3, s9;
	s6 =	sadd.s32 @!p0 $0x88, s6;
	s7 =	simm.s32 @p2 $0x1082  }
0x22: {  	[simem:s7], [sflag:s8] =	dma.local @!p0 [hbm:s6], $0xF7A  }
0x23: {  	s9 =	sor.u32 $0xD0000000, s2;
	s6 =	simm.s32 $0x108;
	_ =	swait.ge @!p0 [sflag:s8], $0x0  }
0x24: {  	s3 =	sadd.s32 $0x88, s3;
	s6 =	simm.s32 @!p1 $0x1082;
	[sflag:s4] =	ssyncset.s32 $0xFFFFF086  }
0x25: {  	[simem:s6], [sflag:s4] =	dma.local [hbm:s3], $0xF7A  }
0x26: {  	[smem:$0x3F99] =	sst s1;
	(tag) =	ssettag s2;
	_ =	strace s9  }
0x27: {  	s1 =	sld [smem:$0x3FA9]  }
0x28: {  	s2 =	sld [smem:$0x3FAA]  }
0x29: {  	s4 =	sld [smem:$0x3FAC]  }
0x2a: {  	p0 =	seq.s32 s5, $0x0;
	s5 =	sld [smem:$0x3FAD]  }
0x2b: {  	s6 =	sld [smem:$0x3FAE]  }
0x2c: {  	s7 =	sld [smem:$0x3FAF]  }
0x2d: {  	s3 =	simm.s32 $0x108;
	s8 =	sld [smem:$0x3FB0]  }
0x2e: {  	s3 =	simm.s32 @!p0 $0x1082;
	s9 =	sld [smem:$0x3FB1]  }
0x2f: {  	lr =	sadd.s32 s0, s3;
	s0 =	sld [smem:$0x3FA8]  }
0x30: {  	s3 =	sld [smem:$0x3FAB]  }
0x31: {  	[smem:$0x3FB4] =	sst s10  }
0x32: {  	s10 =	sld [smem:$0x3FB2];
	_ =	sdelay $0x3  }
0x33: {  	p0 =	seq.s32 s10, $0x1;
	s10 =	sld [smem:$0x3FB4];
	_ =	sdelay $0x3  }
0x34: {  	[smem:$0x3FB4] =	sst s10  }
0x35: {  	s10 =	sld [smem:$0x3FB3];
	_ =	sdelay $0x3  }
0x36: {  	p1 =	seq.s32 s10, $0x1;
	s10 =	sld [smem:$0x3FB4];
	_ =	sdelay $0x3  }
0x37: {  	[smem:$0x3FB4] =	sst s10  }
0x38: {  	s10 =	sld [smem:$0x3FB5]  }
0x39: {  	_ = 	snop;
	(pc) =	sbr.ind lr, $3  }
0x3a: {  	_ = 	snop  }
0x3b: {  	_ = 	snop  }
0x3c: {  	p2 =	seq.s32 s10, $0x1;
	s10 =	sld [smem:$0x3FB4]  }
0x3d: {  	_ =	shalt  }
0x3e: {  	_ =	shalt  }
0x3f: {  	_ =	shalt  }
0x40: {  	_ =	shalt  }
0x41: {  	_ =	shalt  }
0x42: {  	_ =	shalt  }
0x43: {  	_ =	shalt  }
0x44: {  	_ =	shalt  }
0x45: {  	_ =	shalt  }
0x46: {  	_ =	shalt  }
0x47: {  	_ =	shalt  }
0x48: {  	_ =	shalt  }
0x49: {  	_ =	shalt  }
0x4a: {  	_ =	shalt  }
0x4b: {  	_ =	shalt  }
0x4c: {  	_ =	shalt  }
0x4d: {  	_ =	shalt  }
0x4e: {  	_ =	shalt  }
0x4f: {  	_ =	shalt  }
0x50: {  	_ =	shalt  }
0x51: {  	_ =	shalt  }
0x52: {  	_ =	shalt  }
0x53: {  	_ =	shalt  }
0x54: {  	_ =	shalt  }
0x55: {  	_ =	shalt  }
0x56: {  	_ =	shalt  }
0x57: {  	_ =	shalt  }
0x58: {  	_ =	shalt  }
0x59: {  	_ =	shalt  }
0x5a: {  	_ =	shalt  }
0x5b: {  	_ =	shalt  }
0x5c: {  	_ =	shalt  }
0x5d: {  	_ =	shalt  }
0x5e: {  	_ =	shalt  }
0x5f: {  	_ =	shalt  }
0x60: {  	_ =	shalt  }
0x61: {  	_ =	shalt  }
0x62: {  	_ =	shalt  }
0x63: {  	_ =	shalt  }
0x64: {  	_ =	shalt  }
0x65: {  	_ =	shalt  }
0x66: {  	_ =	shalt  }
0x67: {  	_ =	shalt  }
0x68: {  	_ =	shalt  }
0x69: {  	_ =	shalt  }
0x6a: {  	_ =	shalt  }
0x6b: {  	_ =	shalt  }
0x6c: {  	_ =	shalt  }
0x6d: {  	_ =	shalt  }
0x6e: {  	_ =	shalt  }
0x6f: {  	_ =	shalt  }
0x70: {  	_ =	shalt  }
0x71: {  	_ =	shalt  }
0x72: {  	_ =	shalt  }
0x73: {  	_ =	shalt  }
0x74: {  	_ =	shalt  }
0x75: {  	_ =	shalt  }
0x76: {  	_ =	shalt  }
0x77: {  	_ =	shalt  }
0x78: {  	_ =	shalt  }
0x79: {  	_ =	shalt  }
0x7a: {  	_ =	shalt  }
0x7b: {  	_ =	shalt  }
0x7c: {  	_ =	shalt  }
0x7d: {  	_ =	shalt  }
0x7e: {  	_ =	shalt  }
0x7f: {  	_ =	shalt  }
0x80: {  	_ =	shalt  }
0x81: {  	_ =	shalt  }
0x82: {  	_ =	shalt  }
0x83: {  	_ =	shalt  }
0x84: {  	_ =	shalt  }
0x85: {  	_ =	shalt  }
0x86: {  	_ =	shalt  }
0x87: {  	_ =	shalt  }
.Lfunc_end0:
.L_simem_size_0:
called_computation.1_lowered:
.L_overlay_start_0:
0x88: {  	s2 =	sld [smem:$0x3FD9]  }
0x89: {  	s3 =	sld [smem:$0x3FFE];
	_ =	sdelay $0x1  }
0x8a: {  	s1 =	srdreg.scid  }
0x8b: {  	s0 =	sand.u32 $0x1, s1  }
0x8c: {  	s17 =	sshll.u32 s0, $0xA;
	s2 =	sadd.s32 s3, s2  }
0x8d: {  	s2 =	sadd.s32 s2, s17  }
0x8e: {  	[smem:$0x3FC0] =	sst s2  }
0x8f: {  	_ = 	snop  }
0x90: {  	s2 =	sld [smem:$0x3FC3]  }
0x91: {  	s18 =	sld [smem:$0x3FC2]  }
0x92: {  	s4 =	sld [smem:$0x3FD0];
	(tm) =	ssettm $0x1  }
0x93: {  	s5 =	sld [smem:$0x3FFB];
	_ =	sdelay $0x3  }
0x94: {  	_ =	strace s5  }
0x95: {  	s5 =	sld [smem:$0x3FFC];
	_ =	sdelay $0x3  }
0x96: {  	_ =	strace s5  }
0x97: {  	s5 =	sld [smem:$0x3FFD];
	_ =	sdelay $0x3  }
0x98: {  	_ =	strace s5  }
0x99: {  	_ =	strace $0x8FFFFFFF  }
0x9a: {  	s19 =	sld [smem:$0x3FDB];
	_ =	sdelay $0x1  }
0x9b: {  	s6 =	simm.s32 $_scs_section_size  }
0x9c: {  	s7 =	simm.s32 $_size__tile_overlayer_lowered;
	s8 =	simm.s32 $_tile_overlayer_lowered  }
0x9d: {  	s22 =	simm.s32 $0x1BFF;
	s21 =	sshll.u32 s8, $0x1;
	s5 =	sadd.s32 s6, s19  }
0x9e: {  	s9 =	simm.s32 $0x0;
	s20 =	sshll.u32 s7, $0x1;
	s7 =	sadd.s32 s21, s5  }
0x9f: {  	[timem:s9], [sflag:s22] =	dma.local [hbm:s7], s20  }
0xa0: {  	_ =	swait.ge [sflag:s22], s20  }
0xa1: {  	s6 =	ssub.s32 $0x0, s20;
	[sflag:s22] =	ssyncset.done $0x0  }
0xa2: {  	[sflag:s22] =	ssyncadd.s32 s6;
	_ =	sdelay $0x1  }
0xa3: {  	s23 =	simm.s32 $0x1B8B  }
0xa4: {  	_ =	swait.ge [sflag:s23], $0x1  }
0xa5: {  	[sflag:s23] =	ssyncset.done $0x0  }
0xa6: {  	s25 =	simm.s32 $0x1B8E;
	s24 =	sld [smem:$0x3FFE];
	[sflag:s23] =	ssyncadd.s32 $0xFFFFFFFF  }
0xa7: {  	s26 =	simm.s32 $execute0_lowered;
	[smem:$0x3FD2] =	sst s25  }
0xa8: {  	s7 =	sshll.u32 s26, $0x1;
	_ =	strace $0x80000046;
	[dreg:$0x1] =	wrdreg $0xFFFFFFFF  }
0xa9: {  	s28 =	simm.s32 $_size_execute0_lowered;
	s5 =	sadd.s32 s5, s7;
	[dreg:$0x0] =	wrdreg $0x0  }
0xaa: {  	s7 =	sshll.u32 s28, $0x1;
	[dreg:$0x2] =	wrdreg s5  }
0xab: {  	[dreg:$0x3] =	wrdreg s7  }
0xac: {  	[dreg:$0x4] =	wrdreg $0xC0  }
0xad: {  	_ =	task [dreg:s9], $0x5FFFF  }
0xae: {  	[dreg:$0x1] =	wrdreg $0xFFFFFFFF  }
0xaf: {  	[dreg:$0x0] =	wrdreg $0x60  }
0xb0: {  	[dreg:$0x2] =	wrdreg s4  }
0xb1: {  	[dreg:$0x3] =	wrdreg s2  }
0xb2: {  	[dreg:$0x4] =	wrdreg s18  }
0xb3: {  	[dreg:$0x5] =	wrdreg s24  }
0xb4: {  	[dreg:$0x6] =	wrdreg $0x9  }
0xb5: {  	_ =	task.clear_ibuf [dreg:s9], $0x7FFFF;
	_ =	strace $0x90000046  }
0xb6: {  	s29 =	simm.s32 $0x9;
	_ =	strace $0x80000048  }
0xb7: {  	_ =	swait.ge [sflag:s29], $0x1  }
0xb8: {  	[sflag:s29] =	ssyncadd.s32 $0xFFFFFFFF  }
0xb9: {  	_ =	strace $0x90000048  }
0xba: {  	_ =	sfence  }
0xbb: {  	s30 =	sld [smem:$0x0];
	_ =	sdelay $0x2  }
0xbc: {  	s31 =	sshll.u32 s1, $0xD;
	s1 =	sshrl.u32 s1, $0x2  }
0xbd: {  	s3 =	sand.u32 $0x4000, s31;
	s1 =	sadd.s32 s1, s30  }
0xbe: {  	s0 =	sor.u32 s3, s0;
	s1 =	sshll.u32 s1, $0x11  }
0xbf: {  	s0 =	sor.u32 s1, s0  }
0xc0: {  	s0 =	sadd.s32 $0x8F2B, s0  }
0xc1: {  	[sflag:s0] =	ssyncadd.remote.s32 $0x1  }
0xc2: {  	_ =	sfence.sel $0xFFFF  }
0xc3: {  	[dreg:$0x0] =	wrdreg $0xFFFFFFFF;
	(pc) =	sbr.abs _section_cstart, $3  }
0xc4: {  	[dreg:$0x1] =	wrdreg $0xFFFFFFFF  }
0xc5: {  	_ =	task.clear_ibuf [dreg:s9], $0x2FFFF;
	_ =	strace $0x9FFFFFFF  }
0xc6: {  	(tm) =	ssettm $0x7FFFFFFF  }
0xc7: {  	_ =	shalt  }
tec
execute0_lowered:
.L_overlay_start_1:
0x0: {  	(tag) =	ssettag $0x1  }
0x1: {  	s0 =	rddreg [dreg:$0x0]  }
0x2: {  	s1 =	rddreg [dreg:$0x3];
	s2 =	srdreg.scid  }
0x3: {  	s4 =	simm.s32 $0x0;
	s3 =	stileid.u32;
	s2 =	sand.u32 $0x1, s2  }
0x4: {  	[smem:$0x7FF] =	sst s4;
	s3 =	sshll.u32 s3, $0xA;
	s5 =	sshll.u32 s2, $0x9  }
0x5: {  	s2 =	ssub.s32 $0x2, s2;
	_ =	strace $0x80000047;
	s3 =	sor.u32 s5, s3  }
0x6: {  	s29 =	sshrl.u32 s2, $0x1;
	s1 =	sadd.s32 s3, s1;
	s0 =	sadd.s32 s0, s3  }
0x7: {  	s2 =	ssub.s32 s2, s29;
	[dreg:$0x7] =	wrdreg s0;
	s30 =	sadd.s32 $0x1000, s1  }
0x8: {  	s31 =	smax.u32 s2, $0x1;
	[dreg:$0x8] =	wrdreg s30  }
0x9: {  	s2 =	simm.s32 $0x1;
	s1 =	simm.s32 $0x0;
	[dreg:$0x9] =	wrdreg s31  }
.LBB2_1:
0xa: {  	[dreg:$0xa] =	wrdreg s1  }
0xb: {  	s0 =	rddreg [dreg:$0x1];
	s15 =	simm.s32 $0x1000  }
0xc: {  	[tilespmem:s15], [sflag:$0x1] =	stream.linear.gather [hbm4b:s0+s4], $0x40, $0x38;
	[tilespmem:$0x1080] =	vst v63  }
0xd: {  	_ =	swait.ge [sflag:s2], $0x40  }
0xe: {  	[sflag:s2] =	ssyncset.done $0x0  }
0xf: {  	[sflag:s2] =	ssyncadd.s32 $0xFFFFFFC0  }
0x10: {  	s17 =	simm.s32 $0x1040;
	s16 =	rddreg [dreg:$0x2]  }
0x11: {  	[tilespmem:s17], [sflag:$0x1] =	stream.linear.gather [hbm4b:s16+s4], $0x40, $0x38;
	[tilespmem:$0x1080] =	vst v63  }
0x12: {  	_ =	swait.ge [sflag:s2], $0x40  }
0x13: {  	[sflag:s2] =	ssyncset.done $0x0  }
0x14: {  	s18 =	rddreg [dreg:$0x7];
	[sflag:s2] =	ssyncadd.s32 $0xFFFFFFC0  }
0x15: {  	[tilespmem:s4], [sflag:$0x1] =	stream.linear.gather [hbm4b:s18+s4], $0x1000, $0x38;
	[tilespmem:$0x1080] =	vst v63  }
0x16: {  	_ =	swait.ge [sflag:s2], $0x1000  }
0x17: {  	[sflag:s2] =	ssyncset.done $0x0  }
0x18: {  	s12 =	simm.s32 $0x100;
	[sflag:s2] =	ssyncadd.s32 $0xFFFFF000  }
0x19: {  	v0 =	vld [tilespmem:s12+$0xFFFFFF70]  }
0x1a: {  	v1 =	vld [tilespmem:s12+$0xFFFFFF60]  }
0x1b: {  	v2 =	vld [tilespmem:s12+$0xFFFFFF00]  }
0x1c: {  	v4 =	vld [tilespmem:s12+$0xFFFFFF20]  }
0x1d: {  	v5 =	vld [tilespmem:s12+$0xFFFFFF10]  }
0x1e: {  	v3 =	vld [tilespmem:s12+$0xFFFFFF30]  }
0x1f: {  	v6 =	vld [tilespmem:s12+$0xFFFFFF50]  }
0x20: {  	v7 =	vld [tilespmem:s12+$0xFFFFFF40]  }
0x21: {  	v8 =	vmul.f32 v0, v0;
	v9 =	vmul.f32 v1, v1;
	v0 =	vadd.f32 v0, v1  }
0x22: {  	v11 =	vld [tilespmem:s12+$0xFFFFFFB0];
	v1 =	vmul.f32 v2, v2;
	v10 =	vmul.f32 v4, v4;
	v2 =	vadd.f32 v5, v2  }
0x23: {  	v13 =	vld [tilespmem:s12+$0xFFFFFFA0];
	v8 =	vadd.f32 v8, v9;
	v9 =	vmul.f32 v3, v3;
	v3 =	vadd.f32 v3, v4  }
0x24: {  	v15 =	vld [tilespmem:s12+$0xFFFFFF90];
	v12 =	vmul.f32 v5, v5;
	v5 =	vmul.f32 v6, v6  }
0x25: {  	v14 =	vmul.f32 v7, v7;
	v4 =	vadd.f32 v9, v10;
	v9 =	vld [tilespmem:s12+$0xFFFFFF80];
	v2 =	vadd.f32 v3, v2  }
0x26: {  	v1 =	vadd.f32 v12, v1  }
0x27: {  	v5 =	vadd.f32 v5, v14;
	v3 =	vadd.f32 v6, v7;
	(xrf2) =	vadd.scan.msk.f32 $0xffff, v2  }
0x28: {  	v6 =	vmul.f32 v13, v13;
	v1 =	vadd.f32 v4, v1  }
0x29: {  	v4 =	vadd.f32 v8, v5;
	v2 =	vmul.f32 v11, v11;
	v0 =	vadd.f32 v0, v3  }
0x2a: {  	(xrf2) =	vadd.scan.msk.f32 $0xffff, v1;
	v7 =	vadd.f32 v15, v9;
	v8 =	vmul.f32 v9, v9;
	v9 =	vmul.f32 v15, v15  }
0x2b: {  	v5 =	vadd.f32 v11, v13;
	v1 =	vadd.f32 v2, v6;
	v2 =	vld [tilespmem:s12+$0xFFFFFFF0];
	(xrf2) =	vadd.scan.msk.f32 $0xffff, v4  }
0x2c: {  	(xrf2) =	vadd.scan.msk.f32 $0xffff, v0;
	v0 =	vld [tilespmem:s12+$0xFFFFFFD0];
	v4 =	vadd.f32 v9, v8  }
0x2d: {  	v3 =	vadd.f32 v5, v7;
	v5 =	vld [tilespmem:s12+$0xFFFFFFE0]  }
0x2e: {  	v1 =	vadd.f32 v1, v4;
	v4 =	vld [tilespmem:s12+$0xFFFFFFC0]  }
0x2f: {  	(xrf2) =	vadd.scan.msk.f32 $0xffff, v3;
	_ =	sdelay $0x1  }
0x30: {  	(xrf2) =	vadd.scan.msk.f32 $0xffff, v1;
	v6, _, _ =	vpop (xrf2)  }
0x31: {  	(v2sf) =	vpush v6, $0xF  }
0x32: {  	v1 =	vadd.f32 v2, v5;
	v7 =	vadd.f32 v0, v4  }
0x33: {  	v3 =	vmul.f32 v5, v5;
	v6, _, _ =	vpop (xrf2)  }
0x34: {  	v8 =	vld [tilespmem:s12+$0x20];
	v2 =	vmul.f32 v2, v2;
	(v2sf) =	vpush v6, $0xF;
	v1 =	vadd.f32 v1, v7  }
0x35: {  	v5 =	vld [tilespmem:s12+$0x30];
	v4 =	vmul.f32 v4, v4;
	v0 =	vmul.f32 v0, v0  }
0x36: {  	v2 =	vadd.f32 v2, v3;
	v3 =	vld [tilespmem:s12+$0x10];
	v7, _, _ =	vpop (xrf2)  }
0x37: {  	v0 =	vadd.f32 v0, v4;
	v4 =	vld [tilespmem:s12+$0x0];
	v6, _, _ =	vpop (xrf2);
	(v2sf) =	vpush v7, $0xF  }
0x38: {  	(xrf2) =	vadd.scan.msk.f32 $0xffff, v1;
	(v2sf) =	vpush v6, $0xF;
	v1, _, _ =	vpop (xrf2)  }
0x39: {  	v0 =	vadd.f32 v2, v0;
	(v2sf) =	vpush v1, $0xF  }
0x3a: {  	v2, _, _ =	vpop (xrf2)  }
0x3b: {  	(xrf2) =	vadd.scan.msk.f32 $0xffff, v0;
	v0 =	vadd.f32 v5, v8;
	(v2sf) =	vpush v2, $0xF  }
0x3c: {  	v6 =	vmul.f32 v8, v8;
	v5 =	vmul.f32 v5, v5;
	v1 =	vadd.f32 v3, v4  }
0x3d: {  	v3 =	vmul.f32 v3, v3;
	v2 =	vmul.f32 v4, v4  }
0x3e: {  	v0 =	vadd.f32 v0, v1  }
0x3f: {  	v1 =	vadd.f32 v5, v6;
	v2 =	vadd.f32 v3, v2  }
0x40: {  	s19 =	spop (v2sf)  }
0x41: {  	(xrf2) =	vadd.scan.msk.f32 $0xffff, v0;
	v0 =	vadd.f32 v1, v2;
	s0 =	smul.f32 $1.562500000e-02, s19;
	_ =	sdelay $0x1  }
0x42: {  	v1, _, _ =	vpop (xrf2);
	(xrf2) =	vadd.scan.msk.f32 $0xffff, v0;
	s20 =	spop (v2sf);
	s21 =	smul.f32 s0, s0  }
0x43: {  	(v2sf) =	vpush v1, $0xF;
	s1 =	smul.f32 $1.562500000e-02, s20  }
0x44: {  	v0, _, _ =	vpop (xrf2)  }
0x45: {  	(v2sf) =	vpush v0, $0xF;
	s1 =	ssub.f32 s1, s21;
	s3 =	spop (v2sf)  }
0x46: {  	v4 =	vld [tilespmem:s12+$0x40];
	s3 =	smul.f32 $1.562500000e-02, s3;
	s5 =	spop (v2sf)  }
0x47: {  	v1 =	vld [tilespmem:s12+$0x60];
	s1 =	sadd.f32 $9.999999740e-06, s1;
	s8 =	spop (v2sf)  }
0x48: {  	v0 =	vld [tilespmem:s12+$0x70];
	s22 =	smul.f32 $1.562500000e-02, s8  }
0x49: {  	v2 =	vld [tilespmem:s12+$0x50];
	s23 =	spop (v2sf);
	s10 =	sshra.s32 s1, $0x1;
	s1 =	smul.f32 $5.000000000e-01, s1  }
0x4a: {  	v7 =	vld [tilespmem:s12+$0x90];
	v3, _, _ =	vpop (xrf2);
	s2 =	smul.f32 $1.562500000e-02, s23  }
0x4b: {  	v5 =	vld [tilespmem:s12+$0xA0];
	(v2sf) =	vpush v3, $0xF;
	s8 =	smul.f32 s22, s22  }
0x4c: {  	v6 =	vmul.f32 v1, v1;
	v3 =	vld [tilespmem:s12+$0xB0];
	s24 =	ssub.s32 $0x5F3759DF, s10;
	v8, _, _ =	vpop (xrf2);
	[dreg:$0x5] =	wrdreg s22;
	s22 =	smul.f32 $1.562500000e-02, s5  }
0x4d: {  	v1 =	vadd.f32 v0, v1;
	v0 =	vmul.f32 v0, v0;
	s26 =	smul.f32 s24, s1;
	v9 =	vld [tilespmem:s12+$0x80];
	(v2sf) =	vpush v8, $0xF;
	s2 =	ssub.f32 s2, s8  }
0x4e: {  	v8 =	vadd.f32 v2, v4;
	v4 =	vmul.f32 v4, v4;
	v2 =	vmul.f32 v2, v2;
	s4 =	smul.f32 s22, s22  }
0x4f: {  	s8 =	smul.f32 s24, s26;
	s2 =	sadd.f32 $9.999999740e-06, s2  }
0x50: {  	v0 =	vadd.f32 v0, v6;
	v2 =	vadd.f32 v2, v4;
	s3 =	ssub.f32 s3, s4  }
0x51: {  	v6 =	vmul.f32 v3, v3;
	v3 =	vadd.f32 v3, v5;
	v1 =	vadd.f32 v1, v8;
	s8 =	ssub.f32 $1.500000000e+00, s8  }
0x52: {  	v4 =	vmul.f32 v5, v5;
	v0 =	vadd.f32 v0, v2;
	s13 =	spop (v2sf);
	s25 =	smul.f32 $5.000000000e-01, s2;
	v5 =	vadd.f32 v7, v9  }
0x53: {  	(xrf2) =	vadd.scan.msk.f32 $0xffff, v1;
	v2 =	vmul.f32 v7, v7;
	v1 =	vmul.f32 v9, v9;
	s3 =	sadd.f32 $9.999999740e-06, s3;
	s31 =	smul.f32 s24, s8  }
0x54: {  	s6 =	smul.f32 $1.562500000e-02, s13;
	s7 =	spop (v2sf);
	(xrf2) =	vadd.scan.msk.f32 $0xffff, v0;
	v0 =	vadd.f32 v3, v5  }
0x55: {  	v4 =	vadd.f32 v6, v4;
	s2 =	sshra.s32 s2, $0x1;
	v1 =	vadd.f32 v2, v1;
	s10 =	smul.f32 $1.562500000e-02, s7  }
0x56: {  	s2 =	ssub.s32 $0x5F3759DF, s2;
	s29 =	smul.f32 $5.000000000e-01, s3;
	[dreg:$0x6] =	wrdreg s6;
	(xrf2) =	vadd.scan.msk.f32 $0xffff, v0  }
0x57: {  	s9 =	smul.f32 s2, s25;
	v1 =	vadd.f32 v4, v1;
	v3 =	vld [tilespmem:s12+$0xF0]  }
0x58: {  	s28 =	smul.f32 s31, s1;
	v5 =	vld [tilespmem:s12+$0xE0]  }
0x59: {  	s13 =	smul.f32 s6, s6;
	v6 =	vld [tilespmem:s12+$0xC0];
	(xrf2) =	vadd.scan.msk.f32 $0xffff, v1  }
0x5a: {  	s3 =	sshra.s32 s3, $0x1;
	s5 =	smul.f32 s2, s9;
	s11 =	spop (v2sf);
	v1 =	vld [tilespmem:s12+$0xD0]  }
0x5b: {  	s3 =	ssub.s32 $0x5F3759DF, s3;
	s10 =	ssub.f32 s10, s13;
	s23 =	smul.f32 $1.562500000e-02, s11  }
0x5c: {  	s21 =	smul.f32 s3, s29;
	s5 =	ssub.f32 $1.500000000e+00, s5;
	v7 =	vmul.f32 v3, v3  }
0x5d: {  	s16 =	simm.s32 $0x0;
	v2 =	vld [tilespmem:$0x1010];
	s19 =	smul.f32 s23, s23;
	s18 =	spop (v2sf)  }
0x5e: {  	s14 =	simm.s32 $0x44;
	v0 =	vld [tilespmem:$0x1000];
	[smem:s16] =	sst s0;
	v4, _, _ =	vpop (xrf2);
	v8 =	vadd.f32 v3, v5;
	v3 =	vmul.f32 v5, v5;
	s20 =	smul.f32 $1.562500000e-02, s18  }
0x5f: {  	s15 =	simm.s32 $0x4;
	s13 =	sadd.f32 $9.999999740e-06, s10;
	s24 =	smul.f32 s2, s5;
	v5 =	vld [tilespmem:$0x1030];
	(v2sf) =	vpush v4, $0xF;
	v9, _, _ =	vpop (xrf2);
	v10 =	vadd.f32 v1, v6;
	v11 =	vmul.f32 v1, v1  }
0x60: {  	s17 =	simm.s32 $0x0;
	s2 =	smul.f32 s3, s21;
	v6 =	vmul.f32 v6, v6;
	(v2sf) =	vpush v9, $0xF;
	v9 =	vadd.f32 v7, v3;
	v3 =	vld [tilespmem:$0x1050];
	s0 =	ssub.f32 s20, s19;
	v7, _, _ =	vpop (xrf2)  }
0x61: {  	s21 =	simm.s32 $0x4C;
	s26 =	smul.f32 $5.000000000e-01, s13;
	s1 =	sshra.s32 s13, $0x1;
	(v2sf) =	vpush v7, $0xF;
	v7 =	vld [tilespmem:$0x1070]  }
0x62: {  	s12 =	simm.s32 $0x80;
	s30 =	ssub.s32 $0x5F3759DF, s1;
	v1 =	vld [tilespmem:$0x1040];
	v8 =	vadd.f32 v8, v10;
	v10 =	vadd.f32 v11, v6;
	s0 =	sadd.f32 $9.999999740e-06, s0  }
0x63: {  	s13 =	simm.s32 $0x42;
	s1 =	smul.f32 s30, s26;
	s18 =	simm.s32 $0xC;
	v6 =	vld [tilespmem:$0x1060];
	v11, _, _ =	vpop (xrf2)  }
0x64: {  	v4 =	vld [tilespmem:$0x1020];
	s19 =	simm.s32 $0x300;
	(xrf2) =	vadd.scan.msk.f32 $0xffff, v8;
	v8 =	vadd.f32 v9, v10;
	(v2sf) =	vpush v11, $0xF;
	s5 =	sshra.s32 s0, $0x1;
	s0 =	smul.f32 $5.000000000e-01, s0  }
.LBB2_2:
0x65: {  	_ = 	snop  }
0x66: {  	s8 =	smul.f32 s28, s31  }
0x67: {  	s6 =	ssub.s32 $0x5F3759DF, s5;
	s1 =	smul.f32 s30, s1  }
0x68: {  	(xrf2) =	vadd.scan.msk.f32 $0xffff, v8;
	s2 =	ssub.f32 $1.500000000e+00, s2;
	s5 =	smul.f32 s6, s0  }
0x69: {  	s25 =	smul.f32 s24, s25  }
0x6a: {  	s4 =	smul.f32 s3, s2  }
0x6b: {  	s8 =	ssub.f32 $1.500000000e+00, s8;
	s9 =	smul.f32 s6, s5  }
0x6c: {  	s25 =	smul.f32 s25, s24  }
0x6d: {  	v9 =	vld [tilespmem:s19+$0xFFFFFF60];
	s3 =	smul.f32 s8, s31  }
0x6e: {  	v10 =	vld [tilespmem:s19+$0xFFFFFF00];
	s10 =	spop (v2sf);
	s16 =	smul.f32 s4, s29  }
0x6f: {  	v11 =	vld [tilespmem:s19+$0xFFFFFF30];
	s1 =	ssub.f32 $1.500000000e+00, s1;
	s28 =	smul.f32 $1.562500000e-02, s10  }
0x70: {  	v12 =	vld [tilespmem:s19+$0xFFFFFF20];
	s2 =	ssub.f32 $1.500000000e+00, s9;
	s9 =	smul.f32 s16, s4  }
0x71: {  	v13 =	vld [tilespmem:s19+$0xFFFFFF10];
	s7 =	smul.f32 s28, s28;
	v8, _, _ =	vpop (xrf2);
	s20 =	spop (v2sf)  }
0x72: {  	v15 =	vld [tilespmem:s19+$0xFFFFFF50];
	(v2sf) =	vpush v8, $0xF;
	v8, _, _ =	vpop (xrf2);
	s11 =	smul.f32 $1.562500000e-02, s20;
	s20 =	spop (v2sf)  }
0x73: {  	(v2sf) =	vpush v8, $0xF;
	v8 =	vld [tilespmem:s19+$0xFFFFFF70];
	s29 =	smul.f32 $1.562500000e-02, s20;
	s16 =	spop (v2sf)  }
0x74: {  	v16 =	vld [tilespmem:s19+$0xFFFFFF40];
	s5 =	ssub.f32 s11, s7;
	s10 =	smul.f32 $1.562500000e-02, s16  }
0x75: {  	v30 =	vmul.f32 v12, v12;
	v18 =	vmul.f32 v11, v11;
	s7 =	ssub.f32 $1.500000000e+00, s9;
	s11 =	smul.f32 s29, s29  }
0x76: {  	s30 =	smul.f32 s30, s1;
	v17 =	vmul.f32 v10, v10;
	v10 =	vadd.f32 v13, v10;
	v11 =	vadd.f32 v11, v12;
	s5 =	sadd.f32 $9.999999740e-06, s5  }
0x77: {  	v31 =	vmul.f32 v13, v13;
	v33 =	vmul.f32 v15, v15;
	s2 =	smul.f32 s6, s2;
	v32 =	vadd.f32 v18, v30;
	s8 =	ssub.f32 s10, s11  }
0x78: {  	v14 =	vmul.f32 v8, v8;
	v8 =	vadd.f32 v8, v9;
	v9 =	vmul.f32 v9, v9;
	s31 =	smul.f32 $5.000000000e-01, s5  }
0x79: {  	v34 =	vmul.f32 v16, v16;
	v10 =	vadd.f32 v11, v10;
	v11 =	vadd.f32 v15, v16;
	s9 =	sshra.s32 s5, $0x1;
	s20 =	sadd.f32 $9.999999740e-06, s8;
	s8 =	smul.f32 s7, s4  }
0x7a: {  	v35 =	vld [tilespmem:s19+$0xFFFFFFB0];
	v12 =	vadd.f32 v31, v17;
	s5 =	ssub.s32 $0x5F3759DF, s9;
	v9 =	vadd.f32 v14, v9;
	s7 =	smul.f32 s2, s0  }
0x7b: {  	v36 =	vld [tilespmem:s19+$0xFFFFFFA0];
	v8 =	vadd.f32 v8, v11;
	v11 =	vadd.f32 v33, v34;
	s9 =	smul.f32 s5, s31  }
0x7c: {  	v37 =	vld [tilespmem:s19+$0xFFFFFF90];
	(xrf2) =	vadd.scan.msk.f32 $0xffff, v10;
	v10 =	vadd.f32 v32, v12;
	s1 =	smul.f32 $5.000000000e-01, s20  }
0x7d: {  	s4 =	sshra.s32 s20, $0x1;
	s0 =	smul.f32 s7, s2;
	v9 =	vadd.f32 v9, v11;
	v11 =	vld [tilespmem:s19+$0xFFFFFF80]  }
0x7e: {  	(xrf2) =	vadd.scan.msk.f32 $0xffff, v10;
	s10 =	ssub.f32 $1.500000000e+00, s25;
	s4 =	ssub.s32 $0x5F3759DF, s4;
	s9 =	smul.f32 s5, s9  }
0x7f: {  	s6 =	smul.f32 s4, s1;
	s20 =	ssub.f32 $1.500000000e+00, s0  }
0x80: {  	s16 =	smul.f32 s30, s26;
	s26 =	ssub.f32 $1.500000000e+00, s9;
	s9 =	sadd.s32 $0xFFFFFFFC, s14  }
0x81: {  	v38 =	vadd.f32 v35, v36;
	v10 =	vmul.f32 v35, v35;
	v14 =	vmul.f32 v36, v36;
	s6 =	smul.f32 s4, s6;
	[smem:s9] =	sst s3  }
0x82: {  	v12 =	vmul.f32 v37, v37;
	(xrf2) =	vadd.scan.msk.f32 $0xffff, v9;
	s25 =	spop (v2sf);
	s26 =	smul.f32 s5, s26;
	v9 =	vadd.f32 v37, v11;
	v11 =	vmul.f32 v11, v11  }
0x83: {  	v10 =	vadd.f32 v10, v14;
	(xrf2) =	vadd.scan.msk.f32 $0xffff, v8;
	s5 =	smul.f32 s16, s30;
	s11 =	spop (v2sf)  }
0x84: {  	v39 =	vld [tilespmem:s19+$0xFFFFFFF0];
	s25 =	smul.f32 $1.562500000e-02, s25;
	s0 =	ssub.f32 $1.500000000e+00, s6;
	v9 =	vadd.f32 v38, v9;
	v11 =	vadd.f32 v12, v11  }
0x85: {  	v41 =	vld [tilespmem:s19+$0xFFFFFFC0];
	s7 =	smul.f32 $1.562500000e-02, s11;
	s11 =	sadd.s32 $0xFFFFFFFD, s15;
	s3 =	ssub.f32 $1.500000000e+00, s5  }
0x86: {  	v8 =	vld [tilespmem:s19+$0xFFFFFFE0];
	s6 =	smul.f32 s25, s25;
	[smem:s11] =	sst s22;
	v10 =	vadd.f32 v10, v11  }
0x87: {  	v40, _, _ =	vpop (xrf2);
	s2 =	smul.f32 s20, s2;
	s22 =	rddreg [dreg:$0x5];
	v11 =	vld [tilespmem:s19+$0xFFFFFFD0];
	(xrf2) =	vadd.scan.msk.f32 $0xffff, v9  }
0x88: {  	s9 =	sadd.s32 $0xFFFFFFFD, s14;
	s20 =	smul.f32 s26, s31;
	s6 =	ssub.f32 s7, s6;
	v9, _, _ =	vpop (xrf2);
	(xrf2) =	vadd.scan.msk.f32 $0xffff, v10  }
0x89: {  	s0 =	smul.f32 s4, s0;
	[smem:s9] =	sst s8  }
0x8a: {  	s16 =	sadd.s32 $0xFFFFFFFE, s15;
	s11 =	smul.f32 s10, s24;
	s6 =	sadd.f32 $9.999999740e-06, s6  }
0x8b: {  	v14 =	vmul.f32 v41, v41;
	(v2sf) =	vpush v40, $0xF;
	v42 =	vadd.f32 v39, v8;
	s9 =	sadd.s32 $0xFFFFFFFE, s14;
	[smem:s16] =	sst s22;
	s7 =	smul.f32 s20, s26  }
0x8c: {  	v45 =	vld [tilespmem:s19+$0x30];
	v8 =	vmul.f32 v8, v8;
	[smem:s9] =	sst s11;
	v43, _, _ =	vpop (xrf2);
	(v2sf) =	vpush v9, $0xF;
	s11 =	sshra.s32 s6, $0x1;
	s6 =	smul.f32 $5.000000000e-01, s6;
	v44 =	vadd.f32 v11, v41  }
0x8d: {  	v46 =	vld [tilespmem:s19+$0x10];
	s3 =	smul.f32 s3, s30;
	s16 =	rddreg [dreg:$0x6];
	v10 =	vmul.f32 v39, v39;
	v9, _, _ =	vpop (xrf2);
	(v2sf) =	vpush v43, $0xF;
	v11 =	vmul.f32 v11, v11;
	s20 =	ssub.s32 $0x5F3759DF, s11  }
0x8e: {  	v47 =	vld [tilespmem:s19+$0x0];
	s10 =	sadd.s32 $0xFFFFFFFF, s15;
	s7 =	ssub.f32 $1.500000000e+00, s7;
	(v2sf) =	vpush v9, $0xF;
	s22 =	smul.f32 s20, s6;
	v13 =	vadd.f32 v42, v44  }
0x8f: {  	s24 =	sadd.s32 $0xFFFFFFFF, s14;
	s1 =	smul.f32 s0, s1;
	[smem:s10] =	sst s16;
	v8 =	vadd.f32 v10, v8;
	v10 =	vld [tilespmem:s19+$0x20];
	v11 =	vadd.f32 v11, v14  }
0x90: {  	[smem:s24] =	sst s3;
	s3 =	smul.f32 s20, s22;
	(xrf2) =	vadd.scan.msk.f32 $0xffff, v13  }
0x91: {  	s1 =	smul.f32 s1, s0;
	[smem:s15] =	sst s23;
	v8 =	vadd.f32 v8, v11;
	v9, _, _ =	vpop (xrf2)  }
0x92: {  	s3 =	ssub.f32 $1.500000000e+00, s3;
	(v2sf) =	vpush v9, $0xF;
	v50, _, _ =	vpop (xrf2)  }
0x93: {  	v48 =	vmul.f32 v47, v47;
	s24 =	smul.f32 s7, s26;
	s1 =	ssub.f32 $1.500000000e+00, s1;
	(xrf2) =	vadd.scan.msk.f32 $0xffff, v8;
	(v2sf) =	vpush v50, $0xF  }
0x94: {  	v49 =	vmul.f32 v46, v46;
	s23 =	sadd.s32 $0x1, s15;
	[smem:s14] =	sst s2;
	v9 =	vadd.f32 v45, v10;
	v8 =	vadd.f32 v46, v47;
	s3 =	smul.f32 s20, s3  }
0x95: {  	s26 =	sadd.s32 $0x1, s14;
	[smem:s23] =	sst s28;
	s0 =	smul.f32 s1, s0;
	v11 =	vmul.f32 v10, v10;
	v10 =	vmul.f32 v45, v45  }
0x96: {  	s4 =	sadd.s32 $0x2, s15;
	[smem:s26] =	sst s24;
	v8 =	vadd.f32 v9, v8;
	s8 =	smul.f32 s3, s6  }
0x97: {  	s7 =	sadd.s32 $0x2, s14;
	[smem:s4] =	sst s29;
	v10 =	vadd.f32 v10, v11;
	v9 =	vadd.f32 v49, v48  }
0x98: {  	v52 =	vld [tilespmem:s19+$0x40];
	s9 =	sadd.s32 $0x3, s15;
	[smem:s7] =	sst s0;
	(xrf2) =	vadd.scan.msk.f32 $0xffff, v8;
	s10 =	smul.f32 s8, s3  }
0x99: {  	[smem:s9] =	sst s25;
	v11 =	vld [tilespmem:s19+$0x50];
	v9 =	vadd.f32 v10, v9  }
0x9a: {  	s11 =	spop (v2sf);
	v8 =	vld [tilespmem:s19+$0x60];
	s0 =	ssub.f32 $1.500000000e+00, s10;
	v51, _, _ =	vpop (xrf2)  }
0x9b: {  	s24 =	smul.f32 $1.562500000e-02, s11;
	v10 =	vld [tilespmem:s19+$0x70];
	s22 =	spop (v2sf);
	(xrf2) =	vadd.scan.msk.f32 $0xffff, v9;
	(v2sf) =	vpush v51, $0xF  }
0x9c: {  	s23 =	spop (v2sf);
	s0 =	smul.f32 s0, s3  }
0x9d: {  	s16 =	sadd.s32 $0x3, s14;
	s20 =	smul.f32 s24, s24;
	s25 =	spop (v2sf);
	v9, _, _ =	vpop (xrf2)  }
0x9e: {  	(v2sf) =	vpush v9, $0xF;
	[smem:s16] =	sst s0;
	s0 =	smul.f32 $1.562500000e-02, s22  }
0x9f: {  	v53 =	vmul.f32 v8, v8;
	s22 =	smul.f32 $1.562500000e-02, s25  }
0xa0: {  	s1 =	smul.f32 $1.562500000e-02, s23;
	v8 =	vadd.f32 v10, v8;
	v9 =	vmul.f32 v10, v10;
	v10 =	vadd.f32 v11, v52;
	s0 =	ssub.f32 s0, s20  }
0xa1: {  	v13 =	vmul.f32 v52, v52;
	v11 =	vmul.f32 v11, v11;
	s8 =	smul.f32 s22, s22;
	s26 =	spop (v2sf)  }
0xa2: {  	v9 =	vadd.f32 v9, v53;
	v8 =	vadd.f32 v8, v10;
	v54, _, _ =	vpop (xrf2);
	s4 =	smul.f32 $1.562500000e-02, s26;
	s5 =	spop (v2sf)  }
0xa3: {  	v55 =	vld [tilespmem:s19+$0xA0];
	v10 =	vadd.f32 v11, v13;
	(v2sf) =	vpush v54, $0xF;
	s0 =	sadd.f32 $9.999999740e-06, s0;
	s2 =	smul.f32 $1.562500000e-02, s5  }
0xa4: {  	v11 =	vld [tilespmem:s19+$0xB0];
	s6 =	smul.f32 s4, s4  }
0xa5: {  	v9 =	vadd.f32 v9, v10;
	v10 =	vld [tilespmem:s19+$0x90];
	s1 =	ssub.f32 s1, s8;
	v56, _, _ =	vpop (xrf2);
	s7 =	sshra.s32 s0, $0x1;
	s5 =	smul.f32 $5.000000000e-01, s0  }
0xa6: {  	(xrf2) =	vadd.scan.msk.f32 $0xffff, v8;
	v8 =	vld [tilespmem:s19+$0x80];
	[dreg:$0x5] =	wrdreg s4;
	(v2sf) =	vpush v56, $0xF;
	s4 =	ssub.s32 $0x5F3759DF, s7  }
0xa7: {  	(xrf2) =	vadd.scan.msk.f32 $0xffff, v9;
	s2 =	ssub.f32 s2, s6;
	s9 =	smul.f32 s4, s5  }
0xa8: {  	s1 =	sadd.f32 $9.999999740e-06, s1  }
0xa9: {  	s2 =	sadd.f32 $9.999999740e-06, s2;
	s3 =	smul.f32 s4, s9  }
0xaa: {  	v9 =	vmul.f32 v55, v55;
	v57 =	vadd.f32 v11, v55;
	v11 =	vmul.f32 v11, v11;
	s29 =	smul.f32 $5.000000000e-01, s1;
	s10 =	spop (v2sf)  }
0xab: {  	v58 =	vadd.f32 v10, v8;
	v8 =	vmul.f32 v8, v8;
	v10 =	vmul.f32 v10, v10;
	s25 =	smul.f32 $5.000000000e-01, s2;
	s3 =	ssub.f32 $1.500000000e+00, s3  }
0xac: {  	s6 =	smul.f32 $1.562500000e-02, s10  }
0xad: {  	v59 =	vadd.f32 v11, v9;
	v8 =	vadd.f32 v10, v8;
	s16 =	spop (v2sf);
	s31 =	smul.f32 s4, s3  }
0xae: {  	s20 =	sshra.s32 s1, $0x1;
	v11 =	vadd.f32 v57, v58;
	s11 =	sshra.s32 s2, $0x1;
	s2 =	smul.f32 $1.562500000e-02, s16  }
0xaf: {  	v10 =	vld [tilespmem:s19+$0xF0];
	v8 =	vadd.f32 v59, v8;
	s0 =	ssub.s32 $0x5F3759DF, s11;
	[dreg:$0x6] =	wrdreg s6;
	s6 =	smul.f32 s6, s6  }
0xb0: {  	v9, _, _ =	vpop (xrf2);
	(xrf2) =	vadd.scan.msk.f32 $0xffff, v11;
	v11 =	vld [tilespmem:s19+$0xD0];
	s3 =	ssub.s32 $0x5F3759DF, s20;
	s26 =	smul.f32 s0, s25  }
0xb1: {  	(v2sf) =	vpush v9, $0xF;
	v9 =	vld [tilespmem:s19+$0xE0];
	s16 =	smul.f32 s3, s29;
	v60, _, _ =	vpop (xrf2);
	(xrf2) =	vadd.scan.msk.f32 $0xffff, v8;
	s23 =	ssub.f32 s2, s6  }
0xb2: {  	v8 =	vld [tilespmem:s19+$0xC0];
	s28 =	smul.f32 s31, s5;
	s6 =	spop (v2sf)  }
0xb3: {  	s1 =	sadd.f32 $9.999999740e-06, s23;
	s23 =	smul.f32 $1.562500000e-02, s6  }
0xb4: {  	s2 =	smul.f32 s0, s26  }
0xb5: {  	s17 =	sadd.s32 $0x8, s17;
	s10 =	smul.f32 s23, s23;
	s9 =	spop (v2sf)  }
0xb6: {  	p0 =	slt.u32 s17, $0x38;
	s15 =	smov.u32 s18;
	v61 =	vmul.f32 v10, v10;
	v10 =	vadd.f32 v10, v9;
	s11 =	smul.f32 $1.562500000e-02, s9  }
0xb7: {  	s14 =	smov.u32 s21;
	v9 =	vmul.f32 v9, v9;
	s2 =	ssub.f32 $1.500000000e+00, s2;
	v62 =	vadd.f32 v11, v8;
	v11 =	vmul.f32 v11, v11;
	s26 =	smul.f32 $5.000000000e-01, s1  }
.Ltmp0:
0xb8: {  	s7 =	sadd.s32 $0xFFFFFFFC, s18;
	v8 =	vmul.f32 v8, v8;
	s4 =	ssub.f32 s11, s10;
	(pc) =	sbr.rel @p0 .LBB2_2-.Ltmp0, $4  }
0xb9: {  	[smem:s7] =	sst s24;
	(v2sf) =	vpush v60, $0xF;
	s8 =	sshra.s32 s1, $0x1;
	v9 =	vadd.f32 v61, v9;
	s24 =	smul.f32 s0, s2  }
0xba: {  	s2 =	smul.f32 s3, s16;
	s30 =	ssub.s32 $0x5F3759DF, s8;
	v63, _, _ =	vpop (xrf2);
	v10 =	vadd.f32 v10, v62;
	v8 =	vadd.f32 v11, v8;
	s20 =	sadd.f32 $9.999999740e-06, s4  }
0xbb: {  	s21 =	sadd.s32 $0x8, s21;
	s18 =	sadd.s32 $0x8, s18;
	s1 =	smul.f32 s30, s26;
	(v2sf) =	vpush v63, $0xF;
	v11, _, _ =	vpop (xrf2)  }
0xbc: {  	s19 =	sadd.s32 $0x200, s19;
	v8 =	vadd.f32 v9, v8;
	(xrf2) =	vadd.scan.msk.f32 $0xffff, v10;
	(v2sf) =	vpush v11, $0xF;
	s5 =	sshra.s32 s20, $0x1;
	s0 =	smul.f32 $5.000000000e-01, s20  }
0xbd: {  	s4 =	smul.f32 s28, s31  }
0xbe: {  	s7 =	smul.f32 s30, s1  }
0xbf: {  	s5 =	ssub.s32 $0x5F3759DF, s5;
	s16 =	ssub.f32 $1.500000000e+00, s2;
	s11 =	smul.f32 s24, s25;
	(xrf2) =	vadd.scan.msk.f32 $0xffff, v8  }
0xc0: {  	s18 =	smul.f32 s5, s0  }
0xc1: {  	s3 =	smul.f32 s3, s16  }
0xc2: {  	s11 =	smul.f32 s11, s24  }
0xc3: {  	s6 =	spop (v2sf);
	s2 =	smul.f32 s5, s18  }
0xc4: {  	s7 =	ssub.f32 $1.500000000e+00, s7;
	s17 =	smul.f32 $1.562500000e-02, s6  }
0xc5: {  	s9 =	smul.f32 s3, s29  }
0xc6: {  	s7 =	smul.f32 s30, s7;
	s2 =	ssub.f32 $1.500000000e+00, s2;
	v8, _, _ =	vpop (xrf2)  }
0xc7: {  	s6 =	smul.f32 s17, s17;
	(v2sf) =	vpush v8, $0xF  }
0xc8: {  	s2 =	smul.f32 s5, s2  }
0xc9: {  	s4 =	ssub.f32 $1.500000000e+00, s4;
	s21 =	smul.f32 s9, s3;
	v8, _, _ =	vpop (xrf2)  }
0xca: {  	s30 =	smul.f32 s2, s0;
	s19 =	spop (v2sf);
	(v2sf) =	vpush v8, $0xF  }
0xcb: {  	s8 =	smul.f32 $1.562500000e-02, s19;
	s20 =	spop (v2sf)  }
0xcc: {  	s1 =	smul.f32 $1.562500000e-02, s20;
	s10 =	spop (v2sf)  }
0xcd: {  	s6 =	ssub.f32 s8, s6;
	s10 =	smul.f32 $1.562500000e-02, s10  }
0xce: {  	s8 =	ssub.f32 $1.500000000e+00, s21;
	s28 =	smul.f32 s1, s1  }
0xcf: {  	s4 =	smul.f32 s4, s31;
	s6 =	sadd.f32 $9.999999740e-06, s6  }
0xd0: {  	s0 =	smul.f32 s30, s2;
	s29 =	ssub.f32 s10, s28  }
0xd1: {  	s16 =	sshra.s32 s6, $0x1;
	s6 =	smul.f32 $5.000000000e-01, s6  }
0xd2: {  	s3 =	smul.f32 s8, s3;
	s16 =	ssub.s32 $0x5F3759DF, s16;
	s5 =	sadd.f32 $9.999999740e-06, s29  }
0xd3: {  	s18 =	smul.f32 s16, s6  }
0xd4: {  	s19 =	sshra.s32 s5, $0x1;
	s5 =	smul.f32 $5.000000000e-01, s5  }
0xd5: {  	s31 =	smul.f32 s16, s18;
	s9 =	ssub.s32 $0x5F3759DF, s19  }
0xd6: {  	s21 =	smul.f32 s9, s5;
	s20 =	spop (v2sf)  }
0xd7: {  	s25 =	sadd.s32 $0xFFFFFFFC, s14;
	s11 =	ssub.f32 $1.500000000e+00, s11;
	s10 =	smul.f32 $1.562500000e-02, s20  }
0xd8: {  	[smem:s25] =	sst s4;
	s18 =	smul.f32 s9, s21  }
0xd9: {  	s21 =	smul.f32 s7, s26;
	s19 =	spop (v2sf)  }
0xda: {  	s0 =	ssub.f32 $1.500000000e+00, s0;
	s19 =	smul.f32 $1.562500000e-02, s19  }
0xdb: {  	s8 =	ssub.f32 $1.500000000e+00, s31;
	s26 =	sadd.s32 $0xFFFFFFFD, s15;
	s20 =	smul.f32 s10, s10  }
0xdc: {  	s30 =	smul.f32 s11, s24;
	[smem:s26] =	sst s22  }
0xdd: {  	s8 =	smul.f32 s16, s8;
	s19 =	ssub.f32 s19, s20  }
0xde: {  	s18 =	ssub.f32 $1.500000000e+00, s18;
	s28 =	smul.f32 s21, s7  }
0xdf: {  	s31 =	sadd.s32 $0xFFFFFFFD, s14;
	s6 =	smul.f32 s8, s6;
	s29 =	sadd.f32 $9.999999740e-06, s19  }
0xe0: {  	s22 =	sadd.s32 $0xFFFFFFFE, s15;
	[smem:s31] =	sst s3;
	s4 =	smul.f32 s9, s18  }
0xe1: {  	s24 =	rddreg [dreg:$0x5];
	s19 =	sshra.s32 s29, $0x1;
	s18 =	smul.f32 $5.000000000e-01, s29  }
0xe2: {  	s16 =	ssub.f32 $1.500000000e+00, s28;
	s3 =	smul.f32 s6, s8;
	s21 =	ssub.s32 $0x5F3759DF, s19  }
0xe3: {  	s25 =	sadd.s32 $0xFFFFFFFE, s14;
	[smem:s22] =	sst s24;
	s19 =	smul.f32 s21, s18  }
0xe4: {  	[smem:s25] =	sst s30  }
0xe5: {  	s28 =	ssub.f32 $1.500000000e+00, s3;
	s26 =	smul.f32 s21, s19  }
0xe6: {  	s31 =	rddreg [dreg:$0x6];
	s5 =	smul.f32 s4, s5  }
0xe7: {  	s7 =	smul.f32 s16, s7;
	s29 =	sadd.s32 $0xFFFFFFFF, s15;
	s9 =	ssub.f32 $1.500000000e+00, s26  }
0xe8: {  	s30 =	sadd.s32 $0xFFFFFFFF, s14;
	s3 =	smul.f32 s5, s4;
	[smem:s29] =	sst s31  }
0xe9: {  	[smem:s30] =	sst s7;
	s7 =	smul.f32 s21, s9  }
0xea: {  	s0 =	smul.f32 s0, s2;
	s3 =	ssub.f32 $1.500000000e+00, s3  }
0xeb: {  	[smem:s15] =	sst s23;
	s6 =	smul.f32 s7, s18  }
0xec: {  	s11 =	smul.f32 s28, s8;
	[smem:s14] =	sst s0;
	s9 =	sadd.s32 $0x1, s15  }
0xed: {  	s16 =	sadd.s32 $0x1, s14;
	[smem:s9] =	sst s17;
	s6 =	smul.f32 s6, s7  }
0xee: {  	[smem:s16] =	sst s11  }
0xef: {  	s17 =	sadd.s32 $0x2, s15;
	s18 =	smul.f32 s3, s4;
	s19 =	ssub.f32 $1.500000000e+00, s6  }
0xf0: {  	s20 =	sadd.s32 $0x2, s14;
	[smem:s17] =	sst s1  }
0xf1: {  	s21 =	sadd.s32 $0x3, s15;
	[smem:s20] =	sst s18;
	s22 =	smul.f32 s19, s7  }
0xf2: {  	s23 =	sadd.s32 $0x3, s14;
	[smem:s21] =	sst s10  }
0xf3: {  	[smem:s23] =	sst s22  }
0xf4: {  	s0 =	sld [smem:$0x0];
	v8 =	vld [tilespmem:s12+$0xFFFFFFB0]  }
0xf5: {  	v13 =	vld [tilespmem:s12+$0xFFFFFFF0];
	s24 =	sld [smem:$0x43]  }
0xf6: {  	s25 =	sld [smem:$0x41];
	v15 =	vld [tilespmem:s12+$0x40]  }
0xf7: {  	s26 =	sld [smem:$0x40];
	v10 =	vld [tilespmem:s12+$0xFFFFFF80]  }
0xf8: {  	s28 =	sld [smem:$0x1];
	v12 =	vld [tilespmem:s12+$0xFFFFFFC0];
	v23 =	vmul.f32 s24, v5;
	v19 =	vmul.f32 s24, v4  }
0xf9: {  	v14 =	vld [tilespmem:s12+$0xFFFFFFE0];
	v26 =	vmul.f32 s24, v2;
	v18 =	vmul.f32 s25, v2  }
0xfa: {  	v17 =	vmov s0;
	s29 =	sld [smem:$0x42];
	v16 =	vld [tilespmem:s12+$0xFFFFFFA0];
	v22 =	vmul.f32 s25, v0;
	v29 =	vmul.f32 s25, v5  }
0xfb: {  	v20 =	vsub.f32 v8, v17;
	s30 =	sld [smem:$0x3];
	v21 =	vmul.f32 s26, v4;
	v24 =	vld [tilespmem:s12+$0xFFFFFFD0];
	v9 =	vmul.f32 s26, v0  }
0xfc: {  	v37 =	vmul.f32 s26, v5;
	s31 =	sld [smem:$0x2];
	v27 =	vld [tilespmem:s12+$0xFFFFFF90];
	v11 =	vsub.f32 v10, v17;
	v10 =	vmul.f32 s25, v4  }
0xfd: {  	v25 =	vmov s28;
	v31 =	vld [tilespmem:s12+$0x70];
	v8 =	vmul.f32 s29, v2;
	v30 =	vmul.f32 s29, v0  }
0xfe: {  	v33 =	vld [tilespmem:s12+$0x20];
	v32 =	vsub.f32 v13, v25;
	v35 =	vmul.f32 s29, v5;
	v62 =	vmul.f32 s29, v4  }
0xff: {  	v36 =	vld [tilespmem:s12+$0x60];
	v20 =	vmul.f32 v20, v37;
	v28 =	vsub.f32 v12, v25;
	v12 =	vsub.f32 v14, v25  }
0x100: {  	v59 =	vld [tilespmem:s12+$0x50];
	v14 =	vmul.f32 s24, v0;
	v13 =	vmov s31;
	v34 =	vsub.f32 v16, v17  }
0x101: {  	v16 =	vsub.f32 v24, v25;
	v24 =	vmul.f32 v32, v29;
	v25 =	vmov s30  }
0x102: {  	v60 =	vld [tilespmem:s12+$0x0];
	v22 =	vmul.f32 v22, v28;
	v17 =	vsub.f32 v27, v17;
	v31 =	vsub.f32 v31, v25  }
0x103: {  	v61 =	vld [tilespmem:s12+$0x30];
	v27 =	vmul.f32 s26, v2;
	v33 =	vsub.f32 v33, v13;
	v24 =	vadd.f32 v24, v7  }
0x104: {  	v21 =	vmul.f32 v34, v21;
	v38 =	vadd.f32 v22, v1;
	v22 =	vsub.f32 v36, v25  }
0x105: {  	v16 =	vmul.f32 v16, v18;
	v18 =	vsub.f32 v15, v25;
	v15 =	vsub.f32 v59, v25  }
0x106: {  	v17 =	vmul.f32 v17, v27;
	v27 =	vmul.f32 v22, v19;
	v22 =	vadd.f32 v20, v7;
	v20 =	vld [tilespmem:s12+$0x10]  }
0x107: {  	v25 =	vsub.f32 v60, v13;
	[tilespmem:s12+$0xFFFFFFF0] =	vst v24;
	v24 =	vmul.f32 v15, v26;
	v26 =	vadd.f32 v21, v6  }
0x108: {  	v63 =	vmul.f32 v33, v62;
	v19 =	vsub.f32 v61, v13;
	[tilespmem:s12+$0xFFFFFFC0] =	vst v38;
	v17 =	vadd.f32 v17, v3  }
0x109: {  	v23 =	vmul.f32 v31, v23;
	v15 =	vmul.f32 v30, v25;
	v21 =	vadd.f32 v24, v3;
	[tilespmem:s12+$0xFFFFFFA0] =	vst v26  }
0x10a: {  	s14 =	simm.s32 $0x0;
	s15 =	simm.s32 $0x6;
	s16 =	simm.s32 $0x180;
	v24 =	vadd.f32 v27, v6;
	[tilespmem:s12+$0xFFFFFF90] =	vst v17;
	v17 =	vmul.f32 v19, v35;
	v19 =	vadd.f32 v63, v6  }
.LBB2_4:
0x10b: {  	s2 =	sld [smem:s15+$0xFFFFFFFE];
	v25 =	vld [tilespmem:s16+$0xFFFFFFB0];
	s14 =	sadd.s32 $0x4, s14;
	[tilespmem:s12+$0xFFFFFFB0] =	vst v22;
	v16 =	vadd.f32 v16, v3;
	v13 =	vsub.f32 v20, v13;
	v14 =	vmul.f32 v14, v18;
	s13 =	sadd.s32 $0x4, s13  }
0x10c: {  	v9 =	vmul.f32 v9, v11;
	v10 =	vmul.f32 v12, v10;
	v18 =	vld [tilespmem:s16+$0xFFFFFFF0];
	s1 =	sld [smem:s13+$0x1];
	p0 =	slt.u32 s14, $0x3C;
	[tilespmem:s12+$0x60] =	vst v24;
	v11 =	vadd.f32 v23, v7  }
0x10d: {  	v17 =	vadd.f32 v17, v7;
	s3 =	sld [smem:s13+$0xFFFFFFFF];
	v20 =	vld [tilespmem:s16+$0x40];
	v8 =	vmul.f32 v13, v8;
	v12 =	vadd.f32 v14, v1;
	[tilespmem:s12+$0x50] =	vst v21  }
0x10e: {  	v9 =	vadd.f32 v9, v1;
	v14 =	vadd.f32 v10, v6;
	s0 =	sld [smem:s13+$0xFFFFFFFE];
	v13 =	vld [tilespmem:s16+$0xFFFFFF80];
	v21 =	vmov s2;
	[tilespmem:s12+$0xFFFFFFD0] =	vst v16  }
0x10f: {  	s4 =	sld [smem:s15+$0xFFFFFFFF];
	v16 =	vld [tilespmem:s16+$0xFFFFFFC0];
	v23 =	vmul.f32 s1, v5;
	v22 =	vadd.f32 v8, v3;
	[tilespmem:s12+$0x70] =	vst v11;
	v27 =	vmul.f32 s1, v4  }
0x110: {  	v32 =	vmul.f32 s1, v2;
	v24 =	vsub.f32 v25, v21;
	v25 =	vmul.f32 s3, v2;
	v26 =	vld [tilespmem:s16+$0xFFFFFFE0];
	s2 =	sld [smem:s13+$0x0];
	[tilespmem:s12+$0x20] =	vst v19  }
0x111: {  	v15 =	vadd.f32 v15, v1;
	v29 =	vmul.f32 s3, v0;
	v19 =	vld [tilespmem:s16+$0xFFFFFFA0];
	v28 =	vmul.f32 s0, v4;
	s5 =	sld [smem:s15+$0x1];
	[tilespmem:s12+$0xFFFFFF80] =	vst v9  }
0x112: {  	v9 =	vmul.f32 s0, v0;
	v30 =	vmov s4;
	v31 =	vld [tilespmem:s16+$0xFFFFFFD0];
	s4 =	sld [smem:s15+$0x0];
	[tilespmem:s12+$0x40] =	vst v12  }
0x113: {  	v10 =	vmul.f32 s3, v4;
	v11 =	vsub.f32 v13, v21;
	v33 =	vld [tilespmem:s16+$0xFFFFFF90];
	v8 =	vmul.f32 s2, v2;
	[tilespmem:s12+$0x30] =	vst v17  }
0x114: {  	v17 =	vmul.f32 s3, v5;
	v34 =	vmul.f32 s2, v0;
	v16 =	vsub.f32 v16, v30;
	v35 =	vld [tilespmem:s16+$0x70];
	[tilespmem:s12+$0xFFFFFFE0] =	vst v14  }
0x115: {  	v18 =	vsub.f32 v18, v30;
	v12 =	vsub.f32 v26, v30;
	v13 =	vmov s4;
	v26 =	vld [tilespmem:s16+$0x20];
	[tilespmem:s12+$0x0] =	vst v15  }
0x116: {  	v14 =	vmul.f32 s1, v0;
	v15 =	vsub.f32 v19, v21;
	v19 =	vmul.f32 s2, v5;
	v36 =	vld [tilespmem:s16+$0x60];
	[tilespmem:s12+$0x10] =	vst v22;
	s12 =	smov.u32 s16  }
0x117: {  	v17 =	vmul.f32 v18, v17;
	v22 =	vsub.f32 v31, v30;
	v30 =	vmov s5;
	v31 =	vld [tilespmem:s16+$0x50]  }
0x118: {  	v29 =	vmul.f32 v29, v16;
	v18 =	vsub.f32 v33, v21;
	v21 =	vmul.f32 s0, v2;
	v33 =	vld [tilespmem:s16+$0x0]  }
0x119: {  	v17 =	vadd.f32 v17, v7;
	v16 =	vmul.f32 v22, v25;
	v22 =	vld [tilespmem:s16+$0x30];
	v25 =	vsub.f32 v35, v30  }
0x11a: {  	v29 =	vadd.f32 v29, v1;
	v35 =	vmul.f32 s0, v5;
	v26 =	vsub.f32 v26, v13  }
0x11b: {  	v15 =	vmul.f32 v15, v28;
	[tilespmem:s16+$0xFFFFFFF0] =	vst v17;
	v17 =	vmul.f32 s2, v4;
	v28 =	vsub.f32 v36, v30  }
0x11c: {  	v21 =	vmul.f32 v18, v21;
	v18 =	vsub.f32 v20, v30;
	v30 =	vsub.f32 v31, v30  }
.Ltmp1:
0x11d: {  	v24 =	vmul.f32 v24, v35;
	v31 =	vsub.f32 v33, v13;
	v20 =	vld [tilespmem:s16+$0x10];
	v27 =	vmul.f32 v28, v27;
	(pc) =	sbr.rel @p0 .LBB2_4-.Ltmp1, $4  }
0x11e: {  	v21 =	vadd.f32 v21, v3;
	v28 =	vsub.f32 v22, v13;
	v30 =	vmul.f32 v30, v32  }
0x11f: {  	v32 =	vadd.f32 v15, v6;
	v22 =	vadd.f32 v24, v7;
	v24 =	vmul.f32 v26, v17;
	[tilespmem:s16+$0xFFFFFFC0] =	vst v29  }
0x120: {  	v15 =	vmul.f32 v34, v31;
	[tilespmem:s16+$0xFFFFFF90] =	vst v21;
	v17 =	vmul.f32 v28, v19;
	v21 =	vadd.f32 v30, v3  }
0x121: {  	s15 =	sadd.s32 $0x4, s15;
	v23 =	vmul.f32 v25, v23;
	v19 =	vadd.f32 v24, v6;
	v24 =	vadd.f32 v27, v6;
	s16 =	sadd.s32 $0x100, s16;
	[tilespmem:s12+$0xFFFFFFA0] =	vst v32  }
0x122: {  	[tilespmem:s12+$0xFFFFFFB0] =	vst v22  }
0x123: {  	[tilespmem:s12+$0x50] =	vst v21  }
0x124: {  	v0 =	vadd.f32 v16, v3;
	[tilespmem:s12+$0x60] =	vst v24  }
0x125: {  	v60 =	vadd.f32 v17, v7;
	[tilespmem:s12+$0x20] =	vst v19  }
0x126: {  	v2 =	vmul.f32 v9, v11;
	v63 =	vadd.f32 v15, v1;
	[tilespmem:s12+$0xFFFFFFD0] =	vst v0  }
0x127: {  	v5 =	vmul.f32 v14, v18;
	v58 =	vsub.f32 v20, v13;
	v4 =	vadd.f32 v23, v7;
	[tilespmem:s12+$0x30] =	vst v60  }
0x128: {  	v59 =	vmul.f32 v12, v10;
	v57 =	vadd.f32 v2, v1;
	[tilespmem:s12+$0x0] =	vst v63  }
0x129: {  	v5 =	vadd.f32 v5, v1;
	v61 =	vmul.f32 v58, v8;
	[tilespmem:s12+$0x70] =	vst v4  }
0x12a: {  	v62 =	vadd.f32 v59, v6;
	[tilespmem:s12+$0xFFFFFF80] =	vst v57  }
0x12b: {  	[tilespmem:s12+$0x40] =	vst v5;
	v0 =	vadd.f32 v61, v3  }
0x12c: {  	[tilespmem:s12+$0xFFFFFFE0] =	vst v62  }
0x12d: {  	[tilespmem:s12+$0x10] =	vst v0  }
0x12e: {  	s4 =	simm.s32 $0x0;
	s2 =	simm.s32 $0x1;
	s0 =	rddreg [dreg:$0x8]  }
0x12f: {  	[hbm4b:s0+s4] =	stream.linear.scatter [tilespmem:s4], [sflag:$0x1], $0x1000, $0x38;
	[tilespmem:$0x1080] =	vst v63  }
0x130: {  	_ =	swait.ge [sflag:s2], $0x1000  }
0x131: {  	s1 =	rddreg [dreg:$0xa]  }
0x132: {  	s31 =	rddreg [dreg:$0x9];
	s1 =	sadd.s32 $0x1, s1  }
0x133: {  	p0 =	sne.s32 s1, s31  }
.Ltmp2:
0x134: {  	_ = 	snop;
	(pc) =	sbr.rel @p0 .LBB2_1-.Ltmp2, $3  }
0x135: {  	_ =	sdelay $0x1  }
0x136: {  	[sflag:s2] =	ssyncset.done $0x0  }
0x137: {  	[sflag:s2] =	ssyncadd.s32 $0xFFFFF000  }
0x138: {  	_ =	sfence.sel $0x180000  }
0x139: {  	[bflag:$0x0] =	sbarrier.arrive $0xFFFF  }
0x13a: {  	_ =	strace $0x90000047  }
0x13b: {  	s0 =	stileid.u32;
	[bflag:$0x2] =	sbarrier.arrive $0xFFFF  }
0x13c: {  	p0 =	sne.s32 s0, $0x0;
	s0 =	rddreg [dreg:$0x4]  }
0x13d: {  	s0 =	sadd.s32 @!p0 $0x100000, s0  }
0x13e: {  	[sflag:s0] =	ssyncadd.tile.s32 @!p0 $0x1;
	_ =	shalt  }
.Lfunc_end2:
_tile_overlayer_lowered:
.L_overlay_start_2:
0x13f: {  	(tag) =	ssettag $0x2  }
0x140: {  	s0 =	rddreg [dreg:$0x0];
	s2 =	stileid.u32  }
0x141: {  	s1 =	rddreg [dreg:$0x1];
	p0 =	sne.s32 s2, $0x0  }
0x142: {  	s3 =	rddreg [dreg:$0x2];
	[bflag:$0x3] =	sbarrier.arrive $0xFFFF;
	s2 =	simm.s32 @!p0 $0x1C01  }
0x143: {  	[timem:s3], [sflag:s2] =	dma.local @!p0 [hbm:s0], s1  }
0x144: {  	s0 =	simm.s32 @!p0 $0x1  }
0x145: {  	_ =	swait.ge @!p0 [sflag:s0], s1  }
0x146: {  	s1 =	ssub.s32 @!p0 $0x0, s1;
	[sflag:s0] =	ssyncset.done @!p0 $0x0  }
0x147: {  	[sflag:s0] =	ssyncadd.s32 @!p0 s1  }
0x148: {  	[bflag:$0x3] =	sbarrier.arrive $0xFFFF  }
0x149: {  	_ =	shalt  }

// kernel: kernel.7.cloned.1.call-start
scs
__scs_entry_jumppad:
0x0: {  	(pc) =	sbr.rel $0x88, $3  }
0x1: {  	(tag) =	ssettag $0x0;
	lr =	simm.s32 $0x1  }
0x2: {  	[smem:$0x3F99] =	sst lr;
	_ =	strace $0xD0000000  }
0x3: {  	_ = 	snop  }
0x4: {  	_ = 	snop  }
0x5: {  	_ = 	snop  }
0x6: {  	_ = 	snop  }
0x7: {  	_ = 	snop  }
__scs_overlays_trampoline_lowered:
0x8: {  	[smem:$0x3FA8] =	sst s0  }
0x9: {  	[smem:$0x3FA9] =	sst s1  }
0xa: {  	[smem:$0x3FAA] =	sst s2  }
0xb: {  	[smem:$0x3FAB] =	sst s3  }
0xc: {  	[smem:$0x3FAC] =	sst s4  }
0xd: {  	[smem:$0x3FAD] =	sst s5  }
0xe: {  	[smem:$0x3FAE] =	sst s6  }
0xf: {  	[smem:$0x3FAF] =	sst s7  }
0x10: {  	[smem:$0x3FB0] =	sst s8  }
0x11: {  	[smem:$0x3FB1] =	sst s9;
	s0 =	simm.s32 @!p0 $0x0  }
0x12: {  	s1 =	sld [smem:$0x3F97];
	s0 =	simm.s32 @p0 $0x1  }
0x13: {  	[smem:$0x3FB2] =	sst s0;
	s0 =	simm.s32 @!p1 $0x0  }
0x14: {  	s2 =	sld [smem:$0x3F96];
	s0 =	simm.s32 @p1 $0x1  }
0x15: {  	[smem:$0x3FB3] =	sst s0;
	s0 =	simm.s32 @!p2 $0x0  }
0x16: {  	s3 =	sld [smem:$0x3FDB];
	s0 =	simm.s32 @p2 $0x1  }
0x17: {  	s4 =	simm.s32 $0x1BF5;
	[smem:$0x3FB5] =	sst s0  }
0x18: {  	s0 =	sld [smem:$0x3F98];
	_ =	swait.ge [sflag:s4], $0x0  }
0x19: {  	s7 =	sld [smem:$0x3F99]  }
0x1a: {  	s8 =	sadd.s32 $0xFFFFE003, lr  }
0x1b: {  	s9 =	sadd.s32 $0xFFFFFEF7, lr;
	s5 =	simm.s32 $0xFFFFFFFF;
	p2 =	slt.u32 s8, $0xFFFFF086  }
0x1c: {  	p1 =	slt.u32 s9, $0xF7A;
	s5 =	simm.s32 @!p2 $0x0  }
0x1d: {  	s5 =	simm.s32 @p1 $0x1;
	p0 =	seq.s32 s7, s2  }
0x1e: {  	s7 =	smul.u32 @!p0 $0xF7A, s2;
	p2 =	seq.s32 @!p0 s5, $0x0  }
0x1f: {  	s9 =	smul.u32 $0xF7A, s1;
	s8 =	simm.s32 @!p0 $0x1BF5;
	p2 =	por !p2, p0  }
0x20: {  	[sflag:s8] =	ssyncset.s32 @!p0 $0xFFFFF086;
	s6 =	sadd.s32 @!p0 s3, s7;
	s7 =	simm.s32 @!p0 $0x108  }
0x21: {  	s3 =	sadd.s32 s3, s9;
	s6 =	sadd.s32 @!p0 $0x88, s6;
	s7 =	simm.s32 @p2 $0x1082  }
0x22: {  	[simem:s7], [sflag:s8] =	dma.local @!p0 [hbm:s6], $0xF7A  }
0x23: {  	s9 =	sor.u32 $0xD0000000, s2;
	s6 =	simm.s32 $0x108;
	_ =	swait.ge @!p0 [sflag:s8], $0x0  }
0x24: {  	s3 =	sadd.s32 $0x88, s3;
	s6 =	simm.s32 @!p1 $0x1082;
	[sflag:s4] =	ssyncset.s32 $0xFFFFF086  }
0x25: {  	[simem:s6], [sflag:s4] =	dma.local [hbm:s3], $0xF7A  }
0x26: {  	[smem:$0x3F99] =	sst s1;
	(tag) =	ssettag s2;
	_ =	strace s9  }
0x27: {  	s1 =	sld [smem:$0x3FA9]  }
0x28: {  	s2 =	sld [smem:$0x3FAA]  }
0x29: {  	s4 =	sld [smem:$0x3FAC]  }
0x2a: {  	p0 =	seq.s32 s5, $0x0;
	s5 =	sld [smem:$0x3FAD]  }
0x2b: {  	s6 =	sld [smem:$0x3FAE]  }
0x2c: {  	s7 =	sld [smem:$0x3FAF]  }
0x2d: {  	s3 =	simm.s32 $0x108;
	s8 =	sld [smem:$0x3FB0]  }
0x2e: {  	s3 =	simm.s32 @!p0 $0x1082;
	s9 =	sld [smem:$0x3FB1]  }
0x2f: {  	lr =	sadd.s32 s0, s3;
	s0 =	sld [smem:$0x3FA8]  }
0x30: {  	s3 =	sld [smem:$0x3FAB]  }
0x31: {  	[smem:$0x3FB4] =	sst s10  }
0x32: {  	s10 =	sld [smem:$0x3FB2];
	_ =	sdelay $0x3  }
0x33: {  	p0 =	seq.s32 s10, $0x1;
	s10 =	sld [smem:$0x3FB4];
	_ =	sdelay $0x3  }
0x34: {  	[smem:$0x3FB4] =	sst s10  }
0x35: {  	s10 =	sld [smem:$0x3FB3];
	_ =	sdelay $0x3  }
0x36: {  	p1 =	seq.s32 s10, $0x1;
	s10 =	sld [smem:$0x3FB4];
	_ =	sdelay $0x3  }
0x37: {  	[smem:$0x3FB4] =	sst s10  }
0x38: {  	s10 =	sld [smem:$0x3FB5]  }
0x39: {  	_ = 	snop;
	(pc) =	sbr.ind lr, $3  }
0x3a: {  	_ = 	snop  }
0x3b: {  	_ = 	snop  }
0x3c: {  	p2 =	seq.s32 s10, $0x1;
	s10 =	sld [smem:$0x3FB4]  }
0x3d: {  	_ =	shalt  }
0x3e: {  	_ =	shalt  }
0x3f: {  	_ =	shalt  }
0x40: {  	_ =	shalt  }
0x41: {  	_ =	shalt  }
0x42: {  	_ =	shalt  }
0x43: {  	_ =	shalt  }
0x44: {  	_ =	shalt  }
0x45: {  	_ =	shalt  }
0x46: {  	_ =	shalt  }
0x47: {  	_ =	shalt  }
0x48: {  	_ =	shalt  }
0x49: {  	_ =	shalt  }
0x4a: {  	_ =	shalt  }
0x4b: {  	_ =	shalt  }
0x4c: {  	_ =	shalt  }
0x4d: {  	_ =	shalt  }
0x4e: {  	_ =	shalt  }
0x4f: {  	_ =	shalt  }
0x50: {  	_ =	shalt  }
0x51: {  	_ =	shalt  }
0x52: {  	_ =	shalt  }
0x53: {  	_ =	shalt  }
0x54: {  	_ =	shalt  }
0x55: {  	_ =	shalt  }
0x56: {  	_ =	shalt  }
0x57: {  	_ =	shalt  }
0x58: {  	_ =	shalt  }
0x59: {  	_ =	shalt  }
0x5a: {  	_ =	shalt  }
0x5b: {  	_ =	shalt  }
0x5c: {  	_ =	shalt  }
0x5d: {  	_ =	shalt  }
0x5e: {  	_ =	shalt  }
0x5f: {  	_ =	shalt  }
0x60: {  	_ =	shalt  }
0x61: {  	_ =	shalt  }
0x62: {  	_ =	shalt  }
0x63: {  	_ =	shalt  }
0x64: {  	_ =	shalt  }
0x65: {  	_ =	shalt  }
0x66: {  	_ =	shalt  }
0x67: {  	_ =	shalt  }
0x68: {  	_ =	shalt  }
0x69: {  	_ =	shalt  }
0x6a: {  	_ =	shalt  }
0x6b: {  	_ =	shalt  }
0x6c: {  	_ =	shalt  }
0x6d: {  	_ =	shalt  }
0x6e: {  	_ =	shalt  }
0x6f: {  	_ =	shalt  }
0x70: {  	_ =	shalt  }
0x71: {  	_ =	shalt  }
0x72: {  	_ =	shalt  }
0x73: {  	_ =	shalt  }
0x74: {  	_ =	shalt  }
0x75: {  	_ =	shalt  }
0x76: {  	_ =	shalt  }
0x77: {  	_ =	shalt  }
0x78: {  	_ =	shalt  }
0x79: {  	_ =	shalt  }
0x7a: {  	_ =	shalt  }
0x7b: {  	_ =	shalt  }
0x7c: {  	_ =	shalt  }
0x7d: {  	_ =	shalt  }
0x7e: {  	_ =	shalt  }
0x7f: {  	_ =	shalt  }
0x80: {  	_ =	shalt  }
0x81: {  	_ =	shalt  }
0x82: {  	_ =	shalt  }
0x83: {  	_ =	shalt  }
0x84: {  	_ =	shalt  }
0x85: {  	_ =	shalt  }
0x86: {  	_ =	shalt  }
0x87: {  	_ =	shalt  }
.Lfunc_end0:
.L_simem_size_0:
called_computation.2_lowered:
.L_overlay_start_0:
0x88: {  	s2 =	sld [smem:$0x3FD9]  }
0x89: {  	s3 =	sld [smem:$0x3FFE];
	_ =	sdelay $0x1  }
0x8a: {  	s1 =	srdreg.scid  }
0x8b: {  	s0 =	sand.u32 $0x1, s1  }
0x8c: {  	s17 =	sshll.u32 s0, $0xA;
	s2 =	sadd.s32 s3, s2  }
0x8d: {  	s2 =	sadd.s32 s2, s17  }
0x8e: {  	[smem:$0x3FC0] =	sst s2  }
0x8f: {  	_ = 	snop  }
0x90: {  	s2 =	sld [smem:$0x3FC6]  }
0x91: {  	s18 =	sld [smem:$0x3FC5]  }
0x92: {  	s4 =	sld [smem:$0x3FD0];
	(tm) =	ssettm $0x1  }
0x93: {  	s5 =	sld [smem:$0x3FFB];
	_ =	sdelay $0x3  }
0x94: {  	_ =	strace s5  }
0x95: {  	s5 =	sld [smem:$0x3FFC];
	_ =	sdelay $0x3  }
0x96: {  	_ =	strace s5  }
0x97: {  	s5 =	sld [smem:$0x3FFD];
	_ =	sdelay $0x3  }
0x98: {  	_ =	strace s5  }
0x99: {  	_ =	strace $0x8FFFFFFF  }
0x9a: {  	s19 =	sld [smem:$0x3FDB];
	_ =	sdelay $0x1  }
0x9b: {  	s6 =	simm.s32 $_scs_section_size  }
0x9c: {  	s7 =	simm.s32 $_size__tile_overlayer_lowered;
	s8 =	simm.s32 $_tile_overlayer_lowered  }
0x9d: {  	s22 =	simm.s32 $0x1BFF;
	s21 =	sshll.u32 s8, $0x1;
	s5 =	sadd.s32 s6, s19  }
0x9e: {  	s9 =	simm.s32 $0x0;
	s20 =	sshll.u32 s7, $0x1;
	s7 =	sadd.s32 s21, s5  }
0x9f: {  	[timem:s9], [sflag:s22] =	dma.local [hbm:s7], s20  }
0xa0: {  	_ =	swait.ge [sflag:s22], s20  }
0xa1: {  	s6 =	ssub.s32 $0x0, s20;
	[sflag:s22] =	ssyncset.done $0x0  }
0xa2: {  	[sflag:s22] =	ssyncadd.s32 s6;
	_ =	sdelay $0x1  }
0xa3: {  	s23 =	simm.s32 $0x1B8B  }
0xa4: {  	_ =	swait.ge [sflag:s23], $0x1  }
0xa5: {  	[sflag:s23] =	ssyncset.done $0x0  }
0xa6: {  	s25 =	simm.s32 $0x1B8E;
	s24 =	sld [smem:$0x3FFE];
	[sflag:s23] =	ssyncadd.s32 $0xFFFFFFFF  }
0xa7: {  	s26 =	simm.s32 $execute0_lowered;
	[smem:$0x3FD2] =	sst s25  }
0xa8: {  	s7 =	sshll.u32 s26, $0x1;
	_ =	strace $0x80000049;
	[dreg:$0x1] =	wrdreg $0xFFFFFFFF  }
0xa9: {  	s28 =	simm.s32 $_size_execute0_lowered;
	s5 =	sadd.s32 s5, s7;
	[dreg:$0x0] =	wrdreg $0x0  }
0xaa: {  	s7 =	sshll.u32 s28, $0x1;
	[dreg:$0x2] =	wrdreg s5  }
0xab: {  	[dreg:$0x3] =	wrdreg s7  }
0xac: {  	[dreg:$0x4] =	wrdreg $0xC0  }
0xad: {  	_ =	task [dreg:s9], $0x5FFFF  }
0xae: {  	[dreg:$0x1] =	wrdreg $0xFFFFFFFF  }
0xaf: {  	[dreg:$0x0] =	wrdreg $0x60  }
0xb0: {  	[dreg:$0x2] =	wrdreg s24  }
0xb1: {  	[dreg:$0x3] =	wrdreg s2  }
0xb2: {  	[dreg:$0x4] =	wrdreg s18  }
0xb3: {  	[dreg:$0x5] =	wrdreg s4  }
0xb4: {  	[dreg:$0x6] =	wrdreg $0x9  }
0xb5: {  	_ =	task.clear_ibuf [dreg:s9], $0x7FFFF;
	_ =	strace $0x90000049  }
0xb6: {  	s29 =	simm.s32 $0x9;
	_ =	strace $0x8000004B  }
0xb7: {  	_ =	swait.ge [sflag:s29], $0x1  }
0xb8: {  	[sflag:s29] =	ssyncadd.s32 $0xFFFFFFFF  }
0xb9: {  	_ =	strace $0x9000004B  }
0xba: {  	_ =	sfence  }
0xbb: {  	s30 =	sld [smem:$0x0];
	_ =	sdelay $0x2  }
0xbc: {  	s31 =	sshll.u32 s1, $0xD;
	s1 =	sshrl.u32 s1, $0x2  }
0xbd: {  	s3 =	sand.u32 $0x4000, s31;
	s1 =	sadd.s32 s1, s30  }
0xbe: {  	s0 =	sor.u32 s3, s0;
	s1 =	sshll.u32 s1, $0x11  }
0xbf: {  	s0 =	sor.u32 s1, s0  }
0xc0: {  	s0 =	sadd.s32 $0x8F2B, s0  }
0xc1: {  	[sflag:s0] =	ssyncadd.remote.s32 $0x1  }
0xc2: {  	_ =	sfence.sel $0xFFFF  }
0xc3: {  	[dreg:$0x0] =	wrdreg $0xFFFFFFFF;
	(pc) =	sbr.abs _section_cstart, $3  }
0xc4: {  	[dreg:$0x1] =	wrdreg $0xFFFFFFFF  }
0xc5: {  	_ =	task.clear_ibuf [dreg:s9], $0x2FFFF;
	_ =	strace $0x9FFFFFFF  }
0xc6: {  	(tm) =	ssettm $0x7FFFFFFF  }
0xc7: {  	_ =	shalt  }
tec
execute0_lowered:
.L_overlay_start_1:
0x0: {  	(tag) =	ssettag $0x1  }
0x1: {  	s0 =	rddreg [dreg:$0x0];
	s10 =	simm.s32 $0x0;
	s1 =	srdreg.scid  }
0x2: {  	s2 =	stileid.u32;
	[smem:$0x7FF] =	sst s10  }
0x3: {  	s4 =	sadd.s32 $0xF47400, s0;
	s5 =	sadd.s32 $0x1E000, s0;
	s6 =	sadd.s32 $0x5000, s0  }
0x4: {  	s0 =	sadd.s32 $0x1000, s0;
	_ =	strace $0x8000004A;
	[dreg:$0x5] =	wrdreg s4  }
0x5: {  	s1 =	sand.u32 $0x1, s1;
	s2 =	sshll.u32 s2, $0x8;
	[dreg:$0x9] =	wrdreg s0  }
0x6: {  	s3 =	sshll.u32 s1, $0x7;
	s1 =	ssub.s32 $0x2, s1;
	[dreg:$0x7] =	wrdreg s5  }
0x7: {  	[dreg:$0x8] =	wrdreg s6;
	s22 =	sor.u32 s3, s2;
	s23 =	sshrl.u32 s1, $0x1  }
0x8: {  	s3 =	smul.u32 $0x19, s22;
	s30 =	sor.u32 $0x4, s22;
	[dreg:$0x6] =	wrdreg s22  }
0x9: {  	s24 =	ssub.s32 s1, s23;
	s31 =	sor.u32 $0x6, s22;
	[dreg:$0xe] =	wrdreg s30  }
0xa: {  	[dreg:$0xf] =	wrdreg s31;
	s0 =	smax.u32 s24, $0x1  }
.Ltmp0:
0xb: {  	s25 =	sadd.s32 s5, s3;
	[dreg:$0x10] =	wrdreg s0;
	(pc) =	sbr.rel .LBB2_1-.Ltmp0, $4  }
0xc: {  	s26 =	sadd.s32 s6, s3;
	s28 =	sor.u32 $0x32, s3;
	[dreg:$0xa] =	wrdreg s25  }
0xd: {  	[dreg:$0xb] =	wrdreg s26;
	s29 =	sadd.s32 s5, s28  }
0xe: {  	s1 =	sadd.s32 s6, s28;
	[dreg:$0xc] =	wrdreg s29  }
0xf: {  	s16 =	simm.s32 $0x6A40;
	s2 =	simm.s32 $0x0;
	[dreg:$0xd] =	wrdreg s1  }
.LBB2_27:
0x10: {  	s0 =	simm.s32 $0x2  }
0x11: {  	_ =	swait.ge [sflag:s0], $0x190  }
0x12: {  	[sflag:s0] =	ssyncset.done $0x0  }
0x13: {  	[sflag:s0] =	ssyncadd.s32 $0xFFFFFE70  }
0x14: {  	_ =	swait.ge [sflag:s0], $0x190  }
0x15: {  	[sflag:s0] =	ssyncset.done $0x0  }
0x16: {  	s30 =	simm.s32 $0x3;
	[sflag:s0] =	ssyncadd.s32 $0xFFFFFE70  }
0x17: {  	_ =	swait.ge [sflag:s30], $0x6400  }
0x18: {  	[sflag:s30] =	ssyncset.done $0x0  }
0x19: {  	[sflag:s30] =	ssyncadd.s32 $0xFFFF9C00  }
0x1a: {  	_ =	swait.ge [sflag:s30], $0x6400  }
0x1b: {  	[sflag:s30] =	ssyncset.done $0x0  }
0x1c: {  	s1 =	simm.s32 $0x6;
	[sflag:s30] =	ssyncadd.s32 $0xFFFF9C00  }
0x1d: {  	_ =	swait.ge [sflag:s1], $0x6400  }
0x1e: {  	s2 =	rddreg [dreg:$0x11]  }
0x1f: {  	s31 =	rddreg [dreg:$0x10];
	s2 =	sadd.s32 $0x1, s2  }
0x20: {  	p0 =	sne.s32 s2, s31  }
.Ltmp1:
0x21: {  	_ = 	snop;
	(pc) =	sbr.rel @!p0 .LBB2_28-.Ltmp1, $3  }
0x22: {  	_ =	sdelay $0x1  }
0x23: {  	[sflag:s1] =	ssyncset.done $0x0  }
0x24: {  	[sflag:s1] =	ssyncadd.s32 $0xFFFF9C00  }
.LBB2_1:
0x25: {  	[dreg:$0x11] =	wrdreg s2  }
0x26: {  	s0 =	rddreg [dreg:$0x1];
	s1 =	simm.s32 $0x19640;
	s7 =	simm.s32 $0x7  }
0x27: {  	[tilespmem:s1], [sflag:$0x7] =	stream.linear.gather [hbm4b:s0+s10], $0x40, $0x38;
	[tilespmem:$0x196C0] =	vst v63  }
0x28: {  	_ =	swait.ge [sflag:s7], $0x40  }
0x29: {  	[sflag:s7] =	ssyncset.done $0x0  }
0x2a: {  	[sflag:s7] =	ssyncadd.s32 $0xFFFFFFC0  }
0x2b: {  	s9 =	simm.s32 $0x19680;
	s8 =	rddreg [dreg:$0x2]  }
0x2c: {  	[tilespmem:s9], [sflag:$0x7] =	stream.linear.gather [hbm4b:s8+s10], $0x40, $0x38;
	[tilespmem:$0x196C0] =	vst v63  }
0x2d: {  	_ =	swait.ge [sflag:s7], $0x40  }
0x2e: {  	[sflag:s7] =	ssyncset.done $0x0  }
0x2f: {  	[sflag:s7] =	ssyncadd.s32 $0xFFFFFFC0  }
0x30: {  	v0 =	vld [tilespmem:$0x19640]  }
0x31: {  	v1 =	vld [tilespmem:$0x19650]  }
0x32: {  	v2 =	vld [tilespmem:$0x19660]  }
0x33: {  	v3 =	vld [tilespmem:$0x19670]  }
0x34: {  	v4 =	vld [tilespmem:$0x19680]  }
0x35: {  	v5 =	vld [tilespmem:$0x19690]  }
0x36: {  	s11 =	rddreg [dreg:$0xa];
	v6 =	vld [tilespmem:$0x196A0]  }
0x37: {  	v7 =	vld [tilespmem:$0x196B0];
	[tilespmem:s10], [sflag:$0x7] =	stream.linear.gather [hbm4b:s11+s10], $0x190, $0x38  }
0x38: {  	_ =	swait.ge [sflag:s7], $0x190  }
0x39: {  	[sflag:s7] =	ssyncset.done $0x0  }
0x3a: {  	s13 =	simm.s32 $0x320;
	s12 =	rddreg [dreg:$0xb];
	[sflag:s7] =	ssyncadd.s32 $0xFFFFFE70  }
0x3b: {  	[tilespmem:s13], [sflag:$0x7] =	stream.linear.gather [hbm4b:s12+s10], $0x190, $0x38;
	[tilespmem:$0x196C0] =	vst v63  }
0x3c: {  	_ =	swait.ge [sflag:s7], $0x190  }
0x3d: {  	s3 =	simm.s32 $0x28;
	[sflag:s7] =	ssyncset.done $0x0  }
0x3e: {  	s14 =	simm.s32 $0x640;
	s0 =	rddreg [dreg:$0x5];
	[sflag:s7] =	ssyncadd.s32 $0xFFFFFE70  }
0x3f: {  	[tilespmem:s14], [sflag:$0x3] =	stream.indirect.gather [hbm4b:s0+s3], $0x40, s10, s3, $0xb8;
	[tilespmem:$0x196C0] =	vst v63  }
0x40: {  	s4 =	simm.s32 $0xCE40;
	s1 =	rddreg [dreg:$0x9]  }
0x41: {  	[tilespmem:s4], [sflag:$0x3] =	stream.indirect.gather [hbm4b:s1+s3], $0x40, s13, s3, $0xb8;
	[tilespmem:$0x196C0] =	vst v63  }
0x42: {  	s15 =	simm.s32 $0x1040  }
0x43: {  	[tilespmem:s15], [sflag:$0x3] =	stream.indirect.gather [hbm4b:s0+s3], $0x40, s3, s3, $0xb8;
	[tilespmem:$0x196C0] =	vst v63  }
0x44: {  	s17 =	simm.s32 $0x348;
	s18 =	simm.s32 $0xD840  }
0x45: {  	[tilespmem:s18], [sflag:$0x3] =	stream.indirect.gather [hbm4b:s1+s3], $0x40, s17, s3, $0xb8;
	[tilespmem:$0x196C0] =	vst v63  }
0x46: {  	s19 =	simm.s32 $0x50;
	s20 =	simm.s32 $0x1A40  }
0x47: {  	[tilespmem:s20], [sflag:$0x3] =	stream.indirect.gather [hbm4b:s0+s3], $0x40, s19, s3, $0xb8;
	[tilespmem:$0x196C0] =	vst v63  }
0x48: {  	s21 =	simm.s32 $0x370;
	s22 =	simm.s32 $0xE240  }
0x49: {  	[tilespmem:s22], [sflag:$0x3] =	stream.indirect.gather [hbm4b:s1+s3], $0x40, s21, s3, $0xb8;
	[tilespmem:$0x196C0] =	vst v63  }
0x4a: {  	s23 =	simm.s32 $0x78;
	s24 =	simm.s32 $0x2440  }
0x4b: {  	[tilespmem:s24], [sflag:$0x3] =	stream.indirect.gather [hbm4b:s0+s3], $0x40, s23, s3, $0xb8;
	[tilespmem:$0x196C0] =	vst v63  }
0x4c: {  	s25 =	simm.s32 $0x398;
	s26 =	simm.s32 $0xEC40  }
0x4d: {  	[tilespmem:s26], [sflag:$0x3] =	stream.indirect.gather [hbm4b:s1+s3], $0x40, s25, s3, $0xb8;
	[tilespmem:$0x196C0] =	vst v63  }
0x4e: {  	s28 =	simm.s32 $0xA0;
	s29 =	simm.s32 $0x2E40  }
0x4f: {  	[tilespmem:s29], [sflag:$0x3] =	stream.indirect.gather [hbm4b:s0+s3], $0x40, s28, s3, $0xb8;
	[tilespmem:$0x196C0] =	vst v63  }
0x50: {  	s30 =	simm.s32 $0x3C0;
	s31 =	simm.s32 $0xF640  }
0x51: {  	[tilespmem:s31], [sflag:$0x3] =	stream.indirect.gather [hbm4b:s1+s3], $0x40, s30, s3, $0xb8;
	[tilespmem:$0x196C0] =	vst v63  }
0x52: {  	s5 =	simm.s32 $0xC8;
	s6 =	simm.s32 $0x3840  }
0x53: {  	[tilespmem:s6], [sflag:$0x3] =	stream.indirect.gather [hbm4b:s0+s3], $0x40, s5, s3, $0xb8;
	[tilespmem:$0x196C0] =	vst v63  }
0x54: {  	s8 =	simm.s32 $0x10040;
	s7 =	simm.s32 $0x3E8  }
0x55: {  	[tilespmem:s8], [sflag:$0x3] =	stream.indirect.gather [hbm4b:s1+s3], $0x40, s7, s3, $0xb8;
	[tilespmem:$0x196C0] =	vst v63  }
0x56: {  	s9 =	simm.s32 $0xF0;
	s11 =	simm.s32 $0x4240  }
0x57: {  	[tilespmem:s11], [sflag:$0x3] =	stream.indirect.gather [hbm4b:s0+s3], $0x40, s9, s3, $0xb8;
	[tilespmem:$0x196C0] =	vst v63  }
0x58: {  	s12 =	simm.s32 $0x410;
	s13 =	simm.s32 $0x10A40  }
0x59: {  	[tilespmem:s13], [sflag:$0x3] =	stream.indirect.gather [hbm4b:s1+s3], $0x40, s12, s3, $0xb8;
	[tilespmem:$0x196C0] =	vst v63  }
0x5a: {  	s14 =	simm.s32 $0x118;
	s15 =	simm.s32 $0x4C40  }
0x5b: {  	[tilespmem:s15], [sflag:$0x3] =	stream.indirect.gather [hbm4b:s0+s3], $0x40, s14, s3, $0xb8;
	[tilespmem:$0x196C0] =	vst v63  }
0x5c: {  	s17 =	simm.s32 $0x438;
	s18 =	simm.s32 $0x11440  }
0x5d: {  	[tilespmem:s18], [sflag:$0x3] =	stream.indirect.gather [hbm4b:s1+s3], $0x40, s17, s3, $0xb8;
	[tilespmem:$0x196C0] =	vst v63  }
0x5e: {  	s19 =	simm.s32 $0x140;
	s20 =	simm.s32 $0x5640  }
0x5f: {  	[tilespmem:s20], [sflag:$0x3] =	stream.indirect.gather [hbm4b:s0+s3], $0x40, s19, s3, $0xb8;
	[tilespmem:$0x196C0] =	vst v63  }
0x60: {  	s21 =	simm.s32 $0x460;
	s22 =	simm.s32 $0x11E40  }
0x61: {  	[tilespmem:s22], [sflag:$0x3] =	stream.indirect.gather [hbm4b:s1+s3], $0x40, s21, s3, $0xb8;
	[tilespmem:$0x196C0] =	vst v63  }
0x62: {  	s23 =	simm.s32 $0x168;
	s24 =	simm.s32 $0x6040  }
0x63: {  	[tilespmem:s24], [sflag:$0x3] =	stream.indirect.gather [hbm4b:s0+s3], $0x40, s23, s3, $0xb8;
	[tilespmem:$0x196C0] =	vst v63  }
0x64: {  	s25 =	simm.s32 $0x488;
	s26 =	simm.s32 $0x12840  }
0x65: {  	[tilespmem:s26], [sflag:$0x3] =	stream.indirect.gather [hbm4b:s1+s3], $0x40, s25, s3, $0xb8;
	[tilespmem:$0x196C0] =	vst v63  }
0x66: {  	s28 =	rddreg [dreg:$0xc];
	s29 =	simm.s32 $0x190  }
0x67: {  	[tilespmem:s29], [sflag:$0x2] =	stream.linear.gather [hbm4b:s28+s10], $0x190, $0x38;
	[tilespmem:$0x196C0] =	vst v63  }
0x68: {  	s30 =	rddreg [dreg:$0xd];
	s31 =	simm.s32 $0x4B0;
	s17 =	simm.s32 $0x0  }
0x69: {  	[tilespmem:s31], [sflag:$0x2] =	stream.linear.gather [hbm4b:s30+s10], $0x190, $0x38;
	[tilespmem:$0x196C0] =	vst v63  }
.LBB2_2:
0x6a: {  	s0 =	sshll.u32 s17, $0x1;
	s2 =	simm.s32 $0x3  }
0x6b: {  	_ =	swait.ge [sflag:s2], $0x6400;
	[dreg:$0x13] =	wrdreg s0;
	s0 =	smin.u32 s0, $0x3D  }
0x6c: {  	[sflag:s2] =	ssyncset.done $0x0;
	s0 =	sshll.u32 s0, $0x1;
	s1 =	rddreg [dreg:$0xe]  }
0x6d: {  	[sflag:s2] =	ssyncadd.s32 $0xFFFF9C00;
	s0 =	sadd.s32 s0, s1  }
0x6e: {  	_ =	swait.ge [sflag:s2], $0x6400;
	s0 =	smul.u32 $0x19, s0  }
0x6f: {  	[sflag:s2] =	ssyncset.done $0x0;
	s6 =	rddreg [dreg:$0x7]  }
0x70: {  	s7 =	rddreg [dreg:$0x8];
	[sflag:s2] =	ssyncadd.s32 $0xFFFF9C00;
	s1 =	sadd.s32 s6, s0  }
0x71: {  	[tilespmem:s10], [sflag:$0x1] =	stream.linear.gather [hbm4b:s1+s10], $0x190, $0x38;
	[tilespmem:$0x196C0] =	vst v63  }
0x72: {  	s8 =	simm.s32 $0x320;
	s9 =	simm.s32 $0x2;
	s0 =	sadd.s32 s7, s0  }
0x73: {  	[tilespmem:s8], [sflag:$0x1] =	stream.linear.gather [hbm4b:s0+s10], $0x190, $0x38;
	[tilespmem:$0x196C0] =	vst v63  }
0x74: {  	_ =	swait.ge [sflag:s9], $0x190  }
0x75: {  	[sflag:s9] =	ssyncset.done $0x0  }
0x76: {  	[sflag:s9] =	ssyncadd.s32 $0xFFFFFE70  }
0x77: {  	_ =	swait.ge [sflag:s9], $0x190  }
0x78: {  	p0 =	seq.s32 s17, $0x0;
	[sflag:s9] =	ssyncset.done $0x0  }
0x79: {  	s0 =	simm.s32 @!p0 $0x6;
	[dreg:$0x12] =	wrdreg s17;
	[sflag:s9] =	ssyncadd.s32 $0xFFFFFE70  }
0x7a: {  	_ =	swait.ge @!p0 [sflag:s0], $0x6400  }
0x7b: {  	s2 =	simm.s32 $0x28;
	[sflag:s0] =	ssyncset.done @!p0 $0x0  }
0x7c: {  	s10 =	simm.s32 $0x190;
	[sflag:s0] =	ssyncadd.s32 @!p0 $0xFFFF9C00;
	s0 =	rddreg [dreg:$0x5]  }
0x7d: {  	[tilespmem:s16], [sflag:$0x4] =	stream.indirect.gather [hbm4b:s0+s2], $0x40, s10, s2, $0xb8;
	[tilespmem:$0x196C0] =	vst v63  }
0x7e: {  	s3 =	simm.s32 $0x4B0;
	s4 =	simm.s32 $0x13240;
	s1 =	rddreg [dreg:$0x9]  }
0x7f: {  	[tilespmem:s4], [sflag:$0x4] =	stream.indirect.gather [hbm4b:s1+s2], $0x40, s3, s2, $0xb8;
	[tilespmem:$0x196C0] =	vst v63  }
0x80: {  	s11 =	simm.s32 $0x1B8;
	s12 =	simm.s32 $0x7440  }
0x81: {  	[tilespmem:s12], [sflag:$0x4] =	stream.indirect.gather [hbm4b:s0+s2], $0x40, s11, s2, $0xb8;
	[tilespmem:$0x196C0] =	vst v63  }
0x82: {  	s13 =	simm.s32 $0x4D8;
	s14 =	simm.s32 $0x13C40  }
0x83: {  	[tilespmem:s14], [sflag:$0x4] =	stream.indirect.gather [hbm4b:s1+s2], $0x40, s13, s2, $0xb8;
	[tilespmem:$0x196C0] =	vst v63  }
0x84: {  	s15 =	simm.s32 $0x1E0;
	s16 =	simm.s32 $0x7E40  }
0x85: {  	[tilespmem:s16], [sflag:$0x4] =	stream.indirect.gather [hbm4b:s0+s2], $0x40, s15, s2, $0xb8;
	[tilespmem:$0x196C0] =	vst v63  }
0x86: {  	s18 =	simm.s32 $0x14640;
	s17 =	simm.s32 $0x500  }
0x87: {  	[tilespmem:s18], [sflag:$0x4] =	stream.indirect.gather [hbm4b:s1+s2], $0x40, s17, s2, $0xb8;
	[tilespmem:$0x196C0] =	vst v63  }
0x88: {  	s19 =	simm.s32 $0x208;
	s20 =	simm.s32 $0x8840  }
0x89: {  	[tilespmem:s20], [sflag:$0x4] =	stream.indirect.gather [hbm4b:s0+s2], $0x40, s19, s2, $0xb8;
	[tilespmem:$0x196C0] =	vst v63  }
0x8a: {  	s21 =	simm.s32 $0x528;
	s22 =	simm.s32 $0x15040  }
0x8b: {  	[tilespmem:s22], [sflag:$0x4] =	stream.indirect.gather [hbm4b:s1+s2], $0x40, s21, s2, $0xb8;
	[tilespmem:$0x196C0] =	vst v63  }
0x8c: {  	s23 =	simm.s32 $0x230;
	s24 =	simm.s32 $0x9240  }
0x8d: {  	[tilespmem:s24], [sflag:$0x4] =	stream.indirect.gather [hbm4b:s0+s2], $0x40, s23, s2, $0xb8;
	[tilespmem:$0x196C0] =	vst v63  }
0x8e: {  	s25 =	simm.s32 $0x550;
	s26 =	simm.s32 $0x15A40  }
0x8f: {  	[tilespmem:s26], [sflag:$0x4] =	stream.indirect.gather [hbm4b:s1+s2], $0x40, s25, s2, $0xb8;
	[tilespmem:$0x196C0] =	vst v63  }
0x90: {  	s28 =	simm.s32 $0x258;
	s29 =	simm.s32 $0x9C40  }
0x91: {  	[tilespmem:s29], [sflag:$0x4] =	stream.indirect.gather [hbm4b:s0+s2], $0x40, s28, s2, $0xb8;
	[tilespmem:$0x196C0] =	vst v63  }
0x92: {  	s30 =	simm.s32 $0x578;
	s31 =	simm.s32 $0x16440  }
0x93: {  	[tilespmem:s31], [sflag:$0x4] =	stream.indirect.gather [hbm4b:s1+s2], $0x40, s30, s2, $0xb8;
	[tilespmem:$0x196C0] =	vst v63  }
0x94: {  	s5 =	simm.s32 $0xA640;
	s4 =	simm.s32 $0x280  }
0x95: {  	[tilespmem:s5], [sflag:$0x4] =	stream.indirect.gather [hbm4b:s0+s2], $0x40, s4, s2, $0xb8;
	[tilespmem:$0x196C0] =	vst v63  }
0x96: {  	s6 =	simm.s32 $0x5A0;
	s7 =	simm.s32 $0x16E40  }
0x97: {  	[tilespmem:s7], [sflag:$0x4] =	stream.indirect.gather [hbm4b:s1+s2], $0x40, s6, s2, $0xb8;
	[tilespmem:$0x196C0] =	vst v63  }
0x98: {  	s8 =	simm.s32 $0x2A8;
	s9 =	simm.s32 $0xB040  }
0x99: {  	[tilespmem:s9], [sflag:$0x4] =	stream.indirect.gather [hbm4b:s0+s2], $0x40, s8, s2, $0xb8;
	[tilespmem:$0x196C0] =	vst v63  }
0x9a: {  	s10 =	simm.s32 $0x5C8;
	s11 =	simm.s32 $0x17840  }
0x9b: {  	[tilespmem:s11], [sflag:$0x4] =	stream.indirect.gather [hbm4b:s1+s2], $0x40, s10, s2, $0xb8;
	[tilespmem:$0x196C0] =	vst v63  }
0x9c: {  	s12 =	simm.s32 $0x2D0;
	s13 =	simm.s32 $0xBA40  }
0x9d: {  	[tilespmem:s13], [sflag:$0x4] =	stream.indirect.gather [hbm4b:s0+s2], $0x40, s12, s2, $0xb8;
	[tilespmem:$0x196C0] =	vst v63  }
0x9e: {  	s14 =	simm.s32 $0x5F0;
	s15 =	simm.s32 $0x18240  }
0x9f: {  	[tilespmem:s15], [sflag:$0x4] =	stream.indirect.gather [hbm4b:s1+s2], $0x40, s14, s2, $0xb8;
	[tilespmem:$0x196C0] =	vst v63  }
0xa0: {  	s16 =	simm.s32 $0x2F8;
	s17 =	simm.s32 $0xC440  }
0xa1: {  	[tilespmem:s17], [sflag:$0x4] =	stream.indirect.gather [hbm4b:s0+s2], $0x40, s16, s2, $0xb8;
	[tilespmem:$0x196C0] =	vst v63  }
0xa2: {  	s18 =	simm.s32 $0x618;
	s19 =	simm.s32 $0x18C40;
	s20 =	simm.s32 $0x740  }
0xa3: {  	[tilespmem:s19], [sflag:$0x4] =	stream.indirect.gather [hbm4b:s1+s2], $0x40, s18, s2, $0xb8;
	[tilespmem:$0x196C0] =	vst v63  }
0xa4: {  	v8 =	vld [tilespmem:s20+$0xFFFFFF70]  }
0xa5: {  	v9 =	vld [tilespmem:s20+$0xFFFFFF60]  }
0xa6: {  	v10 =	vld [tilespmem:s20+$0xFFFFFF00]  }
0xa7: {  	v11 =	vld [tilespmem:s20+$0xFFFFFF30]  }
0xa8: {  	v12 =	vld [tilespmem:s20+$0xFFFFFF20]  }
0xa9: {  	v13 =	vld [tilespmem:s20+$0xFFFFFF10]  }
0xaa: {  	v14 =	vld [tilespmem:s20+$0xFFFFFF50]  }
0xab: {  	v15 =	vld [tilespmem:s20+$0xFFFFFF40]  }
0xac: {  	v19 =	vld [tilespmem:s20+$0xFFFFFFB0]  }
0xad: {  	v21 =	vld [tilespmem:s20+$0xFFFFFFA0]  }
0xae: {  	v23 =	vld [tilespmem:s20+$0xFFFFFF90]  }
0xaf: {  	v30 =	vld [tilespmem:s20+$0xFFFFFF80];
	v16 =	vmul.f32 v8, v8  }
0xb0: {  	v17 =	vmul.f32 v9, v9;
	v8 =	vadd.f32 v8, v9;
	v9 =	vmul.f32 v10, v10  }
0xb1: {  	v18 =	vmul.f32 v12, v12;
	v27 =	vmul.f32 v11, v11  }
0xb2: {  	v20 =	vmul.f32 v13, v13;
	v10 =	vadd.f32 v13, v10;
	v11 =	vadd.f32 v11, v12  }
0xb3: {  	v28 =	vmul.f32 v14, v14;
	v22 =	vmul.f32 v15, v15;
	v32 =	vadd.f32 v19, v21  }
0xb4: {  	v33 =	vmul.f32 v21, v21;
	v34 =	vadd.f32 v23, v30;
	v10 =	vadd.f32 v11, v10  }
0xb5: {  	v35 =	vmul.f32 v30, v30;
	v29 =	vadd.f32 v27, v18;
	v9 =	vadd.f32 v20, v9  }
0xb6: {  	v36 =	vmul.f32 v23, v23;
	v16 =	vadd.f32 v16, v17;
	v13 =	vadd.f32 v28, v22;
	(xrf2) =	vadd.scan.msk.f32 $0xffff, v10  }
0xb7: {  	v11 =	vadd.f32 v14, v15;
	v9 =	vadd.f32 v29, v9;
	v10 =	vmul.f32 v19, v19  }
0xb8: {  	v38 =	vld [tilespmem:s20+$0xFFFFFFE0];
	v37 =	vadd.f32 v36, v35;
	v31 =	vadd.f32 v16, v13  }
0xb9: {  	v39 =	vld [tilespmem:s20+$0xFFFFFFC0];
	v8 =	vadd.f32 v8, v11;
	(xrf2) =	vadd.scan.msk.f32 $0xffff, v9;
	v9 =	vadd.f32 v10, v33  }
0xba: {  	v11 =	vadd.f32 v32, v34;
	v10 =	vld [tilespmem:s20+$0xFFFFFFF0];
	(xrf2) =	vadd.scan.msk.f32 $0xffff, v31  }
0xbb: {  	(xrf2) =	vadd.scan.msk.f32 $0xffff, v8;
	v8 =	vld [tilespmem:s20+$0xFFFFFFD0];
	v9 =	vadd.f32 v9, v37  }
0xbc: {  	(xrf2) =	vadd.scan.msk.f32 $0xffff, v11  }
0xbd: {  	(xrf2) =	vadd.scan.msk.f32 $0xffff, v9;
	_ =	sdelay $0x1  }
0xbe: {  	v40 =	vld [tilespmem:s20+$0x30];
	v11 =	vmul.f32 v38, v38;
	v9 =	vadd.f32 v10, v38;
	v10 =	vmul.f32 v10, v10  }
0xbf: {  	v43 =	vld [tilespmem:s20+$0x20];
	v12 =	vmul.f32 v39, v39;
	v42 =	vadd.f32 v8, v39;
	v8 =	vmul.f32 v8, v8;
	v41, _, _ =	vpop (xrf2)  }
0xc0: {  	v45 =	vld [tilespmem:s20+$0x0];
	v10 =	vadd.f32 v10, v11;
	(v2sf) =	vpush v41, $0xF  }
0xc1: {  	v11 =	vld [tilespmem:s20+$0x10];
	v9 =	vadd.f32 v9, v42;
	v8 =	vadd.f32 v8, v12  }
0xc2: {  	v44, _, _ =	vpop (xrf2)  }
0xc3: {  	v46, _, _ =	vpop (xrf2);
	(v2sf) =	vpush v44, $0xF;
	v8 =	vadd.f32 v10, v8  }
0xc4: {  	v47, _, _ =	vpop (xrf2);
	(v2sf) =	vpush v46, $0xF;
	(xrf2) =	vadd.scan.msk.f32 $0xffff, v9  }
0xc5: {  	v48 =	vmul.f32 v43, v43;
	(v2sf) =	vpush v47, $0xF;
	v9, _, _ =	vpop (xrf2);
	(xrf2) =	vadd.scan.msk.f32 $0xffff, v8;
	v8 =	vadd.f32 v40, v43  }
0xc6: {  	v13 =	vmul.f32 v40, v40;
	(v2sf) =	vpush v9, $0xF;
	v9 =	vadd.f32 v11, v45;
	v10, _, _ =	vpop (xrf2)  }
0xc7: {  	v11 =	vmul.f32 v11, v11;
	(v2sf) =	vpush v10, $0xF;
	v10 =	vmul.f32 v45, v45  }
0xc8: {  	v8 =	vadd.f32 v8, v9  }
0xc9: {  	v9 =	vadd.f32 v13, v48;
	v10 =	vadd.f32 v11, v10;
	_ =	sdelay $0x1  }
0xca: {  	(xrf2) =	vadd.scan.msk.f32 $0xffff, v8;
	v8 =	vadd.f32 v9, v10;
	_ =	sdelay $0x1  }
0xcb: {  	v49 =	vld [tilespmem:s20+$0x40]  }
0xcc: {  	v10 =	vld [tilespmem:s20+$0x50];
	v9, _, _ =	vpop (xrf2)  }
0xcd: {  	(xrf2) =	vadd.scan.msk.f32 $0xffff, v8;
	(v2sf) =	vpush v9, $0xF;
	v8, _, _ =	vpop (xrf2);
	v9 =	vld [tilespmem:s20+$0x60]  }
0xce: {  	s22 =	spop (v2sf);
	(v2sf) =	vpush v8, $0xF;
	v8 =	vld [tilespmem:s20+$0x70];
	_ =	sdelay $0x1  }
0xcf: {  	s23 =	smul.f32 $1.562500000e-02, s22  }
0xd0: {  	s24 =	spop (v2sf)  }
0xd1: {  	v12 =	vmul.f32 v49, v49;
	s25 =	smul.f32 s23, s23;
	s26 =	spop (v2sf)  }
0xd2: {  	v55 =	vadd.f32 v10, v49;
	s1 =	smul.f32 $1.562500000e-02, s24;
	s5 =	spop (v2sf);
	v51 =	vmul.f32 v9, v9;
	v9 =	vadd.f32 v8, v9  }
0xd3: {  	v10 =	vmul.f32 v10, v10;
	s4 =	smul.f32 $1.562500000e-02, s26;
	s7 =	spop (v2sf);
	v8 =	vmul.f32 v8, v8  }
0xd4: {  	v50 =	vld [tilespmem:s20+$0xA0];
	s1 =	ssub.f32 s1, s25;
	s16 =	smul.f32 $1.562500000e-02, s5;
	v9 =	vadd.f32 v9, v55  }
0xd5: {  	v52 =	vld [tilespmem:s20+$0x90];
	v10 =	vadd.f32 v10, v12;
	v11, _, _ =	vpop (xrf2);
	s12 =	smul.f32 $1.562500000e-02, s7;
	s28 =	spop (v2sf);
	v8 =	vadd.f32 v8, v51  }
0xd6: {  	v54 =	vld [tilespmem:s20+$0x80];
	(v2sf) =	vpush v11, $0xF;
	s2 =	smul.f32 $1.562500000e-02, s28;
	(xrf2) =	vadd.scan.msk.f32 $0xffff, v9  }
0xd7: {  	v11 =	vld [tilespmem:s20+$0xB0];
	s1 =	sadd.f32 $9.999999740e-06, s1;
	s31 =	smul.f32 s16, s16;
	v8 =	vadd.f32 v8, v10  }
0xd8: {  	v53, _, _ =	vpop (xrf2);
	s7 =	smul.f32 s12, s12  }
0xd9: {  	(v2sf) =	vpush v53, $0xF;
	s8 =	sshra.s32 s1, $0x1;
	s11 =	smul.f32 $5.000000000e-01, s1;
	(xrf2) =	vadd.scan.msk.f32 $0xffff, v8  }
0xda: {  	s4 =	ssub.f32 s4, s31;
	s29 =	ssub.s32 $0x5F3759DF, s8  }
0xdb: {  	v56 =	vmul.f32 v50, v50;
	s2 =	ssub.f32 s2, s7;
	s30 =	smul.f32 s29, s11  }
0xdc: {  	v58 =	vadd.f32 v52, v54;
	v57 =	vmul.f32 v11, v11;
	v11 =	vadd.f32 v11, v50;
	s4 =	sadd.f32 $9.999999740e-06, s4  }
0xdd: {  	v9 =	vmul.f32 v54, v54;
	v10 =	vmul.f32 v52, v52;
	s2 =	sadd.f32 $9.999999740e-06, s2;
	s5 =	smul.f32 s29, s30  }
0xde: {  	v8 =	vadd.f32 v11, v58;
	s8 =	smul.f32 $5.000000000e-01, s4  }
0xdf: {  	v9 =	vadd.f32 v10, v9;
	v12 =	vadd.f32 v57, v56;
	s6 =	spop (v2sf);
	s19 =	smul.f32 $5.000000000e-01, s2  }
0xe0: {  	s2 =	sshra.s32 s2, $0x1;
	(xrf2) =	vadd.scan.msk.f32 $0xffff, v8;
	s15 =	smul.f32 $1.562500000e-02, s6;
	s9 =	spop (v2sf);
	v59, _, _ =	vpop (xrf2)  }
0xe1: {  	v10 =	vld [tilespmem:s20+$0xE0];
	v9 =	vadd.f32 v12, v9;
	s10 =	ssub.s32 $0x5F3759DF, s2;
	s7 =	smul.f32 $1.562500000e-02, s9;
	(v2sf) =	vpush v59, $0xF  }
0xe2: {  	v11 =	vld [tilespmem:s20+$0xC0];
	s5 =	ssub.f32 $1.500000000e+00, s5;
	s14 =	smul.f32 s10, s19  }
0xe3: {  	s25 =	simm.s32 $0x0;
	s4 =	sshra.s32 s4, $0x1;
	v8 =	vld [tilespmem:s20+$0xF0];
	(xrf2) =	vadd.scan.msk.f32 $0xffff, v9;
	s13 =	smul.f32 s15, s15;
	v61, _, _ =	vpop (xrf2)  }
0xe4: {  	v9 =	vld [tilespmem:s20+$0xD0];
	[smem:s25] =	sst s23;
	s23 =	ssub.s32 $0x5F3759DF, s4;
	s9 =	smul.f32 s29, s5;
	(v2sf) =	vpush v61, $0xF  }
0xe5: {  	s31 =	smul.f32 s23, s8;
	s21 =	spop (v2sf)  }
0xe6: {  	s18 =	smul.f32 $1.562500000e-02, s21  }
0xe7: {  	s24 =	smul.f32 s10, s14;
	s7 =	ssub.f32 s7, s13  }
0xe8: {  	v60 =	vmul.f32 v8, v8;
	s28 =	smul.f32 s18, s18;
	s26 =	spop (v2sf)  }
0xe9: {  	s1 =	simm.s32 $0xCC;
	v8 =	vadd.f32 v8, v10;
	s30 =	ssub.f32 $1.500000000e+00, s24;
	v62 =	vadd.f32 v9, v11;
	v11 =	vmul.f32 v11, v11;
	s29 =	smul.f32 $1.562500000e-02, s26  }
0xea: {  	s2 =	simm.s32 $0x4;
	v10 =	vmul.f32 v10, v10;
	s24 =	smul.f32 s23, s31;
	s22 =	sadd.f32 $9.999999740e-06, s7;
	v9 =	vmul.f32 v9, v9;
	v63, _, _ =	vpop (xrf2)  }
0xeb: {  	s14 =	simm.s32 $0x940;
	s21 =	smul.f32 s9, s11;
	v8 =	vadd.f32 v8, v62;
	(v2sf) =	vpush v63, $0xF;
	s3 =	ssub.f32 s29, s28  }
0xec: {  	s13 =	simm.s32 $0xC;
	v10 =	vadd.f32 v60, v10;
	s20 =	smul.f32 $5.000000000e-01, s22;
	s0 =	sshra.s32 s22, $0x1;
	v9 =	vadd.f32 v9, v11  }
0xed: {  	s17 =	smul.f32 s10, s30;
	s7 =	ssub.s32 $0x5F3759DF, s0;
	(xrf2) =	vadd.scan.msk.f32 $0xffff, v8;
	v11, _, _ =	vpop (xrf2);
	s3 =	sadd.f32 $9.999999740e-06, s3  }
0xee: {  	s11 =	simm.s32 $0x0;
	s0 =	simm.s32 $0x6C0;
	s5 =	smul.f32 s7, s20;
	v8 =	vadd.f32 v10, v9;
	(v2sf) =	vpush v11, $0xF  }
0xef: {  	s25 =	sshra.s32 s3, $0x1;
	s26 =	smul.f32 $5.000000000e-01, s3;
	s3 =	simm.s32 $0xD4  }
.LBB2_3:
0xf0: {  	s11 =	sadd.s32 $0x8, s11;
	s28 =	smul.f32 s21, s9;
	s21 =	spop (v2sf);
	(xrf2) =	vadd.scan.msk.f32 $0xffff, v8  }
0xf1: {  	s5 =	smul.f32 s7, s5;
	s25 =	ssub.s32 $0x5F3759DF, s25;
	p0 =	slt.u32 s11, $0xC0  }
0xf2: {  	s24 =	ssub.f32 $1.500000000e+00, s24;
	s21 =	smul.f32 $1.562500000e-02, s21  }
0xf3: {  	s29 =	smul.f32 s25, s26;
	s31 =	spop (v2sf)  }
0xf4: {  	s28 =	ssub.f32 $1.500000000e+00, s28;
	s30 =	smul.f32 s21, s21  }
0xf5: {  	s24 =	smul.f32 s23, s24  }
0xf6: {  	s9 =	smul.f32 s28, s9  }
0xf7: {  	s23 =	smul.f32 s25, s29;
	v8, _, _ =	vpop (xrf2)  }
0xf8: {  	s28 =	smul.f32 $1.562500000e-02, s31;
	(v2sf) =	vpush v8, $0xF  }
0xf9: {  	s8 =	smul.f32 s24, s8  }
0xfa: {  	s29 =	ssub.f32 $1.500000000e+00, s23;
	s23 =	spop (v2sf);
	v8, _, _ =	vpop (xrf2)  }
0xfb: {  	s28 =	ssub.f32 s28, s30;
	s23 =	smul.f32 $1.562500000e-02, s23;
	(v2sf) =	vpush v8, $0xF  }
0xfc: {  	s8 =	smul.f32 s8, s24  }
0xfd: {  	s30 =	smul.f32 s23, s23;
	s31 =	spop (v2sf)  }
0xfe: {  	s19 =	smul.f32 s17, s19;
	s28 =	sadd.f32 $9.999999740e-06, s28;
	v8 =	vld [tilespmem:s14+$0xFFFFFF70]  }
0xff: {  	s6 =	ssub.f32 $1.500000000e+00, s5;
	s31 =	smul.f32 $1.562500000e-02, s31;
	v9 =	vld [tilespmem:s14+$0xFFFFFF60]  }
0x100: {  	s10 =	ssub.f32 $1.500000000e+00, s8;
	s5 =	sshra.s32 s28, $0x1;
	s8 =	smul.f32 $5.000000000e-01, s28;
	v10 =	vld [tilespmem:s14+$0xFFFFFF00]  }
0x101: {  	s19 =	smul.f32 s19, s17;
	s5 =	ssub.s32 $0x5F3759DF, s5;
	s30 =	ssub.f32 s31, s30;
	v11 =	vld [tilespmem:s14+$0xFFFFFF30]  }
0x102: {  	s31 =	smul.f32 s5, s8;
	v12 =	vld [tilespmem:s14+$0xFFFFFF20]  }
0x103: {  	s28 =	smul.f32 s25, s29;
	s30 =	sadd.f32 $9.999999740e-06, s30;
	v13 =	vld [tilespmem:s14+$0xFFFFFF10];
	v14 =	vmul.f32 v8, v8  }
0x104: {  	s29 =	ssub.f32 $1.500000000e+00, s19;
	s19 =	smul.f32 s7, s6;
	v15 =	vld [tilespmem:s14+$0xFFFFFF50];
	v8 =	vadd.f32 v8, v9;
	v9 =	vmul.f32 v9, v9  }
0x105: {  	s25 =	smul.f32 s10, s24;
	s6 =	sshra.s32 s30, $0x1;
	v16 =	vld [tilespmem:s14+$0xFFFFFF40]  }
0x106: {  	s7 =	smul.f32 s28, s26;
	v17 =	vmul.f32 v10, v10;
	s6 =	ssub.s32 $0x5F3759DF, s6;
	v9 =	vadd.f32 v14, v9  }
0x107: {  	s10 =	smul.f32 s5, s31;
	v18 =	vmul.f32 v11, v11;
	v14 =	vmul.f32 v12, v12;
	s26 =	spop (v2sf)  }
0x108: {  	s24 =	smul.f32 $5.000000000e-01, s30;
	v11 =	vadd.f32 v11, v12;
	v10 =	vadd.f32 v13, v10;
	v12 =	vmul.f32 v13, v13  }
0x109: {  	s7 =	smul.f32 s7, s28;
	v13 =	vadd.f32 v18, v14;
	v14 =	vmul.f32 v15, v15  }
0x10a: {  	s30 =	smul.f32 s6, s24;
	v10 =	vadd.f32 v11, v10;
	v11 =	vadd.f32 v15, v16;
	v15 =	vmul.f32 v16, v16;
	s31 =	spop (v2sf)  }
0x10b: {  	s22 =	smul.f32 s19, s20;
	s4 =	ssub.f32 $1.500000000e+00, s7;
	v12 =	vadd.f32 v12, v17;
	v16 =	vld [tilespmem:s14+$0xFFFFFFB0]  }
0x10c: {  	s10 =	ssub.f32 $1.500000000e+00, s10;
	s7 =	smul.f32 $1.562500000e-02, s26;
	v8 =	vadd.f32 v8, v11;
	v11 =	vadd.f32 v14, v15;
	v14 =	vld [tilespmem:s14+$0xFFFFFFA0];
	(xrf2) =	vadd.scan.msk.f32 $0xffff, v10  }
0x10d: {  	s26 =	smul.f32 s6, s30;
	v10 =	vadd.f32 v13, v12;
	v12 =	vld [tilespmem:s14+$0xFFFFFF90]  }
0x10e: {  	s30 =	smul.f32 $1.562500000e-02, s31;
	v9 =	vadd.f32 v9, v11;
	v11 =	vld [tilespmem:s14+$0xFFFFFF80]  }
0x10f: {  	s20 =	smul.f32 s5, s10;
	s5 =	ssub.f32 $1.500000000e+00, s26;
	(xrf2) =	vadd.scan.msk.f32 $0xffff, v10  }
0x110: {  	s10 =	sadd.s32 $0xFFFFFFFC, s1;
	s26 =	smul.f32 s7, s7;
	v10 =	vmul.f32 v16, v16  }
0x111: {  	v13 =	vadd.f32 v16, v14;
	v14 =	vmul.f32 v14, v14;
	[smem:s10] =	sst s9;
	s10 =	sadd.s32 $0xFFFFFFFD, s2;
	s9 =	smul.f32 s6, s5  }
0x112: {  	s5 =	smul.f32 s22, s19;
	(xrf2) =	vadd.scan.msk.f32 $0xffff, v9;
	[smem:s10] =	sst s16  }
0x113: {  	s6 =	sadd.s32 $0xFFFFFFFD, s1;
	s10 =	smul.f32 s29, s17;
	s16 =	ssub.f32 s30, s26;
	v9 =	vadd.f32 v12, v11;
	v11 =	vmul.f32 v11, v11;
	v12 =	vmul.f32 v12, v12  }
0x114: {  	s4 =	smul.f32 s4, s28;
	v10 =	vadd.f32 v10, v14;
	[smem:s6] =	sst s25  }
0x115: {  	s8 =	smul.f32 s20, s8;
	s5 =	ssub.f32 $1.500000000e+00, s5;
	s6 =	sadd.s32 $0xFFFFFFFE, s2;
	v9 =	vadd.f32 v13, v9;
	v11 =	vadd.f32 v12, v11;
	v12 =	vld [tilespmem:s14+$0xFFFFFFF0];
	(xrf2) =	vadd.scan.msk.f32 $0xffff, v8  }
0x116: {  	v8 =	vld [tilespmem:s14+$0xFFFFFFE0];
	v13, _, _ =	vpop (xrf2);
	[smem:s6] =	sst s12;
	s6 =	sadd.s32 $0xFFFFFFFF, s1  }
0x117: {  	s8 =	smul.f32 s8, s20;
	s16 =	sadd.f32 $9.999999740e-06, s16;
	s12 =	sadd.s32 $0xFFFFFFFE, s1;
	v10 =	vadd.f32 v10, v11;
	v11 =	vld [tilespmem:s14+$0xFFFFFFD0]  }
0x118: {  	s5 =	smul.f32 s5, s19;
	v14 =	vld [tilespmem:s14+$0xFFFFFFC0];
	(v2sf) =	vpush v13, $0xF;
	(xrf2) =	vadd.scan.msk.f32 $0xffff, v9;
	[smem:s12] =	sst s10;
	s10 =	sadd.s32 $0xFFFFFFFF, s2  }
0x119: {  	s8 =	ssub.f32 $1.500000000e+00, s8;
	s12 =	sshra.s32 s16, $0x1;
	s16 =	smul.f32 $5.000000000e-01, s16;
	v9, _, _ =	vpop (xrf2)  }
0x11a: {  	s12 =	ssub.s32 $0x5F3759DF, s12;
	[smem:s10] =	sst s15;
	s10 =	smul.f32 s9, s24  }
0x11b: {  	v13 =	vadd.f32 v12, v8;
	(xrf2) =	vadd.scan.msk.f32 $0xffff, v10;
	[smem:s6] =	sst s5;
	s5 =	smul.f32 s12, s16  }
0x11c: {  	v8 =	vmul.f32 v8, v8;
	v10 =	vmul.f32 v12, v12;
	v12, _, _ =	vpop (xrf2);
	[smem:s2] =	sst s18;
	s6 =	smul.f32 s10, s9  }
0x11d: {  	v15 =	vadd.f32 v11, v14;
	v14 =	vmul.f32 v14, v14;
	v16 =	vld [tilespmem:s14+$0x30];
	[smem:s1] =	sst s4;
	s4 =	sadd.s32 $0x1, s2;
	s5 =	smul.f32 s12, s5  }
0x11e: {  	v11 =	vmul.f32 v11, v11;
	v8 =	vadd.f32 v10, v8;
	v10 =	vld [tilespmem:s14+$0x20];
	[smem:s4] =	sst s21;
	s4 =	smul.f32 s8, s20  }
0x11f: {  	v13 =	vadd.f32 v13, v15;
	v15 =	vld [tilespmem:s14+$0x10];
	(v2sf) =	vpush v9, $0xF;
	v9, _, _ =	vpop (xrf2);
	s5 =	ssub.f32 $1.500000000e+00, s5  }
0x120: {  	s8 =	sadd.s32 $0x1, s1;
	s6 =	ssub.f32 $1.500000000e+00, s6;
	v11 =	vadd.f32 v11, v14;
	v14 =	vld [tilespmem:s14+$0x0];
	(v2sf) =	vpush v12, $0xF  }
0x121: {  	(v2sf) =	vpush v9, $0xF;
	(xrf2) =	vadd.scan.msk.f32 $0xffff, v13;
	[smem:s8] =	sst s4;
	s4 =	sadd.s32 $0x2, s2;
	s5 =	smul.f32 s12, s5  }
0x122: {  	v8 =	vadd.f32 v8, v11;
	v9, _, _ =	vpop (xrf2);
	[smem:s4] =	sst s23;
	s4 =	smul.f32 s6, s9  }
0x123: {  	s6 =	sadd.s32 $0x2, s1;
	v11 =	vmul.f32 v10, v10;
	(v2sf) =	vpush v9, $0xF;
	s8 =	smul.f32 s5, s16  }
0x124: {  	v9 =	vadd.f32 v16, v10;
	v10 =	vmul.f32 v16, v16;
	(xrf2) =	vadd.scan.msk.f32 $0xffff, v8;
	[smem:s6] =	sst s4;
	s4 =	sadd.s32 $0x3, s2;
	s2 =	smov.u32 s13  }
0x125: {  	v13 =	vmul.f32 v15, v15;
	v8 =	vadd.f32 v15, v14;
	v12 =	vmul.f32 v14, v14;
	v14, _, _ =	vpop (xrf2);
	[smem:s4] =	sst s7;
	s4 =	smul.f32 s8, s5  }
0x126: {  	v10 =	vadd.f32 v10, v11;
	(v2sf) =	vpush v14, $0xF  }
0x127: {  	v8 =	vadd.f32 v9, v8;
	v9 =	vadd.f32 v13, v12;
	s6 =	spop (v2sf);
	s4 =	ssub.f32 $1.500000000e+00, s4  }
0x128: {  	s7 =	smul.f32 $1.562500000e-02, s6  }
0x129: {  	v9 =	vadd.f32 v10, v9;
	v10 =	vld [tilespmem:s14+$0x70];
	(xrf2) =	vadd.scan.msk.f32 $0xffff, v8;
	s4 =	smul.f32 s4, s5  }
0x12a: {  	s5 =	sadd.s32 $0x3, s1;
	s1 =	smov.u32 s3;
	v8 =	vld [tilespmem:s14+$0x60]  }
0x12b: {  	s6 =	smul.f32 s7, s7;
	v11 =	vld [tilespmem:s14+$0x50];
	v12, _, _ =	vpop (xrf2);
	[smem:s5] =	sst s4  }
0x12c: {  	v13 =	vld [tilespmem:s14+$0x40];
	(v2sf) =	vpush v12, $0xF;
	(xrf2) =	vadd.scan.msk.f32 $0xffff, v9;
	_ =	sdelay $0x1  }
0x12d: {  	s4 =	spop (v2sf);
	v9, _, _ =	vpop (xrf2)  }
0x12e: {  	v12 =	vmul.f32 v8, v8;
	s5 =	spop (v2sf);
	(v2sf) =	vpush v9, $0xF  }
0x12f: {  	v8 =	vadd.f32 v10, v8;
	v9 =	vmul.f32 v10, v10;
	s5 =	smul.f32 $1.562500000e-02, s5;
	s8 =	spop (v2sf)  }
0x130: {  	v10 =	vadd.f32 v11, v13;
	v13 =	vmul.f32 v13, v13;
	v11 =	vmul.f32 v11, v11  }
0x131: {  	s4 =	smul.f32 $1.562500000e-02, s4;
	v9 =	vadd.f32 v9, v12;
	s9 =	spop (v2sf)  }
0x132: {  	v8 =	vadd.f32 v8, v10;
	v10 =	vadd.f32 v11, v13;
	v11 =	vld [tilespmem:s14+$0xB0];
	v12, _, _ =	vpop (xrf2)  }
0x133: {  	s4 =	ssub.f32 s4, s6;
	s12 =	smul.f32 $1.562500000e-02, s9;
	v13 =	vld [tilespmem:s14+$0xA0];
	(v2sf) =	vpush v12, $0xF  }
0x134: {  	s16 =	smul.f32 $1.562500000e-02, s8;
	v9 =	vadd.f32 v9, v10;
	v10 =	vld [tilespmem:s14+$0x90];
	s6 =	spop (v2sf);
	(xrf2) =	vadd.scan.msk.f32 $0xffff, v8  }
0x135: {  	s4 =	sadd.f32 $9.999999740e-06, s4;
	s6 =	smul.f32 $1.562500000e-02, s6;
	v8 =	vld [tilespmem:s14+$0x80];
	v12, _, _ =	vpop (xrf2)  }
0x136: {  	s8 =	smul.f32 s12, s12;
	(v2sf) =	vpush v12, $0xF  }
0x137: {  	s9 =	sshra.s32 s4, $0x1;
	s4 =	smul.f32 $5.000000000e-01, s4;
	(xrf2) =	vadd.scan.msk.f32 $0xffff, v9  }
0x138: {  	s10 =	smul.f32 s16, s16;
	s9 =	ssub.s32 $0x5F3759DF, s9;
	s6 =	ssub.f32 s6, s8;
	v9 =	vmul.f32 v13, v13  }
0x139: {  	s8 =	smul.f32 s9, s4;
	v12 =	vadd.f32 v11, v13;
	v11 =	vmul.f32 v11, v11  }
0x13a: {  	s6 =	sadd.f32 $9.999999740e-06, s6;
	v13 =	vadd.f32 v10, v8;
	v8 =	vmul.f32 v8, v8;
	v10 =	vmul.f32 v10, v10;
	s15 =	spop (v2sf)  }
0x13b: {  	s10 =	ssub.f32 s5, s10;
	s8 =	smul.f32 s9, s8;
	v14 =	vadd.f32 v11, v9  }
0x13c: {  	s5 =	sshra.s32 s6, $0x1;
	s19 =	smul.f32 $5.000000000e-01, s6;
	v11 =	vadd.f32 v12, v13;
	v8 =	vadd.f32 v10, v8  }
0x13d: {  	s15 =	smul.f32 $1.562500000e-02, s15;
	s5 =	ssub.s32 $0x5F3759DF, s5;
	s6 =	spop (v2sf)  }
0x13e: {  	s8 =	ssub.f32 $1.500000000e+00, s8;
	s6 =	smul.f32 $1.562500000e-02, s6;
	v8 =	vadd.f32 v14, v8;
	v9, _, _ =	vpop (xrf2);
	(xrf2) =	vadd.scan.msk.f32 $0xffff, v11  }
0x13f: {  	s10 =	sadd.f32 $9.999999740e-06, s10;
	s17 =	smul.f32 s15, s15;
	v10 =	vld [tilespmem:s14+$0xF0];
	(v2sf) =	vpush v9, $0xF  }
0x140: {  	s9 =	smul.f32 s9, s8;
	v9 =	vld [tilespmem:s14+$0xE0]  }
0x141: {  	s18 =	sshra.s32 s10, $0x1;
	s8 =	smul.f32 $5.000000000e-01, s10;
	s6 =	ssub.f32 s6, s17;
	v11 =	vld [tilespmem:s14+$0xD0];
	v12, _, _ =	vpop (xrf2);
	(xrf2) =	vadd.scan.msk.f32 $0xffff, v8  }
0x142: {  	s23 =	ssub.s32 $0x5F3759DF, s18;
	s10 =	smul.f32 s5, s19;
	v8 =	vld [tilespmem:s14+$0xC0];
	s17 =	spop (v2sf);
	(v2sf) =	vpush v12, $0xF  }
0x143: {  	s6 =	sadd.f32 $9.999999740e-06, s6;
	s18 =	smul.f32 $1.562500000e-02, s17  }
0x144: {  	s21 =	smul.f32 s9, s4;
	s17 =	sadd.s32 $0xFFFFFFFC, s13;
	v12 =	vmul.f32 v10, v10  }
0x145: {  	s4 =	smul.f32 s5, s10;
	s10 =	sshra.s32 s6, $0x1;
	v10 =	vadd.f32 v10, v9;
	v9 =	vmul.f32 v9, v9;
	s20 =	spop (v2sf)  }
0x146: {  	[smem:s17] =	sst s7;
	s7 =	ssub.s32 $0x5F3759DF, s10;
	s10 =	smul.f32 s18, s18  }
0x147: {  	s17 =	smul.f32 $1.562500000e-02, s20  }
0x148: {  	s20 =	smul.f32 $5.000000000e-01, s6;
	v13 =	vadd.f32 v11, v8;
	v8 =	vmul.f32 v8, v8;
	v11 =	vmul.f32 v11, v11  }
0x149: {  	s4 =	ssub.f32 $1.500000000e+00, s4;
	s6 =	smul.f32 s23, s8;
	v9 =	vadd.f32 v12, v9;
	v12, _, _ =	vpop (xrf2)  }
.Ltmp2:
0x14a: {  	s10 =	ssub.f32 s17, s10;
	v10 =	vadd.f32 v10, v13;
	(v2sf) =	vpush v12, $0xF;
	(pc) =	sbr.rel @p0 .LBB2_3-.Ltmp2, $4  }
0x14b: {  	s17 =	smul.f32 s5, s4;
	v8 =	vadd.f32 v11, v8  }
0x14c: {  	s5 =	smul.f32 s7, s20;
	s4 =	sadd.f32 $9.999999740e-06, s10;
	v11, _, _ =	vpop (xrf2);
	(xrf2) =	vadd.scan.msk.f32 $0xffff, v10  }
0x14d: {  	s14 =	sadd.s32 $0x200, s14;
	s13 =	sadd.s32 $0x8, s13;
	s24 =	smul.f32 s23, s6;
	v8 =	vadd.f32 v9, v8;
	(v2sf) =	vpush v11, $0xF  }
0x14e: {  	s3 =	sadd.s32 $0x8, s3;
	s25 =	sshra.s32 s4, $0x1;
	s26 =	smul.f32 $5.000000000e-01, s4  }
0x14f: {  	s4 =	smul.f32 s21, s9  }
0x150: {  	s5 =	smul.f32 s7, s5  }
0x151: {  	s3 =	spop (v2sf);
	s19 =	smul.f32 s17, s19  }
0x152: {  	s6 =	ssub.s32 $0x5F3759DF, s25;
	s10 =	ssub.f32 $1.500000000e+00, s24;
	s3 =	smul.f32 $1.562500000e-02, s3  }
0x153: {  	(xrf2) =	vadd.scan.msk.f32 $0xffff, v8;
	s11 =	smul.f32 s6, s26  }
0x154: {  	s10 =	smul.f32 s23, s10  }
0x155: {  	s19 =	smul.f32 s19, s17  }
0x156: {  	s4 =	ssub.f32 $1.500000000e+00, s4;
	s13 =	smul.f32 s3, s3  }
0x157: {  	s11 =	smul.f32 s6, s11  }
0x158: {  	s24 =	spop (v2sf);
	s4 =	smul.f32 s4, s9  }
0x159: {  	s5 =	ssub.f32 $1.500000000e+00, s5;
	s9 =	smul.f32 $1.562500000e-02, s24;
	v8, _, _ =	vpop (xrf2)  }
0x15a: {  	s14 =	smul.f32 s10, s8;
	(v2sf) =	vpush v8, $0xF  }
0x15b: {  	s7 =	smul.f32 s7, s5  }
0x15c: {  	s9 =	ssub.f32 s9, s13;
	s25 =	spop (v2sf)  }
0x15d: {  	v8, _, _ =	vpop (xrf2);
	s8 =	smul.f32 $1.562500000e-02, s25  }
0x15e: {  	s28 =	smul.f32 s14, s10;
	s9 =	sadd.f32 $9.999999740e-06, s9;
	(v2sf) =	vpush v8, $0xF  }
0x15f: {  	s29 =	smul.f32 s8, s8;
	s30 =	spop (v2sf)  }
0x160: {  	s21 =	smul.f32 $1.562500000e-02, s30  }
0x161: {  	s11 =	ssub.f32 $1.500000000e+00, s11;
	s22 =	sshra.s32 s9, $0x1;
	s9 =	smul.f32 $5.000000000e-01, s9  }
0x162: {  	s20 =	smul.f32 s7, s20;
	s22 =	ssub.s32 $0x5F3759DF, s22;
	s14 =	ssub.f32 s21, s29  }
0x163: {  	s31 =	smul.f32 s22, s9  }
0x164: {  	s6 =	smul.f32 s6, s11;
	s14 =	sadd.f32 $9.999999740e-06, s14  }
0x165: {  	s13 =	ssub.f32 $1.500000000e+00, s28;
	s24 =	smul.f32 s22, s31  }
0x166: {  	s23 =	sshra.s32 s14, $0x1;
	s11 =	smul.f32 $5.000000000e-01, s14  }
0x167: {  	s10 =	smul.f32 s13, s10;
	s14 =	ssub.f32 $1.500000000e+00, s24;
	s13 =	ssub.s32 $0x5F3759DF, s23  }
0x168: {  	s28 =	smul.f32 s13, s11  }
0x169: {  	s14 =	smul.f32 s22, s14;
	s25 =	spop (v2sf)  }
0x16a: {  	s5 =	smul.f32 $1.562500000e-02, s25  }
0x16b: {  	s21 =	smul.f32 s13, s28  }
0x16c: {  	s19 =	ssub.f32 $1.500000000e+00, s19;
	s25 =	smul.f32 s6, s26  }
0x16d: {  	s29 =	spop (v2sf);
	s31 =	smul.f32 s5, s5  }
0x16e: {  	s30 =	sadd.s32 $0xFFFFFFFC, s1;
	s21 =	ssub.f32 $1.500000000e+00, s21;
	s23 =	smul.f32 $1.562500000e-02, s29  }
0x16f: {  	[smem:s30] =	sst s4;
	s9 =	smul.f32 s14, s9  }
0x170: {  	s22 =	sadd.s32 $0xFFFFFFFD, s2;
	s4 =	smul.f32 s13, s21;
	s26 =	ssub.f32 s23, s31  }
0x171: {  	[smem:s22] =	sst s16;
	s13 =	smul.f32 s25, s6  }
0x172: {  	s20 =	smul.f32 s20, s7;
	s16 =	sadd.f32 $9.999999740e-06, s26  }
0x173: {  	s9 =	smul.f32 s9, s14;
	s13 =	ssub.f32 $1.500000000e+00, s13  }
0x174: {  	s29 =	sadd.s32 $0xFFFFFFFD, s1;
	s30 =	sshra.s32 s16, $0x1;
	s16 =	smul.f32 $5.000000000e-01, s16  }
0x175: {  	[smem:s29] =	sst s10;
	s6 =	smul.f32 s13, s6;
	s10 =	ssub.s32 $0x5F3759DF, s30  }
0x176: {  	s21 =	ssub.f32 $1.500000000e+00, s20;
	s13 =	smul.f32 s10, s16  }
0x177: {  	s28 =	smul.f32 s19, s17;
	s9 =	ssub.f32 $1.500000000e+00, s9;
	s31 =	sadd.s32 $0xFFFFFFFE, s2  }
0x178: {  	s22 =	sadd.s32 $0xFFFFFFFE, s1;
	[smem:s31] =	sst s12;
	s12 =	smul.f32 s10, s13  }
0x179: {  	[smem:s22] =	sst s28  }
0x17a: {  	s23 =	sadd.s32 $0xFFFFFFFF, s2;
	s7 =	smul.f32 s21, s7;
	s12 =	ssub.f32 $1.500000000e+00, s12  }
0x17b: {  	s24 =	sadd.s32 $0xFFFFFFFF, s1;
	s25 =	smul.f32 s4, s11;
	[smem:s23] =	sst s15  }
0x17c: {  	[smem:s24] =	sst s7;
	s10 =	smul.f32 s10, s12  }
0x17d: {  	s7 =	smul.f32 s25, s4;
	[smem:s2] =	sst s18  }
0x17e: {  	[smem:s1] =	sst s6;
	s28 =	smul.f32 s10, s16  }
0x17f: {  	s29 =	smul.f32 s9, s14;
	s26 =	sadd.s32 $0x1, s2;
	s7 =	ssub.f32 $1.500000000e+00, s7  }
0x180: {  	s30 =	sadd.s32 $0x1, s1;
	[smem:s26] =	sst s3;
	s31 =	smul.f32 s28, s10  }
0x181: {  	[smem:s30] =	sst s29  }
0x182: {  	s6 =	sadd.s32 $0x2, s2;
	s4 =	smul.f32 s7, s4;
	s9 =	ssub.f32 $1.500000000e+00, s31  }
0x183: {  	s11 =	sadd.s32 $0x2, s1;
	[smem:s6] =	sst s8  }
0x184: {  	[smem:s11] =	sst s4;
	s12 =	sadd.s32 $0x3, s2;
	s13 =	smul.f32 s9, s10  }
0x185: {  	s14 =	sadd.s32 $0x3, s1;
	[smem:s12] =	sst s5  }
0x186: {  	[smem:s14] =	sst s13  }
0x187: {  	v8 =	vld [tilespmem:s0+$0x40]  }
0x188: {  	v9 =	vld [tilespmem:s0+$0xFFFFFF80];
	s1 =	sld [smem:$0x3]  }
0x189: {  	v10 =	vld [tilespmem:s0+$0xFFFFFFC0];
	s15 =	sld [smem:$0xCB]  }
0x18a: {  	s16 =	sld [smem:$0x1];
	v11 =	vld [tilespmem:s0+$0x0]  }
0x18b: {  	v12 =	vld [tilespmem:s0+$0xFFFFFF90];
	s17 =	sld [smem:$0x2];
	v14 =	vmov s1  }
0x18c: {  	s20 =	simm.s32 $0xCEC0;
	s18 =	sld [smem:$0x0];
	v13 =	vld [tilespmem:s0+$0xFFFFFFD0];
	v16 =	vmul.f32 s15, v0;
	v8 =	vsub.f32 v8, v14  }
0x18d: {  	s19 =	sld [smem:$0xC8];
	v15 =	vld [tilespmem:s20+$0x40]  }
0x18e: {  	v17 =	vld [tilespmem:s20+$0xFFFFFF80];
	s21 =	sld [smem:$0xC9];
	v8 =	vmul.f32 v16, v8  }
0x18f: {  	s22 =	sld [smem:$0xCA];
	v16 =	vld [tilespmem:s0+$0x50]  }
0x190: {  	v18 =	vmov s16;
	v19 =	vmov s18;
	v8 =	vadd.f32 v8, v4  }
0x191: {  	v10 =	vsub.f32 v10, v18;
	v9 =	vsub.f32 v9, v19;
	v21 =	vmul.f32 s19, v0  }
0x192: {  	v23 =	vmov s17;
	v24 =	vmul.f32 s21, v0;
	v8 =	vadd.f32 v8, v15  }
0x193: {  	v20 =	vld [tilespmem:s20+$0xFFFFFFC0];
	v11 =	vsub.f32 v11, v23;
	v9 =	vmul.f32 v21, v9;
	v15 =	vmul.f32 s22, v0  }
0x194: {  	v22 =	vld [tilespmem:s20+$0x0];
	v10 =	vmul.f32 v24, v10;
	[tilespmem:s0+$0x40] =	vst v8;
	v8 =	vsub.f32 v16, v14;
	v16 =	vmul.f32 s15, v1  }
0x195: {  	v9 =	vadd.f32 v9, v4;
	v11 =	vmul.f32 v15, v11;
	v15 =	vld [tilespmem:s20+$0x50]  }
0x196: {  	v25 =	vld [tilespmem:s0+$0x10];
	v10 =	vadd.f32 v10, v4;
	v8 =	vmul.f32 v8, v16  }
0x197: {  	v9 =	vadd.f32 v9, v17;
	v11 =	vadd.f32 v11, v4;
	v16 =	vld [tilespmem:s0+$0x60]  }
0x198: {  	v10 =	vadd.f32 v10, v20;
	v8 =	vadd.f32 v8, v5  }
0x199: {  	v12 =	vsub.f32 v12, v19;
	v21 =	vld [tilespmem:s0+$0xFFFFFFA0];
	v20 =	vmul.f32 s19, v1;
	[tilespmem:s0+$0xFFFFFF80] =	vst v9;
	v11 =	vadd.f32 v11, v22  }
0x19a: {  	v13 =	vsub.f32 v13, v18;
	v22 =	vmul.f32 s21, v1;
	v27 =	vld [tilespmem:s20+$0xFFFFFF90];
	[tilespmem:s0+$0xFFFFFFC0] =	vst v10;
	v8 =	vadd.f32 v8, v15  }
0x19b: {  	v10 =	vmul.f32 s22, v1;
	v12 =	vmul.f32 v12, v20;
	v20 =	vld [tilespmem:s20+$0xFFFFFFD0];
	v15 =	vsub.f32 v25, v23;
	[tilespmem:s0+$0x0] =	vst v11  }
0x19c: {  	v11 =	vmul.f32 v13, v22;
	v13 =	vld [tilespmem:s20+$0x10];
	[tilespmem:s0+$0x50] =	vst v8;
	v8 =	vsub.f32 v16, v14;
	v16 =	vmul.f32 s15, v2  }
0x19d: {  	v12 =	vadd.f32 v12, v5;
	v10 =	vmul.f32 v15, v10;
	v15 =	vld [tilespmem:s20+$0x60]  }
0x19e: {  	v26 =	vld [tilespmem:s0+$0x20];
	v11 =	vadd.f32 v11, v5;
	v8 =	vmul.f32 v8, v16  }
0x19f: {  	v24 =	vld [tilespmem:s0+$0xFFFFFFE0];
	v12 =	vadd.f32 v12, v27;
	v10 =	vadd.f32 v10, v5  }
0x1a0: {  	v17 =	vld [tilespmem:s0+$0xFFFFFFB0];
	v11 =	vadd.f32 v11, v20;
	v8 =	vadd.f32 v8, v6  }
0x1a1: {  	v9 =	vld [tilespmem:s0+$0xFFFFFFF0];
	[tilespmem:s0+$0xFFFFFF90] =	vst v12;
	v10 =	vadd.f32 v10, v13  }
0x1a2: {  	v20 =	vld [tilespmem:s0+$0x70];
	[tilespmem:s0+$0xFFFFFFD0] =	vst v11;
	v11 =	vmul.f32 s19, v2;
	v13 =	vsub.f32 v21, v19;
	v8 =	vadd.f32 v8, v15  }
0x1a3: {  	s1 =	simm.s32 $0x7C0;
	v12 =	vld [tilespmem:s20+$0xFFFFFFA0]  }
0x1a4: {  	v22 =	vld [tilespmem:s1+$0x40];
	[tilespmem:s0+$0x60] =	vst v8;
	v8 =	vmul.f32 v13, v11  }
0x1a5: {  	v16 =	vld [tilespmem:s0+$0x30];
	v21 =	vsub.f32 v24, v18;
	v13 =	vmul.f32 s21, v2  }
0x1a6: {  	v25 =	vmul.f32 s22, v2;
	v24 =	vsub.f32 v26, v23;
	v15 =	vld [tilespmem:s20+$0xFFFFFFE0];
	[tilespmem:s0+$0x10] =	vst v10;
	v8 =	vadd.f32 v8, v6  }
0x1a7: {  	v10 =	vld [tilespmem:s20+$0x20];
	v14 =	vsub.f32 v20, v14;
	v20 =	vmul.f32 s15, v3;
	v13 =	vmul.f32 v21, v13  }
0x1a8: {  	v11 =	vld [tilespmem:s20+$0x70];
	v21 =	vmul.f32 v24, v25;
	v8 =	vadd.f32 v8, v12  }
0x1a9: {  	v26 =	vld [tilespmem:s1+$0xFFFFFF80];
	s23 =	sld [smem:$0x7];
	v14 =	vmul.f32 v14, v20;
	v13 =	vadd.f32 v13, v6  }
0x1aa: {  	v12 =	vld [tilespmem:s1+$0xFFFFFFC0];
	s24 =	sld [smem:$0xCF];
	[tilespmem:s0+$0xFFFFFFA0] =	vst v8;
	v8 =	vadd.f32 v21, v6  }
0x1ab: {  	v14 =	vadd.f32 v14, v7;
	v13 =	vadd.f32 v13, v15  }
0x1ac: {  	v8 =	vadd.f32 v8, v10  }
0x1ad: {  	v9 =	vsub.f32 v9, v18;
	v11 =	vadd.f32 v14, v11;
	s25 =	sld [smem:$0x5];
	v15 =	vld [tilespmem:s1+$0x0];
	[tilespmem:s0+$0xFFFFFFE0] =	vst v13  }
0x1ae: {  	v18 =	vmul.f32 s24, v0;
	v10 =	vld [tilespmem:s1+$0xFFFFFF90];
	v13 =	vsub.f32 v17, v19;
	s26 =	sld [smem:$0x6];
	[tilespmem:s0+$0x20] =	vst v8;
	v8 =	vmul.f32 s19, v3  }
0x1af: {  	v17 =	vmul.f32 s22, v3;
	s28 =	sld [smem:$0x4];
	[tilespmem:s0+$0x70] =	vst v11;
	v11 =	vmul.f32 s21, v3  }
0x1b0: {  	s2 =	simm.s32 $0xCFC0;
	v19 =	vmov s23;
	v21 =	vmov s25;
	v14 =	vld [tilespmem:s1+$0xFFFFFFD0];
	v8 =	vmul.f32 v13, v8  }
0x1b1: {  	s29 =	sld [smem:$0xCC];
	v13 =	vsub.f32 v16, v23;
	v16 =	vld [tilespmem:s2+$0x40];
	v9 =	vmul.f32 v9, v11;
	v11 =	vsub.f32 v22, v19  }
0x1b2: {  	v12 =	vsub.f32 v12, v21;
	v20 =	vld [tilespmem:s2+$0xFFFFFF80];
	s30 =	sld [smem:$0xCD];
	v23 =	vadd.f32 v8, v7  }
0x1b3: {  	v8 =	vmul.f32 v13, v17;
	s31 =	sld [smem:$0xCE];
	v13 =	vld [tilespmem:s1+$0x50];
	v17 =	vmov s28;
	v11 =	vmul.f32 v18, v11  }
0x1b4: {  	v22 =	vld [tilespmem:s2+$0xFFFFFFC0];
	v9 =	vadd.f32 v9, v7;
	v18 =	vmov s26;
	v24 =	vsub.f32 v26, v17  }
0x1b5: {  	v27 =	vld [tilespmem:s2+$0x0];
	v25 =	vmul.f32 s29, v0;
	v10 =	vsub.f32 v10, v17;
	v11 =	vadd.f32 v11, v4  }
0x1b6: {  	v29 =	vld [tilespmem:s1+$0x10];
	v8 =	vadd.f32 v8, v7;
	v26 =	vmul.f32 s30, v0;
	v14 =	vsub.f32 v14, v21  }
0x1b7: {  	v31 =	vld [tilespmem:s1+$0x20];
	v30 =	vmul.f32 s30, v1;
	v28 =	vmul.f32 s31, v0;
	v11 =	vadd.f32 v11, v16  }
0x1b8: {  	v62 =	vld [tilespmem:s20+$0xFFFFFFB0];
	v15 =	vsub.f32 v15, v18;
	v12 =	vmul.f32 v26, v12;
	v16 =	vmul.f32 v25, v24  }
0x1b9: {  	v14 =	vmul.f32 v14, v30;
	v24 =	vld [tilespmem:s1+$0xFFFFFFA0];
	[tilespmem:s1+$0x40] =	vst v11;
	v11 =	vsub.f32 v13, v19;
	v13 =	vmul.f32 s24, v1  }
0x1ba: {  	v26 =	vmul.f32 s29, v1;
	v15 =	vmul.f32 v28, v15;
	v16 =	vadd.f32 v16, v4;
	v58 =	vld [tilespmem:s2+$0x50]  }
0x1bb: {  	v25 =	vld [tilespmem:s1+$0xFFFFFFE0];
	v12 =	vadd.f32 v12, v4;
	v14 =	vadd.f32 v14, v5;
	v11 =	vmul.f32 v11, v13  }
0x1bc: {  	v15 =	vadd.f32 v15, v4;
	v13 =	vadd.f32 v16, v20;
	v16 =	vld [tilespmem:s1+$0x60]  }
0x1bd: {  	v10 =	vmul.f32 v10, v26;
	v26 =	vld [tilespmem:s1+$0xFFFFFFF0];
	v12 =	vadd.f32 v12, v22;
	v11 =	vadd.f32 v11, v5  }
0x1be: {  	v20 =	vld [tilespmem:s1+$0xFFFFFFB0];
	v15 =	vadd.f32 v15, v27;
	v27 =	vmul.f32 s29, v2;
	v24 =	vsub.f32 v24, v17;
	[tilespmem:s1+$0xFFFFFF80] =	vst v13  }
0x1bf: {  	v22 =	vmul.f32 s31, v1;
	[tilespmem:s1+$0xFFFFFFC0] =	vst v12;
	v13 =	vsub.f32 v29, v18;
	v59 =	vld [tilespmem:s2+$0xFFFFFF90];
	v11 =	vadd.f32 v11, v58  }
0x1c0: {  	v12 =	vmul.f32 s30, v2;
	v60 =	vld [tilespmem:s2+$0xFFFFFFD0];
	[tilespmem:s1+$0x0] =	vst v15;
	v15 =	vsub.f32 v25, v21;
	v24 =	vmul.f32 v24, v27  }
0x1c1: {  	v13 =	vmul.f32 v13, v22;
	v22 =	vld [tilespmem:s2+$0x10];
	[tilespmem:s1+$0x50] =	vst v11;
	v11 =	vsub.f32 v16, v19;
	v16 =	vmul.f32 s24, v2  }
0x1c2: {  	v10 =	vadd.f32 v10, v5;
	v25 =	vsub.f32 v31, v18;
	v15 =	vmul.f32 v15, v12;
	v61 =	vld [tilespmem:s2+$0x60]  }
0x1c3: {  	v17 =	vsub.f32 v20, v17;
	v20 =	vld [tilespmem:s1+$0x30];
	v12 =	vadd.f32 v24, v6;
	v11 =	vmul.f32 v11, v16  }
0x1c4: {  	v24 =	vld [tilespmem:s1+$0x70];
	v27 =	vadd.f32 v13, v5;
	v13 =	vmul.f32 s31, v2;
	v10 =	vadd.f32 v10, v59  }
0x1c5: {  	v63 =	vmul.f32 s29, v3;
	v14 =	vadd.f32 v14, v60;
	v11 =	vadd.f32 v11, v6  }
0x1c6: {  	v25 =	vmul.f32 v25, v13;
	v13 =	vadd.f32 v15, v6;
	v15 =	vld [tilespmem:s20+$0xFFFFFFF0];
	[tilespmem:s1+$0xFFFFFF90] =	vst v10;
	v10 =	vadd.f32 v27, v22  }
0x1c7: {  	v23 =	vadd.f32 v23, v62;
	v29 =	vmul.f32 v17, v63;
	[tilespmem:s1+$0xFFFFFFD0] =	vst v14;
	v16 =	vld [tilespmem:s2+$0xFFFFFFA0];
	v11 =	vadd.f32 v11, v61  }
0x1c8: {  	v26 =	vsub.f32 v26, v21;
	v22 =	vmul.f32 s30, v3;
	v27 =	vmul.f32 s31, v3;
	v17 =	vld [tilespmem:s2+$0xFFFFFFE0];
	[tilespmem:s1+$0x10] =	vst v10  }
0x1c9: {  	v10 =	vsub.f32 v20, v18;
	v20 =	vsub.f32 v24, v19;
	v24 =	vmul.f32 s24, v3;
	v18 =	vld [tilespmem:s2+$0x20];
	[tilespmem:s1+$0x60] =	vst v11  }
0x1ca: {  	s3 =	simm.s32 $0x4;
	s7 =	simm.s32 $0xCE;
	v21 =	vadd.f32 v29, v7;
	v14 =	vadd.f32 v25, v6;
	v22 =	vmul.f32 v26, v22;
	v19 =	vld [tilespmem:s2+$0x70]  }
0x1cb: {  	s8 =	simm.s32 $0x8C0;
	s11 =	simm.s32 $0x6;
	s4 =	simm.s32 $0xCFC0;
	v15 =	vadd.f32 v9, v15;
	v11 =	vmul.f32 v10, v27;
	v24 =	vmul.f32 v20, v24;
	v20 =	vld [tilespmem:s20+$0x30]  }
.LBB2_5:
0x1cc: {  	v25 =	vld [tilespmem:s8+$0x40];
	s3 =	sadd.s32 $0x4, s3;
	v12 =	vadd.f32 v12, v16;
	v9 =	vadd.f32 v22, v7;
	s11 =	sadd.s32 $0x4, s11;
	v10 =	vmov v21  }
0x1cd: {  	s7 =	sadd.s32 $0x4, s7;
	v16 =	vld [tilespmem:s8+$0xFFFFFF80];
	s5 =	sld [smem:s11+$0x1];
	p0 =	slt.u32 s3, $0xC4;
	v13 =	vadd.f32 v13, v17;
	v17 =	vadd.f32 v24, v7;
	[tilespmem:s0+$0xFFFFFFB0] =	vst v23  }
0x1ce: {  	v21 =	vld [tilespmem:s8+$0xFFFFFFC0];
	s9 =	sld [smem:s7+$0x1];
	[tilespmem:s1+$0xFFFFFFA0] =	vst v12;
	v12 =	vadd.f32 v14, v18;
	v14 =	vadd.f32 v11, v7  }
0x1cf: {  	s6 =	sld [smem:s11+$0xFFFFFFFF];
	v18 =	vld [tilespmem:s8+$0x0];
	[tilespmem:s1+$0xFFFFFFE0] =	vst v13;
	v13 =	vadd.f32 v17, v19  }
0x1d0: {  	v17 =	vld [tilespmem:s8+$0xFFFFFF90];
	s10 =	sld [smem:s11+$0x0];
	v11 =	vmov s5;
	[tilespmem:s1+$0x20] =	vst v12;
	v12 =	vadd.f32 v8, v20;
	v8 =	vmov v14  }
0x1d1: {  	s2 =	sadd.s32 $0x100, s2;
	s5 =	sld [smem:s11+$0xFFFFFFFE];
	v14 =	vld [tilespmem:s8+$0xFFFFFFD0];
	v19 =	vsub.f32 v25, v11;
	v20 =	vmul.f32 s9, v0;
	[tilespmem:s1+$0x70] =	vst v13  }
0x1d2: {  	s13 =	sld [smem:s7+$0xFFFFFFFE];
	v22 =	vmov s6;
	v13 =	vld [tilespmem:s2+$0x40];
	[tilespmem:s0+$0xFFFFFFF0] =	vst v15  }
0x1d3: {  	v15 =	vld [tilespmem:s2+$0xFFFFFF80];
	s12 =	sld [smem:s7+$0xFFFFFFFF];
	v21 =	vsub.f32 v21, v22;
	v23 =	vmov s10;
	v19 =	vmul.f32 v20, v19;
	[tilespmem:s0+$0x30] =	vst v12;
	s0 =	smov.u32 s1;
	s1 =	smov.u32 s8  }
0x1d4: {  	v12 =	vmov s5;
	s14 =	sld [smem:s7+$0x0];
	v18 =	vsub.f32 v18, v23;
	v20 =	vld [tilespmem:s8+$0x50]  }
0x1d5: {  	v16 =	vsub.f32 v16, v12;
	v24 =	vmul.f32 s13, v0;
	v25 =	vld [tilespmem:s2+$0xFFFFFFC0];
	v19 =	vadd.f32 v19, v4  }
0x1d6: {  	v17 =	vsub.f32 v17, v12;
	v26 =	vmul.f32 s12, v0;
	v14 =	vsub.f32 v14, v22;
	v27 =	vld [tilespmem:s2+$0x0]  }
0x1d7: {  	v16 =	vmul.f32 v24, v16;
	v24 =	vmul.f32 s14, v0;
	v28 =	vld [tilespmem:s8+$0x10];
	v13 =	vadd.f32 v19, v13  }
0x1d8: {  	v19 =	vmul.f32 s13, v1;
	v29 =	vld [tilespmem:s8+$0xFFFFFFA0];
	v21 =	vmul.f32 v26, v21  }
0x1d9: {  	v26 =	vld [tilespmem:s8+$0xFFFFFFE0];
	v18 =	vmul.f32 v24, v18;
	[tilespmem:s8+$0x40] =	vst v13;
	v13 =	vsub.f32 v20, v11;
	v20 =	vmul.f32 s9, v1  }
0x1da: {  	v16 =	vadd.f32 v16, v4;
	v24 =	vmul.f32 s12, v1;
	v21 =	vadd.f32 v21, v4;
	v30 =	vld [tilespmem:s2+$0x50]  }
0x1db: {  	v31 =	vmul.f32 s14, v1;
	v18 =	vadd.f32 v18, v4;
	v32 =	vld [tilespmem:s8+$0x20];
	v13 =	vmul.f32 v13, v20  }
0x1dc: {  	v15 =	vadd.f32 v16, v15;
	v16 =	vmul.f32 v17, v19;
	v17 =	vadd.f32 v21, v25;
	v19 =	vld [tilespmem:s8+$0x60]  }
0x1dd: {  	v14 =	vmul.f32 v14, v24;
	v20 =	vld [tilespmem:s8+$0xFFFFFFB0];
	v18 =	vadd.f32 v18, v27;
	v13 =	vadd.f32 v13, v5  }
0x1de: {  	v24 =	vsub.f32 v28, v23;
	[tilespmem:s8+$0xFFFFFF80] =	vst v15;
	v15 =	vadd.f32 v16, v5;
	v16 =	vmul.f32 s13, v2;
	v21 =	vld [tilespmem:s8+$0xFFFFFFF0]  }
0x1df: {  	v14 =	vadd.f32 v14, v5;
	v25 =	vld [tilespmem:s2+$0xFFFFFF90];
	[tilespmem:s8+$0xFFFFFFC0] =	vst v17;
	v17 =	vmul.f32 s12, v2;
	v13 =	vadd.f32 v13, v30  }
0x1e0: {  	v27 =	vsub.f32 v29, v12;
	v26 =	vsub.f32 v26, v22;
	v28 =	vld [tilespmem:s2+$0xFFFFFFD0];
	[tilespmem:s8+$0x0] =	vst v18;
	v18 =	vmul.f32 v24, v31  }
0x1e1: {  	v29 =	vsub.f32 v32, v23;
	v24 =	vld [tilespmem:s2+$0x10];
	[tilespmem:s8+$0x50] =	vst v13;
	v13 =	vsub.f32 v19, v11;
	v19 =	vmul.f32 s9, v2  }
0x1e2: {  	v16 =	vmul.f32 v27, v16;
	v27 =	vmul.f32 s14, v2;
	v18 =	vadd.f32 v18, v5;
	v30 =	vld [tilespmem:s2+$0x60]  }
0x1e3: {  	v17 =	vmul.f32 v26, v17;
	v20 =	vsub.f32 v20, v12;
	v26 =	vld [tilespmem:s8+$0x30];
	v13 =	vmul.f32 v13, v19  }
0x1e4: {  	v12 =	vadd.f32 v16, v6;
	v19 =	vmul.f32 v29, v27;
	v15 =	vadd.f32 v15, v25;
	v25 =	vld [tilespmem:s8+$0x70]  }
0x1e5: {  	v27 =	vmul.f32 s13, v3;
	v14 =	vadd.f32 v14, v28;
	v28 =	vadd.f32 v13, v6;
	v29 =	vld [tilespmem:s4+$0xFFFFFFB0]  }
0x1e6: {  	v13 =	vadd.f32 v17, v6;
	[tilespmem:s8+$0xFFFFFF90] =	vst v15;
	v15 =	vmul.f32 s12, v3;
	v18 =	vadd.f32 v18, v24;
	v31 =	vld [tilespmem:s4+$0xFFFFFFF0]  }
.Ltmp3:
0x1e7: {  	v16 =	vld [tilespmem:s2+$0xFFFFFFA0];
	[tilespmem:s8+$0xFFFFFFD0] =	vst v14;
	v14 =	vadd.f32 v19, v6;
	v19 =	vmul.f32 s14, v3;
	v24 =	vadd.f32 v28, v30;
	(pc) =	sbr.rel @p0 .LBB2_5-.Ltmp3, $4  }
0x1e8: {  	v22 =	vsub.f32 v21, v22;
	v20 =	vmul.f32 v20, v27;
	v17 =	vld [tilespmem:s2+$0xFFFFFFE0];
	[tilespmem:s8+$0x10] =	vst v18;
	v23 =	vsub.f32 v26, v23  }
0x1e9: {  	v18 =	vld [tilespmem:s2+$0x20];
	[tilespmem:s8+$0x60] =	vst v24;
	v24 =	vsub.f32 v25, v11;
	v25 =	vmul.f32 s9, v3  }
0x1ea: {  	v21 =	vadd.f32 v20, v7;
	v22 =	vmul.f32 v22, v15;
	v11 =	vmul.f32 v23, v19;
	v19 =	vld [tilespmem:s2+$0x70]  }
0x1eb: {  	s8 =	sadd.s32 $0x100, s8;
	v23 =	vadd.f32 v10, v29;
	v24 =	vmul.f32 v24, v25;
	v15 =	vadd.f32 v9, v31;
	v20 =	vld [tilespmem:s4+$0x30];
	s4 =	smov.u32 s2  }
0x1ec: {  	v9 =	vadd.f32 v12, v16  }
0x1ed: {  	v10 =	vadd.f32 v13, v17  }
0x1ee: {  	[tilespmem:s1+$0xFFFFFFA0] =	vst v9;
	v9 =	vadd.f32 v14, v18  }
0x1ef: {  	[tilespmem:s1+$0xFFFFFFE0] =	vst v10;
	v10 =	vld [tilespmem:s4+$0xFFFFFFB0]  }
0x1f0: {  	v55 =	vadd.f32 v24, v7;
	[tilespmem:s1+$0x20] =	vst v9;
	v9 =	vld [tilespmem:s4+$0xFFFFFFF0]  }
0x1f1: {  	v56 =	vld [tilespmem:s4+$0x30]  }
0x1f2: {  	[tilespmem:s0+$0xFFFFFFB0] =	vst v23;
	v12 =	vadd.f32 v55, v19  }
0x1f3: {  	v57 =	vadd.f32 v22, v7;
	[tilespmem:s0+$0xFFFFFFF0] =	vst v15;
	v8 =	vadd.f32 v8, v20  }
0x1f4: {  	v11 =	vadd.f32 v11, v7;
	[tilespmem:s1+$0x70] =	vst v12;
	v10 =	vadd.f32 v21, v10  }
0x1f5: {  	[tilespmem:s0+$0x30] =	vst v8;
	v8 =	vadd.f32 v57, v9  }
0x1f6: {  	[tilespmem:s1+$0xFFFFFFB0] =	vst v10;
	v9 =	vadd.f32 v11, v56  }
0x1f7: {  	[tilespmem:s1+$0xFFFFFFF0] =	vst v8  }
0x1f8: {  	s21 =	simm.s32 $0x3A30;
	[tilespmem:s1+$0x30] =	vst v9  }
0x1f9: {  	v8 =	vld [tilespmem:s21+$0xFFFFFE80]  }
0x1fa: {  	v9 =	vld [tilespmem:s21+$0xFFFFFE70]  }
0x1fb: {  	v10 =	vld [tilespmem:s21+$0xFFFFFE10]  }
0x1fc: {  	v11 =	vld [tilespmem:s21+$0xFFFFFE40]  }
0x1fd: {  	v12 =	vld [tilespmem:s21+$0xFFFFFE30]  }
0x1fe: {  	v58 =	vld [tilespmem:s21+$0xFFFFFE20]  }
0x1ff: {  	v59 =	vld [tilespmem:s21+$0xFFFFFE60]  }
0x200: {  	v15 =	vld [tilespmem:s21+$0xFFFFFE50]  }
0x201: {  	v63 =	vld [tilespmem:s21+$0xFFFFFEC0]  }
0x202: {  	v26 =	vld [tilespmem:s21+$0xFFFFFEB0]  }
0x203: {  	v23 =	vld [tilespmem:s21+$0xFFFFFEA0]  }
0x204: {  	v30 =	vld [tilespmem:s21+$0xFFFFFE90];
	v60 =	vmul.f32 v8, v8  }
0x205: {  	v61 =	vmul.f32 v9, v9;
	v8 =	vadd.f32 v8, v9;
	v9 =	vmul.f32 v10, v10  }
0x206: {  	v62 =	vmul.f32 v12, v12;
	v24 =	vmul.f32 v11, v11  }
0x207: {  	v25 =	vmul.f32 v58, v58;
	v10 =	vadd.f32 v58, v10;
	v11 =	vadd.f32 v11, v12  }
0x208: {  	v27 =	vmul.f32 v59, v59;
	v28 =	vmul.f32 v15, v15;
	v32 =	vadd.f32 v63, v26  }
0x209: {  	v33 =	vmul.f32 v26, v26;
	v34 =	vadd.f32 v23, v30;
	v10 =	vadd.f32 v11, v10  }
0x20a: {  	v35 =	vmul.f32 v30, v30;
	v29 =	vadd.f32 v24, v62;
	v9 =	vadd.f32 v25, v9  }
0x20b: {  	v36 =	vmul.f32 v23, v23;
	v16 =	vadd.f32 v60, v61;
	v13 =	vadd.f32 v27, v28;
	(xrf2) =	vadd.scan.msk.f32 $0xffff, v10  }
0x20c: {  	v11 =	vadd.f32 v59, v15;
	v9 =	vadd.f32 v29, v9;
	v10 =	vmul.f32 v63, v63  }
0x20d: {  	v38 =	vld [tilespmem:s21+$0xFFFFFEF0];
	v37 =	vadd.f32 v36, v35;
	v31 =	vadd.f32 v16, v13  }
0x20e: {  	v39 =	vld [tilespmem:s21+$0xFFFFFED0];
	v8 =	vadd.f32 v8, v11;
	(xrf2) =	vadd.scan.msk.f32 $0xffff, v9;
	v9 =	vadd.f32 v10, v33  }
0x20f: {  	v11 =	vadd.f32 v32, v34;
	v10 =	vld [tilespmem:s21+$0xFFFFFF00];
	(xrf2) =	vadd.scan.msk.f32 $0xffff, v31  }
0x210: {  	(xrf2) =	vadd.scan.msk.f32 $0xffff, v8;
	v8 =	vld [tilespmem:s21+$0xFFFFFEE0];
	v9 =	vadd.f32 v9, v37  }
0x211: {  	(xrf2) =	vadd.scan.msk.f32 $0xffff, v11  }
0x212: {  	(xrf2) =	vadd.scan.msk.f32 $0xffff, v9;
	_ =	sdelay $0x1  }
0x213: {  	v40 =	vld [tilespmem:s21+$0xFFFFFF40];
	v11 =	vmul.f32 v38, v38;
	v9 =	vadd.f32 v10, v38;
	v10 =	vmul.f32 v10, v10  }
0x214: {  	v43 =	vld [tilespmem:s21+$0xFFFFFF30];
	v12 =	vmul.f32 v39, v39;
	v42 =	vadd.f32 v8, v39;
	v8 =	vmul.f32 v8, v8;
	v41, _, _ =	vpop (xrf2)  }
0x215: {  	v45 =	vld [tilespmem:s21+$0xFFFFFF10];
	v10 =	vadd.f32 v10, v11;
	(v2sf) =	vpush v41, $0xF  }
0x216: {  	v11 =	vld [tilespmem:s21+$0xFFFFFF20];
	v9 =	vadd.f32 v9, v42;
	v8 =	vadd.f32 v8, v12  }
0x217: {  	v44, _, _ =	vpop (xrf2)  }
0x218: {  	v46, _, _ =	vpop (xrf2);
	(v2sf) =	vpush v44, $0xF;
	v8 =	vadd.f32 v10, v8  }
0x219: {  	v47, _, _ =	vpop (xrf2);
	(v2sf) =	vpush v46, $0xF;
	(xrf2) =	vadd.scan.msk.f32 $0xffff, v9  }
0x21a: {  	v48 =	vmul.f32 v43, v43;
	(v2sf) =	vpush v47, $0xF;
	v9, _, _ =	vpop (xrf2);
	(xrf2) =	vadd.scan.msk.f32 $0xffff, v8;
	v8 =	vadd.f32 v40, v43  }
0x21b: {  	v13 =	vmul.f32 v40, v40;
	(v2sf) =	vpush v9, $0xF;
	v9 =	vadd.f32 v11, v45;
	v10, _, _ =	vpop (xrf2)  }
0x21c: {  	v11 =	vmul.f32 v11, v11;
	(v2sf) =	vpush v10, $0xF;
	v10 =	vmul.f32 v45, v45  }
0x21d: {  	v8 =	vadd.f32 v8, v9  }
0x21e: {  	v9 =	vadd.f32 v13, v48;
	v10 =	vadd.f32 v11, v10;
	_ =	sdelay $0x1  }
0x21f: {  	(xrf2) =	vadd.scan.msk.f32 $0xffff, v8;
	v8 =	vadd.f32 v9, v10;
	_ =	sdelay $0x1  }
0x220: {  	v49 =	vld [tilespmem:s21+$0xFFFFFF50]  }
0x221: {  	v10 =	vld [tilespmem:s21+$0xFFFFFF60];
	v9, _, _ =	vpop (xrf2)  }
0x222: {  	(xrf2) =	vadd.scan.msk.f32 $0xffff, v8;
	(v2sf) =	vpush v9, $0xF;
	v8, _, _ =	vpop (xrf2);
	v9 =	vld [tilespmem:s21+$0xFFFFFF70]  }
0x223: {  	s22 =	spop (v2sf);
	(v2sf) =	vpush v8, $0xF;
	v8 =	vld [tilespmem:s21+$0xFFFFFF80]  }
0x224: {  	s1 =	smul.f32 $1.562500000e-02, s22  }
0x225: {  	s2 =	spop (v2sf)  }
0x226: {  	s3 =	smul.f32 s1, s1;
	s23 =	spop (v2sf)  }
0x227: {  	v12 =	vmul.f32 v49, v49;
	s2 =	smul.f32 $1.562500000e-02, s2;
	s5 =	spop (v2sf)  }
0x228: {  	v55 =	vadd.f32 v10, v49;
	s4 =	smul.f32 $1.562500000e-02, s23;
	v51 =	vmul.f32 v9, v9;
	s6 =	spop (v2sf);
	v9 =	vadd.f32 v8, v9  }
0x229: {  	v10 =	vmul.f32 v10, v10;
	s2 =	ssub.f32 s2, s3;
	v8 =	vmul.f32 v8, v8;
	s26 =	smul.f32 $1.562500000e-02, s5  }
0x22a: {  	v50 =	vld [tilespmem:s21+$0xFFFFFFB0];
	s13 =	smul.f32 $1.562500000e-02, s6;
	s24 =	spop (v2sf);
	v9 =	vadd.f32 v9, v55  }
0x22b: {  	v52 =	vld [tilespmem:s21+$0xFFFFFFA0];
	v10 =	vadd.f32 v10, v12;
	v11, _, _ =	vpop (xrf2);
	s3 =	smul.f32 $1.562500000e-02, s24;
	v8 =	vadd.f32 v8, v51  }
0x22c: {  	v54 =	vld [tilespmem:s21+$0xFFFFFF90];
	(v2sf) =	vpush v11, $0xF;
	s2 =	sadd.f32 $9.999999740e-06, s2;
	s31 =	smul.f32 s26, s26;
	(xrf2) =	vadd.scan.msk.f32 $0xffff, v9  }
0x22d: {  	v11 =	vld [tilespmem:s21+$0xFFFFFFC0];
	s6 =	smul.f32 s13, s13;
	v8 =	vadd.f32 v8, v10  }
0x22e: {  	v53, _, _ =	vpop (xrf2);
	s7 =	sshra.s32 s2, $0x1;
	s2 =	smul.f32 $5.000000000e-01, s2  }
0x22f: {  	(v2sf) =	vpush v53, $0xF;
	s25 =	ssub.s32 $0x5F3759DF, s7;
	s3 =	ssub.f32 s3, s6;
	(xrf2) =	vadd.scan.msk.f32 $0xffff, v8  }
0x230: {  	s4 =	ssub.f32 s4, s31;
	s30 =	smul.f32 s25, s2  }
0x231: {  	v56 =	vmul.f32 v50, v50;
	s3 =	sadd.f32 $9.999999740e-06, s3  }
0x232: {  	v58 =	vadd.f32 v52, v54;
	v57 =	vmul.f32 v11, v11;
	v11 =	vadd.f32 v11, v50;
	s4 =	sadd.f32 $9.999999740e-06, s4;
	s6 =	smul.f32 s25, s30  }
0x233: {  	v9 =	vmul.f32 v54, v54;
	v10 =	vmul.f32 v52, v52;
	s8 =	spop (v2sf);
	s19 =	smul.f32 $5.000000000e-01, s3  }
0x234: {  	v8 =	vadd.f32 v11, v58;
	s16 =	smul.f32 $1.562500000e-02, s8  }
0x235: {  	v9 =	vadd.f32 v10, v9;
	v12 =	vadd.f32 v57, v56;
	s3 =	sshra.s32 s3, $0x1;
	s9 =	spop (v2sf);
	s8 =	smul.f32 $5.000000000e-01, s4  }
0x236: {  	(xrf2) =	vadd.scan.msk.f32 $0xffff, v8;
	s3 =	ssub.s32 $0x5F3759DF, s3;
	s7 =	smul.f32 $1.562500000e-02, s9;
	v59, _, _ =	vpop (xrf2)  }
0x237: {  	v10 =	vld [tilespmem:s21+$0xFFFFFFF0];
	v9 =	vadd.f32 v12, v9;
	s6 =	ssub.f32 $1.500000000e+00, s6;
	s14 =	smul.f32 s3, s19;
	(v2sf) =	vpush v59, $0xF  }
0x238: {  	v11 =	vld [tilespmem:s21+$0xFFFFFFD0];
	s4 =	sshra.s32 s4, $0x1;
	s10 =	smul.f32 s16, s16  }
0x239: {  	v8 =	vld [tilespmem:s21+$0x0];
	(xrf2) =	vadd.scan.msk.f32 $0xffff, v9;
	s24 =	ssub.s32 $0x5F3759DF, s4;
	s9 =	smul.f32 s25, s6;
	v61, _, _ =	vpop (xrf2)  }
0x23a: {  	v9 =	vld [tilespmem:s21+$0xFFFFFFE0];
	s31 =	smul.f32 s24, s8;
	(v2sf) =	vpush v61, $0xF  }
0x23b: {  	s18 =	simm.s32 $0x0;
	s21 =	smul.f32 s3, s14;
	s15 =	spop (v2sf)  }
0x23c: {  	[smem:s18] =	sst s1;
	s23 =	smul.f32 $1.562500000e-02, s15  }
0x23d: {  	s20 =	simm.s32 $0x4;
	s10 =	ssub.f32 s7, s10;
	s29 =	smul.f32 s9, s2  }
0x23e: {  	s11 =	simm.s32 $0xCC;
	v60 =	vmul.f32 v8, v8;
	s25 =	smul.f32 s23, s23;
	s22 =	spop (v2sf)  }
0x23f: {  	s12 =	simm.s32 $0x0;
	v8 =	vadd.f32 v8, v10;
	s4 =	ssub.f32 $1.500000000e+00, s21;
	v62 =	vadd.f32 v9, v11;
	v11 =	vmul.f32 v11, v11;
	s30 =	smul.f32 $1.562500000e-02, s22  }
0x240: {  	p0 =	por $0x1, $0x1;
	v10 =	vmul.f32 v10, v10;
	s18 =	smul.f32 s24, s31;
	s17 =	sadd.f32 $9.999999740e-06, s10;
	v9 =	vmul.f32 v9, v9;
	v63, _, _ =	vpop (xrf2)  }
.Ltmp4:
0x241: {  	s0 =	simm.s32 $0x10130;
	v8 =	vadd.f32 v8, v62;
	(v2sf) =	vpush v63, $0xF;
	s10 =	ssub.f32 s30, s25;
	(pc) =	sbr.rel @!p0 .LBB2_8-.Ltmp4, $4  }
0x242: {  	s14 =	simm.s32 $0xC;
	v10 =	vadd.f32 v60, v10;
	s5 =	sshra.s32 s17, $0x1;
	s21 =	smul.f32 $5.000000000e-01, s17;
	v9 =	vadd.f32 v9, v11  }
0x243: {  	s17 =	smul.f32 s3, s4;
	s7 =	ssub.s32 $0x5F3759DF, s5;
	(xrf2) =	vadd.scan.msk.f32 $0xffff, v8;
	v11, _, _ =	vpop (xrf2);
	s10 =	sadd.f32 $9.999999740e-06, s10  }
0x244: {  	s15 =	simm.s32 $0xD4;
	s4 =	simm.s32 $0x3930;
	s5 =	smul.f32 s7, s21;
	v8 =	vadd.f32 v10, v9;
	(v2sf) =	vpush v11, $0xF  }
0x245: {  	s3 =	simm.s32 $0x3C30;
	s25 =	sshra.s32 s10, $0x1;
	s28 =	smul.f32 $5.000000000e-01, s10  }
.LBB2_7:
0x246: {  	s12 =	sadd.s32 $0x8, s12;
	s6 =	smul.f32 s29, s9;
	s10 =	spop (v2sf);
	(xrf2) =	vadd.scan.msk.f32 $0xffff, v8  }
0x247: {  	s5 =	smul.f32 s7, s5;
	s22 =	ssub.s32 $0x5F3759DF, s25;
	p0 =	slt.u32 s12, $0xC0  }
0x248: {  	s18 =	ssub.f32 $1.500000000e+00, s18;
	s29 =	smul.f32 $1.562500000e-02, s10  }
0x249: {  	s10 =	smul.f32 s22, s28;
	s25 =	spop (v2sf)  }
0x24a: {  	s6 =	ssub.f32 $1.500000000e+00, s6;
	s30 =	smul.f32 s29, s29  }
0x24b: {  	s1 =	smul.f32 s24, s18  }
0x24c: {  	s9 =	smul.f32 s6, s9  }
0x24d: {  	s6 =	smul.f32 s22, s10;
	v8, _, _ =	vpop (xrf2)  }
0x24e: {  	s10 =	smul.f32 $1.562500000e-02, s25;
	(v2sf) =	vpush v8, $0xF  }
0x24f: {  	s18 =	smul.f32 s1, s8  }
0x250: {  	s6 =	ssub.f32 $1.500000000e+00, s6;
	s8 =	spop (v2sf);
	v8, _, _ =	vpop (xrf2)  }
0x251: {  	s10 =	ssub.f32 s10, s30;
	s8 =	smul.f32 $1.562500000e-02, s8;
	(v2sf) =	vpush v8, $0xF  }
0x252: {  	s18 =	smul.f32 s18, s1  }
0x253: {  	s24 =	smul.f32 s8, s8;
	s25 =	spop (v2sf)  }
0x254: {  	s30 =	smul.f32 s17, s19;
	s10 =	sadd.f32 $9.999999740e-06, s10;
	v8 =	vld [tilespmem:s3+$0xFFFFFE80]  }
0x255: {  	s5 =	ssub.f32 $1.500000000e+00, s5;
	s25 =	smul.f32 $1.562500000e-02, s25;
	v9 =	vld [tilespmem:s3+$0xFFFFFE70]  }
0x256: {  	s2 =	ssub.f32 $1.500000000e+00, s18;
	s18 =	sshra.s32 s10, $0x1;
	s19 =	smul.f32 $5.000000000e-01, s10;
	v10 =	vld [tilespmem:s3+$0xFFFFFE10]  }
0x257: {  	s10 =	smul.f32 s30, s17;
	s18 =	ssub.s32 $0x5F3759DF, s18;
	s24 =	ssub.f32 s25, s24;
	v11 =	vld [tilespmem:s3+$0xFFFFFE40]  }
0x258: {  	s30 =	smul.f32 s18, s19;
	v12 =	vld [tilespmem:s3+$0xFFFFFE30]  }
0x259: {  	s25 =	smul.f32 s22, s6;
	s6 =	sadd.f32 $9.999999740e-06, s24;
	v13 =	vld [tilespmem:s3+$0xFFFFFE20];
	v14 =	vmul.f32 v8, v8  }
0x25a: {  	s31 =	ssub.f32 $1.500000000e+00, s10;
	s24 =	smul.f32 s7, s5;
	v15 =	vld [tilespmem:s3+$0xFFFFFE60];
	v8 =	vadd.f32 v8, v9;
	v9 =	vmul.f32 v9, v9  }
0x25b: {  	s5 =	smul.f32 s2, s1;
	s1 =	sshra.s32 s6, $0x1;
	v16 =	vld [tilespmem:s3+$0xFFFFFE50]  }
0x25c: {  	s2 =	smul.f32 s25, s28;
	v17 =	vmul.f32 v10, v10;
	s1 =	ssub.s32 $0x5F3759DF, s1;
	v9 =	vadd.f32 v14, v9  }
0x25d: {  	s7 =	smul.f32 s18, s30;
	v18 =	vmul.f32 v11, v11;
	v14 =	vmul.f32 v12, v12;
	s10 =	spop (v2sf)  }
0x25e: {  	s28 =	smul.f32 $5.000000000e-01, s6;
	v11 =	vadd.f32 v11, v12;
	v10 =	vadd.f32 v13, v10;
	v12 =	vmul.f32 v13, v13  }
0x25f: {  	s2 =	smul.f32 s2, s25;
	v13 =	vadd.f32 v18, v14;
	v14 =	vmul.f32 v15, v15  }
0x260: {  	s6 =	smul.f32 s1, s28;
	v10 =	vadd.f32 v11, v10;
	v11 =	vadd.f32 v15, v16;
	v15 =	vmul.f32 v16, v16;
	s22 =	spop (v2sf)  }
0x261: {  	s30 =	smul.f32 s24, s21;
	s2 =	ssub.f32 $1.500000000e+00, s2;
	v12 =	vadd.f32 v12, v17;
	v16 =	vld [tilespmem:s3+$0xFFFFFEC0]  }
0x262: {  	s21 =	ssub.f32 $1.500000000e+00, s7;
	s7 =	smul.f32 $1.562500000e-02, s10;
	v8 =	vadd.f32 v8, v11;
	v11 =	vadd.f32 v14, v15;
	v14 =	vld [tilespmem:s3+$0xFFFFFEB0];
	(xrf2) =	vadd.scan.msk.f32 $0xffff, v10  }
0x263: {  	s6 =	smul.f32 s1, s6;
	v10 =	vadd.f32 v13, v12;
	v12 =	vld [tilespmem:s3+$0xFFFFFEA0]  }
0x264: {  	s10 =	smul.f32 $1.562500000e-02, s22;
	v9 =	vadd.f32 v9, v11;
	v11 =	vld [tilespmem:s3+$0xFFFFFE90]  }
0x265: {  	s21 =	smul.f32 s18, s21;
	s6 =	ssub.f32 $1.500000000e+00, s6;
	(xrf2) =	vadd.scan.msk.f32 $0xffff, v10  }
0x266: {  	s18 =	sadd.s32 $0xFFFFFFFC, s11;
	s22 =	smul.f32 s7, s7;
	v10 =	vmul.f32 v16, v16  }
0x267: {  	v13 =	vadd.f32 v16, v14;
	v14 =	vmul.f32 v14, v14;
	[smem:s18] =	sst s9;
	s18 =	sadd.s32 $0xFFFFFFFD, s20;
	s9 =	smul.f32 s1, s6  }
0x268: {  	s1 =	smul.f32 s30, s24;
	(xrf2) =	vadd.scan.msk.f32 $0xffff, v9;
	[smem:s18] =	sst s26  }
0x269: {  	s17 =	smul.f32 s31, s17;
	s10 =	ssub.f32 s10, s22;
	s6 =	sadd.s32 $0xFFFFFFFD, s11;
	v9 =	vadd.f32 v12, v11;
	v11 =	vmul.f32 v11, v11;
	v12 =	vmul.f32 v12, v12  }
0x26a: {  	s2 =	smul.f32 s2, s25;
	v10 =	vadd.f32 v10, v14;
	[smem:s6] =	sst s5  }
0x26b: {  	s1 =	ssub.f32 $1.500000000e+00, s1;
	s5 =	sadd.s32 $0xFFFFFFFE, s20;
	s6 =	smul.f32 s21, s19;
	v9 =	vadd.f32 v13, v9;
	v11 =	vadd.f32 v12, v11;
	v12 =	vld [tilespmem:s3+$0xFFFFFF00];
	(xrf2) =	vadd.scan.msk.f32 $0xffff, v8  }
0x26c: {  	v8 =	vld [tilespmem:s3+$0xFFFFFEF0];
	v13, _, _ =	vpop (xrf2);
	[smem:s5] =	sst s13;
	s5 =	sadd.s32 $0xFFFFFFFF, s11  }
0x26d: {  	s10 =	sadd.f32 $9.999999740e-06, s10;
	s13 =	sadd.s32 $0xFFFFFFFE, s11;
	s6 =	smul.f32 s6, s21;
	v10 =	vadd.f32 v10, v11;
	v11 =	vld [tilespmem:s3+$0xFFFFFEE0]  }
0x26e: {  	s1 =	smul.f32 s1, s24;
	v14 =	vld [tilespmem:s3+$0xFFFFFED0];
	(v2sf) =	vpush v13, $0xF;
	(xrf2) =	vadd.scan.msk.f32 $0xffff, v9;
	[smem:s13] =	sst s17;
	s13 =	sadd.s32 $0xFFFFFFFF, s20  }
0x26f: {  	s6 =	ssub.f32 $1.500000000e+00, s6;
	s17 =	sshra.s32 s10, $0x1;
	s10 =	smul.f32 $5.000000000e-01, s10;
	v9, _, _ =	vpop (xrf2)  }
0x270: {  	[smem:s13] =	sst s16;
	s13 =	smul.f32 s9, s28;
	s16 =	ssub.s32 $0x5F3759DF, s17  }
0x271: {  	v13 =	vadd.f32 v12, v8;
	(xrf2) =	vadd.scan.msk.f32 $0xffff, v10;
	[smem:s5] =	sst s1;
	s1 =	smul.f32 s16, s10  }
0x272: {  	v8 =	vmul.f32 v8, v8;
	v10 =	vmul.f32 v12, v12;
	v12, _, _ =	vpop (xrf2);
	[smem:s20] =	sst s23;
	s5 =	smul.f32 s13, s9  }
0x273: {  	v15 =	vadd.f32 v11, v14;
	v14 =	vmul.f32 v14, v14;
	v16 =	vld [tilespmem:s3+$0xFFFFFF40];
	[smem:s11] =	sst s2;
	s2 =	sadd.s32 $0x1, s20;
	s1 =	smul.f32 s16, s1  }
0x274: {  	v11 =	vmul.f32 v11, v11;
	v8 =	vadd.f32 v10, v8;
	v10 =	vld [tilespmem:s3+$0xFFFFFF30];
	[smem:s2] =	sst s29;
	s2 =	smul.f32 s6, s21  }
0x275: {  	v13 =	vadd.f32 v13, v15;
	v15 =	vld [tilespmem:s3+$0xFFFFFF20];
	(v2sf) =	vpush v9, $0xF;
	v9, _, _ =	vpop (xrf2);
	s1 =	ssub.f32 $1.500000000e+00, s1  }
0x276: {  	s6 =	sadd.s32 $0x1, s11;
	s5 =	ssub.f32 $1.500000000e+00, s5;
	v11 =	vadd.f32 v11, v14;
	v14 =	vld [tilespmem:s3+$0xFFFFFF10];
	(v2sf) =	vpush v12, $0xF  }
0x277: {  	(v2sf) =	vpush v9, $0xF;
	(xrf2) =	vadd.scan.msk.f32 $0xffff, v13;
	[smem:s6] =	sst s2;
	s2 =	sadd.s32 $0x2, s20;
	s1 =	smul.f32 s16, s1  }
0x278: {  	v8 =	vadd.f32 v8, v11;
	v9, _, _ =	vpop (xrf2);
	[smem:s2] =	sst s8;
	s2 =	smul.f32 s5, s9  }
0x279: {  	s5 =	sadd.s32 $0x2, s11;
	v11 =	vmul.f32 v10, v10;
	(v2sf) =	vpush v9, $0xF;
	s6 =	smul.f32 s1, s10  }
0x27a: {  	v9 =	vadd.f32 v16, v10;
	v10 =	vmul.f32 v16, v16;
	(xrf2) =	vadd.scan.msk.f32 $0xffff, v8;
	[smem:s5] =	sst s2;
	s2 =	sadd.s32 $0x3, s20;
	s20 =	smov.u32 s14  }
0x27b: {  	v13 =	vmul.f32 v15, v15;
	v8 =	vadd.f32 v15, v14;
	v12 =	vmul.f32 v14, v14;
	v14, _, _ =	vpop (xrf2);
	[smem:s2] =	sst s7;
	s2 =	smul.f32 s6, s1  }
0x27c: {  	v10 =	vadd.f32 v10, v11;
	(v2sf) =	vpush v14, $0xF  }
0x27d: {  	v8 =	vadd.f32 v9, v8;
	v9 =	vadd.f32 v13, v12;
	s5 =	spop (v2sf);
	s2 =	ssub.f32 $1.500000000e+00, s2  }
0x27e: {  	s7 =	smul.f32 $1.562500000e-02, s5  }
0x27f: {  	v9 =	vadd.f32 v10, v9;
	v10 =	vld [tilespmem:s3+$0xFFFFFF80];
	(xrf2) =	vadd.scan.msk.f32 $0xffff, v8;
	s1 =	smul.f32 s2, s1  }
0x280: {  	s2 =	sadd.s32 $0x3, s11;
	s11 =	smov.u32 s15;
	v8 =	vld [tilespmem:s3+$0xFFFFFF70]  }
0x281: {  	s5 =	smul.f32 s7, s7;
	v11 =	vld [tilespmem:s3+$0xFFFFFF60];
	v12, _, _ =	vpop (xrf2);
	[smem:s2] =	sst s1  }
0x282: {  	v13 =	vld [tilespmem:s3+$0xFFFFFF50];
	(v2sf) =	vpush v12, $0xF;
	(xrf2) =	vadd.scan.msk.f32 $0xffff, v9;
	_ =	sdelay $0x1  }
0x283: {  	s1 =	spop (v2sf);
	v9, _, _ =	vpop (xrf2)  }
0x284: {  	v12 =	vmul.f32 v8, v8;
	s2 =	spop (v2sf);
	(v2sf) =	vpush v9, $0xF;
	s1 =	smul.f32 $1.562500000e-02, s1  }
0x285: {  	v8 =	vadd.f32 v10, v8;
	v9 =	vmul.f32 v10, v10;
	s2 =	smul.f32 $1.562500000e-02, s2;
	s6 =	spop (v2sf)  }
0x286: {  	v10 =	vadd.f32 v11, v13;
	v13 =	vmul.f32 v13, v13;
	v11 =	vmul.f32 v11, v11  }
0x287: {  	v9 =	vadd.f32 v9, v12;
	s1 =	ssub.f32 s1, s5;
	s8 =	spop (v2sf)  }
0x288: {  	v8 =	vadd.f32 v8, v10;
	v10 =	vadd.f32 v11, v13;
	v11 =	vld [tilespmem:s3+$0xFFFFFFC0];
	v12, _, _ =	vpop (xrf2);
	s13 =	smul.f32 $1.562500000e-02, s8  }
0x289: {  	s26 =	smul.f32 $1.562500000e-02, s6;
	s1 =	sadd.f32 $9.999999740e-06, s1;
	v13 =	vld [tilespmem:s3+$0xFFFFFFB0];
	(v2sf) =	vpush v12, $0xF  }
0x28a: {  	v9 =	vadd.f32 v9, v10;
	v10 =	vld [tilespmem:s3+$0xFFFFFFA0];
	s5 =	spop (v2sf);
	(xrf2) =	vadd.scan.msk.f32 $0xffff, v8;
	s6 =	smul.f32 s13, s13  }
0x28b: {  	s5 =	smul.f32 $1.562500000e-02, s5;
	v8 =	vld [tilespmem:s3+$0xFFFFFF90];
	v12, _, _ =	vpop (xrf2)  }
0x28c: {  	s8 =	sshra.s32 s1, $0x1;
	s1 =	smul.f32 $5.000000000e-01, s1;
	(v2sf) =	vpush v12, $0xF  }
0x28d: {  	s9 =	smul.f32 s26, s26;
	s8 =	ssub.s32 $0x5F3759DF, s8;
	(xrf2) =	vadd.scan.msk.f32 $0xffff, v9;
	s5 =	ssub.f32 s5, s6  }
0x28e: {  	s6 =	smul.f32 s8, s1;
	v9 =	vmul.f32 v13, v13  }
0x28f: {  	v12 =	vadd.f32 v11, v13;
	v11 =	vmul.f32 v11, v11;
	s5 =	sadd.f32 $9.999999740e-06, s5  }
0x290: {  	s6 =	smul.f32 s8, s6;
	v13 =	vadd.f32 v10, v8;
	v8 =	vmul.f32 v8, v8;
	v10 =	vmul.f32 v10, v10;
	s10 =	spop (v2sf)  }
0x291: {  	s2 =	ssub.f32 s2, s9;
	v14 =	vadd.f32 v11, v9;
	s16 =	smul.f32 $1.562500000e-02, s10  }
0x292: {  	s9 =	sshra.s32 s5, $0x1;
	s19 =	smul.f32 $5.000000000e-01, s5;
	s6 =	ssub.f32 $1.500000000e+00, s6;
	v11 =	vadd.f32 v12, v13;
	v8 =	vadd.f32 v10, v8  }
0x293: {  	s5 =	ssub.s32 $0x5F3759DF, s9;
	s9 =	spop (v2sf);
	s17 =	smul.f32 s16, s16  }
0x294: {  	s2 =	sadd.f32 $9.999999740e-06, s2;
	s10 =	smul.f32 $1.562500000e-02, s9;
	v8 =	vadd.f32 v14, v8;
	v9, _, _ =	vpop (xrf2);
	(xrf2) =	vadd.scan.msk.f32 $0xffff, v11  }
0x295: {  	s9 =	smul.f32 s8, s6;
	v10 =	vld [tilespmem:s3+$0x0];
	(v2sf) =	vpush v9, $0xF  }
0x296: {  	s6 =	sshra.s32 s2, $0x1;
	s8 =	smul.f32 $5.000000000e-01, s2;
	v9 =	vld [tilespmem:s3+$0xFFFFFFF0]  }
0x297: {  	s24 =	ssub.s32 $0x5F3759DF, s6;
	s6 =	smul.f32 s5, s19;
	s2 =	ssub.f32 s10, s17;
	v11 =	vld [tilespmem:s3+$0xFFFFFFE0];
	v12, _, _ =	vpop (xrf2);
	(xrf2) =	vadd.scan.msk.f32 $0xffff, v8  }
0x298: {  	s29 =	smul.f32 s9, s1;
	v8 =	vld [tilespmem:s3+$0xFFFFFFD0];
	s10 =	spop (v2sf);
	(v2sf) =	vpush v12, $0xF  }
0x299: {  	s2 =	sadd.f32 $9.999999740e-06, s2;
	s23 =	smul.f32 $1.562500000e-02, s10  }
0x29a: {  	s1 =	smul.f32 s5, s6;
	s10 =	sadd.s32 $0xFFFFFFFC, s14;
	v12 =	vmul.f32 v10, v10  }
0x29b: {  	s6 =	sshra.s32 s2, $0x1;
	s21 =	smul.f32 $5.000000000e-01, s2;
	v10 =	vadd.f32 v10, v9;
	v9 =	vmul.f32 v9, v9;
	s17 =	spop (v2sf)  }
0x29c: {  	[smem:s10] =	sst s7;
	s7 =	ssub.s32 $0x5F3759DF, s6;
	s6 =	smul.f32 s23, s23  }
0x29d: {  	s10 =	smul.f32 $1.562500000e-02, s17;
	v13 =	vadd.f32 v11, v8;
	v8 =	vmul.f32 v8, v8;
	v11 =	vmul.f32 v11, v11  }
0x29e: {  	s1 =	ssub.f32 $1.500000000e+00, s1;
	s2 =	smul.f32 s24, s8;
	v9 =	vadd.f32 v12, v9;
	v12, _, _ =	vpop (xrf2)  }
.Ltmp5:
0x29f: {  	s6 =	ssub.f32 s10, s6;
	v10 =	vadd.f32 v10, v13;
	(v2sf) =	vpush v12, $0xF;
	(pc) =	sbr.rel @p0 .LBB2_7-.Ltmp5, $4  }
0x2a0: {  	s17 =	smul.f32 s5, s1;
	v8 =	vadd.f32 v11, v8  }
0x2a1: {  	s5 =	smul.f32 s7, s21;
	s1 =	sadd.f32 $9.999999740e-06, s6;
	v11, _, _ =	vpop (xrf2);
	(xrf2) =	vadd.scan.msk.f32 $0xffff, v10  }
0x2a2: {  	s3 =	sadd.s32 $0x200, s3;
	s14 =	sadd.s32 $0x8, s14;
	s18 =	smul.f32 s24, s2;
	v8 =	vadd.f32 v9, v8;
	(v2sf) =	vpush v11, $0xF  }
0x2a3: {  	s15 =	sadd.s32 $0x8, s15;
	s25 =	sshra.s32 s1, $0x1;
	s28 =	smul.f32 $5.000000000e-01, s1  }
.LBB2_8:
0x2a4: {  	s1 =	smul.f32 s29, s9  }
0x2a5: {  	s5 =	smul.f32 s7, s5  }
0x2a6: {  	s2 =	spop (v2sf);
	s29 =	smul.f32 s17, s19  }
0x2a7: {  	s6 =	ssub.s32 $0x5F3759DF, s25;
	s15 =	ssub.f32 $1.500000000e+00, s18;
	s3 =	smul.f32 $1.562500000e-02, s2  }
0x2a8: {  	(xrf2) =	vadd.scan.msk.f32 $0xffff, v8;
	s10 =	smul.f32 s6, s28  }
0x2a9: {  	s2 =	smul.f32 s24, s15  }
0x2aa: {  	s1 =	ssub.f32 $1.500000000e+00, s1;
	s12 =	smul.f32 s3, s3  }
0x2ab: {  	s10 =	smul.f32 s6, s10  }
0x2ac: {  	s18 =	spop (v2sf);
	s1 =	smul.f32 s1, s9  }
0x2ad: {  	s9 =	smul.f32 $1.562500000e-02, s18;
	v8, _, _ =	vpop (xrf2)  }
0x2ae: {  	s14 =	smul.f32 s2, s8;
	(v2sf) =	vpush v8, $0xF  }
0x2af: {  	s5 =	ssub.f32 $1.500000000e+00, s5;
	s18 =	smul.f32 s29, s17  }
0x2b0: {  	s9 =	ssub.f32 s9, s12;
	s22 =	spop (v2sf)  }
0x2b1: {  	s8 =	smul.f32 $1.562500000e-02, s22  }
0x2b2: {  	s7 =	smul.f32 s7, s5;
	s9 =	sadd.f32 $9.999999740e-06, s9;
	v8, _, _ =	vpop (xrf2)  }
0x2b3: {  	(v2sf) =	vpush v8, $0xF;
	s25 =	smul.f32 s8, s8;
	s15 =	spop (v2sf)  }
0x2b4: {  	s15 =	smul.f32 $1.562500000e-02, s15  }
0x2b5: {  	s10 =	ssub.f32 $1.500000000e+00, s10;
	s30 =	sshra.s32 s9, $0x1;
	s9 =	smul.f32 $5.000000000e-01, s9  }
0x2b6: {  	s24 =	smul.f32 s14, s2;
	s19 =	ssub.s32 $0x5F3759DF, s30;
	s14 =	ssub.f32 s15, s25  }
0x2b7: {  	s31 =	smul.f32 s19, s9  }
0x2b8: {  	s6 =	smul.f32 s6, s10;
	s14 =	sadd.f32 $9.999999740e-06, s14  }
0x2b9: {  	s12 =	ssub.f32 $1.500000000e+00, s24;
	s24 =	smul.f32 s19, s31  }
0x2ba: {  	s22 =	sshra.s32 s14, $0x1;
	s10 =	smul.f32 $5.000000000e-01, s14  }
0x2bb: {  	s2 =	smul.f32 s12, s2;
	s14 =	ssub.f32 $1.500000000e+00, s24;
	s12 =	ssub.s32 $0x5F3759DF, s22  }
0x2bc: {  	s29 =	smul.f32 s12, s10  }
0x2bd: {  	s14 =	smul.f32 s19, s14;
	s25 =	spop (v2sf)  }
0x2be: {  	s5 =	smul.f32 $1.562500000e-02, s25  }
0x2bf: {  	s15 =	smul.f32 s12, s29  }
0x2c0: {  	s29 =	smul.f32 s6, s28  }
0x2c1: {  	s9 =	smul.f32 s14, s9  }
0x2c2: {  	s22 =	spop (v2sf);
	s31 =	smul.f32 s5, s5  }
0x2c3: {  	s30 =	sadd.s32 $0xFFFFFFFC, s11;
	s15 =	ssub.f32 $1.500000000e+00, s15;
	s22 =	smul.f32 $1.562500000e-02, s22  }
0x2c4: {  	[smem:s30] =	sst s1;
	s9 =	smul.f32 s9, s14  }
0x2c5: {  	s1 =	smul.f32 s12, s15;
	s30 =	ssub.f32 s22, s31  }
0x2c6: {  	s18 =	ssub.f32 $1.500000000e+00, s18;
	s12 =	smul.f32 s29, s6  }
0x2c7: {  	s25 =	sadd.s32 $0xFFFFFFFD, s20;
	s31 =	smul.f32 s7, s21;
	s15 =	sadd.f32 $9.999999740e-06, s30  }
0x2c8: {  	[smem:s25] =	sst s26;
	s21 =	smul.f32 s18, s17;
	s22 =	sadd.s32 $0xFFFFFFFD, s11  }
0x2c9: {  	s12 =	ssub.f32 $1.500000000e+00, s12;
	s24 =	sshra.s32 s15, $0x1;
	s15 =	smul.f32 $5.000000000e-01, s15  }
0x2ca: {  	[smem:s22] =	sst s2;
	s19 =	smul.f32 s31, s7;
	s2 =	ssub.s32 $0x5F3759DF, s24  }
0x2cb: {  	s25 =	sadd.s32 $0xFFFFFFFE, s20;
	s9 =	ssub.f32 $1.500000000e+00, s9;
	s26 =	smul.f32 s2, s15  }
0x2cc: {  	[smem:s25] =	sst s13;
	s6 =	smul.f32 s12, s6  }
0x2cd: {  	s29 =	sadd.s32 $0xFFFFFFFE, s11;
	s28 =	ssub.f32 $1.500000000e+00, s19;
	s12 =	smul.f32 s2, s26  }
0x2ce: {  	[smem:s29] =	sst s21  }
0x2cf: {  	s30 =	sadd.s32 $0xFFFFFFFF, s20;
	s7 =	smul.f32 s28, s7;
	s12 =	ssub.f32 $1.500000000e+00, s12  }
0x2d0: {  	s10 =	smul.f32 s1, s10;
	s31 =	sadd.s32 $0xFFFFFFFF, s11;
	[smem:s30] =	sst s16  }
0x2d1: {  	[smem:s31] =	sst s7;
	s2 =	smul.f32 s2, s12  }
0x2d2: {  	s7 =	smul.f32 s10, s1;
	[smem:s20] =	sst s23  }
0x2d3: {  	[smem:s11] =	sst s6;
	s16 =	smul.f32 s2, s15  }
0x2d4: {  	s17 =	smul.f32 s9, s14;
	s13 =	sadd.s32 $0x1, s20;
	s7 =	ssub.f32 $1.500000000e+00, s7  }
0x2d5: {  	s18 =	sadd.s32 $0x1, s11;
	[smem:s13] =	sst s3;
	s19 =	smul.f32 s16, s2  }
0x2d6: {  	[smem:s18] =	sst s17  }
0x2d7: {  	s21 =	sadd.s32 $0x2, s20;
	s1 =	smul.f32 s7, s1;
	s22 =	ssub.f32 $1.500000000e+00, s19  }
0x2d8: {  	s23 =	sadd.s32 $0x2, s11;
	[smem:s21] =	sst s8  }
0x2d9: {  	s24 =	sadd.s32 $0x3, s20;
	[smem:s23] =	sst s1;
	s2 =	smul.f32 s22, s2  }
0x2da: {  	s25 =	sadd.s32 $0x3, s11;
	[smem:s24] =	sst s5  }
0x2db: {  	s8 =	simm.s32 $0x2;
	[smem:s25] =	sst s2  }
0x2dc: {  	s9 =	simm.s32 $0xCA;
	v8 =	vld [tilespmem:s4+$0xFFFFFFD0];
	s1 =	sld [smem:s8+$0x1]  }
0x2dd: {  	v9 =	vld [tilespmem:s4+$0xFFFFFF10];
	s3 =	sld [smem:s9+$0x1]  }
0x2de: {  	v10 =	vld [tilespmem:s4+$0xFFFFFF50];
	s5 =	sld [smem:s8+$0x0]  }
0x2df: {  	v11 =	vld [tilespmem:s4+$0xFFFFFF90];
	s26 =	sld [smem:s8+$0xFFFFFFFE]  }
0x2e0: {  	v12 =	vld [tilespmem:s4+$0xFFFFFF20];
	s28 =	sld [smem:s9+$0xFFFFFFFE]  }
0x2e1: {  	s2 =	sld [smem:s8+$0xFFFFFFFF];
	v14 =	vld [tilespmem:s4+$0xFFFFFF60];
	v13 =	vmov s1  }
0x2e2: {  	v16 =	vld [tilespmem:s0+$0xFFFFFFD0];
	s30 =	sld [smem:s9+$0x0];
	v15 =	vmul.f32 s3, v0;
	v18 =	vmov s26;
	v8 =	vsub.f32 v8, v13  }
0x2e3: {  	v17 =	vld [tilespmem:s0+$0xFFFFFF10];
	s29 =	sld [smem:s9+$0xFFFFFFFF];
	v20 =	vmul.f32 s28, v0;
	v22 =	vmov s5;
	v9 =	vsub.f32 v9, v18  }
0x2e4: {  	v19 =	vld [tilespmem:s4+$0xFFFFFFE0];
	v11 =	vsub.f32 v11, v22;
	v8 =	vmul.f32 v15, v8  }
0x2e5: {  	v21 =	vld [tilespmem:s0+$0xFFFFFF50];
	v15 =	vmov s2;
	v9 =	vmul.f32 v20, v9;
	v20 =	vmul.f32 s30, v0  }
0x2e6: {  	v24 =	vld [tilespmem:s0+$0xFFFFFF90];
	v23 =	vmul.f32 s29, v0;
	v10 =	vsub.f32 v10, v15;
	v8 =	vadd.f32 v8, v4  }
0x2e7: {  	v25 =	vld [tilespmem:s4+$0xFFFFFFA0];
	v11 =	vmul.f32 v20, v11  }
0x2e8: {  	v26 =	vld [tilespmem:s4+$0xFFFFFF30];
	v10 =	vmul.f32 v23, v10;
	v8 =	vadd.f32 v8, v16  }
0x2e9: {  	v29 =	vld [tilespmem:s4+$0xFFFFFFB0];
	v27 =	vmul.f32 s28, v2;
	v9 =	vadd.f32 v9, v4;
	v11 =	vadd.f32 v11, v4  }
0x2ea: {  	v23 =	vld [tilespmem:s4+$0xFFFFFF70];
	v10 =	vadd.f32 v10, v4;
	[tilespmem:s4+$0xFFFFFFD0] =	vst v8;
	v8 =	vsub.f32 v19, v13;
	v19 =	vmul.f32 s3, v1  }
0x2eb: {  	v12 =	vsub.f32 v12, v18;
	v16 =	vmul.f32 s28, v1;
	v9 =	vadd.f32 v9, v17;
	v20 =	vld [tilespmem:s0+$0xFFFFFFE0]  }
0x2ec: {  	v11 =	vadd.f32 v11, v24;
	v10 =	vadd.f32 v10, v21;
	v21 =	vld [tilespmem:s4+$0xFFFFFF40];
	v8 =	vmul.f32 v8, v19  }
0x2ed: {  	v28 =	vmul.f32 s28, v3;
	v17 =	vld [tilespmem:s4+$0xFFFFFFF0];
	[tilespmem:s4+$0xFFFFFF10] =	vst v9;
	v12 =	vmul.f32 v12, v16  }
0x2ee: {  	v14 =	vsub.f32 v14, v15;
	v16 =	vld [tilespmem:s0+$0xFFFFFF20];
	v19 =	vmul.f32 s29, v1;
	[tilespmem:s4+$0xFFFFFF90] =	vst v11;
	v8 =	vadd.f32 v8, v5  }
0x2ef: {  	v60 =	vmul.f32 s30, v1;
	v9 =	vld [tilespmem:s4+$0xFFFFFF80];
	v11 =	vadd.f32 v12, v5;
	v12 =	vsub.f32 v25, v22;
	[tilespmem:s4+$0xFFFFFF50] =	vst v10  }
0x2f0: {  	v30 =	vmul.f32 s29, v2;
	v10 =	vmul.f32 v14, v19;
	v14 =	vld [tilespmem:s0+$0xFFFFFF60];
	v8 =	vadd.f32 v8, v20  }
0x2f1: {  	v62 =	vsub.f32 v26, v18;
	v12 =	vmul.f32 v12, v60;
	v20 =	vld [tilespmem:s0+$0xFFFFFFA0];
	v18 =	vsub.f32 v21, v18  }
0x2f2: {  	v21 =	vld [tilespmem:s4+$0xFFFFFFC0];
	[tilespmem:s4+$0xFFFFFFE0] =	vst v8;
	v8 =	vadd.f32 v10, v5;
	v10 =	vsub.f32 v17, v13;
	v17 =	vmul.f32 s3, v2  }
0x2f3: {  	v31 =	vmul.f32 s29, v3;
	v63 =	vsub.f32 v29, v22;
	v16 =	vadd.f32 v11, v16;
	v61 =	vld [tilespmem:s0+$0xFFFFFFF0]  }
0x2f4: {  	s31 =	simm.s32 $0xFFFFFFFC;
	v12 =	vadd.f32 v12, v5;
	v10 =	vmul.f32 v10, v17;
	v17 =	vsub.f32 v23, v15;
	v23 =	vld [tilespmem:s4+$0x0]  }
0x2f5: {  	s7 =	sadd.s32 $0x4, s31;
	v19 =	vmul.f32 s30, v2;
	v11 =	vmul.f32 v62, v27;
	v8 =	vadd.f32 v8, v14  }
0x2f6: {  	p1 =	slt.u32 s7, $0xC4;
	v32 =	vmul.f32 s30, v3;
	[tilespmem:s4+$0xFFFFFF20] =	vst v16;
	v12 =	vadd.f32 v12, v20;
	v10 =	vadd.f32 v10, v6  }
.Ltmp6:
0x2f7: {  	v9 =	vsub.f32 v9, v15;
	v11 =	vadd.f32 v11, v6;
	v14 =	vmul.f32 v63, v19;
	[tilespmem:s4+$0xFFFFFF60] =	vst v8;
	(pc) =	sbr.rel @!p1 .LBB2_9-.Ltmp6, $4  }
0x2f8: {  	v16 =	vld [tilespmem:s0+$0xFFFFFF30];
	v17 =	vmul.f32 v17, v30;
	[tilespmem:s4+$0xFFFFFFA0] =	vst v12;
	v12 =	vsub.f32 v21, v22;
	v8 =	vadd.f32 v10, v61  }
0x2f9: {  	v15 =	vld [tilespmem:s0+$0xFFFFFF70];
	v21 =	vmul.f32 s3, v3;
	v10 =	vmul.f32 v18, v28;
	v19 =	vsub.f32 v23, v13  }
0x2fa: {  	v20 =	vmul.f32 v9, v31;
	v14 =	vadd.f32 v14, v6;
	v13 =	vadd.f32 v17, v6;
	v17 =	vld [tilespmem:s0+$0xFFFFFFB0];
	[tilespmem:s4+$0xFFFFFFF0] =	vst v8  }
0x2fb: {  	p0 =	por $0x0, $0x0;
	s3 =	sadd.s32 $0x100, s4;
	v12 =	vmul.f32 v12, v32;
	v9 =	vadd.f32 v10, v7;
	v18 =	vld [tilespmem:s0+$0x0];
	v21 =	vmul.f32 v19, v21  }
0x2fc: {  	s1 =	sadd.s32 $0x4, s8  }
0x2fd: {  	s2 =	sadd.s32 $0x4, s9;
	s5 =	sld [smem:s1+$0x1]  }
0x2fe: {  	v8 =	vld [tilespmem:s3+$0xFFFFFFD0];
	s30 =	sld [smem:s2+$0x1]  }
0x2ff: {  	v19 =	vld [tilespmem:s3+$0xFFFFFF10];
	s6 =	sld [smem:s1+$0xFFFFFFFF]  }
0x300: {  	v22 =	vld [tilespmem:s3+$0xFFFFFF50];
	s31 =	sld [smem:s1+$0xFFFFFFFE]  }
0x301: {  	v23 =	vld [tilespmem:s3+$0xFFFFFF90];
	v10 =	vadd.f32 v20, v7;
	s12 =	sld [smem:s2+$0xFFFFFFFE]  }
0x302: {  	v24 =	vld [tilespmem:s3+$0xFFFFFF60];
	v11 =	vadd.f32 v11, v16;
	v21 =	vadd.f32 v21, v7;
	s9 =	sld [smem:s2+$0xFFFFFFFF];
	v20 =	vmov s5  }
0x303: {  	s11 =	sadd.s32 $0x100, s0;
	v32 =	vld [tilespmem:s3+$0xFFFFFFA0];
	s13 =	sld [smem:s2+$0x0];
	v13 =	vadd.f32 v13, v15;
	v25 =	vmul.f32 s30, v0;
	v8 =	vsub.f32 v8, v20  }
0x304: {  	v26 =	vadd.f32 v14, v17;
	v14 =	vld [tilespmem:s11+$0xFFFFFFD0];
	v21 =	vadd.f32 v21, v18  }
0x305: {  	v33 =	vld [tilespmem:s3+$0xFFFFFF70];
	s10 =	sld [smem:s1+$0x0];
	v17 =	vmov s6;
	v28 =	vmul.f32 s12, v0;
	v8 =	vmul.f32 v25, v8  }
0x306: {  	v15 =	vld [tilespmem:s3+$0xFFFFFFE0];
	v27 =	vmov s31;
	v30 =	vmul.f32 s9, v0;
	v49 =	vmul.f32 s13, v0  }
0x307: {  	v16 =	vld [tilespmem:s3+$0xFFFFFF20];
	v50 =	vmul.f32 s30, v1;
	v52 =	vmul.f32 s9, v1;
	v8 =	vadd.f32 v8, v4  }
0x308: {  	v34 =	vld [tilespmem:s3+$0xFFFFFFB0];
	v22 =	vsub.f32 v22, v17;
	v19 =	vsub.f32 v19, v27;
	v25 =	vmov s10  }
0x309: {  	v18 =	vld [tilespmem:s11+$0xFFFFFF10];
	v53 =	vmul.f32 s13, v1;
	v23 =	vsub.f32 v23, v25;
	v8 =	vadd.f32 v8, v14  }
0x30a: {  	v29 =	vld [tilespmem:s11+$0xFFFFFF50];
	v24 =	vsub.f32 v24, v17;
	v57 =	vsub.f32 v33, v17;
	v19 =	vmul.f32 v28, v19  }
0x30b: {  	v31 =	vld [tilespmem:s11+$0xFFFFFF90];
	v22 =	vmul.f32 v30, v22;
	v15 =	vsub.f32 v15, v20;
	v23 =	vmul.f32 v49, v23;
	[tilespmem:s3+$0xFFFFFFD0] =	vst v8  }
0x30c: {  	v16 =	vsub.f32 v16, v27;
	v8 =	vadd.f32 v19, v4;
	v19 =	vmul.f32 s12, v1;
	v51 =	vld [tilespmem:s11+$0xFFFFFFE0]  }
0x30d: {  	v22 =	vadd.f32 v22, v4;
	v15 =	vmul.f32 v15, v50;
	v14 =	vld [tilespmem:s3+$0xFFFFFF30];
	v23 =	vadd.f32 v23, v4  }
0x30e: {  	v18 =	vadd.f32 v8, v18;
	v8 =	vadd.f32 v12, v7;
	v12 =	vmul.f32 v16, v19;
	v19 =	vld [tilespmem:s3+$0xFFFFFFF0]  }
0x30f: {  	v56 =	vmul.f32 s9, v2;
	v15 =	vadd.f32 v15, v5;
	v16 =	vadd.f32 v22, v29;
	v22 =	vld [tilespmem:s3+$0xFFFFFF40]  }
0x310: {  	v24 =	vmul.f32 v24, v52;
	v54 =	vsub.f32 v32, v25;
	v23 =	vadd.f32 v23, v31;
	[tilespmem:s3+$0xFFFFFF10] =	vst v18;
	v18 =	vld [tilespmem:s3+$0xFFFFFF80]  }
0x311: {  	v55 =	vmul.f32 s12, v2;
	v28 =	vmul.f32 v57, v56;
	[tilespmem:s3+$0xFFFFFF50] =	vst v16;
	v16 =	vld [tilespmem:s11+$0xFFFFFF20];
	v15 =	vadd.f32 v15, v51  }
0x312: {  	v59 =	vsub.f32 v34, v25;
	v24 =	vadd.f32 v24, v5;
	v29 =	vmul.f32 v54, v53;
	[tilespmem:s3+$0xFFFFFF90] =	vst v23;
	v23 =	vld [tilespmem:s11+$0xFFFFFF60]  }
0x313: {  	v14 =	vsub.f32 v14, v27;
	v58 =	vld [tilespmem:s11+$0xFFFFFFA0];
	[tilespmem:s3+$0xFFFFFFE0] =	vst v15;
	v15 =	vsub.f32 v19, v20;
	v19 =	vmul.f32 s30, v2  }
0x314: {  	[tilespmem:s4+$0xFFFFFF70] =	vst v13;
	v13 =	vadd.f32 v28, v6;
	v12 =	vadd.f32 v12, v5;
	v60 =	vld [tilespmem:s11+$0xFFFFFFF0]  }
0x315: {  	[tilespmem:s4+$0xFFFFFF30] =	vst v11;
	v29 =	vadd.f32 v29, v5;
	v14 =	vmul.f32 v14, v55;
	v15 =	vmul.f32 v15, v19;
	v19 =	vld [tilespmem:s3+$0xFFFFFFC0]  }
0x316: {  	v61 =	vld [tilespmem:s3+$0x0];
	[tilespmem:s4+$0xFFFFFFB0] =	vst v26;
	v22 =	vsub.f32 v22, v27;
	v27 =	vmul.f32 s13, v2;
	v12 =	vadd.f32 v12, v16  }
0x317: {  	v62 =	vld [tilespmem:s0+$0xFFFFFF80];
	[tilespmem:s4+$0x0] =	vst v21;
	v23 =	vadd.f32 v24, v23;
	v24 =	vmul.f32 s12, v3;
	s12 =	sadd.s32 $0x4, s7;
	v15 =	vadd.f32 v15, v6  }
0x318: {  	v11 =	vadd.f32 v14, v6;
	v14 =	vmul.f32 v59, v27;
	v27 =	vld [tilespmem:s0+$0xFFFFFF40];
	p1 =	slt.u32 s12, $0xC4;
	[tilespmem:s3+$0xFFFFFF20] =	vst v12;
	v12 =	vadd.f32 v29, v58  }
.Ltmp7:
0x319: {  	v63 =	vmul.f32 s9, v3;
	v18 =	vsub.f32 v18, v17;
	[tilespmem:s3+$0xFFFFFF60] =	vst v23;
	v16 =	vld [tilespmem:s11+$0xFFFFFF30];
	v31 =	vadd.f32 v15, v60;
	(pc) =	sbr.rel @!p1 .LBB2_11-.Ltmp7, $4  }
0x31a: {  	v23 =	vmul.f32 s13, v3;
	v22 =	vmul.f32 v22, v24;
	v15 =	vld [tilespmem:s11+$0xFFFFFF70];
	[tilespmem:s3+$0xFFFFFFA0] =	vst v12;
	v12 =	vsub.f32 v19, v25  }
0x31b: {  	v14 =	vadd.f32 v14, v6;
	v17 =	vld [tilespmem:s11+$0xFFFFFFB0];
	v19 =	vsub.f32 v61, v20;
	v25 =	vmul.f32 s30, v3;
	[tilespmem:s3+$0xFFFFFFF0] =	vst v31  }
0x31c: {  	p0 =	por $0x1, $0x1;
	s15 =	simm.s32 $0x0;
	v24 =	vadd.f32 v22, v7;
	v20 =	vmul.f32 v18, v63;
	v12 =	vmul.f32 v12, v23;
	v18 =	vld [tilespmem:s11+$0x0];
	s16 =	rddreg [dreg:$0x12]  }
0x31d: {  	s7 =	sadd.s32 $0x100, s3;
	v22 =	vld [tilespmem:s0+$0xFFFFFFC0];
	s0 =	smov.u32 s11;
	v21 =	vmul.f32 v19, v25;
	v23 =	vadd.f32 v9, v27;
	v19 =	vadd.f32 v10, v62;
	s17 =	rddreg [dreg:$0x13]  }
.LBB2_12:
0x31e: {  	v25 =	vld [tilespmem:s7+$0xFFFFFFD0];
	s12 =	sadd.s32 $0x4, s12;
	v11 =	vadd.f32 v11, v16;
	v9 =	vadd.f32 v20, v7;
	s1 =	sadd.s32 $0x4, s1;
	v10 =	vmov v24  }
0x31f: {  	s2 =	sadd.s32 $0x4, s2;
	v16 =	vld [tilespmem:s7+$0xFFFFFF10];
	s5 =	sld [smem:s1+$0x1];
	p1 =	slt.u32 s12, $0xC4;
	v13 =	vadd.f32 v13, v15;
	v15 =	vadd.f32 v21, v7;
	[tilespmem:s4+$0xFFFFFF40] =	vst v23  }
0x320: {  	v20 =	vld [tilespmem:s7+$0xFFFFFF50];
	s8 =	sld [smem:s2+$0x1];
	[tilespmem:s3+$0xFFFFFF30] =	vst v11;
	v11 =	vadd.f32 v14, v17;
	v14 =	vadd.f32 v12, v7  }
0x321: {  	s6 =	sld [smem:s1+$0xFFFFFFFF];
	v17 =	vld [tilespmem:s7+$0xFFFFFF90];
	[tilespmem:s3+$0xFFFFFF70] =	vst v13;
	v13 =	vadd.f32 v15, v18  }
0x322: {  	v15 =	vld [tilespmem:s7+$0xFFFFFF20];
	s10 =	sld [smem:s1+$0x0];
	v12 =	vmov s5;
	[tilespmem:s3+$0xFFFFFFB0] =	vst v11;
	v11 =	vadd.f32 v8, v22;
	v8 =	vmov v14  }
0x323: {  	s0 =	sadd.s32 $0x100, s0;
	s5 =	sld [smem:s1+$0xFFFFFFFE];
	v14 =	vld [tilespmem:s7+$0xFFFFFF60];
	v18 =	vsub.f32 v25, v12;
	v21 =	vmul.f32 s8, v0;
	[tilespmem:s3+$0x0] =	vst v13  }
0x324: {  	s13 =	sld [smem:s2+$0xFFFFFFFE];
	v22 =	vmov s6;
	v13 =	vld [tilespmem:s0+$0xFFFFFFD0];
	[tilespmem:s4+$0xFFFFFF80] =	vst v19  }
0x325: {  	v19 =	vld [tilespmem:s0+$0xFFFFFF10];
	s9 =	sld [smem:s2+$0xFFFFFFFF];
	v20 =	vsub.f32 v20, v22;
	v23 =	vmov s10;
	v18 =	vmul.f32 v21, v18;
	[tilespmem:s4+$0xFFFFFFC0] =	vst v11;
	s4 =	smov.u32 s3;
	s3 =	smov.u32 s7  }
0x326: {  	v11 =	vmov s5;
	s14 =	sld [smem:s2+$0x0];
	v17 =	vsub.f32 v17, v23;
	v21 =	vld [tilespmem:s7+$0xFFFFFFE0]  }
0x327: {  	v16 =	vsub.f32 v16, v11;
	v24 =	vmul.f32 s13, v0;
	v25 =	vld [tilespmem:s0+$0xFFFFFF50];
	v18 =	vadd.f32 v18, v4  }
0x328: {  	v15 =	vsub.f32 v15, v11;
	v26 =	vmul.f32 s9, v0;
	v14 =	vsub.f32 v14, v22;
	v27 =	vld [tilespmem:s0+$0xFFFFFF90]  }
0x329: {  	v16 =	vmul.f32 v24, v16;
	v24 =	vmul.f32 s14, v0;
	v28 =	vld [tilespmem:s7+$0xFFFFFFA0];
	v13 =	vadd.f32 v18, v13  }
0x32a: {  	v18 =	vmul.f32 s13, v1;
	v29 =	vld [tilespmem:s7+$0xFFFFFF30];
	v20 =	vmul.f32 v26, v20  }
0x32b: {  	v26 =	vld [tilespmem:s7+$0xFFFFFF70];
	v17 =	vmul.f32 v24, v17;
	[tilespmem:s7+$0xFFFFFFD0] =	vst v13;
	v13 =	vsub.f32 v21, v12;
	v21 =	vmul.f32 s8, v1  }
0x32c: {  	v16 =	vadd.f32 v16, v4;
	v24 =	vmul.f32 s9, v1;
	v20 =	vadd.f32 v20, v4;
	v30 =	vld [tilespmem:s0+$0xFFFFFFE0]  }
0x32d: {  	v31 =	vmul.f32 s14, v1;
	v17 =	vadd.f32 v17, v4;
	v32 =	vld [tilespmem:s7+$0xFFFFFFB0];
	v13 =	vmul.f32 v13, v21  }
0x32e: {  	v15 =	vmul.f32 v15, v18;
	v16 =	vadd.f32 v16, v19;
	v18 =	vadd.f32 v20, v25;
	v19 =	vld [tilespmem:s7+$0xFFFFFFF0]  }
0x32f: {  	v14 =	vmul.f32 v14, v24;
	v20 =	vld [tilespmem:s7+$0xFFFFFF40];
	v17 =	vadd.f32 v17, v27;
	v13 =	vadd.f32 v13, v5  }
0x330: {  	v15 =	vadd.f32 v15, v5;
	v24 =	vsub.f32 v28, v23;
	[tilespmem:s7+$0xFFFFFF10] =	vst v16;
	v16 =	vmul.f32 s13, v2;
	v21 =	vld [tilespmem:s7+$0xFFFFFF80]  }
0x331: {  	v14 =	vadd.f32 v14, v5;
	v25 =	vld [tilespmem:s0+$0xFFFFFF20];
	[tilespmem:s7+$0xFFFFFF50] =	vst v18;
	v18 =	vmul.f32 s9, v2;
	v13 =	vadd.f32 v13, v30  }
0x332: {  	v27 =	vsub.f32 v29, v11;
	v26 =	vsub.f32 v26, v22;
	v28 =	vld [tilespmem:s0+$0xFFFFFF60];
	[tilespmem:s7+$0xFFFFFF90] =	vst v17;
	v17 =	vmul.f32 v24, v31  }
0x333: {  	v29 =	vsub.f32 v32, v23;
	v24 =	vld [tilespmem:s0+$0xFFFFFFA0];
	[tilespmem:s7+$0xFFFFFFE0] =	vst v13;
	v13 =	vsub.f32 v19, v12;
	v19 =	vmul.f32 s8, v2  }
0x334: {  	v16 =	vmul.f32 v27, v16;
	v27 =	vmul.f32 s14, v2;
	v17 =	vadd.f32 v17, v5;
	v30 =	vld [tilespmem:s0+$0xFFFFFFF0]  }
0x335: {  	v18 =	vmul.f32 v26, v18;
	v20 =	vsub.f32 v20, v11;
	v26 =	vld [tilespmem:s7+$0xFFFFFFC0];
	v13 =	vmul.f32 v13, v19  }
0x336: {  	v11 =	vadd.f32 v16, v6;
	v19 =	vmul.f32 v29, v27;
	v15 =	vadd.f32 v15, v25;
	v25 =	vld [tilespmem:s7+$0x0]  }
0x337: {  	v27 =	vmul.f32 s13, v3;
	v14 =	vadd.f32 v14, v28;
	v28 =	vadd.f32 v13, v6;
	v29 =	vld [tilespmem:s11+$0xFFFFFF40]  }
0x338: {  	v13 =	vadd.f32 v18, v6;
	v18 =	vmul.f32 s9, v3;
	[tilespmem:s7+$0xFFFFFF20] =	vst v15;
	v17 =	vadd.f32 v17, v24;
	v31 =	vld [tilespmem:s11+$0xFFFFFF80]  }
.Ltmp8:
0x339: {  	v16 =	vld [tilespmem:s0+$0xFFFFFF30];
	[tilespmem:s7+$0xFFFFFF60] =	vst v14;
	v14 =	vadd.f32 v19, v6;
	v19 =	vmul.f32 s14, v3;
	v24 =	vadd.f32 v28, v30;
	(pc) =	sbr.rel @p1 .LBB2_12-.Ltmp8, $4  }
0x33a: {  	v21 =	vsub.f32 v21, v22;
	v20 =	vmul.f32 v20, v27;
	v15 =	vld [tilespmem:s0+$0xFFFFFF70];
	[tilespmem:s7+$0xFFFFFFA0] =	vst v17;
	v22 =	vsub.f32 v26, v23  }
0x33b: {  	v17 =	vld [tilespmem:s0+$0xFFFFFFB0];
	[tilespmem:s7+$0xFFFFFFF0] =	vst v24;
	v23 =	vsub.f32 v25, v12;
	v25 =	vmul.f32 s8, v3  }
0x33c: {  	v24 =	vadd.f32 v20, v7;
	v20 =	vmul.f32 v21, v18;
	v12 =	vmul.f32 v22, v19;
	v18 =	vld [tilespmem:s0+$0x0]  }
0x33d: {  	s7 =	sadd.s32 $0x100, s7;
	v21 =	vmul.f32 v23, v25;
	v23 =	vadd.f32 v10, v29;
	v19 =	vadd.f32 v9, v31;
	v22 =	vld [tilespmem:s11+$0xFFFFFFC0];
	s11 =	smov.u32 s0  }
0x33e: {  	s1 =	smov.u32 s4;
	v9 =	vmov v24;
	s4 =	smov.u32 s3;
	s0 =	smov.u32 s11  }
.LBB2_14:
0x33f: {  	v10 =	vadd.f32 v11, v16  }
0x340: {  	v11 =	vadd.f32 v13, v15;
	[tilespmem:s1+$0xFFFFFF40] =	vst @p0 v23  }
0x341: {  	v52 =	vadd.f32 v21, v7;
	[tilespmem:s4+$0xFFFFFF30] =	vst v10;
	v10 =	vadd.f32 v14, v17  }
0x342: {  	[tilespmem:s4+$0xFFFFFF70] =	vst v11;
	v11 =	vld [tilespmem:s0+$0xFFFFFF40]  }
0x343: {  	v13 =	vadd.f32 v52, v18;
	[tilespmem:s4+$0xFFFFFFB0] =	vst v10;
	v10 =	vld [tilespmem:s0+$0xFFFFFF80]  }
0x344: {  	[tilespmem:s1+$0xFFFFFF80] =	vst @p0 v19;
	v8 =	vadd.f32 @p0 v8, v22;
	v53 =	vld [tilespmem:s0+$0xFFFFFFC0]  }
0x345: {  	[tilespmem:s4+$0x0] =	vst v13  }
0x346: {  	v54 =	vadd.f32 v20, v7;
	[tilespmem:s1+$0xFFFFFFC0] =	vst @p0 v8  }
0x347: {  	v12 =	vadd.f32 v12, v7;
	s2 =	sshll.u32 s16, $0x2;
	s26 =	rddreg [dreg:$0x6];
	v9 =	vadd.f32 v9, v11  }
0x348: {  	[dreg:$0x14] =	wrdreg s2;
	s0 =	sadd.s32 s26, s2;
	v8 =	vadd.f32 v54, v10  }
0x349: {  	s0 =	smul.u32 $0x640, s0;
	[tilespmem:s4+$0xFFFFFF40] =	vst v9;
	v9 =	vadd.f32 v12, v53  }
0x34a: {  	s28 =	rddreg [dreg:$0x3];
	[tilespmem:s4+$0xFFFFFF80] =	vst v8  }
0x34b: {  	s3 =	simm.s32 $0x640;
	s1 =	simm.s32 $0x4;
	s0 =	sadd.s32 s28, s0;
	[tilespmem:s4+$0xFFFFFFC0] =	vst v9  }
0x34c: {  	[hbm4b:s0+s15] =	stream.linear.scatter [tilespmem:s3], [sflag:$0x5], $0x6400, $0x38;
	[tilespmem:$0x196C0] =	vst v63  }
0x34d: {  	s29 =	smin.u32 s17, $0x3C;
	_ =	swait.ge [sflag:s1], $0x6400  }
0x34e: {  	s0 =	sshll.u32 s29, $0x1;
	[sflag:s1] =	ssyncset.done $0x0;
	s30 =	rddreg [dreg:$0xf]  }
0x34f: {  	[sflag:s1] =	ssyncadd.s32 $0xFFFF9C00;
	s0 =	sadd.s32 s0, s30  }
0x350: {  	_ =	swait.ge [sflag:s1], $0x6400;
	s0 =	smul.u32 $0x19, s0  }
0x351: {  	s5 =	simm.s32 $0x190;
	[sflag:s1] =	ssyncset.done $0x0;
	s4 =	rddreg [dreg:$0x7]  }
0x352: {  	s6 =	rddreg [dreg:$0x8];
	[sflag:s1] =	ssyncadd.s32 $0xFFFF9C00;
	s2 =	sadd.s32 s4, s0  }
0x353: {  	[tilespmem:s5], [sflag:$0x2] =	stream.linear.gather [hbm4b:s2+s15], $0x190, $0x38;
	[tilespmem:$0x196C0] =	vst v63  }
0x354: {  	s7 =	simm.s32 $0x4B0;
	s8 =	simm.s32 $0x1;
	s0 =	sadd.s32 s6, s0  }
0x355: {  	[tilespmem:s7], [sflag:$0x2] =	stream.linear.gather [hbm4b:s0+s15], $0x190, $0x38;
	[tilespmem:$0x196C0] =	vst v63  }
0x356: {  	_ =	swait.ge [sflag:s8], $0x190  }
0x357: {  	[sflag:s8] =	ssyncset.done $0x0  }
0x358: {  	[sflag:s8] =	ssyncadd.s32 $0xFFFFFE70  }
0x359: {  	_ =	swait.ge [sflag:s8], $0x190  }
0x35a: {  	[sflag:s8] =	ssyncset.done $0x0  }
0x35b: {  	s9 =	simm.s32 $0x5;
	[sflag:s8] =	ssyncadd.s32 $0xFFFFFE70  }
0x35c: {  	_ =	swait.ge [sflag:s9], $0x6400  }
0x35d: {  	[sflag:s9] =	ssyncset.done $0x0  }
0x35e: {  	s4 =	simm.s32 $0x28;
	s0 =	rddreg [dreg:$0x5];
	[sflag:s9] =	ssyncadd.s32 $0xFFFF9C00  }
0x35f: {  	[tilespmem:s3], [sflag:$0x3] =	stream.indirect.gather [hbm4b:s0+s4], $0x40, s15, s4, $0xb8;
	[tilespmem:$0x196C0] =	vst v63  }
0x360: {  	s10 =	simm.s32 $0x320;
	s5 =	simm.s32 $0xCE40;
	s2 =	rddreg [dreg:$0x9]  }
0x361: {  	[tilespmem:s5], [sflag:$0x3] =	stream.indirect.gather [hbm4b:s2+s4], $0x40, s10, s4, $0xb8;
	[tilespmem:$0x196C0] =	vst v63  }
0x362: {  	s11 =	simm.s32 $0x1040  }
0x363: {  	[tilespmem:s11], [sflag:$0x3] =	stream.indirect.gather [hbm4b:s0+s4], $0x40, s4, s4, $0xb8;
	[tilespmem:$0x196C0] =	vst v63  }
0x364: {  	s12 =	simm.s32 $0x348;
	s13 =	simm.s32 $0xD840  }
0x365: {  	[tilespmem:s13], [sflag:$0x3] =	stream.indirect.gather [hbm4b:s2+s4], $0x40, s12, s4, $0xb8;
	[tilespmem:$0x196C0] =	vst v63  }
0x366: {  	s14 =	simm.s32 $0x50;
	s15 =	simm.s32 $0x1A40  }
0x367: {  	[tilespmem:s15], [sflag:$0x3] =	stream.indirect.gather [hbm4b:s0+s4], $0x40, s14, s4, $0xb8;
	[tilespmem:$0x196C0] =	vst v63  }
0x368: {  	s16 =	simm.s32 $0x370;
	s17 =	simm.s32 $0xE240  }
0x369: {  	[tilespmem:s17], [sflag:$0x3] =	stream.indirect.gather [hbm4b:s2+s4], $0x40, s16, s4, $0xb8;
	[tilespmem:$0x196C0] =	vst v63  }
0x36a: {  	s18 =	simm.s32 $0x78;
	s19 =	simm.s32 $0x2440  }
0x36b: {  	[tilespmem:s19], [sflag:$0x3] =	stream.indirect.gather [hbm4b:s0+s4], $0x40, s18, s4, $0xb8;
	[tilespmem:$0x196C0] =	vst v63  }
0x36c: {  	s20 =	simm.s32 $0x398;
	s21 =	simm.s32 $0xEC40  }
0x36d: {  	[tilespmem:s21], [sflag:$0x3] =	stream.indirect.gather [hbm4b:s2+s4], $0x40, s20, s4, $0xb8;
	[tilespmem:$0x196C0] =	vst v63  }
0x36e: {  	s22 =	simm.s32 $0xA0;
	s23 =	simm.s32 $0x2E40  }
0x36f: {  	[tilespmem:s23], [sflag:$0x3] =	stream.indirect.gather [hbm4b:s0+s4], $0x40, s22, s4, $0xb8;
	[tilespmem:$0x196C0] =	vst v63  }
0x370: {  	s24 =	simm.s32 $0x3C0;
	s25 =	simm.s32 $0xF640  }
0x371: {  	[tilespmem:s25], [sflag:$0x3] =	stream.indirect.gather [hbm4b:s2+s4], $0x40, s24, s4, $0xb8;
	[tilespmem:$0x196C0] =	vst v63  }
0x372: {  	s26 =	simm.s32 $0xC8;
	s28 =	simm.s32 $0x3840  }
0x373: {  	[tilespmem:s28], [sflag:$0x3] =	stream.indirect.gather [hbm4b:s0+s4], $0x40, s26, s4, $0xb8;
	[tilespmem:$0x196C0] =	vst v63  }
0x374: {  	s29 =	simm.s32 $0x3E8;
	s30 =	simm.s32 $0x10040  }
0x375: {  	[tilespmem:s30], [sflag:$0x3] =	stream.indirect.gather [hbm4b:s2+s4], $0x40, s29, s4, $0xb8;
	[tilespmem:$0x196C0] =	vst v63  }
0x376: {  	s6 =	simm.s32 $0x4240;
	s5 =	simm.s32 $0xF0  }
0x377: {  	[tilespmem:s6], [sflag:$0x3] =	stream.indirect.gather [hbm4b:s0+s4], $0x40, s5, s4, $0xb8;
	[tilespmem:$0x196C0] =	vst v63  }
0x378: {  	s7 =	simm.s32 $0x410;
	s8 =	simm.s32 $0x10A40  }
0x379: {  	[tilespmem:s8], [sflag:$0x3] =	stream.indirect.gather [hbm4b:s2+s4], $0x40, s7, s4, $0xb8;
	[tilespmem:$0x196C0] =	vst v63  }
0x37a: {  	s9 =	simm.s32 $0x118;
	s10 =	simm.s32 $0x4C40  }
0x37b: {  	[tilespmem:s10], [sflag:$0x3] =	stream.indirect.gather [hbm4b:s0+s4], $0x40, s9, s4, $0xb8;
	[tilespmem:$0x196C0] =	vst v63  }
0x37c: {  	s11 =	simm.s32 $0x438;
	s12 =	simm.s32 $0x11440  }
0x37d: {  	[tilespmem:s12], [sflag:$0x3] =	stream.indirect.gather [hbm4b:s2+s4], $0x40, s11, s4, $0xb8;
	[tilespmem:$0x196C0] =	vst v63  }
0x37e: {  	s13 =	simm.s32 $0x140;
	s14 =	simm.s32 $0x5640  }
0x37f: {  	[tilespmem:s14], [sflag:$0x3] =	stream.indirect.gather [hbm4b:s0+s4], $0x40, s13, s4, $0xb8;
	[tilespmem:$0x196C0] =	vst v63  }
0x380: {  	s15 =	simm.s32 $0x460;
	s16 =	simm.s32 $0x11E40  }
0x381: {  	[tilespmem:s16], [sflag:$0x3] =	stream.indirect.gather [hbm4b:s2+s4], $0x40, s15, s4, $0xb8;
	[tilespmem:$0x196C0] =	vst v63  }
0x382: {  	s17 =	simm.s32 $0x168;
	s18 =	simm.s32 $0x6040  }
0x383: {  	[tilespmem:s18], [sflag:$0x3] =	stream.indirect.gather [hbm4b:s0+s4], $0x40, s17, s4, $0xb8;
	[tilespmem:$0x196C0] =	vst v63  }
0x384: {  	s19 =	simm.s32 $0x488;
	s20 =	simm.s32 $0x12840;
	s21 =	simm.s32 $0x6B40  }
0x385: {  	[tilespmem:s20], [sflag:$0x3] =	stream.indirect.gather [hbm4b:s2+s4], $0x40, s19, s4, $0xb8;
	[tilespmem:$0x196C0] =	vst v63  }
0x386: {  	v8 =	vld [tilespmem:s21+$0xFFFFFF70]  }
0x387: {  	v9 =	vld [tilespmem:s21+$0xFFFFFF60]  }
0x388: {  	v10 =	vld [tilespmem:s21+$0xFFFFFF00]  }
0x389: {  	v11 =	vld [tilespmem:s21+$0xFFFFFF30]  }
0x38a: {  	v55 =	vld [tilespmem:s21+$0xFFFFFF20]  }
0x38b: {  	v56 =	vld [tilespmem:s21+$0xFFFFFF10]  }
0x38c: {  	v57 =	vld [tilespmem:s21+$0xFFFFFF50]  }
0x38d: {  	v58 =	vld [tilespmem:s21+$0xFFFFFF40]  }
0x38e: {  	v62 =	vld [tilespmem:s21+$0xFFFFFFB0]  }
0x38f: {  	v25 =	vld [tilespmem:s21+$0xFFFFFFA0]  }
0x390: {  	v28 =	vld [tilespmem:s21+$0xFFFFFF90]  }
0x391: {  	v30 =	vld [tilespmem:s21+$0xFFFFFF80];
	v59 =	vmul.f32 v8, v8  }
0x392: {  	v60 =	vmul.f32 v9, v9;
	v8 =	vadd.f32 v8, v9;
	v9 =	vmul.f32 v10, v10  }
0x393: {  	v61 =	vmul.f32 v55, v55;
	v63 =	vmul.f32 v11, v11  }
0x394: {  	v24 =	vmul.f32 v56, v56;
	v10 =	vadd.f32 v56, v10;
	v11 =	vadd.f32 v11, v55  }
0x395: {  	v26 =	vmul.f32 v57, v57;
	v27 =	vmul.f32 v58, v58;
	v32 =	vadd.f32 v62, v25  }
0x396: {  	v33 =	vmul.f32 v25, v25;
	v34 =	vadd.f32 v28, v30;
	v10 =	vadd.f32 v11, v10  }
0x397: {  	v35 =	vmul.f32 v30, v30;
	v29 =	vadd.f32 v63, v61;
	v9 =	vadd.f32 v24, v9  }
0x398: {  	v36 =	vmul.f32 v28, v28;
	v16 =	vadd.f32 v59, v60;
	v13 =	vadd.f32 v26, v27;
	(xrf2) =	vadd.scan.msk.f32 $0xffff, v10  }
0x399: {  	v11 =	vadd.f32 v57, v58;
	v9 =	vadd.f32 v29, v9;
	v10 =	vmul.f32 v62, v62  }
0x39a: {  	v38 =	vld [tilespmem:s21+$0xFFFFFFE0];
	v37 =	vadd.f32 v36, v35;
	v31 =	vadd.f32 v16, v13  }
0x39b: {  	v39 =	vld [tilespmem:s21+$0xFFFFFFC0];
	v8 =	vadd.f32 v8, v11;
	(xrf2) =	vadd.scan.msk.f32 $0xffff, v9;
	v9 =	vadd.f32 v10, v33  }
0x39c: {  	v11 =	vadd.f32 v32, v34;
	v10 =	vld [tilespmem:s21+$0xFFFFFFF0];
	(xrf2) =	vadd.scan.msk.f32 $0xffff, v31  }
0x39d: {  	(xrf2) =	vadd.scan.msk.f32 $0xffff, v8;
	v8 =	vld [tilespmem:s21+$0xFFFFFFD0];
	v9 =	vadd.f32 v9, v37  }
0x39e: {  	(xrf2) =	vadd.scan.msk.f32 $0xffff, v11  }
0x39f: {  	(xrf2) =	vadd.scan.msk.f32 $0xffff, v9;
	_ =	sdelay $0x1  }
0x3a0: {  	v40 =	vld [tilespmem:s21+$0x30];
	v11 =	vmul.f32 v38, v38;
	v9 =	vadd.f32 v10, v38;
	v10 =	vmul.f32 v10, v10  }
0x3a1: {  	v43 =	vld [tilespmem:s21+$0x20];
	v12 =	vmul.f32 v39, v39;
	v42 =	vadd.f32 v8, v39;
	v8 =	vmul.f32 v8, v8;
	v41, _, _ =	vpop (xrf2)  }
0x3a2: {  	v45 =	vld [tilespmem:s21+$0x0];
	v10 =	vadd.f32 v10, v11;
	(v2sf) =	vpush v41, $0xF  }
0x3a3: {  	v11 =	vld [tilespmem:s21+$0x10];
	v9 =	vadd.f32 v9, v42;
	v8 =	vadd.f32 v8, v12  }
0x3a4: {  	v44, _, _ =	vpop (xrf2)  }
0x3a5: {  	v46, _, _ =	vpop (xrf2);
	(v2sf) =	vpush v44, $0xF;
	v8 =	vadd.f32 v10, v8  }
0x3a6: {  	v47, _, _ =	vpop (xrf2);
	(v2sf) =	vpush v46, $0xF;
	(xrf2) =	vadd.scan.msk.f32 $0xffff, v9  }
0x3a7: {  	v48 =	vmul.f32 v43, v43;
	(v2sf) =	vpush v47, $0xF;
	v9, _, _ =	vpop (xrf2);
	(xrf2) =	vadd.scan.msk.f32 $0xffff, v8;
	v8 =	vadd.f32 v40, v43  }
0x3a8: {  	v13 =	vmul.f32 v40, v40;
	(v2sf) =	vpush v9, $0xF;
	v9 =	vadd.f32 v11, v45;
	v10, _, _ =	vpop (xrf2)  }
0x3a9: {  	v11 =	vmul.f32 v11, v11;
	(v2sf) =	vpush v10, $0xF;
	v10 =	vmul.f32 v45, v45  }
0x3aa: {  	v8 =	vadd.f32 v8, v9  }
0x3ab: {  	v9 =	vadd.f32 v13, v48;
	v10 =	vadd.f32 v11, v10;
	_ =	sdelay $0x1  }
0x3ac: {  	(xrf2) =	vadd.scan.msk.f32 $0xffff, v8;
	v8 =	vadd.f32 v9, v10;
	_ =	sdelay $0x1  }
0x3ad: {  	v49 =	vld [tilespmem:s21+$0x40]  }
0x3ae: {  	v10 =	vld [tilespmem:s21+$0x50];
	v9, _, _ =	vpop (xrf2)  }
0x3af: {  	(xrf2) =	vadd.scan.msk.f32 $0xffff, v8;
	(v2sf) =	vpush v9, $0xF;
	v8, _, _ =	vpop (xrf2);
	v9 =	vld [tilespmem:s21+$0x60]  }
0x3b0: {  	s23 =	spop (v2sf);
	(v2sf) =	vpush v8, $0xF;
	v8 =	vld [tilespmem:s21+$0x70];
	_ =	sdelay $0x1  }
0x3b1: {  	s24 =	smul.f32 $1.562500000e-02, s23  }
0x3b2: {  	s25 =	spop (v2sf)  }
0x3b3: {  	v12 =	vmul.f32 v49, v49;
	s26 =	smul.f32 s24, s24;
	s28 =	spop (v2sf)  }
0x3b4: {  	v55 =	vadd.f32 v10, v49;
	s0 =	smul.f32 $1.562500000e-02, s25;
	s6 =	spop (v2sf);
	v51 =	vmul.f32 v9, v9;
	v9 =	vadd.f32 v8, v9  }
0x3b5: {  	v10 =	vmul.f32 v10, v10;
	s5 =	smul.f32 $1.562500000e-02, s28;
	s7 =	spop (v2sf);
	v8 =	vmul.f32 v8, v8  }
0x3b6: {  	v50 =	vld [tilespmem:s21+$0xA0];
	s0 =	ssub.f32 s0, s26;
	s16 =	smul.f32 $1.562500000e-02, s6;
	v9 =	vadd.f32 v9, v55  }
0x3b7: {  	v52 =	vld [tilespmem:s21+$0x90];
	v10 =	vadd.f32 v10, v12;
	v11, _, _ =	vpop (xrf2);
	s12 =	smul.f32 $1.562500000e-02, s7;
	s29 =	spop (v2sf);
	v8 =	vadd.f32 v8, v51  }
0x3b8: {  	v54 =	vld [tilespmem:s21+$0x80];
	(v2sf) =	vpush v11, $0xF;
	s2 =	smul.f32 $1.562500000e-02, s29;
	(xrf2) =	vadd.scan.msk.f32 $0xffff, v9  }
0x3b9: {  	v11 =	vld [tilespmem:s21+$0xB0];
	s0 =	sadd.f32 $9.999999740e-06, s0;
	s13 =	smul.f32 s16, s16;
	v8 =	vadd.f32 v8, v10  }
0x3ba: {  	v53, _, _ =	vpop (xrf2);
	s7 =	smul.f32 s12, s12  }
0x3bb: {  	(v2sf) =	vpush v53, $0xF;
	s8 =	sshra.s32 s0, $0x1;
	s0 =	smul.f32 $5.000000000e-01, s0;
	(xrf2) =	vadd.scan.msk.f32 $0xffff, v8  }
0x3bc: {  	s5 =	ssub.f32 s5, s13;
	s30 =	ssub.s32 $0x5F3759DF, s8  }
0x3bd: {  	v56 =	vmul.f32 v50, v50;
	s2 =	ssub.f32 s2, s7;
	s11 =	smul.f32 s30, s0  }
0x3be: {  	v58 =	vadd.f32 v52, v54;
	v57 =	vmul.f32 v11, v11;
	v11 =	vadd.f32 v11, v50;
	s5 =	sadd.f32 $9.999999740e-06, s5  }
0x3bf: {  	v9 =	vmul.f32 v54, v54;
	v10 =	vmul.f32 v52, v52;
	s2 =	sadd.f32 $9.999999740e-06, s2;
	s7 =	smul.f32 s30, s11  }
0x3c0: {  	v8 =	vadd.f32 v11, v58;
	s8 =	smul.f32 $5.000000000e-01, s5  }
0x3c1: {  	v9 =	vadd.f32 v10, v9;
	v12 =	vadd.f32 v57, v56;
	s9 =	spop (v2sf);
	s19 =	smul.f32 $5.000000000e-01, s2  }
0x3c2: {  	s2 =	sshra.s32 s2, $0x1;
	(xrf2) =	vadd.scan.msk.f32 $0xffff, v8;
	s15 =	smul.f32 $1.562500000e-02, s9;
	s14 =	spop (v2sf);
	v59, _, _ =	vpop (xrf2)  }
0x3c3: {  	v10 =	vld [tilespmem:s21+$0xE0];
	v9 =	vadd.f32 v12, v9;
	s17 =	ssub.s32 $0x5F3759DF, s2;
	s10 =	smul.f32 $1.562500000e-02, s14;
	(v2sf) =	vpush v59, $0xF  }
0x3c4: {  	v11 =	vld [tilespmem:s21+$0xC0];
	s7 =	ssub.f32 $1.500000000e+00, s7;
	s20 =	smul.f32 s17, s19  }
0x3c5: {  	s26 =	simm.s32 $0x0;
	s5 =	sshra.s32 s5, $0x1;
	v8 =	vld [tilespmem:s21+$0xF0];
	(xrf2) =	vadd.scan.msk.f32 $0xffff, v9;
	s11 =	smul.f32 s15, s15;
	v61, _, _ =	vpop (xrf2)  }
0x3c6: {  	v9 =	vld [tilespmem:s21+$0xD0];
	[smem:s26] =	sst s24;
	s24 =	ssub.s32 $0x5F3759DF, s5;
	s9 =	smul.f32 s30, s7;
	(v2sf) =	vpush v61, $0xF  }
0x3c7: {  	s5 =	smul.f32 s24, s8;
	s22 =	spop (v2sf)  }
0x3c8: {  	s18 =	smul.f32 $1.562500000e-02, s22  }
0x3c9: {  	s25 =	smul.f32 s17, s20;
	s10 =	ssub.f32 s10, s11  }
0x3ca: {  	v60 =	vmul.f32 v8, v8;
	s13 =	smul.f32 s18, s18;
	s28 =	spop (v2sf)  }
0x3cb: {  	s31 =	simm.s32 $0x132C0;
	v8 =	vadd.f32 v8, v10;
	s3 =	ssub.f32 $1.500000000e+00, s25;
	v62 =	vadd.f32 v9, v11;
	v11 =	vmul.f32 v11, v11;
	s29 =	smul.f32 $1.562500000e-02, s28  }
0x3cc: {  	s4 =	simm.s32 $0x6AC0;
	s21 =	smul.f32 s9, s0;
	v10 =	vmul.f32 v10, v10;
	s23 =	sadd.f32 $9.999999740e-06, s10;
	v9 =	vmul.f32 v9, v9;
	v63, _, _ =	vpop (xrf2)  }
0x3cd: {  	s2 =	simm.s32 $0xCC;
	s5 =	smul.f32 s24, s5;
	v8 =	vadd.f32 v8, v62;
	(v2sf) =	vpush v63, $0xF;
	s10 =	ssub.f32 s29, s13  }
0x3ce: {  	s14 =	simm.s32 $0xD4;
	v10 =	vadd.f32 v60, v10;
	s20 =	smul.f32 $5.000000000e-01, s23;
	s0 =	sshra.s32 s23, $0x1;
	v9 =	vadd.f32 v9, v11  }
0x3cf: {  	s17 =	smul.f32 s17, s3;
	s7 =	ssub.s32 $0x5F3759DF, s0;
	(xrf2) =	vadd.scan.msk.f32 $0xffff, v8;
	v11, _, _ =	vpop (xrf2);
	s30 =	sadd.f32 $9.999999740e-06, s10  }
0x3d0: {  	s11 =	simm.s32 $0x0;
	s3 =	simm.s32 $0x6D40;
	s0 =	smul.f32 s7, s20;
	v8 =	vadd.f32 v10, v9;
	(v2sf) =	vpush v11, $0xF  }
0x3d1: {  	s13 =	simm.s32 $0xC;
	s25 =	sshra.s32 s30, $0x1;
	s23 =	smul.f32 $5.000000000e-01, s30  }
.LBB2_15:
0x3d2: {  	s11 =	sadd.s32 $0x8, s11;
	s6 =	smul.f32 s21, s9;
	s10 =	spop (v2sf);
	(xrf2) =	vadd.scan.msk.f32 $0xffff, v8  }
0x3d3: {  	s0 =	smul.f32 s7, s0;
	s22 =	ssub.s32 $0x5F3759DF, s25;
	p0 =	slt.u32 s11, $0xC0  }
0x3d4: {  	s5 =	ssub.f32 $1.500000000e+00, s5;
	s21 =	smul.f32 $1.562500000e-02, s10  }
0x3d5: {  	s10 =	smul.f32 s22, s23;
	s25 =	spop (v2sf)  }
0x3d6: {  	s6 =	ssub.f32 $1.500000000e+00, s6;
	s26 =	smul.f32 s21, s21  }
0x3d7: {  	s5 =	smul.f32 s24, s5  }
0x3d8: {  	s9 =	smul.f32 s6, s9  }
0x3d9: {  	s6 =	smul.f32 s22, s10;
	v8, _, _ =	vpop (xrf2)  }
0x3da: {  	s10 =	smul.f32 $1.562500000e-02, s25;
	(v2sf) =	vpush v8, $0xF  }
0x3db: {  	s24 =	smul.f32 s5, s8  }
0x3dc: {  	s6 =	ssub.f32 $1.500000000e+00, s6;
	s8 =	spop (v2sf);
	v8, _, _ =	vpop (xrf2)  }
0x3dd: {  	s10 =	ssub.f32 s10, s26;
	s8 =	smul.f32 $1.562500000e-02, s8;
	(v2sf) =	vpush v8, $0xF  }
0x3de: {  	s24 =	smul.f32 s24, s5  }
0x3df: {  	s25 =	smul.f32 s8, s8;
	s26 =	spop (v2sf)  }
0x3e0: {  	s28 =	smul.f32 s17, s19;
	s10 =	sadd.f32 $9.999999740e-06, s10;
	v8 =	vld [tilespmem:s3+$0xFFFFFF70]  }
0x3e1: {  	s29 =	ssub.f32 $1.500000000e+00, s0;
	s26 =	smul.f32 $1.562500000e-02, s26;
	v9 =	vld [tilespmem:s3+$0xFFFFFF60]  }
0x3e2: {  	s30 =	ssub.f32 $1.500000000e+00, s24;
	s0 =	sshra.s32 s10, $0x1;
	s19 =	smul.f32 $5.000000000e-01, s10;
	v10 =	vld [tilespmem:s3+$0xFFFFFF00]  }
0x3e3: {  	s10 =	smul.f32 s28, s17;
	s0 =	ssub.s32 $0x5F3759DF, s0;
	s24 =	ssub.f32 s26, s25;
	v11 =	vld [tilespmem:s3+$0xFFFFFF30]  }
0x3e4: {  	s28 =	smul.f32 s0, s19;
	v12 =	vld [tilespmem:s3+$0xFFFFFF20]  }
0x3e5: {  	s25 =	smul.f32 s22, s6;
	s6 =	sadd.f32 $9.999999740e-06, s24;
	v13 =	vld [tilespmem:s3+$0xFFFFFF10];
	v14 =	vmul.f32 v8, v8  }
0x3e6: {  	s26 =	ssub.f32 $1.500000000e+00, s10;
	s24 =	smul.f32 s7, s29;
	v15 =	vld [tilespmem:s3+$0xFFFFFF50];
	v8 =	vadd.f32 v8, v9;
	v9 =	vmul.f32 v9, v9  }
0x3e7: {  	s5 =	smul.f32 s30, s5;
	s7 =	sshra.s32 s6, $0x1;
	v16 =	vld [tilespmem:s3+$0xFFFFFF40]  }
0x3e8: {  	s10 =	smul.f32 s25, s23;
	v17 =	vmul.f32 v10, v10;
	s22 =	ssub.s32 $0x5F3759DF, s7;
	v9 =	vadd.f32 v14, v9  }
0x3e9: {  	s7 =	smul.f32 s0, s28;
	v18 =	vmul.f32 v11, v11;
	v14 =	vmul.f32 v12, v12;
	s28 =	spop (v2sf)  }
0x3ea: {  	s23 =	smul.f32 $5.000000000e-01, s6;
	v11 =	vadd.f32 v11, v12;
	v10 =	vadd.f32 v13, v10;
	v12 =	vmul.f32 v13, v13  }
0x3eb: {  	s6 =	smul.f32 s10, s25;
	v13 =	vadd.f32 v18, v14;
	v14 =	vmul.f32 v15, v15  }
0x3ec: {  	s10 =	smul.f32 s22, s23;
	v10 =	vadd.f32 v11, v10;
	v11 =	vadd.f32 v15, v16;
	v15 =	vmul.f32 v16, v16;
	s29 =	spop (v2sf)  }
0x3ed: {  	s30 =	smul.f32 s24, s20;
	s6 =	ssub.f32 $1.500000000e+00, s6;
	v12 =	vadd.f32 v12, v17;
	v16 =	vld [tilespmem:s3+$0xFFFFFFB0]  }
0x3ee: {  	s20 =	ssub.f32 $1.500000000e+00, s7;
	s7 =	smul.f32 $1.562500000e-02, s28;
	v8 =	vadd.f32 v8, v11;
	v11 =	vadd.f32 v14, v15;
	v14 =	vld [tilespmem:s3+$0xFFFFFFA0];
	(xrf2) =	vadd.scan.msk.f32 $0xffff, v10  }
0x3ef: {  	s10 =	smul.f32 s22, s10;
	v10 =	vadd.f32 v13, v12;
	v12 =	vld [tilespmem:s3+$0xFFFFFF90]  }
0x3f0: {  	s28 =	smul.f32 $1.562500000e-02, s29;
	v9 =	vadd.f32 v9, v11;
	v11 =	vld [tilespmem:s3+$0xFFFFFF80]  }
0x3f1: {  	s20 =	smul.f32 s0, s20;
	s0 =	ssub.f32 $1.500000000e+00, s10;
	(xrf2) =	vadd.scan.msk.f32 $0xffff, v10  }
0x3f2: {  	s10 =	sadd.s32 $0xFFFFFFFC, s2;
	s29 =	smul.f32 s7, s7;
	v10 =	vmul.f32 v16, v16  }
0x3f3: {  	v13 =	vadd.f32 v16, v14;
	v14 =	vmul.f32 v14, v14;
	[smem:s10] =	sst s9;
	s10 =	sadd.s32 $0xFFFFFFFD, s1;
	s9 =	smul.f32 s22, s0  }
0x3f4: {  	s0 =	smul.f32 s30, s24;
	(xrf2) =	vadd.scan.msk.f32 $0xffff, v9;
	[smem:s10] =	sst s16  }
0x3f5: {  	s10 =	sadd.s32 $0xFFFFFFFD, s2;
	s16 =	smul.f32 s26, s17;
	s17 =	ssub.f32 s28, s29;
	v9 =	vadd.f32 v12, v11;
	v11 =	vmul.f32 v11, v11;
	v12 =	vmul.f32 v12, v12  }
0x3f6: {  	v10 =	vadd.f32 v10, v14;
	[smem:s10] =	sst s5;
	s5 =	smul.f32 s6, s25  }
0x3f7: {  	s0 =	ssub.f32 $1.500000000e+00, s0;
	s6 =	sadd.s32 $0xFFFFFFFE, s1;
	s10 =	smul.f32 s20, s19;
	v9 =	vadd.f32 v13, v9;
	v11 =	vadd.f32 v12, v11;
	v12 =	vld [tilespmem:s3+$0xFFFFFFF0];
	(xrf2) =	vadd.scan.msk.f32 $0xffff, v8  }
0x3f8: {  	v8 =	vld [tilespmem:s3+$0xFFFFFFE0];
	v13, _, _ =	vpop (xrf2);
	[smem:s6] =	sst s12;
	s6 =	sadd.s32 $0xFFFFFFFF, s2  }
0x3f9: {  	s17 =	sadd.f32 $9.999999740e-06, s17;
	s12 =	sadd.s32 $0xFFFFFFFE, s2;
	s10 =	smul.f32 s10, s20;
	v10 =	vadd.f32 v10, v11;
	v11 =	vld [tilespmem:s3+$0xFFFFFFD0]  }
0x3fa: {  	s0 =	smul.f32 s0, s24;
	v14 =	vld [tilespmem:s3+$0xFFFFFFC0];
	(v2sf) =	vpush v13, $0xF;
	(xrf2) =	vadd.scan.msk.f32 $0xffff, v9;
	[smem:s12] =	sst s16;
	s12 =	sadd.s32 $0xFFFFFFFF, s1  }
0x3fb: {  	s10 =	ssub.f32 $1.500000000e+00, s10;
	s16 =	sshra.s32 s17, $0x1;
	s17 =	smul.f32 $5.000000000e-01, s17;
	v9, _, _ =	vpop (xrf2)  }
0x3fc: {  	[smem:s12] =	sst s15;
	s12 =	smul.f32 s9, s23;
	s15 =	ssub.s32 $0x5F3759DF, s16  }
0x3fd: {  	v13 =	vadd.f32 v12, v8;
	(xrf2) =	vadd.scan.msk.f32 $0xffff, v10;
	[smem:s6] =	sst s0;
	s0 =	smul.f32 s15, s17  }
0x3fe: {  	v8 =	vmul.f32 v8, v8;
	v10 =	vmul.f32 v12, v12;
	v12, _, _ =	vpop (xrf2);
	[smem:s1] =	sst s18;
	s6 =	smul.f32 s12, s9  }
0x3ff: {  	v15 =	vadd.f32 v11, v14;
	v14 =	vmul.f32 v14, v14;
	v16 =	vld [tilespmem:s3+$0x30];
	[smem:s2] =	sst s5;
	s5 =	sadd.s32 $0x1, s1;
	s0 =	smul.f32 s15, s0  }
0x400: {  	v11 =	vmul.f32 v11, v11;
	v8 =	vadd.f32 v10, v8;
	v10 =	vld [tilespmem:s3+$0x20];
	[smem:s5] =	sst s21;
	s5 =	smul.f32 s10, s20  }
0x401: {  	v13 =	vadd.f32 v13, v15;
	v15 =	vld [tilespmem:s3+$0x10];
	(v2sf) =	vpush v9, $0xF;
	v9, _, _ =	vpop (xrf2);
	s0 =	ssub.f32 $1.500000000e+00, s0  }
0x402: {  	s10 =	sadd.s32 $0x1, s2;
	s6 =	ssub.f32 $1.500000000e+00, s6;
	v11 =	vadd.f32 v11, v14;
	v14 =	vld [tilespmem:s3+$0x0];
	(v2sf) =	vpush v12, $0xF  }
0x403: {  	(v2sf) =	vpush v9, $0xF;
	(xrf2) =	vadd.scan.msk.f32 $0xffff, v13;
	[smem:s10] =	sst s5;
	s5 =	sadd.s32 $0x2, s1;
	s0 =	smul.f32 s15, s0  }
0x404: {  	v8 =	vadd.f32 v8, v11;
	v9, _, _ =	vpop (xrf2);
	[smem:s5] =	sst s8;
	s5 =	smul.f32 s6, s9  }
0x405: {  	s6 =	sadd.s32 $0x2, s2;
	v11 =	vmul.f32 v10, v10;
	(v2sf) =	vpush v9, $0xF;
	s8 =	smul.f32 s0, s17  }
0x406: {  	v9 =	vadd.f32 v16, v10;
	v10 =	vmul.f32 v16, v16;
	(xrf2) =	vadd.scan.msk.f32 $0xffff, v8;
	[smem:s6] =	sst s5;
	s5 =	sadd.s32 $0x3, s1;
	s1 =	smov.u32 s13  }
0x407: {  	v13 =	vmul.f32 v15, v15;
	v8 =	vadd.f32 v15, v14;
	v12 =	vmul.f32 v14, v14;
	v14, _, _ =	vpop (xrf2);
	[smem:s5] =	sst s7;
	s5 =	smul.f32 s8, s0  }
0x408: {  	v10 =	vadd.f32 v10, v11;
	(v2sf) =	vpush v14, $0xF  }
0x409: {  	v8 =	vadd.f32 v9, v8;
	v9 =	vadd.f32 v13, v12;
	s6 =	spop (v2sf);
	s5 =	ssub.f32 $1.500000000e+00, s5  }
0x40a: {  	s7 =	smul.f32 $1.562500000e-02, s6  }
0x40b: {  	v9 =	vadd.f32 v10, v9;
	v10 =	vld [tilespmem:s3+$0x70];
	(xrf2) =	vadd.scan.msk.f32 $0xffff, v8;
	s0 =	smul.f32 s5, s0  }
0x40c: {  	s5 =	sadd.s32 $0x3, s2;
	s2 =	smov.u32 s14;
	v8 =	vld [tilespmem:s3+$0x60]  }
0x40d: {  	s6 =	smul.f32 s7, s7;
	v11 =	vld [tilespmem:s3+$0x50];
	v12, _, _ =	vpop (xrf2);
	[smem:s5] =	sst s0  }
0x40e: {  	v13 =	vld [tilespmem:s3+$0x40];
	(v2sf) =	vpush v12, $0xF;
	(xrf2) =	vadd.scan.msk.f32 $0xffff, v9;
	_ =	sdelay $0x1  }
0x40f: {  	s0 =	spop (v2sf);
	v9, _, _ =	vpop (xrf2)  }
0x410: {  	v12 =	vmul.f32 v8, v8;
	s5 =	spop (v2sf);
	(v2sf) =	vpush v9, $0xF  }
0x411: {  	v8 =	vadd.f32 v10, v8;
	v9 =	vmul.f32 v10, v10;
	s5 =	smul.f32 $1.562500000e-02, s5;
	s8 =	spop (v2sf)  }
0x412: {  	v10 =	vadd.f32 v11, v13;
	v13 =	vmul.f32 v13, v13;
	v11 =	vmul.f32 v11, v11  }
0x413: {  	s0 =	smul.f32 $1.562500000e-02, s0;
	v9 =	vadd.f32 v9, v12;
	s9 =	spop (v2sf)  }
0x414: {  	v8 =	vadd.f32 v8, v10;
	v10 =	vadd.f32 v11, v13;
	v11 =	vld [tilespmem:s3+$0xB0];
	v12, _, _ =	vpop (xrf2)  }
0x415: {  	s0 =	ssub.f32 s0, s6;
	s12 =	smul.f32 $1.562500000e-02, s9;
	v13 =	vld [tilespmem:s3+$0xA0];
	(v2sf) =	vpush v12, $0xF  }
0x416: {  	s16 =	smul.f32 $1.562500000e-02, s8;
	v9 =	vadd.f32 v9, v10;
	v10 =	vld [tilespmem:s3+$0x90];
	s6 =	spop (v2sf);
	(xrf2) =	vadd.scan.msk.f32 $0xffff, v8  }
0x417: {  	s0 =	sadd.f32 $9.999999740e-06, s0;
	s6 =	smul.f32 $1.562500000e-02, s6;
	v8 =	vld [tilespmem:s3+$0x80];
	v12, _, _ =	vpop (xrf2)  }
0x418: {  	s8 =	smul.f32 s12, s12;
	(v2sf) =	vpush v12, $0xF  }
0x419: {  	s9 =	sshra.s32 s0, $0x1;
	s10 =	smul.f32 $5.000000000e-01, s0;
	(xrf2) =	vadd.scan.msk.f32 $0xffff, v9  }
0x41a: {  	s0 =	smul.f32 s16, s16;
	s9 =	ssub.s32 $0x5F3759DF, s9;
	s6 =	ssub.f32 s6, s8;
	v9 =	vmul.f32 v13, v13  }
0x41b: {  	s8 =	smul.f32 s9, s10;
	v12 =	vadd.f32 v11, v13;
	v11 =	vmul.f32 v11, v11  }
0x41c: {  	s6 =	sadd.f32 $9.999999740e-06, s6;
	v13 =	vadd.f32 v10, v8;
	v8 =	vmul.f32 v8, v8;
	v10 =	vmul.f32 v10, v10;
	s15 =	spop (v2sf)  }
0x41d: {  	s5 =	ssub.f32 s5, s0;
	s8 =	smul.f32 s9, s8;
	v14 =	vadd.f32 v11, v9  }
0x41e: {  	s0 =	sshra.s32 s6, $0x1;
	s19 =	smul.f32 $5.000000000e-01, s6;
	v11 =	vadd.f32 v12, v13;
	v8 =	vadd.f32 v10, v8  }
0x41f: {  	s15 =	smul.f32 $1.562500000e-02, s15;
	s0 =	ssub.s32 $0x5F3759DF, s0;
	s6 =	spop (v2sf)  }
0x420: {  	s8 =	ssub.f32 $1.500000000e+00, s8;
	s6 =	smul.f32 $1.562500000e-02, s6;
	v8 =	vadd.f32 v14, v8;
	v9, _, _ =	vpop (xrf2);
	(xrf2) =	vadd.scan.msk.f32 $0xffff, v11  }
0x421: {  	s5 =	sadd.f32 $9.999999740e-06, s5;
	s17 =	smul.f32 s15, s15;
	v10 =	vld [tilespmem:s3+$0xF0];
	(v2sf) =	vpush v9, $0xF  }
0x422: {  	s9 =	smul.f32 s9, s8;
	v9 =	vld [tilespmem:s3+$0xE0]  }
0x423: {  	s18 =	sshra.s32 s5, $0x1;
	s8 =	smul.f32 $5.000000000e-01, s5;
	s5 =	ssub.f32 s6, s17;
	v11 =	vld [tilespmem:s3+$0xD0];
	v12, _, _ =	vpop (xrf2);
	(xrf2) =	vadd.scan.msk.f32 $0xffff, v8  }
0x424: {  	s24 =	ssub.s32 $0x5F3759DF, s18;
	s6 =	smul.f32 s0, s19;
	v8 =	vld [tilespmem:s3+$0xC0];
	s17 =	spop (v2sf);
	(v2sf) =	vpush v12, $0xF  }
0x425: {  	s5 =	sadd.f32 $9.999999740e-06, s5;
	s18 =	smul.f32 $1.562500000e-02, s17  }
0x426: {  	s21 =	smul.f32 s9, s10;
	s17 =	sadd.s32 $0xFFFFFFFC, s13;
	v12 =	vmul.f32 v10, v10  }
0x427: {  	s6 =	smul.f32 s0, s6;
	s10 =	sshra.s32 s5, $0x1;
	v10 =	vadd.f32 v10, v9;
	v9 =	vmul.f32 v9, v9;
	s20 =	spop (v2sf)  }
0x428: {  	[smem:s17] =	sst s7;
	s7 =	ssub.s32 $0x5F3759DF, s10;
	s10 =	smul.f32 s18, s18  }
0x429: {  	s17 =	smul.f32 $1.562500000e-02, s20  }
0x42a: {  	s20 =	smul.f32 $5.000000000e-01, s5;
	v13 =	vadd.f32 v11, v8;
	v8 =	vmul.f32 v8, v8;
	v11 =	vmul.f32 v11, v11  }
0x42b: {  	s6 =	ssub.f32 $1.500000000e+00, s6;
	s5 =	smul.f32 s24, s8;
	v9 =	vadd.f32 v12, v9;
	v12, _, _ =	vpop (xrf2)  }
.Ltmp9:
0x42c: {  	s10 =	ssub.f32 s17, s10;
	v10 =	vadd.f32 v10, v13;
	(v2sf) =	vpush v12, $0xF;
	(pc) =	sbr.rel @p0 .LBB2_15-.Ltmp9, $4  }
0x42d: {  	s17 =	smul.f32 s0, s6;
	v8 =	vadd.f32 v11, v8  }
0x42e: {  	s0 =	smul.f32 s7, s20;
	s6 =	sadd.f32 $9.999999740e-06, s10;
	v11, _, _ =	vpop (xrf2);
	(xrf2) =	vadd.scan.msk.f32 $0xffff, v10  }
0x42f: {  	s3 =	sadd.s32 $0x200, s3;
	s13 =	sadd.s32 $0x8, s13;
	s5 =	smul.f32 s24, s5;
	v8 =	vadd.f32 v9, v8;
	(v2sf) =	vpush v11, $0xF  }
0x430: {  	s14 =	sadd.s32 $0x8, s14;
	s25 =	sshra.s32 s6, $0x1;
	s23 =	smul.f32 $5.000000000e-01, s6  }
0x431: {  	s6 =	smul.f32 s21, s9  }
0x432: {  	s0 =	smul.f32 s7, s0  }
0x433: {  	s3 =	spop (v2sf);
	s19 =	smul.f32 s17, s19  }
0x434: {  	(xrf2) =	vadd.scan.msk.f32 $0xffff, v8;
	s10 =	ssub.s32 $0x5F3759DF, s25;
	s5 =	ssub.f32 $1.500000000e+00, s5;
	s3 =	smul.f32 $1.562500000e-02, s3  }
0x435: {  	s11 =	smul.f32 s10, s23  }
0x436: {  	s5 =	smul.f32 s24, s5  }
0x437: {  	s19 =	smul.f32 s19, s17  }
0x438: {  	s6 =	ssub.f32 $1.500000000e+00, s6;
	s13 =	smul.f32 s3, s3  }
0x439: {  	s11 =	smul.f32 s10, s11  }
0x43a: {  	s22 =	spop (v2sf);
	s6 =	smul.f32 s6, s9  }
0x43b: {  	s0 =	ssub.f32 $1.500000000e+00, s0;
	s9 =	smul.f32 $1.562500000e-02, s22;
	v8, _, _ =	vpop (xrf2)  }
0x43c: {  	s14 =	smul.f32 s5, s8;
	(v2sf) =	vpush v8, $0xF  }
0x43d: {  	s7 =	smul.f32 s7, s0;
	s9 =	ssub.f32 s9, s13  }
0x43e: {  	s25 =	smul.f32 s14, s5;
	v8, _, _ =	vpop (xrf2);
	s24 =	spop (v2sf)  }
0x43f: {  	(v2sf) =	vpush v8, $0xF;
	s8 =	smul.f32 $1.562500000e-02, s24  }
0x440: {  	s20 =	smul.f32 s7, s20;
	s9 =	sadd.f32 $9.999999740e-06, s9  }
0x441: {  	s26 =	smul.f32 s8, s8;
	s28 =	spop (v2sf)  }
0x442: {  	s11 =	ssub.f32 $1.500000000e+00, s11;
	s21 =	smul.f32 $1.562500000e-02, s28  }
0x443: {  	s22 =	sshra.s32 s9, $0x1;
	s9 =	smul.f32 $5.000000000e-01, s9  }
0x444: {  	s10 =	smul.f32 s10, s11;
	s22 =	ssub.s32 $0x5F3759DF, s22;
	s14 =	ssub.f32 s21, s26  }
0x445: {  	s29 =	smul.f32 s22, s9  }
0x446: {  	s23 =	smul.f32 s10, s23;
	s30 =	sadd.f32 $9.999999740e-06, s14  }
0x447: {  	s13 =	ssub.f32 $1.500000000e+00, s25;
	s24 =	smul.f32 s22, s29  }
0x448: {  	s14 =	sshra.s32 s30, $0x1;
	s11 =	smul.f32 $5.000000000e-01, s30  }
0x449: {  	s5 =	smul.f32 s13, s5;
	s13 =	ssub.s32 $0x5F3759DF, s14;
	s14 =	ssub.f32 $1.500000000e+00, s24  }
0x44a: {  	s26 =	smul.f32 s13, s11  }
0x44b: {  	s25 =	spop (v2sf);
	s14 =	smul.f32 s22, s14  }
0x44c: {  	s0 =	smul.f32 $1.562500000e-02, s25  }
0x44d: {  	s19 =	ssub.f32 $1.500000000e+00, s19;
	s21 =	smul.f32 s13, s26  }
0x44e: {  	s28 =	spop (v2sf);
	s30 =	smul.f32 s0, s0  }
0x44f: {  	s29 =	sadd.s32 $0xFFFFFFFC, s2;
	s21 =	ssub.f32 $1.500000000e+00, s21;
	s24 =	smul.f32 $1.562500000e-02, s28  }
0x450: {  	[smem:s29] =	sst s6;
	s9 =	smul.f32 s14, s9  }
0x451: {  	s22 =	sadd.s32 $0xFFFFFFFD, s1;
	s6 =	smul.f32 s13, s21;
	s25 =	ssub.f32 s24, s30  }
0x452: {  	[smem:s22] =	sst s16;
	s13 =	smul.f32 s23, s10  }
0x453: {  	s20 =	smul.f32 s20, s7;
	s16 =	sadd.f32 $9.999999740e-06, s25  }
0x454: {  	s9 =	smul.f32 s9, s14;
	s13 =	ssub.f32 $1.500000000e+00, s13  }
0x455: {  	s28 =	sadd.s32 $0xFFFFFFFD, s2;
	s29 =	sshra.s32 s16, $0x1;
	s16 =	smul.f32 $5.000000000e-01, s16  }
0x456: {  	[smem:s28] =	sst s5;
	s10 =	smul.f32 s13, s10;
	s5 =	ssub.s32 $0x5F3759DF, s29  }
0x457: {  	s20 =	ssub.f32 $1.500000000e+00, s20;
	s13 =	smul.f32 s5, s16  }
0x458: {  	s26 =	smul.f32 s19, s17;
	s30 =	sadd.s32 $0xFFFFFFFE, s1;
	s9 =	ssub.f32 $1.500000000e+00, s9  }
0x459: {  	s21 =	sadd.s32 $0xFFFFFFFE, s2;
	[smem:s30] =	sst s12;
	s12 =	smul.f32 s5, s13  }
0x45a: {  	[smem:s21] =	sst s26  }
0x45b: {  	s7 =	smul.f32 s20, s7;
	s22 =	sadd.s32 $0xFFFFFFFF, s1;
	s12 =	ssub.f32 $1.500000000e+00, s12  }
0x45c: {  	s23 =	sadd.s32 $0xFFFFFFFF, s2;
	s24 =	smul.f32 s6, s11;
	[smem:s22] =	sst s15  }
0x45d: {  	[smem:s23] =	sst s7;
	s5 =	smul.f32 s5, s12  }
0x45e: {  	s7 =	smul.f32 s24, s6;
	[smem:s1] =	sst s18  }
0x45f: {  	[smem:s2] =	sst s10;
	s26 =	smul.f32 s5, s16  }
0x460: {  	s25 =	sadd.s32 $0x1, s1;
	s28 =	smul.f32 s9, s14;
	s7 =	ssub.f32 $1.500000000e+00, s7  }
0x461: {  	s29 =	sadd.s32 $0x1, s2;
	[smem:s25] =	sst s3;
	s30 =	smul.f32 s26, s5  }
0x462: {  	[smem:s29] =	sst s28  }
0x463: {  	s9 =	sadd.s32 $0x2, s1;
	s6 =	smul.f32 s7, s6;
	s10 =	ssub.f32 $1.500000000e+00, s30  }
0x464: {  	s11 =	sadd.s32 $0x2, s2;
	[smem:s9] =	sst s8  }
0x465: {  	[smem:s11] =	sst s6;
	s12 =	sadd.s32 $0x3, s1;
	s13 =	smul.f32 s10, s5  }
0x466: {  	s14 =	sadd.s32 $0x3, s2;
	[smem:s12] =	sst s0  }
0x467: {  	[smem:s14] =	sst s13  }
0x468: {  	v8 =	vld [tilespmem:s4+$0x40]  }
0x469: {  	v9 =	vld [tilespmem:s4+$0xFFFFFF80];
	s0 =	sld [smem:$0x3]  }
0x46a: {  	v10 =	vld [tilespmem:s4+$0xFFFFFFC0];
	s15 =	sld [smem:$0xCB]  }
0x46b: {  	s16 =	sld [smem:$0x1];
	v11 =	vld [tilespmem:s4+$0x0]  }
0x46c: {  	v12 =	vld [tilespmem:s4+$0xFFFFFF90];
	s17 =	sld [smem:$0x2];
	v14 =	vmov s0  }
0x46d: {  	s18 =	sld [smem:$0x0];
	v13 =	vld [tilespmem:s4+$0xFFFFFFD0];
	v16 =	vmul.f32 s15, v0;
	v8 =	vsub.f32 v8, v14  }
0x46e: {  	s19 =	sld [smem:$0xC8];
	v15 =	vld [tilespmem:s31+$0x40]  }
0x46f: {  	v17 =	vld [tilespmem:s31+$0xFFFFFF80];
	s20 =	sld [smem:$0xC9];
	v8 =	vmul.f32 v16, v8  }
0x470: {  	s21 =	sld [smem:$0xCA];
	v16 =	vld [tilespmem:s4+$0x50]  }
0x471: {  	v18 =	vmov s16;
	v19 =	vmov s18;
	v8 =	vadd.f32 v8, v4  }
0x472: {  	v10 =	vsub.f32 v10, v18;
	v9 =	vsub.f32 v9, v19;
	v21 =	vmul.f32 s19, v0  }
0x473: {  	v23 =	vmov s17;
	v24 =	vmul.f32 s20, v0;
	v8 =	vadd.f32 v8, v15  }
0x474: {  	v20 =	vld [tilespmem:s31+$0xFFFFFFC0];
	v11 =	vsub.f32 v11, v23;
	v9 =	vmul.f32 v21, v9;
	v15 =	vmul.f32 s21, v0  }
0x475: {  	v22 =	vld [tilespmem:s31+$0x0];
	v10 =	vmul.f32 v24, v10;
	[tilespmem:s4+$0x40] =	vst v8;
	v8 =	vsub.f32 v16, v14;
	v16 =	vmul.f32 s15, v1  }
0x476: {  	v9 =	vadd.f32 v9, v4;
	v11 =	vmul.f32 v15, v11;
	v15 =	vld [tilespmem:s31+$0x50]  }
0x477: {  	v25 =	vld [tilespmem:s4+$0x10];
	v10 =	vadd.f32 v10, v4;
	v8 =	vmul.f32 v8, v16  }
0x478: {  	v9 =	vadd.f32 v9, v17;
	v11 =	vadd.f32 v11, v4;
	v16 =	vld [tilespmem:s4+$0x60]  }
0x479: {  	v10 =	vadd.f32 v10, v20;
	v8 =	vadd.f32 v8, v5  }
0x47a: {  	v12 =	vsub.f32 v12, v19;
	v21 =	vld [tilespmem:s4+$0xFFFFFFA0];
	v20 =	vmul.f32 s19, v1;
	[tilespmem:s4+$0xFFFFFF80] =	vst v9;
	v11 =	vadd.f32 v11, v22  }
0x47b: {  	v13 =	vsub.f32 v13, v18;
	v22 =	vmul.f32 s20, v1;
	v27 =	vld [tilespmem:s31+$0xFFFFFF90];
	[tilespmem:s4+$0xFFFFFFC0] =	vst v10;
	v8 =	vadd.f32 v8, v15  }
0x47c: {  	v10 =	vmul.f32 s21, v1;
	v12 =	vmul.f32 v12, v20;
	v20 =	vld [tilespmem:s31+$0xFFFFFFD0];
	v15 =	vsub.f32 v25, v23;
	[tilespmem:s4+$0x0] =	vst v11  }
0x47d: {  	v11 =	vmul.f32 v13, v22;
	v13 =	vld [tilespmem:s31+$0x10];
	[tilespmem:s4+$0x50] =	vst v8;
	v8 =	vsub.f32 v16, v14;
	v16 =	vmul.f32 s15, v2  }
0x47e: {  	v12 =	vadd.f32 v12, v5;
	v10 =	vmul.f32 v15, v10;
	v15 =	vld [tilespmem:s31+$0x60]  }
0x47f: {  	v26 =	vld [tilespmem:s4+$0x20];
	v11 =	vadd.f32 v11, v5;
	v8 =	vmul.f32 v8, v16  }
0x480: {  	v24 =	vld [tilespmem:s4+$0xFFFFFFE0];
	v12 =	vadd.f32 v12, v27;
	v10 =	vadd.f32 v10, v5  }
0x481: {  	v17 =	vld [tilespmem:s4+$0xFFFFFFB0];
	v11 =	vadd.f32 v11, v20;
	v8 =	vadd.f32 v8, v6  }
0x482: {  	v9 =	vld [tilespmem:s4+$0xFFFFFFF0];
	[tilespmem:s4+$0xFFFFFF90] =	vst v12;
	v10 =	vadd.f32 v10, v13  }
0x483: {  	v20 =	vld [tilespmem:s4+$0x70];
	[tilespmem:s4+$0xFFFFFFD0] =	vst v11;
	v11 =	vmul.f32 s19, v2;
	v13 =	vsub.f32 v21, v19;
	v8 =	vadd.f32 v8, v15  }
0x484: {  	s1 =	simm.s32 $0x6BC0;
	v12 =	vld [tilespmem:s31+$0xFFFFFFA0]  }
0x485: {  	v22 =	vld [tilespmem:s1+$0x40];
	[tilespmem:s4+$0x60] =	vst v8;
	v8 =	vmul.f32 v13, v11  }
0x486: {  	v16 =	vld [tilespmem:s4+$0x30];
	v21 =	vsub.f32 v24, v18;
	v13 =	vmul.f32 s20, v2  }
0x487: {  	v25 =	vmul.f32 s21, v2;
	v24 =	vsub.f32 v26, v23;
	v15 =	vld [tilespmem:s31+$0xFFFFFFE0];
	[tilespmem:s4+$0x10] =	vst v10;
	v8 =	vadd.f32 v8, v6  }
0x488: {  	v10 =	vld [tilespmem:s31+$0x20];
	v14 =	vsub.f32 v20, v14;
	v20 =	vmul.f32 s15, v3;
	v13 =	vmul.f32 v21, v13  }
0x489: {  	v11 =	vld [tilespmem:s31+$0x70];
	v21 =	vmul.f32 v24, v25;
	v8 =	vadd.f32 v8, v12  }
0x48a: {  	v26 =	vld [tilespmem:s1+$0xFFFFFF80];
	s22 =	sld [smem:$0x7];
	v14 =	vmul.f32 v14, v20;
	v13 =	vadd.f32 v13, v6  }
0x48b: {  	v12 =	vld [tilespmem:s1+$0xFFFFFFC0];
	s23 =	sld [smem:$0xCF];
	[tilespmem:s4+$0xFFFFFFA0] =	vst v8;
	v8 =	vadd.f32 v21, v6  }
0x48c: {  	v14 =	vadd.f32 v14, v7;
	v13 =	vadd.f32 v13, v15  }
0x48d: {  	v8 =	vadd.f32 v8, v10  }
0x48e: {  	v9 =	vsub.f32 v9, v18;
	v11 =	vadd.f32 v14, v11;
	s24 =	sld [smem:$0x5];
	v15 =	vld [tilespmem:s1+$0x0];
	[tilespmem:s4+$0xFFFFFFE0] =	vst v13  }
0x48f: {  	v18 =	vmul.f32 s23, v0;
	v10 =	vld [tilespmem:s1+$0xFFFFFF90];
	v13 =	vsub.f32 v17, v19;
	s25 =	sld [smem:$0x6];
	[tilespmem:s4+$0x20] =	vst v8;
	v8 =	vmul.f32 s19, v3  }
0x490: {  	v17 =	vmul.f32 s21, v3;
	s26 =	sld [smem:$0x4];
	[tilespmem:s4+$0x70] =	vst v11;
	v11 =	vmul.f32 s20, v3  }
0x491: {  	s2 =	simm.s32 $0x133C0;
	v19 =	vmov s22;
	v21 =	vmov s24;
	v14 =	vld [tilespmem:s1+$0xFFFFFFD0];
	v8 =	vmul.f32 v13, v8  }
0x492: {  	s28 =	sld [smem:$0xCC];
	v13 =	vsub.f32 v16, v23;
	v16 =	vld [tilespmem:s2+$0x40];
	v9 =	vmul.f32 v9, v11;
	v11 =	vsub.f32 v22, v19  }
0x493: {  	v12 =	vsub.f32 v12, v21;
	v20 =	vld [tilespmem:s2+$0xFFFFFF80];
	s29 =	sld [smem:$0xCD];
	v23 =	vadd.f32 v8, v7  }
0x494: {  	v8 =	vmul.f32 v13, v17;
	s30 =	sld [smem:$0xCE];
	v13 =	vld [tilespmem:s1+$0x50];
	v17 =	vmov s26;
	v11 =	vmul.f32 v18, v11  }
0x495: {  	v22 =	vld [tilespmem:s2+$0xFFFFFFC0];
	v9 =	vadd.f32 v9, v7;
	v18 =	vmov s25;
	v24 =	vsub.f32 v26, v17  }
0x496: {  	v27 =	vld [tilespmem:s2+$0x0];
	v25 =	vmul.f32 s28, v0;
	v10 =	vsub.f32 v10, v17;
	v11 =	vadd.f32 v11, v4  }
0x497: {  	v29 =	vld [tilespmem:s1+$0x10];
	v8 =	vadd.f32 v8, v7;
	v26 =	vmul.f32 s29, v0;
	v14 =	vsub.f32 v14, v21  }
0x498: {  	v31 =	vld [tilespmem:s1+$0x20];
	v30 =	vmul.f32 s29, v1;
	v28 =	vmul.f32 s30, v0;
	v11 =	vadd.f32 v11, v16  }
0x499: {  	v62 =	vld [tilespmem:s31+$0xFFFFFFB0];
	v15 =	vsub.f32 v15, v18;
	v12 =	vmul.f32 v26, v12;
	v16 =	vmul.f32 v25, v24  }
0x49a: {  	v14 =	vmul.f32 v14, v30;
	v24 =	vld [tilespmem:s1+$0xFFFFFFA0];
	[tilespmem:s1+$0x40] =	vst v11;
	v11 =	vsub.f32 v13, v19;
	v13 =	vmul.f32 s23, v1  }
0x49b: {  	v26 =	vmul.f32 s28, v1;
	v15 =	vmul.f32 v28, v15;
	v16 =	vadd.f32 v16, v4;
	v58 =	vld [tilespmem:s2+$0x50]  }
0x49c: {  	v25 =	vld [tilespmem:s1+$0xFFFFFFE0];
	v12 =	vadd.f32 v12, v4;
	v14 =	vadd.f32 v14, v5;
	v11 =	vmul.f32 v11, v13  }
0x49d: {  	v15 =	vadd.f32 v15, v4;
	v13 =	vadd.f32 v16, v20;
	v16 =	vld [tilespmem:s1+$0x60]  }
0x49e: {  	v10 =	vmul.f32 v10, v26;
	v26 =	vld [tilespmem:s1+$0xFFFFFFF0];
	v12 =	vadd.f32 v12, v22;
	v11 =	vadd.f32 v11, v5  }
0x49f: {  	v20 =	vld [tilespmem:s1+$0xFFFFFFB0];
	v15 =	vadd.f32 v15, v27;
	v27 =	vmul.f32 s28, v2;
	v24 =	vsub.f32 v24, v17;
	[tilespmem:s1+$0xFFFFFF80] =	vst v13  }
0x4a0: {  	v22 =	vmul.f32 s30, v1;
	[tilespmem:s1+$0xFFFFFFC0] =	vst v12;
	v13 =	vsub.f32 v29, v18;
	v59 =	vld [tilespmem:s2+$0xFFFFFF90];
	v11 =	vadd.f32 v11, v58  }
0x4a1: {  	v12 =	vmul.f32 s29, v2;
	v60 =	vld [tilespmem:s2+$0xFFFFFFD0];
	[tilespmem:s1+$0x0] =	vst v15;
	v15 =	vsub.f32 v25, v21;
	v24 =	vmul.f32 v24, v27  }
0x4a2: {  	v13 =	vmul.f32 v13, v22;
	v22 =	vld [tilespmem:s2+$0x10];
	[tilespmem:s1+$0x50] =	vst v11;
	v11 =	vsub.f32 v16, v19;
	v16 =	vmul.f32 s23, v2  }
0x4a3: {  	v10 =	vadd.f32 v10, v5;
	v25 =	vsub.f32 v31, v18;
	v15 =	vmul.f32 v15, v12;
	v61 =	vld [tilespmem:s2+$0x60]  }
0x4a4: {  	v17 =	vsub.f32 v20, v17;
	v20 =	vld [tilespmem:s1+$0x30];
	v12 =	vadd.f32 v24, v6;
	v11 =	vmul.f32 v11, v16  }
0x4a5: {  	v24 =	vld [tilespmem:s1+$0x70];
	v27 =	vadd.f32 v13, v5;
	v13 =	vmul.f32 s30, v2;
	v10 =	vadd.f32 v10, v59  }
0x4a6: {  	v63 =	vmul.f32 s28, v3;
	v14 =	vadd.f32 v14, v60;
	v11 =	vadd.f32 v11, v6  }
0x4a7: {  	v25 =	vmul.f32 v25, v13;
	v13 =	vadd.f32 v15, v6;
	v15 =	vld [tilespmem:s31+$0xFFFFFFF0];
	[tilespmem:s1+$0xFFFFFF90] =	vst v10;
	v10 =	vadd.f32 v27, v22  }
0x4a8: {  	v23 =	vadd.f32 v23, v62;
	v29 =	vmul.f32 v17, v63;
	[tilespmem:s1+$0xFFFFFFD0] =	vst v14;
	v16 =	vld [tilespmem:s2+$0xFFFFFFA0];
	v11 =	vadd.f32 v11, v61  }
0x4a9: {  	v26 =	vsub.f32 v26, v21;
	v22 =	vmul.f32 s29, v3;
	v27 =	vmul.f32 s30, v3;
	v17 =	vld [tilespmem:s2+$0xFFFFFFE0];
	[tilespmem:s1+$0x10] =	vst v10  }
0x4aa: {  	v10 =	vsub.f32 v20, v18;
	v20 =	vsub.f32 v24, v19;
	v24 =	vmul.f32 s23, v3;
	v18 =	vld [tilespmem:s2+$0x20];
	[tilespmem:s1+$0x60] =	vst v11  }
0x4ab: {  	s3 =	simm.s32 $0x4;
	s7 =	simm.s32 $0xCE;
	v21 =	vadd.f32 v29, v7;
	v14 =	vadd.f32 v25, v6;
	v22 =	vmul.f32 v26, v22;
	v19 =	vld [tilespmem:s2+$0x70]  }
0x4ac: {  	s8 =	simm.s32 $0x6CC0;
	s11 =	simm.s32 $0x6;
	s12 =	simm.s32 $0x133C0;
	v15 =	vadd.f32 v9, v15;
	v11 =	vmul.f32 v10, v27;
	v24 =	vmul.f32 v20, v24;
	v20 =	vld [tilespmem:s31+$0x30]  }
.LBB2_17:
0x4ad: {  	v25 =	vld [tilespmem:s8+$0x40];
	s3 =	sadd.s32 $0x4, s3;
	v12 =	vadd.f32 v12, v16;
	v9 =	vadd.f32 v22, v7;
	s11 =	sadd.s32 $0x4, s11;
	v10 =	vmov v21  }
0x4ae: {  	s7 =	sadd.s32 $0x4, s7;
	v16 =	vld [tilespmem:s8+$0xFFFFFF80];
	s0 =	sld [smem:s11+$0x1];
	p0 =	slt.u32 s3, $0xC4;
	v13 =	vadd.f32 v13, v17;
	v17 =	vadd.f32 v24, v7;
	[tilespmem:s4+$0xFFFFFFB0] =	vst v23  }
0x4af: {  	v21 =	vld [tilespmem:s8+$0xFFFFFFC0];
	s9 =	sld [smem:s7+$0x1];
	[tilespmem:s1+$0xFFFFFFA0] =	vst v12;
	v12 =	vadd.f32 v14, v18;
	v14 =	vadd.f32 v11, v7  }
0x4b0: {  	s5 =	sld [smem:s11+$0xFFFFFFFF];
	v18 =	vld [tilespmem:s8+$0x0];
	[tilespmem:s1+$0xFFFFFFE0] =	vst v13;
	v13 =	vadd.f32 v17, v19  }
0x4b1: {  	v17 =	vld [tilespmem:s8+$0xFFFFFF90];
	s6 =	sld [smem:s11+$0x0];
	v11 =	vmov s0;
	[tilespmem:s1+$0x20] =	vst v12;
	v12 =	vadd.f32 v8, v20;
	v8 =	vmov v14  }
0x4b2: {  	s2 =	sadd.s32 $0x100, s2;
	s0 =	sld [smem:s11+$0xFFFFFFFE];
	v14 =	vld [tilespmem:s8+$0xFFFFFFD0];
	v19 =	vsub.f32 v25, v11;
	v20 =	vmul.f32 s9, v0;
	[tilespmem:s1+$0x70] =	vst v13  }
0x4b3: {  	s14 =	sld [smem:s7+$0xFFFFFFFE];
	v22 =	vmov s5;
	v13 =	vld [tilespmem:s2+$0x40];
	[tilespmem:s4+$0xFFFFFFF0] =	vst v15  }
0x4b4: {  	v15 =	vld [tilespmem:s2+$0xFFFFFF80];
	s13 =	sld [smem:s7+$0xFFFFFFFF];
	v21 =	vsub.f32 v21, v22;
	v23 =	vmov s6;
	v19 =	vmul.f32 v20, v19;
	[tilespmem:s4+$0x30] =	vst v12;
	s4 =	smov.u32 s1;
	s1 =	smov.u32 s8  }
0x4b5: {  	v12 =	vmov s0;
	s15 =	sld [smem:s7+$0x0];
	v18 =	vsub.f32 v18, v23;
	v20 =	vld [tilespmem:s8+$0x50]  }
0x4b6: {  	v16 =	vsub.f32 v16, v12;
	v24 =	vmul.f32 s14, v0;
	v25 =	vld [tilespmem:s2+$0xFFFFFFC0];
	v19 =	vadd.f32 v19, v4  }
0x4b7: {  	v17 =	vsub.f32 v17, v12;
	v26 =	vmul.f32 s13, v0;
	v14 =	vsub.f32 v14, v22;
	v27 =	vld [tilespmem:s2+$0x0]  }
0x4b8: {  	v16 =	vmul.f32 v24, v16;
	v24 =	vmul.f32 s15, v0;
	v28 =	vld [tilespmem:s8+$0x10];
	v13 =	vadd.f32 v19, v13  }
0x4b9: {  	v19 =	vmul.f32 s14, v1;
	v29 =	vld [tilespmem:s8+$0xFFFFFFA0];
	v21 =	vmul.f32 v26, v21  }
0x4ba: {  	v26 =	vld [tilespmem:s8+$0xFFFFFFE0];
	v18 =	vmul.f32 v24, v18;
	[tilespmem:s8+$0x40] =	vst v13;
	v13 =	vsub.f32 v20, v11;
	v20 =	vmul.f32 s9, v1  }
0x4bb: {  	v16 =	vadd.f32 v16, v4;
	v24 =	vmul.f32 s13, v1;
	v21 =	vadd.f32 v21, v4;
	v30 =	vld [tilespmem:s2+$0x50]  }
0x4bc: {  	v31 =	vmul.f32 s15, v1;
	v18 =	vadd.f32 v18, v4;
	v32 =	vld [tilespmem:s8+$0x20];
	v13 =	vmul.f32 v13, v20  }
0x4bd: {  	v15 =	vadd.f32 v16, v15;
	v16 =	vmul.f32 v17, v19;
	v17 =	vadd.f32 v21, v25;
	v19 =	vld [tilespmem:s8+$0x60]  }
0x4be: {  	v14 =	vmul.f32 v14, v24;
	v20 =	vld [tilespmem:s8+$0xFFFFFFB0];
	v18 =	vadd.f32 v18, v27;
	v13 =	vadd.f32 v13, v5  }
0x4bf: {  	v24 =	vsub.f32 v28, v23;
	[tilespmem:s8+$0xFFFFFF80] =	vst v15;
	v15 =	vadd.f32 v16, v5;
	v16 =	vmul.f32 s14, v2;
	v21 =	vld [tilespmem:s8+$0xFFFFFFF0]  }
0x4c0: {  	v14 =	vadd.f32 v14, v5;
	v25 =	vld [tilespmem:s2+$0xFFFFFF90];
	[tilespmem:s8+$0xFFFFFFC0] =	vst v17;
	v17 =	vmul.f32 s13, v2;
	v13 =	vadd.f32 v13, v30  }
0x4c1: {  	v27 =	vsub.f32 v29, v12;
	v26 =	vsub.f32 v26, v22;
	v28 =	vld [tilespmem:s2+$0xFFFFFFD0];
	[tilespmem:s8+$0x0] =	vst v18;
	v18 =	vmul.f32 v24, v31  }
0x4c2: {  	v29 =	vsub.f32 v32, v23;
	v24 =	vld [tilespmem:s2+$0x10];
	[tilespmem:s8+$0x50] =	vst v13;
	v13 =	vsub.f32 v19, v11;
	v19 =	vmul.f32 s9, v2  }
0x4c3: {  	v16 =	vmul.f32 v27, v16;
	v27 =	vmul.f32 s15, v2;
	v18 =	vadd.f32 v18, v5;
	v30 =	vld [tilespmem:s2+$0x60]  }
0x4c4: {  	v17 =	vmul.f32 v26, v17;
	v20 =	vsub.f32 v20, v12;
	v26 =	vld [tilespmem:s8+$0x30];
	v13 =	vmul.f32 v13, v19  }
0x4c5: {  	v12 =	vadd.f32 v16, v6;
	v19 =	vmul.f32 v29, v27;
	v15 =	vadd.f32 v15, v25;
	v25 =	vld [tilespmem:s8+$0x70]  }
0x4c6: {  	v27 =	vmul.f32 s14, v3;
	v14 =	vadd.f32 v14, v28;
	v28 =	vadd.f32 v13, v6;
	v29 =	vld [tilespmem:s12+$0xFFFFFFB0]  }
0x4c7: {  	v13 =	vadd.f32 v17, v6;
	[tilespmem:s8+$0xFFFFFF90] =	vst v15;
	v15 =	vmul.f32 s13, v3;
	v18 =	vadd.f32 v18, v24;
	v31 =	vld [tilespmem:s12+$0xFFFFFFF0]  }
.Ltmp10:
0x4c8: {  	v16 =	vld [tilespmem:s2+$0xFFFFFFA0];
	[tilespmem:s8+$0xFFFFFFD0] =	vst v14;
	v14 =	vadd.f32 v19, v6;
	v19 =	vmul.f32 s15, v3;
	v24 =	vadd.f32 v28, v30;
	(pc) =	sbr.rel @p0 .LBB2_17-.Ltmp10, $4  }
0x4c9: {  	v22 =	vsub.f32 v21, v22;
	v20 =	vmul.f32 v20, v27;
	v17 =	vld [tilespmem:s2+$0xFFFFFFE0];
	[tilespmem:s8+$0x10] =	vst v18;
	v23 =	vsub.f32 v26, v23  }
0x4ca: {  	v18 =	vld [tilespmem:s2+$0x20];
	[tilespmem:s8+$0x60] =	vst v24;
	v24 =	vsub.f32 v25, v11;
	v25 =	vmul.f32 s9, v3  }
0x4cb: {  	v21 =	vadd.f32 v20, v7;
	v22 =	vmul.f32 v22, v15;
	v11 =	vmul.f32 v23, v19;
	v19 =	vld [tilespmem:s2+$0x70]  }
0x4cc: {  	s8 =	sadd.s32 $0x100, s8;
	v23 =	vadd.f32 v10, v29;
	v24 =	vmul.f32 v24, v25;
	v15 =	vadd.f32 v9, v31;
	v20 =	vld [tilespmem:s12+$0x30];
	s12 =	smov.u32 s2  }
0x4cd: {  	v9 =	vadd.f32 v12, v16  }
0x4ce: {  	v10 =	vadd.f32 v13, v17  }
0x4cf: {  	[tilespmem:s1+$0xFFFFFFA0] =	vst v9;
	v9 =	vadd.f32 v14, v18  }
0x4d0: {  	[tilespmem:s1+$0xFFFFFFE0] =	vst v10;
	v10 =	vld [tilespmem:s12+$0xFFFFFFB0]  }
0x4d1: {  	v55 =	vadd.f32 v24, v7;
	[tilespmem:s1+$0x20] =	vst v9;
	v9 =	vld [tilespmem:s12+$0xFFFFFFF0]  }
0x4d2: {  	v56 =	vld [tilespmem:s12+$0x30]  }
0x4d3: {  	[tilespmem:s4+$0xFFFFFFB0] =	vst v23;
	v12 =	vadd.f32 v55, v19  }
0x4d4: {  	v57 =	vadd.f32 v22, v7;
	[tilespmem:s4+$0xFFFFFFF0] =	vst v15;
	v8 =	vadd.f32 v8, v20  }
0x4d5: {  	v11 =	vadd.f32 v11, v7;
	[tilespmem:s1+$0x70] =	vst v12;
	v10 =	vadd.f32 v21, v10  }
0x4d6: {  	[tilespmem:s4+$0x30] =	vst v8;
	v8 =	vadd.f32 v57, v9  }
0x4d7: {  	[tilespmem:s1+$0xFFFFFFB0] =	vst v10;
	v9 =	vadd.f32 v11, v56  }
0x4d8: {  	[tilespmem:s1+$0xFFFFFFF0] =	vst v8  }
0x4d9: {  	s2 =	simm.s32 $0x9E30;
	[tilespmem:s1+$0x30] =	vst v9  }
0x4da: {  	v8 =	vld [tilespmem:s2+$0xFFFFFE80]  }
0x4db: {  	v9 =	vld [tilespmem:s2+$0xFFFFFE70]  }
0x4dc: {  	v10 =	vld [tilespmem:s2+$0xFFFFFE10]  }
0x4dd: {  	v11 =	vld [tilespmem:s2+$0xFFFFFE40]  }
0x4de: {  	v12 =	vld [tilespmem:s2+$0xFFFFFE30]  }
0x4df: {  	v58 =	vld [tilespmem:s2+$0xFFFFFE20]  }
0x4e0: {  	v59 =	vld [tilespmem:s2+$0xFFFFFE60]  }
0x4e1: {  	v15 =	vld [tilespmem:s2+$0xFFFFFE50]  }
0x4e2: {  	v63 =	vld [tilespmem:s2+$0xFFFFFEC0]  }
0x4e3: {  	v26 =	vld [tilespmem:s2+$0xFFFFFEB0]  }
0x4e4: {  	v23 =	vld [tilespmem:s2+$0xFFFFFEA0]  }
0x4e5: {  	v30 =	vld [tilespmem:s2+$0xFFFFFE90];
	v60 =	vmul.f32 v8, v8  }
0x4e6: {  	v61 =	vmul.f32 v9, v9;
	v8 =	vadd.f32 v8, v9;
	v9 =	vmul.f32 v10, v10  }
0x4e7: {  	v62 =	vmul.f32 v12, v12;
	v24 =	vmul.f32 v11, v11  }
0x4e8: {  	v25 =	vmul.f32 v58, v58;
	v10 =	vadd.f32 v58, v10;
	v11 =	vadd.f32 v11, v12  }
0x4e9: {  	v27 =	vmul.f32 v59, v59;
	v28 =	vmul.f32 v15, v15;
	v32 =	vadd.f32 v63, v26  }
0x4ea: {  	v33 =	vmul.f32 v26, v26;
	v34 =	vadd.f32 v23, v30;
	v10 =	vadd.f32 v11, v10  }
0x4eb: {  	v35 =	vmul.f32 v30, v30;
	v29 =	vadd.f32 v24, v62;
	v9 =	vadd.f32 v25, v9  }
0x4ec: {  	v36 =	vmul.f32 v23, v23;
	v16 =	vadd.f32 v60, v61;
	v13 =	vadd.f32 v27, v28;
	(xrf2) =	vadd.scan.msk.f32 $0xffff, v10  }
0x4ed: {  	v11 =	vadd.f32 v59, v15;
	v9 =	vadd.f32 v29, v9;
	v10 =	vmul.f32 v63, v63  }
0x4ee: {  	v38 =	vld [tilespmem:s2+$0xFFFFFEF0];
	v37 =	vadd.f32 v36, v35;
	v31 =	vadd.f32 v16, v13  }
0x4ef: {  	v39 =	vld [tilespmem:s2+$0xFFFFFED0];
	v8 =	vadd.f32 v8, v11;
	(xrf2) =	vadd.scan.msk.f32 $0xffff, v9;
	v9 =	vadd.f32 v10, v33  }
0x4f0: {  	v11 =	vadd.f32 v32, v34;
	v10 =	vld [tilespmem:s2+$0xFFFFFF00];
	(xrf2) =	vadd.scan.msk.f32 $0xffff, v31  }
0x4f1: {  	(xrf2) =	vadd.scan.msk.f32 $0xffff, v8;
	v8 =	vld [tilespmem:s2+$0xFFFFFEE0];
	v9 =	vadd.f32 v9, v37  }
0x4f2: {  	(xrf2) =	vadd.scan.msk.f32 $0xffff, v11  }
0x4f3: {  	(xrf2) =	vadd.scan.msk.f32 $0xffff, v9;
	_ =	sdelay $0x1  }
0x4f4: {  	v40 =	vld [tilespmem:s2+$0xFFFFFF40];
	v11 =	vmul.f32 v38, v38;
	v9 =	vadd.f32 v10, v38;
	v10 =	vmul.f32 v10, v10  }
0x4f5: {  	v43 =	vld [tilespmem:s2+$0xFFFFFF30];
	v12 =	vmul.f32 v39, v39;
	v42 =	vadd.f32 v8, v39;
	v8 =	vmul.f32 v8, v8;
	v41, _, _ =	vpop (xrf2)  }
0x4f6: {  	v45 =	vld [tilespmem:s2+$0xFFFFFF10];
	v10 =	vadd.f32 v10, v11;
	(v2sf) =	vpush v41, $0xF  }
0x4f7: {  	v11 =	vld [tilespmem:s2+$0xFFFFFF20];
	v9 =	vadd.f32 v9, v42;
	v8 =	vadd.f32 v8, v12  }
0x4f8: {  	v44, _, _ =	vpop (xrf2)  }
0x4f9: {  	v46, _, _ =	vpop (xrf2);
	(v2sf) =	vpush v44, $0xF;
	v8 =	vadd.f32 v10, v8  }
0x4fa: {  	v47, _, _ =	vpop (xrf2);
	(v2sf) =	vpush v46, $0xF;
	(xrf2) =	vadd.scan.msk.f32 $0xffff, v9  }
0x4fb: {  	v48 =	vmul.f32 v43, v43;
	(v2sf) =	vpush v47, $0xF;
	v9, _, _ =	vpop (xrf2);
	(xrf2) =	vadd.scan.msk.f32 $0xffff, v8;
	v8 =	vadd.f32 v40, v43  }
0x4fc: {  	v13 =	vmul.f32 v40, v40;
	(v2sf) =	vpush v9, $0xF;
	v9 =	vadd.f32 v11, v45;
	v10, _, _ =	vpop (xrf2)  }
0x4fd: {  	v11 =	vmul.f32 v11, v11;
	(v2sf) =	vpush v10, $0xF;
	v10 =	vmul.f32 v45, v45  }
0x4fe: {  	v8 =	vadd.f32 v8, v9  }
0x4ff: {  	v9 =	vadd.f32 v13, v48;
	v10 =	vadd.f32 v11, v10;
	_ =	sdelay $0x1  }
0x500: {  	(xrf2) =	vadd.scan.msk.f32 $0xffff, v8;
	v8 =	vadd.f32 v9, v10;
	_ =	sdelay $0x1  }
0x501: {  	v49 =	vld [tilespmem:s2+$0xFFFFFF50]  }
0x502: {  	v10 =	vld [tilespmem:s2+$0xFFFFFF60];
	v9, _, _ =	vpop (xrf2)  }
0x503: {  	(xrf2) =	vadd.scan.msk.f32 $0xffff, v8;
	(v2sf) =	vpush v9, $0xF;
	v8, _, _ =	vpop (xrf2);
	v9 =	vld [tilespmem:s2+$0xFFFFFF70]  }
0x504: {  	s0 =	spop (v2sf);
	(v2sf) =	vpush v8, $0xF;
	v8 =	vld [tilespmem:s2+$0xFFFFFF80]  }
0x505: {  	s1 =	smul.f32 $1.562500000e-02, s0  }
0x506: {  	s20 =	spop (v2sf)  }
0x507: {  	s3 =	smul.f32 s1, s1;
	s21 =	spop (v2sf)  }
0x508: {  	v12 =	vmul.f32 v49, v49;
	s0 =	smul.f32 $1.562500000e-02, s20;
	s5 =	spop (v2sf)  }
0x509: {  	v55 =	vadd.f32 v10, v49;
	s4 =	smul.f32 $1.562500000e-02, s21;
	v51 =	vmul.f32 v9, v9;
	s6 =	spop (v2sf);
	v9 =	vadd.f32 v8, v9  }
0x50a: {  	v10 =	vmul.f32 v10, v10;
	s0 =	ssub.f32 s0, s3;
	v8 =	vmul.f32 v8, v8;
	s26 =	smul.f32 $1.562500000e-02, s5  }
0x50b: {  	v50 =	vld [tilespmem:s2+$0xFFFFFFB0];
	s13 =	smul.f32 $1.562500000e-02, s6;
	s22 =	spop (v2sf);
	v9 =	vadd.f32 v9, v55  }
0x50c: {  	v52 =	vld [tilespmem:s2+$0xFFFFFFA0];
	v10 =	vadd.f32 v10, v12;
	v11, _, _ =	vpop (xrf2);
	s3 =	smul.f32 $1.562500000e-02, s22;
	v8 =	vadd.f32 v8, v51  }
0x50d: {  	v54 =	vld [tilespmem:s2+$0xFFFFFF90];
	(v2sf) =	vpush v11, $0xF;
	s0 =	sadd.f32 $9.999999740e-06, s0;
	s25 =	smul.f32 s26, s26;
	(xrf2) =	vadd.scan.msk.f32 $0xffff, v9  }
0x50e: {  	v11 =	vld [tilespmem:s2+$0xFFFFFFC0];
	s6 =	smul.f32 s13, s13;
	v8 =	vadd.f32 v8, v10  }
0x50f: {  	v53, _, _ =	vpop (xrf2);
	s7 =	sshra.s32 s0, $0x1;
	s0 =	smul.f32 $5.000000000e-01, s0  }
0x510: {  	(v2sf) =	vpush v53, $0xF;
	s23 =	ssub.s32 $0x5F3759DF, s7;
	s3 =	ssub.f32 s3, s6;
	(xrf2) =	vadd.scan.msk.f32 $0xffff, v8  }
0x511: {  	s4 =	ssub.f32 s4, s25;
	s24 =	smul.f32 s23, s0  }
0x512: {  	v56 =	vmul.f32 v50, v50;
	s3 =	sadd.f32 $9.999999740e-06, s3  }
0x513: {  	v58 =	vadd.f32 v52, v54;
	v57 =	vmul.f32 v11, v11;
	v11 =	vadd.f32 v11, v50;
	s4 =	sadd.f32 $9.999999740e-06, s4;
	s6 =	smul.f32 s23, s24  }
0x514: {  	v9 =	vmul.f32 v54, v54;
	v10 =	vmul.f32 v52, v52;
	s8 =	spop (v2sf);
	s19 =	smul.f32 $5.000000000e-01, s3  }
0x515: {  	v8 =	vadd.f32 v11, v58;
	s16 =	smul.f32 $1.562500000e-02, s8  }
0x516: {  	v9 =	vadd.f32 v10, v9;
	v12 =	vadd.f32 v57, v56;
	s30 =	spop (v2sf);
	s8 =	smul.f32 $5.000000000e-01, s4  }
0x517: {  	(xrf2) =	vadd.scan.msk.f32 $0xffff, v8;
	s6 =	ssub.f32 $1.500000000e+00, s6;
	s7 =	smul.f32 $1.562500000e-02, s30;
	v59, _, _ =	vpop (xrf2)  }
0x518: {  	v10 =	vld [tilespmem:s2+$0xFFFFFFF0];
	v9 =	vadd.f32 v12, v9;
	s4 =	sshra.s32 s4, $0x1;
	s10 =	smul.f32 s16, s16;
	(v2sf) =	vpush v59, $0xF  }
0x519: {  	v11 =	vld [tilespmem:s2+$0xFFFFFFD0];
	s3 =	sshra.s32 s3, $0x1;
	s24 =	ssub.s32 $0x5F3759DF, s4;
	s9 =	smul.f32 s23, s6  }
0x51a: {  	v8 =	vld [tilespmem:s2+$0x0];
	s3 =	ssub.s32 $0x5F3759DF, s3;
	(xrf2) =	vadd.scan.msk.f32 $0xffff, v9;
	s30 =	smul.f32 s24, s8;
	v61, _, _ =	vpop (xrf2)  }
0x51b: {  	v9 =	vld [tilespmem:s2+$0xFFFFFFE0];
	s6 =	ssub.f32 s7, s10;
	s10 =	smul.f32 s3, s19;
	(v2sf) =	vpush v61, $0xF  }
0x51c: {  	s29 =	smul.f32 s9, s0;
	s14 =	spop (v2sf)  }
0x51d: {  	s11 =	simm.s32 $0xCC;
	s23 =	smul.f32 $1.562500000e-02, s14  }
0x51e: {  	p0 =	por $0x1, $0x1;
	s15 =	sadd.f32 $9.999999740e-06, s6;
	s18 =	smul.f32 s3, s10  }
0x51f: {  	s17 =	simm.s32 $0x0;
	v60 =	vmul.f32 v8, v8;
	s22 =	smul.f32 s23, s23;
	s21 =	spop (v2sf)  }
0x520: {  	s31 =	simm.s32 $0x16530;
	v8 =	vadd.f32 v8, v10;
	v62 =	vadd.f32 v9, v11;
	v11 =	vmul.f32 v11, v11;
	s5 =	sshra.s32 s15, $0x1;
	s25 =	smul.f32 $1.562500000e-02, s21  }
0x521: {  	v10 =	vmul.f32 v10, v10;
	v9 =	vmul.f32 v9, v9;
	s4 =	ssub.f32 $1.500000000e+00, s18;
	s7 =	ssub.s32 $0x5F3759DF, s5;
	v63, _, _ =	vpop (xrf2);
	s5 =	smul.f32 s24, s30  }
.Ltmp11:
0x522: {  	s12 =	simm.s32 $0x0;
	v8 =	vadd.f32 v8, v62;
	(v2sf) =	vpush v63, $0xF;
	s6 =	ssub.f32 s25, s22;
	(pc) =	sbr.rel @!p0 .LBB2_20-.Ltmp11, $4  }
0x523: {  	s20 =	simm.s32 $0x4;
	[smem:s17] =	sst s1;
	v10 =	vadd.f32 v60, v10;
	v9 =	vadd.f32 v9, v11;
	s21 =	smul.f32 $5.000000000e-01, s15  }
0x524: {  	s14 =	simm.s32 $0xC;
	s17 =	smul.f32 s3, s4;
	(xrf2) =	vadd.scan.msk.f32 $0xffff, v8;
	v11, _, _ =	vpop (xrf2);
	s6 =	sadd.f32 $9.999999740e-06, s6  }
0x525: {  	s4 =	simm.s32 $0x9D30;
	s3 =	simm.s32 $0xA030;
	v8 =	vadd.f32 v10, v9;
	s0 =	smul.f32 s7, s21;
	(v2sf) =	vpush v11, $0xF  }
0x526: {  	s15 =	simm.s32 $0xD4;
	s18 =	sshra.s32 s6, $0x1;
	s28 =	smul.f32 $5.000000000e-01, s6  }
.LBB2_19:
0x527: {  	s12 =	sadd.s32 $0x8, s12;
	s6 =	smul.f32 s29, s9;
	s10 =	spop (v2sf);
	(xrf2) =	vadd.scan.msk.f32 $0xffff, v8  }
0x528: {  	s0 =	smul.f32 s7, s0;
	s22 =	ssub.s32 $0x5F3759DF, s18;
	p0 =	slt.u32 s12, $0xC0  }
0x529: {  	s5 =	ssub.f32 $1.500000000e+00, s5;
	s29 =	smul.f32 $1.562500000e-02, s10  }
0x52a: {  	s10 =	smul.f32 s22, s28;
	s18 =	spop (v2sf)  }
0x52b: {  	s6 =	ssub.f32 $1.500000000e+00, s6;
	s25 =	smul.f32 s29, s29  }
0x52c: {  	s5 =	smul.f32 s24, s5  }
0x52d: {  	s9 =	smul.f32 s6, s9  }
0x52e: {  	s6 =	smul.f32 s22, s10;
	v8, _, _ =	vpop (xrf2)  }
0x52f: {  	s10 =	smul.f32 $1.562500000e-02, s18;
	(v2sf) =	vpush v8, $0xF  }
0x530: {  	s18 =	smul.f32 s5, s8  }
0x531: {  	s6 =	ssub.f32 $1.500000000e+00, s6;
	s8 =	spop (v2sf);
	v8, _, _ =	vpop (xrf2)  }
0x532: {  	s10 =	ssub.f32 s10, s25;
	s8 =	smul.f32 $1.562500000e-02, s8;
	(v2sf) =	vpush v8, $0xF  }
0x533: {  	s18 =	smul.f32 s18, s5  }
0x534: {  	s24 =	smul.f32 s8, s8;
	s25 =	spop (v2sf)  }
0x535: {  	s30 =	smul.f32 s17, s19;
	s10 =	sadd.f32 $9.999999740e-06, s10;
	v8 =	vld [tilespmem:s3+$0xFFFFFE80]  }
0x536: {  	s1 =	ssub.f32 $1.500000000e+00, s0;
	s0 =	smul.f32 $1.562500000e-02, s25;
	v9 =	vld [tilespmem:s3+$0xFFFFFE70]  }
0x537: {  	s2 =	ssub.f32 $1.500000000e+00, s18;
	s18 =	sshra.s32 s10, $0x1;
	s19 =	smul.f32 $5.000000000e-01, s10;
	v10 =	vld [tilespmem:s3+$0xFFFFFE10]  }
0x538: {  	s10 =	smul.f32 s30, s17;
	s18 =	ssub.s32 $0x5F3759DF, s18;
	s0 =	ssub.f32 s0, s24;
	v11 =	vld [tilespmem:s3+$0xFFFFFE40]  }
0x539: {  	s30 =	smul.f32 s18, s19;
	v12 =	vld [tilespmem:s3+$0xFFFFFE30]  }
0x53a: {  	s25 =	smul.f32 s22, s6;
	s6 =	sadd.f32 $9.999999740e-06, s0;
	v13 =	vld [tilespmem:s3+$0xFFFFFE20];
	v14 =	vmul.f32 v8, v8  }
0x53b: {  	s24 =	smul.f32 s7, s1;
	s0 =	ssub.f32 $1.500000000e+00, s10;
	v15 =	vld [tilespmem:s3+$0xFFFFFE60];
	v8 =	vadd.f32 v8, v9;
	v9 =	vmul.f32 v9, v9  }
0x53c: {  	s5 =	smul.f32 s2, s5;
	s1 =	sshra.s32 s6, $0x1;
	v16 =	vld [tilespmem:s3+$0xFFFFFE50]  }
0x53d: {  	s2 =	smul.f32 s25, s28;
	v17 =	vmul.f32 v10, v10;
	s1 =	ssub.s32 $0x5F3759DF, s1;
	v9 =	vadd.f32 v14, v9  }
0x53e: {  	s7 =	smul.f32 s18, s30;
	v18 =	vmul.f32 v11, v11;
	v14 =	vmul.f32 v12, v12;
	s10 =	spop (v2sf)  }
0x53f: {  	s28 =	smul.f32 $5.000000000e-01, s6;
	v11 =	vadd.f32 v11, v12;
	v10 =	vadd.f32 v13, v10;
	v12 =	vmul.f32 v13, v13  }
0x540: {  	s2 =	smul.f32 s2, s25;
	v13 =	vadd.f32 v18, v14;
	v14 =	vmul.f32 v15, v15  }
0x541: {  	s6 =	smul.f32 s1, s28;
	v10 =	vadd.f32 v11, v10;
	v11 =	vadd.f32 v15, v16;
	v15 =	vmul.f32 v16, v16;
	s22 =	spop (v2sf)  }
0x542: {  	s30 =	smul.f32 s24, s21;
	s2 =	ssub.f32 $1.500000000e+00, s2;
	v12 =	vadd.f32 v12, v17;
	v16 =	vld [tilespmem:s3+$0xFFFFFEC0]  }
0x543: {  	s21 =	ssub.f32 $1.500000000e+00, s7;
	s7 =	smul.f32 $1.562500000e-02, s10;
	v8 =	vadd.f32 v8, v11;
	v11 =	vadd.f32 v14, v15;
	v14 =	vld [tilespmem:s3+$0xFFFFFEB0];
	(xrf2) =	vadd.scan.msk.f32 $0xffff, v10  }
0x544: {  	s6 =	smul.f32 s1, s6;
	v10 =	vadd.f32 v13, v12;
	v12 =	vld [tilespmem:s3+$0xFFFFFEA0]  }
0x545: {  	s10 =	smul.f32 $1.562500000e-02, s22;
	v9 =	vadd.f32 v9, v11;
	v11 =	vld [tilespmem:s3+$0xFFFFFE90]  }
0x546: {  	s21 =	smul.f32 s18, s21;
	s6 =	ssub.f32 $1.500000000e+00, s6;
	(xrf2) =	vadd.scan.msk.f32 $0xffff, v10  }
0x547: {  	s18 =	sadd.s32 $0xFFFFFFFC, s11;
	s22 =	smul.f32 s7, s7;
	v10 =	vmul.f32 v16, v16  }
0x548: {  	v13 =	vadd.f32 v16, v14;
	v14 =	vmul.f32 v14, v14;
	[smem:s18] =	sst s9;
	s18 =	sadd.s32 $0xFFFFFFFD, s20;
	s9 =	smul.f32 s1, s6  }
0x549: {  	s1 =	smul.f32 s30, s24;
	(xrf2) =	vadd.scan.msk.f32 $0xffff, v9;
	[smem:s18] =	sst s26  }
0x54a: {  	s0 =	smul.f32 s0, s17;
	s10 =	ssub.f32 s10, s22;
	s6 =	sadd.s32 $0xFFFFFFFD, s11;
	v9 =	vadd.f32 v12, v11;
	v11 =	vmul.f32 v11, v11;
	v12 =	vmul.f32 v12, v12  }
0x54b: {  	s2 =	smul.f32 s2, s25;
	v10 =	vadd.f32 v10, v14;
	[smem:s6] =	sst s5  }
0x54c: {  	s1 =	ssub.f32 $1.500000000e+00, s1;
	s5 =	sadd.s32 $0xFFFFFFFE, s20;
	s6 =	smul.f32 s21, s19;
	v9 =	vadd.f32 v13, v9;
	v11 =	vadd.f32 v12, v11;
	v12 =	vld [tilespmem:s3+$0xFFFFFF00];
	(xrf2) =	vadd.scan.msk.f32 $0xffff, v8  }
0x54d: {  	v8 =	vld [tilespmem:s3+$0xFFFFFEF0];
	v13, _, _ =	vpop (xrf2);
	[smem:s5] =	sst s13;
	s5 =	sadd.s32 $0xFFFFFFFF, s11  }
0x54e: {  	s10 =	sadd.f32 $9.999999740e-06, s10;
	s13 =	sadd.s32 $0xFFFFFFFE, s11;
	s6 =	smul.f32 s6, s21;
	v10 =	vadd.f32 v10, v11;
	v11 =	vld [tilespmem:s3+$0xFFFFFEE0]  }
0x54f: {  	s1 =	smul.f32 s1, s24;
	v14 =	vld [tilespmem:s3+$0xFFFFFED0];
	(v2sf) =	vpush v13, $0xF;
	(xrf2) =	vadd.scan.msk.f32 $0xffff, v9;
	[smem:s13] =	sst s0;
	s0 =	sadd.s32 $0xFFFFFFFF, s20  }
0x550: {  	s6 =	ssub.f32 $1.500000000e+00, s6;
	s13 =	sshra.s32 s10, $0x1;
	s10 =	smul.f32 $5.000000000e-01, s10;
	v9, _, _ =	vpop (xrf2)  }
0x551: {  	s13 =	ssub.s32 $0x5F3759DF, s13;
	[smem:s0] =	sst s16;
	s0 =	smul.f32 s9, s28  }
0x552: {  	v13 =	vadd.f32 v12, v8;
	(xrf2) =	vadd.scan.msk.f32 $0xffff, v10;
	[smem:s5] =	sst s1;
	s1 =	smul.f32 s13, s10  }
0x553: {  	v8 =	vmul.f32 v8, v8;
	v10 =	vmul.f32 v12, v12;
	v12, _, _ =	vpop (xrf2);
	[smem:s20] =	sst s23;
	s0 =	smul.f32 s0, s9  }
0x554: {  	v15 =	vadd.f32 v11, v14;
	v14 =	vmul.f32 v14, v14;
	v16 =	vld [tilespmem:s3+$0xFFFFFF40];
	[smem:s11] =	sst s2;
	s2 =	sadd.s32 $0x1, s20;
	s1 =	smul.f32 s13, s1  }
0x555: {  	v11 =	vmul.f32 v11, v11;
	v8 =	vadd.f32 v10, v8;
	v10 =	vld [tilespmem:s3+$0xFFFFFF30];
	[smem:s2] =	sst s29;
	s2 =	smul.f32 s6, s21  }
0x556: {  	v13 =	vadd.f32 v13, v15;
	v15 =	vld [tilespmem:s3+$0xFFFFFF20];
	(v2sf) =	vpush v9, $0xF;
	v9, _, _ =	vpop (xrf2);
	s1 =	ssub.f32 $1.500000000e+00, s1  }
0x557: {  	s5 =	sadd.s32 $0x1, s11;
	s0 =	ssub.f32 $1.500000000e+00, s0;
	v11 =	vadd.f32 v11, v14;
	v14 =	vld [tilespmem:s3+$0xFFFFFF10];
	(v2sf) =	vpush v12, $0xF  }
0x558: {  	(v2sf) =	vpush v9, $0xF;
	(xrf2) =	vadd.scan.msk.f32 $0xffff, v13;
	[smem:s5] =	sst s2;
	s2 =	sadd.s32 $0x2, s20;
	s1 =	smul.f32 s13, s1  }
0x559: {  	s0 =	smul.f32 s0, s9;
	v8 =	vadd.f32 v8, v11;
	v9, _, _ =	vpop (xrf2);
	[smem:s2] =	sst s8  }
0x55a: {  	s2 =	sadd.s32 $0x2, s11;
	v11 =	vmul.f32 v10, v10;
	(v2sf) =	vpush v9, $0xF;
	s5 =	smul.f32 s1, s10  }
0x55b: {  	v9 =	vadd.f32 v16, v10;
	v10 =	vmul.f32 v16, v16;
	(xrf2) =	vadd.scan.msk.f32 $0xffff, v8;
	[smem:s2] =	sst s0;
	s0 =	sadd.s32 $0x3, s20;
	s20 =	smov.u32 s14  }
0x55c: {  	v13 =	vmul.f32 v15, v15;
	v8 =	vadd.f32 v15, v14;
	v12 =	vmul.f32 v14, v14;
	v14, _, _ =	vpop (xrf2);
	[smem:s0] =	sst s7;
	s0 =	smul.f32 s5, s1  }
0x55d: {  	v10 =	vadd.f32 v10, v11;
	(v2sf) =	vpush v14, $0xF  }
0x55e: {  	v8 =	vadd.f32 v9, v8;
	v9 =	vadd.f32 v13, v12;
	s2 =	spop (v2sf);
	s0 =	ssub.f32 $1.500000000e+00, s0  }
0x55f: {  	s7 =	smul.f32 $1.562500000e-02, s2  }
0x560: {  	v9 =	vadd.f32 v10, v9;
	v10 =	vld [tilespmem:s3+$0xFFFFFF80];
	(xrf2) =	vadd.scan.msk.f32 $0xffff, v8;
	s0 =	smul.f32 s0, s1  }
0x561: {  	s1 =	sadd.s32 $0x3, s11;
	s11 =	smov.u32 s15;
	v8 =	vld [tilespmem:s3+$0xFFFFFF70]  }
0x562: {  	s2 =	smul.f32 s7, s7;
	v11 =	vld [tilespmem:s3+$0xFFFFFF60];
	v12, _, _ =	vpop (xrf2);
	[smem:s1] =	sst s0  }
0x563: {  	v13 =	vld [tilespmem:s3+$0xFFFFFF50];
	(v2sf) =	vpush v12, $0xF;
	(xrf2) =	vadd.scan.msk.f32 $0xffff, v9;
	_ =	sdelay $0x1  }
0x564: {  	s0 =	spop (v2sf);
	v9, _, _ =	vpop (xrf2)  }
0x565: {  	v12 =	vmul.f32 v8, v8;
	s1 =	spop (v2sf);
	(v2sf) =	vpush v9, $0xF;
	s0 =	smul.f32 $1.562500000e-02, s0  }
0x566: {  	v8 =	vadd.f32 v10, v8;
	v9 =	vmul.f32 v10, v10;
	s1 =	smul.f32 $1.562500000e-02, s1;
	s5 =	spop (v2sf)  }
0x567: {  	v10 =	vadd.f32 v11, v13;
	v13 =	vmul.f32 v13, v13;
	v11 =	vmul.f32 v11, v11  }
0x568: {  	v9 =	vadd.f32 v9, v12;
	s0 =	ssub.f32 s0, s2;
	s6 =	spop (v2sf)  }
0x569: {  	v8 =	vadd.f32 v8, v10;
	v10 =	vadd.f32 v11, v13;
	v11 =	vld [tilespmem:s3+$0xFFFFFFC0];
	v12, _, _ =	vpop (xrf2);
	s13 =	smul.f32 $1.562500000e-02, s6  }
0x56a: {  	s26 =	smul.f32 $1.562500000e-02, s5;
	s0 =	sadd.f32 $9.999999740e-06, s0;
	v13 =	vld [tilespmem:s3+$0xFFFFFFB0];
	(v2sf) =	vpush v12, $0xF  }
0x56b: {  	v9 =	vadd.f32 v9, v10;
	v10 =	vld [tilespmem:s3+$0xFFFFFFA0];
	s2 =	spop (v2sf);
	(xrf2) =	vadd.scan.msk.f32 $0xffff, v8;
	s5 =	smul.f32 s13, s13  }
0x56c: {  	s2 =	smul.f32 $1.562500000e-02, s2;
	v8 =	vld [tilespmem:s3+$0xFFFFFF90];
	v12, _, _ =	vpop (xrf2)  }
0x56d: {  	s6 =	sshra.s32 s0, $0x1;
	s10 =	smul.f32 $5.000000000e-01, s0;
	(v2sf) =	vpush v12, $0xF  }
0x56e: {  	s0 =	smul.f32 s26, s26;
	s6 =	ssub.s32 $0x5F3759DF, s6;
	(xrf2) =	vadd.scan.msk.f32 $0xffff, v9;
	s2 =	ssub.f32 s2, s5  }
0x56f: {  	s5 =	smul.f32 s6, s10;
	v9 =	vmul.f32 v13, v13  }
0x570: {  	v12 =	vadd.f32 v11, v13;
	v11 =	vmul.f32 v11, v11;
	s2 =	sadd.f32 $9.999999740e-06, s2  }
0x571: {  	s5 =	smul.f32 s6, s5;
	v13 =	vadd.f32 v10, v8;
	v8 =	vmul.f32 v8, v8;
	v10 =	vmul.f32 v10, v10;
	s8 =	spop (v2sf)  }
0x572: {  	s1 =	ssub.f32 s1, s0;
	v14 =	vadd.f32 v11, v9;
	s16 =	smul.f32 $1.562500000e-02, s8  }
0x573: {  	s0 =	sshra.s32 s2, $0x1;
	s19 =	smul.f32 $5.000000000e-01, s2;
	s5 =	ssub.f32 $1.500000000e+00, s5;
	v11 =	vadd.f32 v12, v13;
	v8 =	vadd.f32 v10, v8  }
0x574: {  	s0 =	ssub.s32 $0x5F3759DF, s0;
	s2 =	spop (v2sf);
	s17 =	smul.f32 s16, s16  }
0x575: {  	s1 =	sadd.f32 $9.999999740e-06, s1;
	s2 =	smul.f32 $1.562500000e-02, s2;
	v8 =	vadd.f32 v14, v8;
	v9, _, _ =	vpop (xrf2);
	(xrf2) =	vadd.scan.msk.f32 $0xffff, v11  }
0x576: {  	s9 =	smul.f32 s6, s5;
	v10 =	vld [tilespmem:s3+$0x0];
	(v2sf) =	vpush v9, $0xF  }
0x577: {  	s8 =	smul.f32 $5.000000000e-01, s1;
	v9 =	vld [tilespmem:s3+$0xFFFFFFF0]  }
0x578: {  	s5 =	sshra.s32 s1, $0x1;
	s29 =	smul.f32 s9, s10;
	s1 =	ssub.f32 s2, s17;
	v11 =	vld [tilespmem:s3+$0xFFFFFFE0];
	v12, _, _ =	vpop (xrf2);
	(xrf2) =	vadd.scan.msk.f32 $0xffff, v8  }
0x579: {  	s24 =	ssub.s32 $0x5F3759DF, s5;
	s2 =	smul.f32 s0, s19;
	v8 =	vld [tilespmem:s3+$0xFFFFFFD0];
	s5 =	spop (v2sf);
	(v2sf) =	vpush v12, $0xF  }
0x57a: {  	s1 =	sadd.f32 $9.999999740e-06, s1;
	s23 =	smul.f32 $1.562500000e-02, s5  }
0x57b: {  	s2 =	smul.f32 s0, s2;
	s5 =	sadd.s32 $0xFFFFFFFC, s14;
	v12 =	vmul.f32 v10, v10  }
0x57c: {  	s6 =	sshra.s32 s1, $0x1;
	s21 =	smul.f32 $5.000000000e-01, s1;
	v10 =	vadd.f32 v10, v9;
	v9 =	vmul.f32 v9, v9;
	s10 =	spop (v2sf)  }
0x57d: {  	[smem:s5] =	sst s7;
	s7 =	ssub.s32 $0x5F3759DF, s6;
	s5 =	smul.f32 s23, s23  }
0x57e: {  	s6 =	smul.f32 $1.562500000e-02, s10;
	v13 =	vadd.f32 v11, v8;
	v8 =	vmul.f32 v8, v8;
	v11 =	vmul.f32 v11, v11  }
0x57f: {  	s2 =	ssub.f32 $1.500000000e+00, s2;
	s1 =	smul.f32 s24, s8;
	v9 =	vadd.f32 v12, v9;
	v12, _, _ =	vpop (xrf2)  }
.Ltmp12:
0x580: {  	s5 =	ssub.f32 s6, s5;
	v10 =	vadd.f32 v10, v13;
	(v2sf) =	vpush v12, $0xF;
	(pc) =	sbr.rel @p0 .LBB2_19-.Ltmp12, $4  }
0x581: {  	s17 =	smul.f32 s0, s2;
	v8 =	vadd.f32 v11, v8  }
0x582: {  	s0 =	smul.f32 s7, s21;
	s2 =	sadd.f32 $9.999999740e-06, s5;
	v11, _, _ =	vpop (xrf2);
	(xrf2) =	vadd.scan.msk.f32 $0xffff, v10  }
0x583: {  	s3 =	sadd.s32 $0x200, s3;
	s14 =	sadd.s32 $0x8, s14;
	s5 =	smul.f32 s24, s1;
	v8 =	vadd.f32 v9, v8;
	(v2sf) =	vpush v11, $0xF  }
0x584: {  	s15 =	sadd.s32 $0x8, s15;
	s18 =	sshra.s32 s2, $0x1;
	s28 =	smul.f32 $5.000000000e-01, s2  }
.LBB2_20:
0x585: {  	s1 =	smul.f32 s29, s9  }
0x586: {  	s0 =	smul.f32 s7, s0  }
0x587: {  	s2 =	spop (v2sf);
	s15 =	smul.f32 s17, s19  }
0x588: {  	(xrf2) =	vadd.scan.msk.f32 $0xffff, v8;
	s6 =	ssub.s32 $0x5F3759DF, s18;
	s18 =	ssub.f32 $1.500000000e+00, s5;
	s3 =	smul.f32 $1.562500000e-02, s2  }
0x589: {  	s22 =	smul.f32 s6, s28  }
0x58a: {  	s2 =	smul.f32 s24, s18  }
0x58b: {  	s15 =	smul.f32 s15, s17  }
0x58c: {  	s1 =	ssub.f32 $1.500000000e+00, s1;
	s10 =	smul.f32 s3, s3  }
0x58d: {  	s5 =	smul.f32 s6, s22  }
0x58e: {  	s24 =	spop (v2sf);
	s1 =	smul.f32 s1, s9  }
0x58f: {  	s0 =	ssub.f32 $1.500000000e+00, s0;
	s9 =	smul.f32 $1.562500000e-02, s24;
	v8, _, _ =	vpop (xrf2)  }
0x590: {  	s12 =	smul.f32 s2, s8;
	(v2sf) =	vpush v8, $0xF  }
0x591: {  	s7 =	smul.f32 s7, s0;
	s9 =	ssub.f32 s9, s10  }
0x592: {  	s29 =	smul.f32 s12, s2;
	v8, _, _ =	vpop (xrf2)  }
0x593: {  	s9 =	sadd.f32 $9.999999740e-06, s9;
	s25 =	spop (v2sf);
	(v2sf) =	vpush v8, $0xF  }
0x594: {  	s8 =	smul.f32 $1.562500000e-02, s25  }
0x595: {  	s19 =	sshra.s32 s9, $0x1;
	s9 =	smul.f32 $5.000000000e-01, s9  }
0x596: {  	s30 =	smul.f32 s8, s8;
	s14 =	spop (v2sf)  }
0x597: {  	s15 =	ssub.f32 $1.500000000e+00, s15;
	s18 =	ssub.s32 $0x5F3759DF, s19;
	s14 =	smul.f32 $1.562500000e-02, s14  }
0x598: {  	s5 =	ssub.f32 $1.500000000e+00, s5;
	s22 =	smul.f32 s18, s9  }
0x599: {  	s15 =	smul.f32 s15, s17;
	s12 =	ssub.f32 s14, s30  }
0x59a: {  	s10 =	ssub.f32 $1.500000000e+00, s29;
	s30 =	smul.f32 s18, s22  }
0x59b: {  	s5 =	smul.f32 s6, s5;
	s24 =	sadd.f32 $9.999999740e-06, s12  }
0x59c: {  	s2 =	smul.f32 s10, s2;
	s12 =	ssub.f32 $1.500000000e+00, s30  }
0x59d: {  	s25 =	sshra.s32 s24, $0x1;
	s6 =	smul.f32 $5.000000000e-01, s24  }
0x59e: {  	s12 =	smul.f32 s18, s12;
	s29 =	ssub.s32 $0x5F3759DF, s25  }
0x59f: {  	s19 =	smul.f32 s29, s6;
	s14 =	spop (v2sf)  }
0x5a0: {  	s0 =	smul.f32 $1.562500000e-02, s14  }
0x5a1: {  	s14 =	smul.f32 s29, s19  }
0x5a2: {  	s9 =	smul.f32 s12, s9;
	s22 =	spop (v2sf)  }
0x5a3: {  	s14 =	ssub.f32 $1.500000000e+00, s14;
	s19 =	smul.f32 $1.562500000e-02, s22  }
0x5a4: {  	s24 =	sadd.s32 $0xFFFFFFFC, s11;
	s22 =	smul.f32 s0, s0  }
0x5a5: {  	[smem:s24] =	sst s1;
	s1 =	smul.f32 s29, s14  }
0x5a6: {  	s29 =	smul.f32 s5, s28;
	s30 =	ssub.f32 s19, s22  }
0x5a7: {  	s25 =	sadd.s32 $0xFFFFFFFD, s20;
	s19 =	smul.f32 s7, s21  }
0x5a8: {  	s24 =	sadd.s32 $0xFFFFFFFE, s20;
	s10 =	smul.f32 s29, s5;
	s14 =	sadd.f32 $9.999999740e-06, s30  }
0x5a9: {  	[smem:s25] =	sst s26;
	s21 =	sadd.s32 $0xFFFFFFFD, s11;
	s6 =	smul.f32 s1, s6  }
0x5aa: {  	[smem:s21] =	sst s2;
	s22 =	sshra.s32 s14, $0x1;
	s14 =	smul.f32 $5.000000000e-01, s14  }
0x5ab: {  	s18 =	smul.f32 s19, s7;
	s10 =	ssub.f32 $1.500000000e+00, s10;
	s2 =	ssub.s32 $0x5F3759DF, s22  }
0x5ac: {  	s28 =	sadd.s32 $0xFFFFFFFE, s11;
	[smem:s24] =	sst s13;
	s25 =	smul.f32 s2, s14  }
0x5ad: {  	[smem:s28] =	sst s15;
	s5 =	smul.f32 s10, s5  }
0x5ae: {  	s29 =	sadd.s32 $0xFFFFFFFF, s20;
	s26 =	ssub.f32 $1.500000000e+00, s18;
	s10 =	smul.f32 s2, s25  }
0x5af: {  	s6 =	smul.f32 s6, s1;
	[smem:s29] =	sst s16  }
0x5b0: {  	s7 =	smul.f32 s26, s7;
	s10 =	ssub.f32 $1.500000000e+00, s10  }
0x5b1: {  	s9 =	smul.f32 s9, s12;
	s30 =	sadd.s32 $0xFFFFFFFF, s11;
	s6 =	ssub.f32 $1.500000000e+00, s6  }
0x5b2: {  	[smem:s30] =	sst s7;
	s2 =	smul.f32 s2, s10  }
0x5b3: {  	s10 =	ssub.f32 $1.500000000e+00, s9  }
0x5b4: {  	[smem:s20] =	sst s23;
	s15 =	smul.f32 s2, s14  }
0x5b5: {  	s13 =	sadd.s32 $0x1, s20;
	[smem:s11] =	sst s5;
	s16 =	smul.f32 s10, s12  }
0x5b6: {  	s17 =	sadd.s32 $0x1, s11;
	[smem:s13] =	sst s3;
	s18 =	smul.f32 s15, s2  }
0x5b7: {  	[smem:s17] =	sst s16  }
0x5b8: {  	s19 =	sadd.s32 $0x2, s20;
	s1 =	smul.f32 s6, s1;
	s21 =	ssub.f32 $1.500000000e+00, s18  }
0x5b9: {  	s22 =	sadd.s32 $0x2, s11;
	[smem:s19] =	sst s8  }
0x5ba: {  	s23 =	sadd.s32 $0x3, s20;
	[smem:s22] =	sst s1;
	s2 =	smul.f32 s21, s2  }
0x5bb: {  	s24 =	sadd.s32 $0x3, s11;
	[smem:s23] =	sst s0  }
0x5bc: {  	s8 =	simm.s32 $0x2;
	[smem:s24] =	sst s2  }
0x5bd: {  	s9 =	simm.s32 $0xCA;
	v8 =	vld [tilespmem:s4+$0xFFFFFFD0];
	s0 =	sld [smem:s8+$0x1]  }
0x5be: {  	v9 =	vld [tilespmem:s4+$0xFFFFFF10];
	s3 =	sld [smem:s9+$0x1]  }
0x5bf: {  	v10 =	vld [tilespmem:s4+$0xFFFFFF50];
	s2 =	sld [smem:s8+$0x0]  }
0x5c0: {  	v11 =	vld [tilespmem:s4+$0xFFFFFF90];
	s25 =	sld [smem:s8+$0xFFFFFFFE]  }
0x5c1: {  	v12 =	vld [tilespmem:s4+$0xFFFFFF20];
	s26 =	sld [smem:s9+$0xFFFFFFFE]  }
0x5c2: {  	s1 =	sld [smem:s8+$0xFFFFFFFF];
	v14 =	vld [tilespmem:s4+$0xFFFFFF60];
	v13 =	vmov s0  }
0x5c3: {  	v16 =	vld [tilespmem:s31+$0xFFFFFFD0];
	s29 =	sld [smem:s9+$0x0];
	v15 =	vmul.f32 s3, v0;
	v18 =	vmov s25;
	v8 =	vsub.f32 v8, v13  }
0x5c4: {  	v17 =	vld [tilespmem:s31+$0xFFFFFF10];
	s28 =	sld [smem:s9+$0xFFFFFFFF];
	v20 =	vmul.f32 s26, v0;
	v22 =	vmov s2;
	v9 =	vsub.f32 v9, v18  }
0x5c5: {  	v19 =	vld [tilespmem:s4+$0xFFFFFFE0];
	v11 =	vsub.f32 v11, v22;
	v8 =	vmul.f32 v15, v8  }
0x5c6: {  	v21 =	vld [tilespmem:s31+$0xFFFFFF50];
	v15 =	vmov s1;
	v9 =	vmul.f32 v20, v9;
	v20 =	vmul.f32 s29, v0  }
0x5c7: {  	v24 =	vld [tilespmem:s31+$0xFFFFFF90];
	v23 =	vmul.f32 s28, v0;
	v10 =	vsub.f32 v10, v15;
	v8 =	vadd.f32 v8, v4  }
0x5c8: {  	v25 =	vld [tilespmem:s4+$0xFFFFFFA0];
	v11 =	vmul.f32 v20, v11  }
0x5c9: {  	v26 =	vld [tilespmem:s4+$0xFFFFFF30];
	v10 =	vmul.f32 v23, v10;
	v8 =	vadd.f32 v8, v16  }
0x5ca: {  	v29 =	vld [tilespmem:s4+$0xFFFFFFB0];
	v27 =	vmul.f32 s26, v2;
	v9 =	vadd.f32 v9, v4;
	v11 =	vadd.f32 v11, v4  }
0x5cb: {  	v23 =	vld [tilespmem:s4+$0xFFFFFF70];
	v10 =	vadd.f32 v10, v4;
	[tilespmem:s4+$0xFFFFFFD0] =	vst v8;
	v8 =	vsub.f32 v19, v13;
	v19 =	vmul.f32 s3, v1  }
0x5cc: {  	v12 =	vsub.f32 v12, v18;
	v16 =	vmul.f32 s26, v1;
	v9 =	vadd.f32 v9, v17;
	v20 =	vld [tilespmem:s31+$0xFFFFFFE0]  }
0x5cd: {  	v11 =	vadd.f32 v11, v24;
	v10 =	vadd.f32 v10, v21;
	v21 =	vld [tilespmem:s4+$0xFFFFFF40];
	v8 =	vmul.f32 v8, v19  }
0x5ce: {  	v28 =	vmul.f32 s26, v3;
	v17 =	vld [tilespmem:s4+$0xFFFFFFF0];
	[tilespmem:s4+$0xFFFFFF10] =	vst v9;
	v12 =	vmul.f32 v12, v16  }
0x5cf: {  	v14 =	vsub.f32 v14, v15;
	v16 =	vld [tilespmem:s31+$0xFFFFFF20];
	v19 =	vmul.f32 s28, v1;
	[tilespmem:s4+$0xFFFFFF90] =	vst v11;
	v8 =	vadd.f32 v8, v5  }
0x5d0: {  	v60 =	vmul.f32 s29, v1;
	v9 =	vld [tilespmem:s4+$0xFFFFFF80];
	v11 =	vadd.f32 v12, v5;
	v12 =	vsub.f32 v25, v22;
	[tilespmem:s4+$0xFFFFFF50] =	vst v10  }
0x5d1: {  	v30 =	vmul.f32 s28, v2;
	v10 =	vmul.f32 v14, v19;
	v14 =	vld [tilespmem:s31+$0xFFFFFF60];
	v8 =	vadd.f32 v8, v20  }
0x5d2: {  	v62 =	vsub.f32 v26, v18;
	v12 =	vmul.f32 v12, v60;
	v20 =	vld [tilespmem:s31+$0xFFFFFFA0];
	v18 =	vsub.f32 v21, v18  }
0x5d3: {  	v21 =	vld [tilespmem:s4+$0xFFFFFFC0];
	[tilespmem:s4+$0xFFFFFFE0] =	vst v8;
	v8 =	vadd.f32 v10, v5;
	v10 =	vsub.f32 v17, v13;
	v17 =	vmul.f32 s3, v2  }
0x5d4: {  	v31 =	vmul.f32 s28, v3;
	v63 =	vsub.f32 v29, v22;
	v16 =	vadd.f32 v11, v16;
	v61 =	vld [tilespmem:s31+$0xFFFFFFF0]  }
0x5d5: {  	s30 =	simm.s32 $0xFFFFFFFC;
	v12 =	vadd.f32 v12, v5;
	v10 =	vmul.f32 v10, v17;
	v17 =	vsub.f32 v23, v15;
	v23 =	vld [tilespmem:s4+$0x0]  }
0x5d6: {  	s7 =	sadd.s32 $0x4, s30;
	v19 =	vmul.f32 s29, v2;
	v11 =	vmul.f32 v62, v27;
	v8 =	vadd.f32 v8, v14  }
0x5d7: {  	p1 =	slt.u32 s7, $0xC4;
	v32 =	vmul.f32 s29, v3;
	[tilespmem:s4+$0xFFFFFF20] =	vst v16;
	v12 =	vadd.f32 v12, v20;
	v10 =	vadd.f32 v10, v6  }
.Ltmp13:
0x5d8: {  	v9 =	vsub.f32 v9, v15;
	v11 =	vadd.f32 v11, v6;
	v14 =	vmul.f32 v63, v19;
	[tilespmem:s4+$0xFFFFFF60] =	vst v8;
	(pc) =	sbr.rel @!p1 .LBB2_21-.Ltmp13, $4  }
0x5d9: {  	v16 =	vld [tilespmem:s31+$0xFFFFFF30];
	v17 =	vmul.f32 v17, v30;
	[tilespmem:s4+$0xFFFFFFA0] =	vst v12;
	v12 =	vsub.f32 v21, v22;
	v8 =	vadd.f32 v10, v61  }
0x5da: {  	v15 =	vld [tilespmem:s31+$0xFFFFFF70];
	v21 =	vmul.f32 s3, v3;
	v10 =	vmul.f32 v18, v28;
	v19 =	vsub.f32 v23, v13  }
0x5db: {  	v20 =	vmul.f32 v9, v31;
	v14 =	vadd.f32 v14, v6;
	v13 =	vadd.f32 v17, v6;
	v17 =	vld [tilespmem:s31+$0xFFFFFFB0];
	[tilespmem:s4+$0xFFFFFFF0] =	vst v8  }
0x5dc: {  	p0 =	por $0x0, $0x0;
	s3 =	sadd.s32 $0x100, s4;
	v12 =	vmul.f32 v12, v32;
	v9 =	vadd.f32 v10, v7;
	v18 =	vld [tilespmem:s31+$0x0];
	v21 =	vmul.f32 v19, v21  }
0x5dd: {  	s1 =	sadd.s32 $0x4, s8  }
0x5de: {  	s2 =	sadd.s32 $0x4, s9;
	s0 =	sld [smem:s1+$0x1]  }
0x5df: {  	v8 =	vld [tilespmem:s3+$0xFFFFFFD0];
	s29 =	sld [smem:s2+$0x1]  }
0x5e0: {  	v19 =	vld [tilespmem:s3+$0xFFFFFF10];
	s5 =	sld [smem:s1+$0xFFFFFFFF]  }
0x5e1: {  	v22 =	vld [tilespmem:s3+$0xFFFFFF50];
	s30 =	sld [smem:s1+$0xFFFFFFFE]  }
0x5e2: {  	v23 =	vld [tilespmem:s3+$0xFFFFFF90];
	v10 =	vadd.f32 v20, v7;
	s12 =	sld [smem:s2+$0xFFFFFFFE]  }
0x5e3: {  	v24 =	vld [tilespmem:s3+$0xFFFFFF60];
	v11 =	vadd.f32 v11, v16;
	v21 =	vadd.f32 v21, v7;
	s9 =	sld [smem:s2+$0xFFFFFFFF];
	v20 =	vmov s0  }
0x5e4: {  	s11 =	sadd.s32 $0x100, s31;
	v32 =	vld [tilespmem:s3+$0xFFFFFFA0];
	s13 =	sld [smem:s2+$0x0];
	v13 =	vadd.f32 v13, v15;
	v25 =	vmul.f32 s29, v0;
	v8 =	vsub.f32 v8, v20  }
0x5e5: {  	v26 =	vadd.f32 v14, v17;
	v14 =	vld [tilespmem:s11+$0xFFFFFFD0];
	v21 =	vadd.f32 v21, v18  }
0x5e6: {  	v33 =	vld [tilespmem:s3+$0xFFFFFF70];
	s6 =	sld [smem:s1+$0x0];
	v17 =	vmov s5;
	v28 =	vmul.f32 s12, v0;
	v8 =	vmul.f32 v25, v8  }
0x5e7: {  	v15 =	vld [tilespmem:s3+$0xFFFFFFE0];
	v27 =	vmov s30;
	v30 =	vmul.f32 s9, v0;
	v49 =	vmul.f32 s13, v0  }
0x5e8: {  	v16 =	vld [tilespmem:s3+$0xFFFFFF20];
	v50 =	vmul.f32 s29, v1;
	v52 =	vmul.f32 s9, v1;
	v8 =	vadd.f32 v8, v4  }
0x5e9: {  	v34 =	vld [tilespmem:s3+$0xFFFFFFB0];
	v22 =	vsub.f32 v22, v17;
	v19 =	vsub.f32 v19, v27;
	v25 =	vmov s6  }
0x5ea: {  	v18 =	vld [tilespmem:s11+$0xFFFFFF10];
	v53 =	vmul.f32 s13, v1;
	v23 =	vsub.f32 v23, v25;
	v8 =	vadd.f32 v8, v14  }
0x5eb: {  	v29 =	vld [tilespmem:s11+$0xFFFFFF50];
	v24 =	vsub.f32 v24, v17;
	v57 =	vsub.f32 v33, v17;
	v19 =	vmul.f32 v28, v19  }
0x5ec: {  	v31 =	vld [tilespmem:s11+$0xFFFFFF90];
	v22 =	vmul.f32 v30, v22;
	v15 =	vsub.f32 v15, v20;
	v23 =	vmul.f32 v49, v23;
	[tilespmem:s3+$0xFFFFFFD0] =	vst v8  }
0x5ed: {  	v16 =	vsub.f32 v16, v27;
	v8 =	vadd.f32 v19, v4;
	v19 =	vmul.f32 s12, v1;
	v51 =	vld [tilespmem:s11+$0xFFFFFFE0]  }
0x5ee: {  	v22 =	vadd.f32 v22, v4;
	v15 =	vmul.f32 v15, v50;
	v14 =	vld [tilespmem:s3+$0xFFFFFF30];
	v23 =	vadd.f32 v23, v4  }
0x5ef: {  	v18 =	vadd.f32 v8, v18;
	v8 =	vadd.f32 v12, v7;
	v12 =	vmul.f32 v16, v19;
	v19 =	vld [tilespmem:s3+$0xFFFFFFF0]  }
0x5f0: {  	v56 =	vmul.f32 s9, v2;
	v15 =	vadd.f32 v15, v5;
	v16 =	vadd.f32 v22, v29;
	v22 =	vld [tilespmem:s3+$0xFFFFFF40]  }
0x5f1: {  	v24 =	vmul.f32 v24, v52;
	v54 =	vsub.f32 v32, v25;
	v23 =	vadd.f32 v23, v31;
	[tilespmem:s3+$0xFFFFFF10] =	vst v18;
	v18 =	vld [tilespmem:s3+$0xFFFFFF80]  }
0x5f2: {  	v55 =	vmul.f32 s12, v2;
	v28 =	vmul.f32 v57, v56;
	[tilespmem:s3+$0xFFFFFF50] =	vst v16;
	v16 =	vld [tilespmem:s11+$0xFFFFFF20];
	v15 =	vadd.f32 v15, v51  }
0x5f3: {  	v59 =	vsub.f32 v34, v25;
	v24 =	vadd.f32 v24, v5;
	v29 =	vmul.f32 v54, v53;
	[tilespmem:s3+$0xFFFFFF90] =	vst v23;
	v23 =	vld [tilespmem:s11+$0xFFFFFF60]  }
0x5f4: {  	v14 =	vsub.f32 v14, v27;
	v58 =	vld [tilespmem:s11+$0xFFFFFFA0];
	[tilespmem:s3+$0xFFFFFFE0] =	vst v15;
	v15 =	vsub.f32 v19, v20;
	v19 =	vmul.f32 s29, v2  }
0x5f5: {  	[tilespmem:s4+$0xFFFFFF70] =	vst v13;
	v13 =	vadd.f32 v28, v6;
	v12 =	vadd.f32 v12, v5;
	v60 =	vld [tilespmem:s11+$0xFFFFFFF0]  }
0x5f6: {  	[tilespmem:s4+$0xFFFFFF30] =	vst v11;
	v29 =	vadd.f32 v29, v5;
	v14 =	vmul.f32 v14, v55;
	v15 =	vmul.f32 v15, v19;
	v19 =	vld [tilespmem:s3+$0xFFFFFFC0]  }
0x5f7: {  	v61 =	vld [tilespmem:s3+$0x0];
	[tilespmem:s4+$0xFFFFFFB0] =	vst v26;
	v22 =	vsub.f32 v22, v27;
	v27 =	vmul.f32 s13, v2;
	v12 =	vadd.f32 v12, v16  }
0x5f8: {  	v62 =	vld [tilespmem:s31+$0xFFFFFF80];
	[tilespmem:s4+$0x0] =	vst v21;
	v23 =	vadd.f32 v24, v23;
	v24 =	vmul.f32 s12, v3;
	s12 =	sadd.s32 $0x4, s7;
	v15 =	vadd.f32 v15, v6  }
0x5f9: {  	v11 =	vadd.f32 v14, v6;
	v14 =	vmul.f32 v59, v27;
	v27 =	vld [tilespmem:s31+$0xFFFFFF40];
	p1 =	slt.u32 s12, $0xC4;
	[tilespmem:s3+$0xFFFFFF20] =	vst v12;
	v12 =	vadd.f32 v29, v58  }
.Ltmp14:
0x5fa: {  	v63 =	vmul.f32 s9, v3;
	v18 =	vsub.f32 v18, v17;
	[tilespmem:s3+$0xFFFFFF60] =	vst v23;
	v16 =	vld [tilespmem:s11+$0xFFFFFF30];
	v31 =	vadd.f32 v15, v60;
	(pc) =	sbr.rel @!p1 .LBB2_23-.Ltmp14, $4  }
0x5fb: {  	v23 =	vmul.f32 s13, v3;
	v22 =	vmul.f32 v22, v24;
	v15 =	vld [tilespmem:s11+$0xFFFFFF70];
	[tilespmem:s3+$0xFFFFFFA0] =	vst v12;
	v12 =	vsub.f32 v19, v25  }
0x5fc: {  	p0 =	por $0x1, $0x1;
	v14 =	vadd.f32 v14, v6;
	v17 =	vld [tilespmem:s11+$0xFFFFFFB0];
	v19 =	vsub.f32 v61, v20;
	v25 =	vmul.f32 s29, v3;
	[tilespmem:s3+$0xFFFFFFF0] =	vst v31  }
0x5fd: {  	s10 =	simm.s32 $0x0;
	s16 =	simm.s32 $0x6A40;
	v24 =	vadd.f32 v22, v7;
	v20 =	vmul.f32 v18, v63;
	v12 =	vmul.f32 v12, v23;
	v18 =	vld [tilespmem:s11+$0x0];
	s17 =	rddreg [dreg:$0x12]  }
0x5fe: {  	s8 =	smov.u32 s11;
	s7 =	sadd.s32 $0x100, s3;
	v22 =	vld [tilespmem:s31+$0xFFFFFFC0];
	v21 =	vmul.f32 v19, v25;
	v23 =	vadd.f32 v9, v27;
	v19 =	vadd.f32 v10, v62;
	s18 =	rddreg [dreg:$0x14]  }
.LBB2_24:
0x5ff: {  	v25 =	vld [tilespmem:s7+$0xFFFFFFD0];
	s12 =	sadd.s32 $0x4, s12;
	v11 =	vadd.f32 v11, v16;
	v9 =	vadd.f32 v20, v7;
	s1 =	sadd.s32 $0x4, s1;
	v10 =	vmov v24  }
0x600: {  	s2 =	sadd.s32 $0x4, s2;
	v16 =	vld [tilespmem:s7+$0xFFFFFF10];
	s0 =	sld [smem:s1+$0x1];
	p1 =	slt.u32 s12, $0xC4;
	v13 =	vadd.f32 v13, v15;
	v15 =	vadd.f32 v21, v7;
	[tilespmem:s4+$0xFFFFFF40] =	vst v23  }
0x601: {  	v20 =	vld [tilespmem:s7+$0xFFFFFF50];
	s9 =	sld [smem:s2+$0x1];
	[tilespmem:s3+$0xFFFFFF30] =	vst v11;
	v11 =	vadd.f32 v14, v17;
	v14 =	vadd.f32 v12, v7  }
0x602: {  	s5 =	sld [smem:s1+$0xFFFFFFFF];
	v17 =	vld [tilespmem:s7+$0xFFFFFF90];
	[tilespmem:s3+$0xFFFFFF70] =	vst v13;
	v13 =	vadd.f32 v15, v18  }
0x603: {  	v15 =	vld [tilespmem:s7+$0xFFFFFF20];
	s6 =	sld [smem:s1+$0x0];
	v12 =	vmov s0;
	[tilespmem:s3+$0xFFFFFFB0] =	vst v11;
	v11 =	vadd.f32 v8, v22;
	v8 =	vmov v14  }
0x604: {  	s8 =	sadd.s32 $0x100, s8;
	s0 =	sld [smem:s1+$0xFFFFFFFE];
	v14 =	vld [tilespmem:s7+$0xFFFFFF60];
	v18 =	vsub.f32 v25, v12;
	v21 =	vmul.f32 s9, v0;
	[tilespmem:s3+$0x0] =	vst v13  }
0x605: {  	s14 =	sld [smem:s2+$0xFFFFFFFE];
	v22 =	vmov s5;
	v13 =	vld [tilespmem:s8+$0xFFFFFFD0];
	[tilespmem:s4+$0xFFFFFF80] =	vst v19  }
0x606: {  	v19 =	vld [tilespmem:s8+$0xFFFFFF10];
	s13 =	sld [smem:s2+$0xFFFFFFFF];
	v20 =	vsub.f32 v20, v22;
	v23 =	vmov s6;
	v18 =	vmul.f32 v21, v18;
	[tilespmem:s4+$0xFFFFFFC0] =	vst v11;
	s4 =	smov.u32 s3;
	s3 =	smov.u32 s7  }
0x607: {  	v11 =	vmov s0;
	s15 =	sld [smem:s2+$0x0];
	v17 =	vsub.f32 v17, v23;
	v21 =	vld [tilespmem:s7+$0xFFFFFFE0]  }
0x608: {  	v16 =	vsub.f32 v16, v11;
	v24 =	vmul.f32 s14, v0;
	v25 =	vld [tilespmem:s8+$0xFFFFFF50];
	v18 =	vadd.f32 v18, v4  }
0x609: {  	v15 =	vsub.f32 v15, v11;
	v26 =	vmul.f32 s13, v0;
	v14 =	vsub.f32 v14, v22;
	v27 =	vld [tilespmem:s8+$0xFFFFFF90]  }
0x60a: {  	v16 =	vmul.f32 v24, v16;
	v24 =	vmul.f32 s15, v0;
	v28 =	vld [tilespmem:s7+$0xFFFFFFA0];
	v13 =	vadd.f32 v18, v13  }
0x60b: {  	v18 =	vmul.f32 s14, v1;
	v29 =	vld [tilespmem:s7+$0xFFFFFF30];
	v20 =	vmul.f32 v26, v20  }
0x60c: {  	v26 =	vld [tilespmem:s7+$0xFFFFFF70];
	v17 =	vmul.f32 v24, v17;
	[tilespmem:s7+$0xFFFFFFD0] =	vst v13;
	v13 =	vsub.f32 v21, v12;
	v21 =	vmul.f32 s9, v1  }
0x60d: {  	v16 =	vadd.f32 v16, v4;
	v24 =	vmul.f32 s13, v1;
	v20 =	vadd.f32 v20, v4;
	v30 =	vld [tilespmem:s8+$0xFFFFFFE0]  }
0x60e: {  	v31 =	vmul.f32 s15, v1;
	v17 =	vadd.f32 v17, v4;
	v32 =	vld [tilespmem:s7+$0xFFFFFFB0];
	v13 =	vmul.f32 v13, v21  }
0x60f: {  	v15 =	vmul.f32 v15, v18;
	v16 =	vadd.f32 v16, v19;
	v18 =	vadd.f32 v20, v25;
	v19 =	vld [tilespmem:s7+$0xFFFFFFF0]  }
0x610: {  	v14 =	vmul.f32 v14, v24;
	v20 =	vld [tilespmem:s7+$0xFFFFFF40];
	v17 =	vadd.f32 v17, v27;
	v13 =	vadd.f32 v13, v5  }
0x611: {  	v15 =	vadd.f32 v15, v5;
	v24 =	vsub.f32 v28, v23;
	[tilespmem:s7+$0xFFFFFF10] =	vst v16;
	v16 =	vmul.f32 s14, v2;
	v21 =	vld [tilespmem:s7+$0xFFFFFF80]  }
0x612: {  	v14 =	vadd.f32 v14, v5;
	v25 =	vld [tilespmem:s8+$0xFFFFFF20];
	[tilespmem:s7+$0xFFFFFF50] =	vst v18;
	v18 =	vmul.f32 s13, v2;
	v13 =	vadd.f32 v13, v30  }
0x613: {  	v27 =	vsub.f32 v29, v11;
	v26 =	vsub.f32 v26, v22;
	v28 =	vld [tilespmem:s8+$0xFFFFFF60];
	[tilespmem:s7+$0xFFFFFF90] =	vst v17;
	v17 =	vmul.f32 v24, v31  }
0x614: {  	v29 =	vsub.f32 v32, v23;
	v24 =	vld [tilespmem:s8+$0xFFFFFFA0];
	[tilespmem:s7+$0xFFFFFFE0] =	vst v13;
	v13 =	vsub.f32 v19, v12;
	v19 =	vmul.f32 s9, v2  }
0x615: {  	v16 =	vmul.f32 v27, v16;
	v27 =	vmul.f32 s15, v2;
	v17 =	vadd.f32 v17, v5;
	v30 =	vld [tilespmem:s8+$0xFFFFFFF0]  }
0x616: {  	v18 =	vmul.f32 v26, v18;
	v20 =	vsub.f32 v20, v11;
	v26 =	vld [tilespmem:s7+$0xFFFFFFC0];
	v13 =	vmul.f32 v13, v19  }
0x617: {  	v11 =	vadd.f32 v16, v6;
	v19 =	vmul.f32 v29, v27;
	v15 =	vadd.f32 v15, v25;
	v25 =	vld [tilespmem:s7+$0x0]  }
0x618: {  	v27 =	vmul.f32 s14, v3;
	v14 =	vadd.f32 v14, v28;
	v28 =	vadd.f32 v13, v6;
	v29 =	vld [tilespmem:s11+$0xFFFFFF40]  }
0x619: {  	v13 =	vadd.f32 v18, v6;
	v18 =	vmul.f32 s13, v3;
	[tilespmem:s7+$0xFFFFFF20] =	vst v15;
	v17 =	vadd.f32 v17, v24;
	v31 =	vld [tilespmem:s11+$0xFFFFFF80]  }
.Ltmp15:
0x61a: {  	v16 =	vld [tilespmem:s8+$0xFFFFFF30];
	[tilespmem:s7+$0xFFFFFF60] =	vst v14;
	v14 =	vadd.f32 v19, v6;
	v19 =	vmul.f32 s15, v3;
	v24 =	vadd.f32 v28, v30;
	(pc) =	sbr.rel @p1 .LBB2_24-.Ltmp15, $4  }
0x61b: {  	v21 =	vsub.f32 v21, v22;
	v20 =	vmul.f32 v20, v27;
	v15 =	vld [tilespmem:s8+$0xFFFFFF70];
	[tilespmem:s7+$0xFFFFFFA0] =	vst v17;
	v22 =	vsub.f32 v26, v23  }
0x61c: {  	v17 =	vld [tilespmem:s8+$0xFFFFFFB0];
	[tilespmem:s7+$0xFFFFFFF0] =	vst v24;
	v23 =	vsub.f32 v25, v12;
	v25 =	vmul.f32 s9, v3  }
0x61d: {  	v24 =	vadd.f32 v20, v7;
	v20 =	vmul.f32 v21, v18;
	v12 =	vmul.f32 v22, v19;
	v18 =	vld [tilespmem:s8+$0x0]  }
0x61e: {  	s7 =	sadd.s32 $0x100, s7;
	v21 =	vmul.f32 v23, v25;
	v23 =	vadd.f32 v10, v29;
	v19 =	vadd.f32 v9, v31;
	v22 =	vld [tilespmem:s11+$0xFFFFFFC0];
	s11 =	smov.u32 s8  }
0x61f: {  	s0 =	smov.u32 s4;
	v9 =	vmov v24;
	s4 =	smov.u32 s3;
	s31 =	smov.u32 s11  }
.LBB2_26:
0x620: {  	v10 =	vadd.f32 v11, v16;
	[tilespmem:s0+$0xFFFFFF40] =	vst @p0 v23  }
0x621: {  	v56 =	vadd.f32 v13, v15;
	v58 =	vadd.f32 v21, v7;
	[tilespmem:s0+$0xFFFFFF80] =	vst @p0 v19  }
0x622: {  	v57 =	vadd.f32 v14, v17;
	[tilespmem:s4+$0xFFFFFF30] =	vst v10  }
0x623: {  	[tilespmem:s4+$0xFFFFFF70] =	vst v56;
	v13 =	vadd.f32 v58, v18;
	v59 =	vld [tilespmem:s31+$0xFFFFFF40]  }
0x624: {  	[tilespmem:s4+$0xFFFFFFB0] =	vst v57;
	v60 =	vld [tilespmem:s31+$0xFFFFFF80]  }
0x625: {  	v61 =	vld [tilespmem:s31+$0xFFFFFFC0];
	[tilespmem:s4+$0x0] =	vst v13  }
0x626: {  	v8 =	vadd.f32 @p0 v8, v22;
	s1 =	rddreg [dreg:$0x6]  }
0x627: {  	v62 =	vadd.f32 v20, v7;
	s17 =	sadd.s32 $0x1, s17;
	s1 =	sadd.s32 s18, s1  }
0x628: {  	v12 =	vadd.f32 v12, v7;
	[tilespmem:s0+$0xFFFFFFC0] =	vst @p0 v8;
	p0 =	sne.s32 s17, $0x20;
	s30 =	smul.u32 $0x640, s1;
	v9 =	vadd.f32 v9, v59  }
.Ltmp16:
0x629: {  	v8 =	vadd.f32 v62, v60;
	(pc) =	sbr.rel @p0 .LBB2_2-.Ltmp16, $4  }
.Ltmp17:
0x62a: {  	s31 =	rddreg [dreg:$0x3];
	v63 =	vadd.f32 v12, v61;
	[tilespmem:s4+$0xFFFFFF40] =	vst v9;
	(pc) =	sbr.rel @!p0 .LBB2_27-.Ltmp17, $4  }
0x62b: {  	s0 =	sadd.s32 s31, s30;
	[tilespmem:s4+$0xFFFFFF80] =	vst v8  }
0x62c: {  	s0 =	sadd.s32 $0xC80, s0;
	[tilespmem:s4+$0xFFFFFFC0] =	vst v63  }
0x62d: {  	[hbm4b:s0+s10] =	stream.linear.scatter [tilespmem:s16], [sflag:$0x6], $0x6400, $0x38;
	[tilespmem:$0x196C0] =	vst v63  }
0x62e: {  	_ = 	snop  }
.LBB2_9:
.Ltmp18:
0x62f: {  	(pc) =	sbr.rel .LBB2_14-.Ltmp18, $3  }
0x630: {  	_ =	sdelay $0x1  }
0x631: {  	s16 =	rddreg [dreg:$0x12]  }
0x632: {  	s15 =	simm.s32 $0x0;
	s17 =	rddreg [dreg:$0x13]  }
.LBB2_21:
.Ltmp19:
0x633: {  	(pc) =	sbr.rel .LBB2_26-.Ltmp19, $3  }
0x634: {  	_ =	sdelay $0x1  }
0x635: {  	s17 =	rddreg [dreg:$0x12]  }
0x636: {  	s10 =	simm.s32 $0x0;
	s16 =	simm.s32 $0x6A40;
	s18 =	rddreg [dreg:$0x14]  }
.LBB2_11:
.Ltmp20:
0x637: {  	(pc) =	sbr.rel .LBB2_14-.Ltmp20, $2  }
0x638: {  	_ =	sdelay $0x2  }
0x639: {  	s1 =	smov.u32 s4;
	v9 =	vmov v24;
	s4 =	smov.u32 s3;
	s0 =	smov.u32 s11  }
.LBB2_23:
.Ltmp21:
0x63a: {  	(pc) =	sbr.rel .LBB2_26-.Ltmp21, $2  }
0x63b: {  	_ =	sdelay $0x2  }
0x63c: {  	s0 =	smov.u32 s4;
	v9 =	vmov v24;
	s4 =	smov.u32 s3;
	s31 =	smov.u32 s11  }
.LBB2_28:
0x63d: {  	_ =	sfence.sel $0x180000  }
0x63e: {  	[bflag:$0x0] =	sbarrier.arrive $0xFFFF  }
0x63f: {  	_ =	strace $0x9000004A  }
0x640: {  	s0 =	stileid.u32;
	[bflag:$0x2] =	sbarrier.arrive $0xFFFF  }
0x641: {  	p0 =	sne.s32 s0, $0x0;
	s0 =	rddreg [dreg:$0x4]  }
0x642: {  	s0 =	sadd.s32 @!p0 $0x100000, s0  }
0x643: {  	[sflag:s0] =	ssyncadd.tile.s32 @!p0 $0x1;
	_ =	shalt  }
.Lfunc_end2:
_tile_overlayer_lowered:
.L_overlay_start_2:
0x644: {  	(tag) =	ssettag $0x2  }
0x645: {  	s0 =	rddreg [dreg:$0x0];
	s2 =	stileid.u32  }
0x646: {  	s1 =	rddreg [dreg:$0x1];
	p0 =	sne.s32 s2, $0x0  }
0x647: {  	s3 =	rddreg [dreg:$0x2];
	[bflag:$0x3] =	sbarrier.arrive $0xFFFF;
	s2 =	simm.s32 @!p0 $0x1C07  }
0x648: {  	[timem:s3], [sflag:s2] =	dma.local @!p0 [hbm:s0], s1  }
0x649: {  	s0 =	simm.s32 @!p0 $0x7  }
0x64a: {  	_ =	swait.ge @!p0 [sflag:s0], s1  }
0x64b: {  	s1 =	ssub.s32 @!p0 $0x0, s1;
	[sflag:s0] =	ssyncset.done @!p0 $0x0  }
0x64c: {  	[sflag:s0] =	ssyncadd.s32 @!p0 s1  }
0x64d: {  	[bflag:$0x3] =	sbarrier.arrive $0xFFFF  }
0x64e: {  	_ =	shalt  }

// kernel: sparse-core-data-format-call.cloned.1.call-start
scs
called_computation_lowered:
.L_overlay_start_0:
0x0: {  	s2 =	sld [smem:$0x3FD9]  }
0x1: {  	s3 =	sld [smem:$0x3FFE];
	_ =	sdelay $0x1  }
0x2: {  	s1 =	srdreg.scid  }
0x3: {  	s0 =	sand.u32 $0x1, s1  }
0x4: {  	s18 =	sshll.u32 s0, $0xA;
	s2 =	sadd.s32 s3, s2  }
0x5: {  	s2 =	sadd.s32 s2, s18  }
0x6: {  	[smem:$0x3FC0] =	sst s2  }
0x7: {  	_ = 	snop  }
0x8: {  	s2 =	sld [smem:$0x3FD0];
	(tm) =	ssettm $0x1  }
0x9: {  	s19 =	sld [smem:$0x3FFB];
	_ =	sdelay $0x3  }
0xa: {  	_ =	strace s19  }
0xb: {  	s3 =	sld [smem:$0x3FFC];
	_ =	sdelay $0x3  }
0xc: {  	_ =	strace s3  }
0xd: {  	s3 =	sld [smem:$0x3FFD];
	_ =	sdelay $0x3  }
0xe: {  	_ =	strace s3  }
0xf: {  	_ =	strace $0x8FFFFFFF  }
0x10: {  	s20 =	sld [smem:$0x3FDB];
	_ =	sdelay $0x1  }
0x11: {  	s4 =	simm.s32 $_scs_section_size  }
0x12: {  	s5 =	simm.s32 $_size__tile_overlayer_lowered;
	s6 =	simm.s32 $_tile_overlayer_lowered  }
0x13: {  	s23 =	simm.s32 $0x1BFF;
	s22 =	sshll.u32 s6, $0x1;
	s3 =	sadd.s32 s4, s20  }
0x14: {  	s7 =	simm.s32 $0x0;
	s21 =	sshll.u32 s5, $0x1;
	s5 =	sadd.s32 s22, s3  }
0x15: {  	[timem:s7], [sflag:s23] =	dma.local [hbm:s5], s21  }
0x16: {  	_ =	swait.ge [sflag:s23], s21  }
0x17: {  	s4 =	ssub.s32 $0x0, s21;
	[sflag:s23] =	ssyncset.done $0x0  }
0x18: {  	[sflag:s23] =	ssyncadd.s32 s4;
	_ =	sdelay $0x1  }
0x19: {  	s24 =	simm.s32 $0x1B8B  }
0x1a: {  	_ =	swait.ge [sflag:s24], $0x1  }
0x1b: {  	[sflag:s24] =	ssyncset.done $0x0  }
0x1c: {  	s26 =	simm.s32 $0x1B8E;
	s25 =	sld [smem:$0x3FFE];
	[sflag:s24] =	ssyncadd.s32 $0xFFFFFFFF  }
0x1d: {  	s27 =	simm.s32 $execute0_lowered;
	[smem:$0x3FD2] =	sst s26  }
0x1e: {  	s5 =	sshll.u32 s27, $0x1;
	_ =	strace $0x8000004C;
	[dreg:$0x1] =	wrdreg $0xFFFFFFFF  }
0x1f: {  	s28 =	simm.s32 $_size_execute0_lowered;
	s3 =	sadd.s32 s3, s5;
	[dreg:$0x0] =	wrdreg $0x0  }
0x20: {  	s5 =	sshll.u32 s28, $0x1;
	[dreg:$0x2] =	wrdreg s3  }
0x21: {  	[dreg:$0x3] =	wrdreg s5  }
0x22: {  	[dreg:$0x4] =	wrdreg $0xC0  }
0x23: {  	_ =	task [dreg:s7], $0x5FFFF  }
0x24: {  	[dreg:$0x1] =	wrdreg $0xFFFFFFFF  }
0x25: {  	[dreg:$0x0] =	wrdreg $0x60  }
0x26: {  	[dreg:$0x2] =	wrdreg s25  }
0x27: {  	[dreg:$0x3] =	wrdreg s2  }
0x28: {  	[dreg:$0x4] =	wrdreg $0x9  }
0x29: {  	_ =	task.clear_ibuf [dreg:s7], $0x5FFFF;
	_ =	strace $0x9000004C  }
0x2a: {  	s29 =	simm.s32 $0x9;
	_ =	strace $0x8000004E  }
0x2b: {  	_ =	swait.ge [sflag:s29], $0x1  }
0x2c: {  	[sflag:s29] =	ssyncadd.s32 $0xFFFFFFFF  }
0x2d: {  	_ =	strace $0x9000004E  }
0x2e: {  	_ =	sfence  }
0x2f: {  	s30 =	sld [smem:$0x0];
	_ =	sdelay $0x2  }
0x30: {  	s31 =	sshll.u32 s1, $0xD;
	s1 =	sshrl.u32 s1, $0x2  }
0x31: {  	s3 =	sand.u32 $0x4000, s31;
	s1 =	sadd.s32 s1, s30  }
0x32: {  	s0 =	sor.u32 s3, s0;
	s1 =	sshll.u32 s1, $0x11  }
0x33: {  	s0 =	sor.u32 s1, s0  }
0x34: {  	s0 =	sadd.s32 $0x8F2B, s0  }
0x35: {  	[sflag:s0] =	ssyncadd.remote.s32 $0x1  }
0x36: {  	_ =	sfence.sel $0xFFFF  }
0x37: {  	[dreg:$0x0] =	wrdreg $0xFFFFFFFF;
	(pc) =	sbr.abs _section_cstart, $3  }
0x38: {  	[dreg:$0x1] =	wrdreg $0xFFFFFFFF  }
0x39: {  	_ =	task.clear_ibuf [dreg:s7], $0x2FFFF;
	_ =	strace $0x9FFFFFFF  }
0x3a: {  	(tm) =	ssettm $0x7FFFFFFF  }
0x3b: {  	_ =	shalt  }
tec
execute0_lowered:
.L_overlay_start_1:
0x0: {  	(tag) =	ssettag $0x1  }
0x1: {  	s0 =	srdreg.scid  }
0x2: {  	s1 =	sshll.u32 s0, $0x4  }
0x3: {  	s0 =	stileid.u32;
	s1 =	sand.u32 $0x10, s1  }
0x4: {  	s1 =	sor.u32 s0, s1  }
0x5: {  	s6 =	rddreg [dreg:$0x0];
	s4 =	simm.s32 $0x1;
	s2 =	sshll.u32 s1, $0x7  }
0x6: {  	s7 =	simm.s32 $0x2;
	s12 =	simm.s32 $0x0;
	s1 =	ssub.s32 $0x1000, s2  }
0x7: {  	s8 =	simm.s32 $0x8000;
	s13 =	simm.s32 $0x0;
	s3 =	sand.u32 $0xF80, s1  }
0x8: {  	s9 =	simm.s32 $0x0;
	s5 =	sshrl.u32 s1, $0xC;
	p0 =	sne.s32 s3, $0x0  }
.Ltmp0:
0x9: {  	s1 =	rddreg [dreg:$0x2];
	s4 =	simm.s32 @!p0 $0x0;
	(pc) =	sbr.rel .LBB1_1-.Ltmp0, $4  }
0xa: {  	s11 =	simm.s32 $0x0;
	s3 =	rddreg [dreg:$0x1];
	s5 =	sadd.s32 s4, s5  }
0xb: {  	_ =	strace $0x8000004D;
	s4 =	simm.s32 $0x1;
	s5 =	smul.u32 $0xC8, s5  }
0xc: {  	s6 =	sadd.s32 $0x1000, s6;
	s10 =	smov.u32 s2;
	[sflag:s4] =	ssyncpa.u1 $0x0  }
0xd: {  	p0 =	por $0x0, $0x0;
	[sflag:s7] =	ssyncpa.u1 $0x0;
	s7 =	sor.u32 $0x1, s5  }
.LBB1_4:
0xe: {  	s16 =	sshll.u32 s13, $0x3;
	s17 =	sand.u32 $0x78, s13  }
0xf: {  	s30 =	sand.u32 $0x7E00, s13;
	s12 =	sshll.u32 s12, $0xF;
	s16 =	sand.u32 $0xC00, s16  }
0x10: {  	[tilespmem:s15+$0x810 ss:$0x81] =	vst.msk $0xffff, v2;
	s31 =	sand.u32 $0x7, s13;
	s16 =	sor.u32 s17, s16;
	s17 =	sadd.s32 s3, s30  }
0x11: {  	[tilespmem:s15+$0x1020 ss:$0x81] =	vst.msk $0xffff, v0;
	s13 =	sshll.u32 s31, $0x12;
	s12 =	sadd.s32 s12, s17;
	s16 =	sshrl.u32 s16, $0x3  }
0x12: {  	[tilespmem:s15+$0x0 ss:$0x81] =	vst.msk $0xffff, v1;
	s13 =	sor.u32 $0x400, s13;
	s12 =	sadd.s32 s16, s12  }
0x13: {  	[hbm4b:s12+s13] =	stream.strided.scatter [tilespmem:s14], [sflag:$0x2], $0x2000, s8, s13, $0x20;
	[tilespmem:$0x8080] =	vst v63  }
.LBB1_5:
0x14: {  	s14 =	sadd.s32 $0x1, s9  }
0x15: {  	s12 =	sadd.s32 $0x1000, s10;
	s16 =	smov.u32 s10;
	p2 =	sgt.s32 s14, $0xC7  }
0x16: {  	s16 =	smov.u32 @p2 s12  }
0x17: {  	s14 =	simm.s32 @p2 $0x0;
	p2 =	sgt.s32 s16, $0xFFF  }
0x18: {  	s16 =	smov.u32 @p2 s2;
	p2 =	sne.s32 s11, s7  }
.Ltmp1:
0x19: {  	p1 =	slt.u32 s11, $0x2;
	(pc) =	sbr.rel @!p2 .LBB1_6-.Ltmp1, $4  }
0x1a: {  	s15 =	simm.s32 @!p1 $0x2  }
0x1b: {  	s13 =	smov.u32 s10;
	p0 =	por !p0, !p0;
	_ =	swait.ge @!p1 [sflag:s15], $0x2000  }
0x1c: {  	s12 =	smov.u32 s9;
	[sflag:s15] =	ssyncset.done @!p1 $0x0;
	s9 =	smov.u32 s14  }
0x1d: {  	s11 =	sadd.s32 $0x1, s11;
	[sflag:s15] =	ssyncadd.s32 @!p1 $0xFFFFE000;
	s10 =	smov.u32 s16  }
.LBB1_1:
0x1e: {  	p1 =	sge.u32 s11, s5  }
0x1f: {  	s14 =	sand.u32 @!p1 $0x1FFFFFF, s9  }
0x20: {  	s15 =	smulhi.u32 @!p1 $0x147AE15, s14;
	_ =	sdelay $0x1  }
0x21: {  	s15 =	smul.u32 @!p1 $0xC8, s15  }
0x22: {  	s16 =	sxor.u32 @!p1 $0xFFFFFFFF, s11;
	s17 =	smul.u32 @!p1 $0xC80, s10  }
0x23: {  	s31 =	sadd.s32 $0xFFFFFFFF, s11;
	s16 =	sshll.u32 @!p1 s16, $0xD;
	s14 =	ssub.s32 @!p1 s14, s15  }
0x24: {  	s15 =	sand.u32 @!p1 $0x2000, s16;
	s16 =	sadd.s32 @!p1 s6, s17;
	s14 =	sshll.u32 @!p1 s14, $0x4  }
0x25: {  	s17 =	simm.s32 @!p1 $0x6400;
	s14 =	sadd.s32 @!p1 s14, s16;
	s16 =	simm.s32 @!p1 $0x40  }
0x26: {  	[tilespmem:s15], [sflag:$0x1] =	stream.strided.gather @!p1 [hbm4b:s14+s16], $0x2000, s17, s16, $0x38;
	[tilespmem:$0x8080] =	vst v63  }
0x27: {  	p1 =	sge.u32 s31, s5  }
.Ltmp2:
0x28: {  	_ = 	snop;
	(pc) =	sbr.rel @p1 .LBB1_5-.Ltmp2, $1  }
0x29: {  	_ =	sdelay $0x3  }
0x2a: {  	s14 =	simm.s32 $0x1  }
0x2b: {  	_ =	swait.ge [sflag:s4], $0x2000;
	s14 =	simm.s32 @!p0 $0x0  }
0x2c: {  	[sflag:s4] =	ssyncset.done $0x0;
	s15 =	sshll.u32 s14, $0xD  }
0x2d: {  	[sflag:s4] =	ssyncadd.s32 $0xFFFFE000;
	s18 =	sor.u32 $0x20, s15  }
0x2e: {  	s14 =	smul.u32 $0x8100, s14;
	v3 =	vld [tilespmem:s18+$0x10]  }
0x2f: {  	s30 =	sand.u32 $0x1, s11;
	v2 =	vld [tilespmem:s18+$0xFFFFFFF0]  }
0x30: {  	s15 =	smul.u32 $0x8100, s30;
	s14 =	sshrl.u32 s14, $0x2;
	v0 =	vld [tilespmem:s18+$0x0]  }
0x31: {  	v1 =	vld [tilespmem:s18+$0xFFFFFFE0];
	s16 =	sor.u32 $0x4000, s14  }
0x32: {  	s31 =	sshrl.u32 s15, $0x2;
	s15 =	sadd.s32 $0x0, s16  }
0x33: {  	s17 =	simm.s32 $0x4;
	s18 =	sadd.s32 $0x40, s18;
	s14 =	sor.u32 $0x4000, s31;
	[tilespmem:s15+$0x1830 ss:$0x81] =	vst.msk $0xffff, v3  }
.LBB1_3:
0x34: {  	v3 =	vld [tilespmem:s18+$0x10];
	p1 =	sne.s32 s17, $0x1FC;
	[tilespmem:s15+$0x810 ss:$0x81] =	vst.msk $0xffff, v2;
	s19 =	smov.u32 s17;
	s17 =	sadd.s32 $0x4, s17  }
.Ltmp3:
0x35: {  	v2 =	vld [tilespmem:s18+$0xFFFFFFF0];
	[tilespmem:s15+$0x1020 ss:$0x81] =	vst.msk $0xffff, v0;
	(pc) =	sbr.rel @p1 .LBB1_3-.Ltmp3, $4  }
0x36: {  	v0 =	vld [tilespmem:s18+$0x0];
	[tilespmem:s15+$0x0 ss:$0x81] =	vst.msk $0xffff, v1  }
0x37: {  	s15 =	sshra.s32 s19, $0x2;
	v1 =	vld [tilespmem:s18+$0xFFFFFFE0]  }
0x38: {  	s15 =	sadd.s32 s15, s16  }
0x39: {  	s18 =	sadd.s32 $0x40, s18;
	[tilespmem:s15+$0x1830 ss:$0x81] =	vst.msk $0xffff, v3  }
.Ltmp4:
0x3a: {  	_ = 	snop;
	(pc) =	sbr.rel .LBB1_4-.Ltmp4, $1  }
0x3b: {  	_ =	sdelay $0x3  }
.LBB1_6:
0x3c: {  	_ =	sfence.sel $0x180000  }
0x3d: {  	s2 =	simm.s32 $0x1;
	[bflag:$0x0] =	sbarrier.arrive $0xFFFF  }
0x3e: {  	s31 =	simm.s32 $0x2;
	[sflag:s2] =	ssyncpa.u1 $0x1  }
0x3f: {  	[sflag:s31] =	ssyncpa.u1 $0x1  }
0x40: {  	p0 =	sne.s32 s0, $0x0;
	_ =	strace $0x9000004D  }
0x41: {  	s0 =	sadd.s32 @!p0 $0x100000, s1;
	[bflag:$0x2] =	sbarrier.arrive $0xFFFF  }
0x42: {  	[sflag:s0] =	ssyncadd.tile.s32 @!p0 $0x1;
	_ =	shalt  }
.Lfunc_end1:
_tile_overlayer_lowered:
.L_overlay_start_2:
0x43: {  	(tag) =	ssettag $0x2  }
0x44: {  	s0 =	rddreg [dreg:$0x0];
	s2 =	stileid.u32  }
0x45: {  	s1 =	rddreg [dreg:$0x1];
	p0 =	sne.s32 s2, $0x0  }
0x46: {  	s3 =	rddreg [dreg:$0x2];
	[bflag:$0x3] =	sbarrier.arrive $0xFFFF;
	s2 =	simm.s32 @!p0 $0x1C01  }
0x47: {  	[timem:s3], [sflag:s2] =	dma.local @!p0 [hbm:s0], s1  }
0x48: {  	s0 =	simm.s32 @!p0 $0x1  }
0x49: {  	_ =	swait.ge @!p0 [sflag:s0], s1  }
0x4a: {  	s1 =	ssub.s32 @!p0 $0x0, s1;
	[sflag:s0] =	ssyncset.done @!p0 $0x0  }
0x4b: {  	[sflag:s0] =	ssyncadd.s32 @!p0 s1  }
0x4c: {  	[bflag:$0x3] =	sbarrier.arrive $0xFFFF  }
0x4d: {  	_ =	shalt  }

</sc_bundles>
